<compile_context>
chip_gen: v7x
topology: tpu7x:2x2x1
jax: 0.10.2.dev20260603
libtpu: 0.0.44.dev20260713+nightly
codegen_flags: <defaults>
</compile_context>

<pallas_src>
import functools

import numpy as np

import jax
import jax.numpy as jnp
from jax import lax
from jax.experimental import pallas as pl
from jax.experimental.pallas import tpu as pltpu
from jax.experimental.pallas import tpu_sc as plsc

N = 16 * 512 * 512
K_RANK = int(0.5 * (N - 1))
THRESH = 0.7

NC, NS, VEC = 2, 16, 16
NW = NC * NS
K_SC = 4
W_PER_IMG = NW // K_SC
CHUNK_ROWS = 32
ROWS_W = 512 // W_PER_IMG
NCHUNK = ROWS_W // CHUNK_ROWS

_BASE_BITS = 0x33000000
_BASE15 = _BASE_BITS >> 15
_N_ENT = (0x3F800000 - _BASE_BITS) >> 15

_bits_lo = _BASE_BITS + (np.arange(_N_ENT, dtype=np.int64) << 15)
_lo_v = np.frombuffer(_bits_lo.astype(np.uint32).tobytes(),
                      dtype=np.float32).astype(np.float64)
_hi_v = np.frombuffer((_bits_lo + (1 << 15)).astype(np.uint32).tobytes(),
                      dtype=np.float32).astype(np.float64)
_LTAB = np.log((_lo_v + _hi_v) / 2).astype(np.float32)

_mesh = plsc.VectorSubcoreMesh(core_axis_name="c", subcore_axis_name="s")

def _iota16():
    return lax.iota(jnp.int32, VEC)

_out_type = (
    jax.ShapeDtypeStruct((NW, VEC), jnp.float32),
    jax.ShapeDtypeStruct((NW, VEC), jnp.float32),
)


@functools.partial(
    pl.kernel,
    out_type=_out_type,
    mesh=_mesh,
    compiler_params=pltpu.CompilerParams(needs_layout_passes=False),
    scratch_types=[
        pltpu.VMEM((CHUNK_ROWS, 512), jnp.float32),
        pltpu.VMEM((CHUNK_ROWS, 512), jnp.float32),
        pltpu.VMEM((CHUNK_ROWS, 512), jnp.float32),
        pltpu.VMEM((CHUNK_ROWS, 512), jnp.float32),
        pltpu.VMEM((_N_ENT,), jnp.float32),
        pltpu.VMEM((VEC,), jnp.float32),
        pltpu.VMEM((VEC,), jnp.float32),
        pltpu.VMEM((VEC,), jnp.float32),
        pltpu.SemaphoreType.DMA,
        pltpu.SemaphoreType.DMA,
    ],
)
def _table_pass(pred_hbm, targ_hbm, thr_hbm, ltab_hbm,
                sum_hbm, cnt_hbm,
                p0, p1, t0, t1, ltab, thrv, svec, cvec, sem0, sem1):
    wid = lax.axis_index("s") * NC + lax.axis_index("c")
    img = wid // W_PER_IMG
    row0 = (wid % W_PER_IMG) * ROWS_W
    pbufs, tbufs, sems = (p0, p1), (t0, t1), (sem0, sem1)

    def start(c):
        r = row0 + c * CHUNK_ROWS
        b = c & 1
        hp = pltpu.async_copy(
            pred_hbm.at[img, 0, pl.ds(r, CHUNK_ROWS), :], pbufs[b], sems[b])
        ht = pltpu.async_copy(
            targ_hbm.at[img, 0, pl.ds(r, CHUNK_ROWS), :], tbufs[b], sems[b])
        return hp, ht

    handles = start(0)
    pltpu.sync_copy(thr_hbm, thrv)
    pltpu.sync_copy(ltab_hbm, ltab)
    thr = thrv[...]

    def tlog(bits):
        idx = lax.shift_right_logical(bits, 15) - _BASE15
        return plsc.load_gather(ltab, [idx])

    _IOTA16 = _iota16()

    sum_acc = jnp.zeros((VEC,), jnp.float32)
    cnt_acc = jnp.zeros((VEC,), jnp.int32)
    for c in range(NCHUNK):
        hp, ht = handles
        if c + 1 < NCHUNK:
            handles = start(c + 1)
        hp.wait()
        ht.wait()
        pbuf, tbuf = pbufs[c & 1], tbufs[c & 1]

        def row_body(r, carry):
            ridx = jnp.full((VEC,), r, jnp.int32)

            def body(j, carry):
                sa, ca = carry
                cidx = _IOTA16 + j * VEC
                p = plsc.load_gather(pbuf, [ridx, cidx])
                t = plsc.load_gather(tbuf, [ridx, cidx])
                lp = tlog(lax.bitcast_convert_type(p, jnp.int32))
                lq = tlog(lax.bitcast_convert_type(1.0 - p, jnp.int32))
                x = lq + t * (lp - lq)
                mask = p < thr
                sa = sa + jnp.where(mask, x, 0.0)
                ca = ca + plsc.all_reduce_population_count(mask)
                return sa, ca

            return lax.fori_loop(0, 512 // VEC, body, carry)

        sum_acc, cnt_acc = lax.fori_loop(0, CHUNK_ROWS, row_body,
                                         (sum_acc, cnt_acc))

    svec[...] = sum_acc
    cvec[...] = cnt_acc.astype(jnp.float32) * (1.0 / VEC)
    pltpu.sync_copy(svec, sum_hbm.at[wid])
    pltpu.sync_copy(cvec, cnt_hbm.at[wid])


def _flog(x):
    bits = lax.bitcast_convert_type(x, jnp.int32)
    e = lax.shift_right_logical(bits, 23) - 127
    m_bits = (bits & jnp.int32(0x007FFFFF)) | jnp.int32(0x3F800000)
    m = lax.bitcast_convert_type(m_bits, jnp.float32)
    s = (m - 1.0) / (m + 1.0)
    w = s * s
    p = w * (1.0 / 9.0) + (1.0 / 7.0)
    p = w * p + (1.0 / 5.0)
    p = w * p + (1.0 / 3.0)
    p = w * p + 1.0
    return e.astype(jnp.float32) * 0.6931471805599453 + 2.0 * s * p


@functools.partial(
    pl.kernel,
    out_type=_out_type,
    mesh=_mesh,
    scratch_types=[
        pltpu.VMEM((CHUNK_ROWS, 512), jnp.float32),
        pltpu.VMEM((CHUNK_ROWS, 512), jnp.float32),
        pltpu.VMEM((VEC,), jnp.float32),
        pltpu.VMEM((VEC,), jnp.float32),
        pltpu.VMEM((VEC,), jnp.float32),
    ],
)
def _poly_pass(pred_hbm, targ_hbm, thr_hbm, sum_hbm, cnt_hbm,
               pbuf, tbuf, thrv, svec, cvec):
    wid = lax.axis_index("s") * NC + lax.axis_index("c")
    img = wid // 2
    row0 = (wid % 2) * 256
    pltpu.sync_copy(thr_hbm, thrv)
    thr = thrv[...]

    sum_acc = jnp.zeros((VEC,), jnp.float32)
    cnt_acc = jnp.zeros((VEC,), jnp.float32)
    for c in range(256 // CHUNK_ROWS):
        r0 = row0 + c * CHUNK_ROWS
        pltpu.sync_copy(pred_hbm.at[img, 0, pl.ds(r0, CHUNK_ROWS), :], pbuf)
        pltpu.sync_copy(targ_hbm.at[img, 0, pl.ds(r0, CHUNK_ROWS), :], tbuf)

        def row_body(r, carry):
            def body(j, carry):
                sa, ca = carry
                p = pbuf[r, pl.ds(j * VEC, VEC)]
                t = tbuf[r, pl.ds(j * VEC, VEC)]
                lp = _flog(p)
                lq = _flog(1.0 - p)
                x = lq + t * (lp - lq)
                mask = p < thr
                sa = sa + jnp.where(mask, x, 0.0)
                ca = ca + jnp.where(mask, 1.0, 0.0)
                return sa, ca

            return lax.fori_loop(0, 512 // VEC, body, carry)

        sum_acc, cnt_acc = lax.fori_loop(0, CHUNK_ROWS, row_body,
                                         (sum_acc, cnt_acc))

    svec[...] = sum_acc
    cvec[...] = cnt_acc
    pltpu.sync_copy(svec, sum_hbm.at[wid])
    pltpu.sync_copy(cvec, cnt_hbm.at[wid])


def _tc_body(pred_ref, targ_ref, sum_ref, cnt_ref):
    g = pl.program_id(0)
    p = pred_ref[0, 0, :, :]
    t = targ_ref[0, 0, :, :]
    lp = jnp.log(p)
    lq = jnp.log1p(-p)
    x = lq + t * (lp - lq)
    mask = p < jnp.float32(THRESH)
    s = jnp.sum(jnp.where(mask, x, 0.0))
    c = jnp.sum(mask.astype(jnp.float32))

    @pl.when(g == 0)
    def _():
        sum_ref[0, 0] = 0.0
        cnt_ref[0, 0] = 0.0

    sum_ref[0, 0] += s
    cnt_ref[0, 0] += c


_tc_pass = pl.pallas_call(
    _tc_body,
    grid=(16 - K_SC,),
    in_specs=[
        pl.BlockSpec((1, 1, 512, 512), lambda g: (K_SC + g, 0, 0, 0)),
        pl.BlockSpec((1, 1, 512, 512), lambda g: (K_SC + g, 0, 0, 0)),
    ],
    out_specs=[
        pl.BlockSpec(memory_space=pltpu.SMEM),
        pl.BlockSpec(memory_space=pltpu.SMEM),
    ],
    out_shape=(
        jax.ShapeDtypeStruct((1, 1), jnp.float32),
        jax.ShapeDtypeStruct((1, 1), jnp.float32),
    ),
)


def kernel(pred, target):
    pf = pred
    tf = target
    thr0 = jnp.full((VEC,), THRESH, jnp.float32)
    s, c = _table_pass(pf, tf, thr0, jnp.asarray(_LTAB))
    s_tc, c_tc = _tc_pass(pf, tf)
    s0 = jnp.sum(s) + s_tc[0, 0]
    c0 = jnp.sum(c) + c_tc[0, 0]
    need_fb = c0 < K_RANK + 1

    def cond(st):
        lo, hi, _, _ = st
        return jnp.logical_and(need_fb, hi - lo > 1)

    def body(st):
        lo, hi, s_b, c_b = st
        mid = (lo + hi) // 2
        t = lax.bitcast_convert_type(mid, jnp.float32)
        sv, cv = _poly_pass(pf, tf, jnp.full((VEC,), t, jnp.float32))
        sm, cm = jnp.sum(sv), jnp.sum(cv)
        take = cm <= K_RANK
        lo = jnp.where(take, mid, lo)
        hi = jnp.where(take, hi, mid)
        s_b = jnp.where(take, sm, s_b)
        c_b = jnp.where(take, cm, c_b)
        return lo, hi, s_b, c_b

    _, _, s_b, c_b = lax.while_loop(
        cond, body,
        (jnp.int32(0), jnp.int32(0x3F800000),
         jnp.float32(0.0), jnp.float32(0.0)))

    s_fin = jnp.where(need_fb, s_b, s0)
    c_fin = jnp.where(need_fb, c_b, c0)
    return -s_fin / c_fin

# --- scband reference (transcript-rebuilt; emitter-appended) ---
"""Pipeline reference for scband-ohem-cross-entropy-76733885710773 (READ-ONLY COPY).

The authoritative reference and input builder live on the scoring server;
editing this copy changes nothing except your own understanding.
"""

import jax, jax.numpy as jnp
import numpy as np

THRESH = 0.7
MIN_KEPT = 0.5
SHAPE = (16, 1, 512, 512)


def setup_inputs(seed: int = 0) -> dict:
    key = jax.random.key(seed)
    k1, k2 = jax.random.split(key)
    # pred must be valid probabilities in (0,1) for BCELoss
    pred = jax.random.uniform(k1, SHAPE, dtype=jnp.float32, minval=1e-6, maxval=1.0 - 1e-6)
    target = jax.random.uniform(k2, SHAPE, dtype=jnp.float32)
    return {"pred": pred, "target": target}


def _bce_none(pred, target):
    # nn.BCELoss(reduction='none'), no class weight
    return -(target * jnp.log(pred) + (1.0 - target) * jnp.log1p(-pred))


def reference(pred, target):
    ph, pw = pred.shape[2], pred.shape[3]
    h, w = target.shape[2], target.shape[3]
    if ph != h or pw != w:
        pred = jax.image.resize(pred, (pred.shape[0], pred.shape[1], h, w), method="bilinear")
    pixel_losses = _bce_none(pred, target).reshape(-1)
    flat_pred = pred.reshape(-1)
    ind = jnp.argsort(flat_pred)
    sorted_pred = flat_pred[ind]
    n = flat_pred.shape[0]
    min_kept = int(MIN_KEPT * (n - 1))
    min_value = sorted_pred[min(min_kept, n - 1)]
    threshold = jnp.maximum(min_value, THRESH)
    pixel_losses = pixel_losses[ind]
    mask = (sorted_pred < threshold).astype(pixel_losses.dtype)
    # torch boolean-index + mean == masked sum / count
    return jnp.sum(pixel_losses * mask) / jnp.sum(mask)

if __name__ == "__main__":
    import jax
    _d = setup_inputs()
    print(jax.jit(kernel)(*tuple(_d.values())))

</pallas_src>

<mosaic_0001>
#map = affine_map<(d0, d1) -> (0, 0, 0, 0)>
#map1 = affine_map<(d0, d1) -> (0)>
#map2 = affine_map<(d0, d1) -> (0, 0)>
module attributes {stable_mosaic.version = 14 : i64} {
  func.func @_table_pass(%arg0: i32, %arg1: i32, %arg2: memref<16x1x512x512xf32, #tpu.memory_space<hbm>>, %arg3: memref<16x1x512x512xf32, #tpu.memory_space<hbm>>, %arg4: memref<16xf32, #tpu.memory_space<hbm>>, %arg5: memref<6400xf32, #tpu.memory_space<hbm>>, %arg6: memref<32x16xf32, #tpu.memory_space<hbm>>, %arg7: memref<32x16xf32, #tpu.memory_space<hbm>>, %arg8: memref<32x512xf32, #tpu.memory_space<vmem>>, %arg9: memref<32x512xf32, #tpu.memory_space<vmem>>, %arg10: memref<32x512xf32, #tpu.memory_space<vmem>>, %arg11: memref<32x512xf32, #tpu.memory_space<vmem>>, %arg12: memref<6400xf32, #tpu.memory_space<vmem>>, %arg13: memref<16xf32, #tpu.memory_space<vmem>>, %arg14: memref<16xf32, #tpu.memory_space<vmem>>, %arg15: memref<16xf32, #tpu.memory_space<vmem>>, %arg16: memref<!tpu.dma_semaphore, #tpu.memory_space<semaphore_mem>>, %arg17: memref<!tpu.dma_semaphore, #tpu.memory_space<semaphore_mem>>) attributes {dimension_semantics = [#tpu.dimension_semantics<core_parallel>, #tpu.dimension_semantics<subcore_parallel>], iteration_bounds = array<i64: 2, 16>, scalar_prefetch = 0 : i64, scratch_operands = 10 : i64, tpu.core_type = #tpu.core_type<sc_vector_subcore>, window_params = [{transform_indices = #map}, {transform_indices = #map}, {transform_indices = #map1}, {transform_indices = #map1}, {transform_indices = #map2}, {transform_indices = #map2}]} {
    %mul3A = arith.constant 2 : i32
    %mul3A_0 = arith.muli %arg1, %mul3A : i32
    %add3A = arith.addi %mul3A_0, %arg0 : i32
    %jit3A = arith.constant 8 : i32
    %div3A = arith.divsi %add3A, %jit3A : i32
    %sign3A = arith.constant 0 : i32
    %sign3A_1 = arith.cmpi sgt, %add3A, %sign3A : i32
    %sign3A_2 = arith.extui %sign3A_1 : i1 to i32
    %sign3A_3 = arith.constant 0 : i32
    %sign3A_4 = arith.cmpi slt, %add3A, %sign3A_3 : i32
    %sign3A_5 = arith.extui %sign3A_4 : i1 to i32
    %sign3A_6 = arith.subi %sign3A_2, %sign3A_5 : i32
    %sign3A_7 = arith.constant 0 : i32
    %sign3A_8 = arith.cmpi sgt, %jit3A, %sign3A_7 : i32
    %sign3A_9 = arith.extui %sign3A_8 : i1 to i32
    %sign3A_10 = arith.constant 0 : i32
    %sign3A_11 = arith.cmpi slt, %jit3A, %sign3A_10 : i32
    %sign3A_12 = arith.extui %sign3A_11 : i1 to i32
    %sign3A_13 = arith.subi %sign3A_9, %sign3A_12 : i32
    %ne3A = arith.cmpi ne, %sign3A_6, %sign3A_13 : i32
    %rem3A = arith.remsi %add3A, %jit3A : i32
    %ne3A_14 = arith.constant 0 : i32
    %ne3A_15 = arith.cmpi ne, %rem3A, %ne3A_14 : i32
    %and3A = arith.andi %ne3A, %ne3A_15 : i1
    %sub3A = arith.constant 1 : i32
    %sub3A_16 = arith.subi %div3A, %sub3A : i32
    %select_n3A = arith.select %and3A, %sub3A_16, %div3A : i32
    %jit3A_17 = arith.constant 8 : i32
    %eq3A = arith.constant 0 : i32
    %eq3A_18 = arith.cmpi eq, %jit3A_17, %eq3A : i32
    %jit3A_19 = arith.constant 1 : i32
    %select_n3A_20 = arith.select %eq3A_18, %jit3A_19, %jit3A_17 : i32
    %rem3A_21 = arith.remsi %add3A, %select_n3A_20 : i32
    %ne3A_22 = arith.constant 0 : i32
    %ne3A_23 = arith.cmpi ne, %rem3A_21, %ne3A_22 : i32
    %lt3A = arith.constant 0 : i32
    %lt3A_24 = arith.cmpi slt, %rem3A_21, %lt3A : i32
    %lt3A_25 = arith.constant 0 : i32
    %lt3A_26 = arith.cmpi slt, %select_n3A_20, %lt3A_25 : i32
    %ne3A_27 = arith.xori %lt3A_24, %lt3A_26 : i1
    %and3A_28 = arith.andi %ne3A_27, %ne3A_23 : i1
    %add3A_29 = arith.addi %rem3A_21, %select_n3A_20 : i32
    %select_n3A_30 = arith.select %and3A_28, %add3A_29, %rem3A_21 : i32
    %mul3A_31 = arith.constant 64 : i32
    %mul3A_32 = arith.muli %select_n3A_30, %mul3A_31 : i32
    %add3A_33 = arith.constant 0 : i32
    %add3A_34 = arith.addi %mul3A_32, %add3A_33 : i32
    %dma_start3A = arith.constant 0 : i32
    %dma_start3A_35 = arith.constant 0 : i32
    %dma_start3A_36 = tpu.memref_slice %arg2[%select_n3A, %dma_start3A, %add3A_34, %dma_start3A_35] : memref<16x1x512x512xf32, #tpu.memory_space<hbm>> -> memref<1x1x32x512xf32, #tpu.memory_space<hbm>>
    %dma_start3A_37 = tpu.memref_squeeze %dma_start3A_36 : memref<1x1x32x512xf32, #tpu.memory_space<hbm>> -> memref<32x512xf32, #tpu.memory_space<hbm>>
    %dma_start3A_38 = arith.constant 0 : i32
    %dma_start3A_39 = tpu.memref_slice %arg2[%select_n3A, %dma_start3A, %add3A_34, %dma_start3A_38] : memref<16x1x512x512xf32, #tpu.memory_space<hbm>> -> memref<1x1x32x512xf32, #tpu.memory_space<hbm>>
    %dma_start3A_40 = tpu.memref_squeeze %dma_start3A_39 : memref<1x1x32x512xf32, #tpu.memory_space<hbm>> -> memref<32x512xf32, #tpu.memory_space<hbm>>
    tpu.enqueue_dma source(%dma_start3A_40 : memref<32x512xf32, #tpu.memory_space<hbm>>) target(%arg8 : memref<32x512xf32, #tpu.memory_space<vmem>>) target_semaphore(%arg16 : memref<!tpu.dma_semaphore, #tpu.memory_space<semaphore_mem>>)
    %dma_start3A_41 = arith.constant 0 : i32
    %dma_start3A_42 = arith.constant 0 : i32
    %dma_start3A_43 = tpu.memref_slice %arg3[%select_n3A, %dma_start3A_41, %add3A_34, %dma_start3A_42] : memref<16x1x512x512xf32, #tpu.memory_space<hbm>> -> memref<1x1x32x512xf32, #tpu.memory_space<hbm>>
    %dma_start3A_44 = tpu.memref_squeeze %dma_start3A_43 : memref<1x1x32x512xf32, #tpu.memory_space<hbm>> -> memref<32x512xf32, #tpu.memory_space<hbm>>
    %dma_start3A_45 = arith.constant 0 : i32
    %dma_start3A_46 = tpu.memref_slice %arg3[%select_n3A, %dma_start3A_41, %add3A_34, %dma_start3A_45] : memref<16x1x512x512xf32, #tpu.memory_space<hbm>> -> memref<1x1x32x512xf32, #tpu.memory_space<hbm>>
    %dma_start3A_47 = tpu.memref_squeeze %dma_start3A_46 : memref<1x1x32x512xf32, #tpu.memory_space<hbm>> -> memref<32x512xf32, #tpu.memory_space<hbm>>
    tpu.enqueue_dma source(%dma_start3A_47 : memref<32x512xf32, #tpu.memory_space<hbm>>) target(%arg10 : memref<32x512xf32, #tpu.memory_space<vmem>>) target_semaphore(%arg16 : memref<!tpu.dma_semaphore, #tpu.memory_space<semaphore_mem>>)
    "tpu.region"() ({
      %run_scoped3A = tpu.sem_alloc : memref<!tpu.dma_semaphore, #tpu.memory_space<semaphore_mem>>
      tpu.enqueue_dma source(%arg4 : memref<16xf32, #tpu.memory_space<hbm>>) target(%arg13 : memref<16xf32, #tpu.memory_space<vmem>>) target_semaphore(%run_scoped3A : memref<!tpu.dma_semaphore, #tpu.memory_space<semaphore_mem>>)
      tpu.wait_dma2 semaphore(%run_scoped3A : memref<!tpu.dma_semaphore, #tpu.memory_space<semaphore_mem>>) src(%arg4 : memref<16xf32, #tpu.memory_space<hbm>>) dst(%arg13 : memref<16xf32, #tpu.memory_space<vmem>>)
      tpu.yield
    }) : () -> ()
    "tpu.region"() ({
      %run_scoped3A = tpu.sem_alloc : memref<!tpu.dma_semaphore, #tpu.memory_space<semaphore_mem>>
      tpu.enqueue_dma source(%arg5 : memref<6400xf32, #tpu.memory_space<hbm>>) target(%arg12 : memref<6400xf32, #tpu.memory_space<vmem>>) target_semaphore(%run_scoped3A : memref<!tpu.dma_semaphore, #tpu.memory_space<semaphore_mem>>)
      tpu.wait_dma2 semaphore(%run_scoped3A : memref<!tpu.dma_semaphore, #tpu.memory_space<semaphore_mem>>) src(%arg5 : memref<6400xf32, #tpu.memory_space<hbm>>) dst(%arg12 : memref<6400xf32, #tpu.memory_space<vmem>>)
      tpu.yield
    }) : () -> ()
    %get3A = arith.constant 0 : index
    %get3A_48 = tpu.vector_load %arg13[%get3A] {strides = array<i32>} : memref<16xf32, #tpu.memory_space<vmem>>, vector<16xf32>,
    %iota3A = tpu.iota {dimensions = array<i32: 0>} : vector<16xi32>
    %broadcast_in_dim3A = arith.constant 0.000000e+00 : f32
    %broadcast_in_dim3A_49 = vector.broadcast %broadcast_in_dim3A : f32 to vector<16xf32>
    %broadcast_in_dim3A_50 = arith.constant 0 : i32
    %broadcast_in_dim3A_51 = vector.broadcast %broadcast_in_dim3A_50 : i32 to vector<16xi32>
    %add3A_52 = arith.constant 32 : i32
    %add3A_53 = arith.addi %mul3A_32, %add3A_52 : i32
    %dma_start3A_54 = arith.constant 0 : i32
    %dma_start3A_55 = arith.constant 0 : i32
    %dma_start3A_56 = tpu.memref_slice %arg2[%select_n3A, %dma_start3A_54, %add3A_53, %dma_start3A_55] : memref<16x1x512x512xf32, #tpu.memory_space<hbm>> -> memref<1x1x32x512xf32, #tpu.memory_space<hbm>>
    %dma_start3A_57 = tpu.memref_squeeze %dma_start3A_56 : memref<1x1x32x512xf32, #tpu.memory_space<hbm>> -> memref<32x512xf32, #tpu.memory_space<hbm>>
    %dma_start3A_58 = arith.constant 0 : i32
    %dma_start3A_59 = tpu.memref_slice %arg2[%select_n3A, %dma_start3A_54, %add3A_53, %dma_start3A_58] : memref<16x1x512x512xf32, #tpu.memory_space<hbm>> -> memref<1x1x32x512xf32, #tpu.memory_space<hbm>>
    %dma_start3A_60 = tpu.memref_squeeze %dma_start3A_59 : memref<1x1x32x512xf32, #tpu.memory_space<hbm>> -> memref<32x512xf32, #tpu.memory_space<hbm>>
    tpu.enqueue_dma source(%dma_start3A_60 : memref<32x512xf32, #tpu.memory_space<hbm>>) target(%arg9 : memref<32x512xf32, #tpu.memory_space<vmem>>) target_semaphore(%arg17 : memref<!tpu.dma_semaphore, #tpu.memory_space<semaphore_mem>>)
    %dma_start3A_61 = arith.constant 0 : i32
    %dma_start3A_62 = arith.constant 0 : i32
    %dma_start3A_63 = tpu.memref_slice %arg3[%select_n3A, %dma_start3A_61, %add3A_53, %dma_start3A_62] : memref<16x1x512x512xf32, #tpu.memory_space<hbm>> -> memref<1x1x32x512xf32, #tpu.memory_space<hbm>>
    %dma_start3A_64 = tpu.memref_squeeze %dma_start3A_63 : memref<1x1x32x512xf32, #tpu.memory_space<hbm>> -> memref<32x512xf32, #tpu.memory_space<hbm>>
    %dma_start3A_65 = arith.constant 0 : i32
    %dma_start3A_66 = tpu.memref_slice %arg3[%select_n3A, %dma_start3A_61, %add3A_53, %dma_start3A_65] : memref<16x1x512x512xf32, #tpu.memory_space<hbm>> -> memref<1x1x32x512xf32, #tpu.memory_space<hbm>>
    %dma_start3A_67 = tpu.memref_squeeze %dma_start3A_66 : memref<1x1x32x512xf32, #tpu.memory_space<hbm>> -> memref<32x512xf32, #tpu.memory_space<hbm>>
    tpu.enqueue_dma source(%dma_start3A_67 : memref<32x512xf32, #tpu.memory_space<hbm>>) target(%arg11 : memref<32x512xf32, #tpu.memory_space<vmem>>) target_semaphore(%arg17 : memref<!tpu.dma_semaphore, #tpu.memory_space<semaphore_mem>>)
    %dma_wait3A = arith.constant 0 : i32
    %dma_wait3A_68 = arith.constant 0 : i32
    %dma_wait3A_69 = tpu.memref_slice %arg2[%select_n3A, %dma_wait3A, %add3A_34, %dma_wait3A_68] : memref<16x1x512x512xf32, #tpu.memory_space<hbm>> -> memref<1x1x32x512xf32, #tpu.memory_space<hbm>>
    %dma_wait3A_70 = tpu.memref_squeeze %dma_wait3A_69 : memref<1x1x32x512xf32, #tpu.memory_space<hbm>> -> memref<32x512xf32, #tpu.memory_space<hbm>>
    %dma_wait3A_71 = arith.constant 0 : i32
    %dma_wait3A_72 = tpu.memref_slice %arg2[%select_n3A, %dma_wait3A, %add3A_34, %dma_wait3A_71] : memref<16x1x512x512xf32, #tpu.memory_space<hbm>> -> memref<1x1x32x512xf32, #tpu.memory_space<hbm>>
    %dma_wait3A_73 = tpu.memref_squeeze %dma_wait3A_72 : memref<1x1x32x512xf32, #tpu.memory_space<hbm>> -> memref<32x512xf32, #tpu.memory_space<hbm>>
    tpu.wait_dma2 semaphore(%arg16 : memref<!tpu.dma_semaphore, #tpu.memory_space<semaphore_mem>>) src(%dma_wait3A_73 : memref<32x512xf32, #tpu.memory_space<hbm>>) dst(%arg8 : memref<32x512xf32, #tpu.memory_space<vmem>>)
    %dma_wait3A_74 = arith.constant 0 : i32
    %dma_wait3A_75 = arith.constant 0 : i32
    %dma_wait3A_76 = tpu.memref_slice %arg3[%select_n3A, %dma_wait3A_74, %add3A_34, %dma_wait3A_75] : memref<16x1x512x512xf32, #tpu.memory_space<hbm>> -> memref<1x1x32x512xf32, #tpu.memory_space<hbm>>
    %dma_wait3A_77 = tpu.memref_squeeze %dma_wait3A_76 : memref<1x1x32x512xf32, #tpu.memory_space<hbm>> -> memref<32x512xf32, #tpu.memory_space<hbm>>
    %dma_wait3A_78 = arith.constant 0 : i32
    %dma_wait3A_79 = tpu.memref_slice %arg3[%select_n3A, %dma_wait3A_74, %add3A_34, %dma_wait3A_78] : memref<16x1x512x512xf32, #tpu.memory_space<hbm>> -> memref<1x1x32x512xf32, #tpu.memory_space<hbm>>
    %dma_wait3A_80 = tpu.memref_squeeze %dma_wait3A_79 : memref<1x1x32x512xf32, #tpu.memory_space<hbm>> -> memref<32x512xf32, #tpu.memory_space<hbm>>
    tpu.wait_dma2 semaphore(%arg16 : memref<!tpu.dma_semaphore, #tpu.memory_space<semaphore_mem>>) src(%dma_wait3A_80 : memref<32x512xf32, #tpu.memory_space<hbm>>) dst(%arg10 : memref<32x512xf32, #tpu.memory_space<vmem>>)
    %scan3A = arith.constant 0 : i32
    %scan3A_81 = arith.constant 32 : i32
    %scan3A_82 = arith.addi %scan3A, %scan3A_81 : i32
    %scan3A_83 = arith.constant 1 : i32
    %scan3A_84:2 = scf.for %scan3A_112 = %scan3A to %scan3A_82 step %scan3A_83 iter_args(%scan3A_113 = %broadcast_in_dim3A_49, %scan3A_114 = %broadcast_in_dim3A_51) -> (vector<16xf32>, vector<16xi32>)  : i32 {
      %broadcast_in_dim3A_115 = vector.broadcast %scan3A_112 : i32 to vector<16xi32>
      %scan3A_116 = arith.constant 0 : i32
      %scan3A_117 = arith.constant 32 : i32
      %scan3A_118 = arith.addi %scan3A_116, %scan3A_117 : i32
      %scan3A_119 = arith.constant 1 : i32
      %scan3A_120:2 = scf.for %scan3A_122 = %scan3A_116 to %scan3A_118 step %scan3A_119 iter_args(%scan3A_123 = %scan3A_113, %scan3A_124 = %scan3A_114) -> (vector<16xf32>, vector<16xi32>)  : i32 {
        %mul3A_125 = arith.constant 16 : i32
        %mul3A_126 = arith.muli %scan3A_122, %mul3A_125 : i32
        %add3A_127 = vector.broadcast %mul3A_126 : i32 to vector<16xi32>
        %add3A_128 = arith.addi %iota3A, %add3A_127 : vector<16xi32>
        %gather3A = tpu.vector_load_idx %arg8[%broadcast_in_dim3A_115, %add3A_128] : memref<32x512xf32, #tpu.memory_space<vmem>>[vector<16xi32>, vector<16xi32>], vector<16xf32>,
        %gather3A_129 = tpu.vector_load_idx %arg10[%broadcast_in_dim3A_115, %add3A_128] : memref<32x512xf32, #tpu.memory_space<vmem>>[vector<16xi32>, vector<16xi32>], vector<16xf32>,
        %bitcast_convert_type3A = tpu.bitcast %gather3A : vector<16xf32> -> vector<16xi32>
        %shift_right_logical3A = arith.constant 15 : i32
        %shift_right_logical3A_130 = vector.broadcast %shift_right_logical3A : i32 to vector<16xi32>
        %shift_right_logical3A_131 = arith.shrui %bitcast_convert_type3A, %shift_right_logical3A_130 : vector<16xi32>
        %sub3A_132 = arith.constant 26112 : i32
        %sub3A_133 = vector.broadcast %sub3A_132 : i32 to vector<16xi32>
        %sub3A_134 = arith.subi %shift_right_logical3A_131, %sub3A_133 : vector<16xi32>
        %gather3A_135 = tpu.vector_load_idx %arg12[%sub3A_134] : memref<6400xf32, #tpu.memory_space<vmem>>[vector<16xi32>], vector<16xf32>,
        %sub3A_136 = arith.constant 1.000000e+00 : f32
        %sub3A_137 = vector.broadcast %sub3A_136 : f32 to vector<16xf32>
        %sub3A_138 = arith.subf %sub3A_137, %gather3A : vector<16xf32>
        %bitcast_convert_type3A_139 = tpu.bitcast %sub3A_138 : vector<16xf32> -> vector<16xi32>
        %shift_right_logical3A_140 = arith.constant 15 : i32
        %shift_right_logical3A_141 = vector.broadcast %shift_right_logical3A_140 : i32 to vector<16xi32>
        %shift_right_logical3A_142 = arith.shrui %bitcast_convert_type3A_139, %shift_right_logical3A_141 : vector<16xi32>
        %sub3A_143 = arith.constant 26112 : i32
        %sub3A_144 = vector.broadcast %sub3A_143 : i32 to vector<16xi32>
        %sub3A_145 = arith.subi %shift_right_logical3A_142, %sub3A_144 : vector<16xi32>
        %gather3A_146 = tpu.vector_load_idx %arg12[%sub3A_145] : memref<6400xf32, #tpu.memory_space<vmem>>[vector<16xi32>], vector<16xf32>,
        %sub3A_147 = arith.subf %gather3A_135, %gather3A_146 : vector<16xf32>
        %mul3A_148 = arith.mulf %gather3A_129, %sub3A_147 : vector<16xf32>
        %add3A_149 = arith.addf %gather3A_146, %mul3A_148 : vector<16xf32>
        %lt3A_150 = arith.cmpf olt, %gather3A, %get3A_48 : vector<16xf32>
        %jit3A_151 = arith.constant 0.000000e+00 : f32
        %broadcast_in_dim3A_152 = vector.broadcast %jit3A_151 : f32 to vector<16xf32>
        %select_n3A_153 = arith.select %lt3A_150, %add3A_149, %broadcast_in_dim3A_152 : vector<16xi1>, vector<16xf32>
        %add3A_154 = arith.addf %scan3A_123, %select_n3A_153 : vector<16xf32>
        %all_reduce_population_count3A = tpu.all_reduce %lt3A_150 {dim = 0 : i64, kind = #tpu.reduction_kind<sum>} : vector<16xi1> -> vector<16xi32>
        %add3A_155 = arith.addi %scan3A_124, %all_reduce_population_count3A : vector<16xi32>
        scf.yield %add3A_154, %add3A_155 : vector<16xf32>, vector<16xi32>
      }
      %scan3A_121 = arith.constant 32 : i32
      scf.yield %scan3A_120#0, %scan3A_120#1 : vector<16xf32>, vector<16xi32>
    }
    %scan3A_85 = arith.constant 32 : i32
    %dma_wait3A_86 = arith.constant 0 : i32
    %dma_wait3A_87 = arith.constant 0 : i32
    %dma_wait3A_88 = tpu.memref_slice %arg2[%select_n3A, %dma_wait3A_86, %add3A_53, %dma_wait3A_87] : memref<16x1x512x512xf32, #tpu.memory_space<hbm>> -> memref<1x1x32x512xf32, #tpu.memory_space<hbm>>
    %dma_wait3A_89 = tpu.memref_squeeze %dma_wait3A_88 : memref<1x1x32x512xf32, #tpu.memory_space<hbm>> -> memref<32x512xf32, #tpu.memory_space<hbm>>
    %dma_wait3A_90 = arith.constant 0 : i32
    %dma_wait3A_91 = tpu.memref_slice %arg2[%select_n3A, %dma_wait3A_86, %add3A_53, %dma_wait3A_90] : memref<16x1x512x512xf32, #tpu.memory_space<hbm>> -> memref<1x1x32x512xf32, #tpu.memory_space<hbm>>
    %dma_wait3A_92 = tpu.memref_squeeze %dma_wait3A_91 : memref<1x1x32x512xf32, #tpu.memory_space<hbm>> -> memref<32x512xf32, #tpu.memory_space<hbm>>
    tpu.wait_dma2 semaphore(%arg17 : memref<!tpu.dma_semaphore, #tpu.memory_space<semaphore_mem>>) src(%dma_wait3A_92 : memref<32x512xf32, #tpu.memory_space<hbm>>) dst(%arg9 : memref<32x512xf32, #tpu.memory_space<vmem>>)
    %dma_wait3A_93 = arith.constant 0 : i32
    %dma_wait3A_94 = arith.constant 0 : i32
    %dma_wait3A_95 = tpu.memref_slice %arg3[%select_n3A, %dma_wait3A_93, %add3A_53, %dma_wait3A_94] : memref<16x1x512x512xf32, #tpu.memory_space<hbm>> -> memref<1x1x32x512xf32, #tpu.memory_space<hbm>>
    %dma_wait3A_96 = tpu.memref_squeeze %dma_wait3A_95 : memref<1x1x32x512xf32, #tpu.memory_space<hbm>> -> memref<32x512xf32, #tpu.memory_space<hbm>>
    %dma_wait3A_97 = arith.constant 0 : i32
    %dma_wait3A_98 = tpu.memref_slice %arg3[%select_n3A, %dma_wait3A_93, %add3A_53, %dma_wait3A_97] : memref<16x1x512x512xf32, #tpu.memory_space<hbm>> -> memref<1x1x32x512xf32, #tpu.memory_space<hbm>>
    %dma_wait3A_99 = tpu.memref_squeeze %dma_wait3A_98 : memref<1x1x32x512xf32, #tpu.memory_space<hbm>> -> memref<32x512xf32, #tpu.memory_space<hbm>>
    tpu.wait_dma2 semaphore(%arg17 : memref<!tpu.dma_semaphore, #tpu.memory_space<semaphore_mem>>) src(%dma_wait3A_99 : memref<32x512xf32, #tpu.memory_space<hbm>>) dst(%arg11 : memref<32x512xf32, #tpu.memory_space<vmem>>)
    %scan3A_100 = arith.constant 0 : i32
    %scan3A_101 = arith.constant 32 : i32
    %scan3A_102 = arith.addi %scan3A_100, %scan3A_101 : i32
    %scan3A_103 = arith.constant 1 : i32
    %scan3A_104:2 = scf.for %scan3A_112 = %scan3A_100 to %scan3A_102 step %scan3A_103 iter_args(%scan3A_113 = %scan3A_84#0, %scan3A_114 = %scan3A_84#1) -> (vector<16xf32>, vector<16xi32>)  : i32 {
      %broadcast_in_dim3A_115 = vector.broadcast %scan3A_112 : i32 to vector<16xi32>
      %scan3A_116 = arith.constant 0 : i32
      %scan3A_117 = arith.constant 32 : i32
      %scan3A_118 = arith.addi %scan3A_116, %scan3A_117 : i32
      %scan3A_119 = arith.constant 1 : i32
      %scan3A_120:2 = scf.for %scan3A_122 = %scan3A_116 to %scan3A_118 step %scan3A_119 iter_args(%scan3A_123 = %scan3A_113, %scan3A_124 = %scan3A_114) -> (vector<16xf32>, vector<16xi32>)  : i32 {
        %mul3A_125 = arith.constant 16 : i32
        %mul3A_126 = arith.muli %scan3A_122, %mul3A_125 : i32
        %add3A_127 = vector.broadcast %mul3A_126 : i32 to vector<16xi32>
        %add3A_128 = arith.addi %iota3A, %add3A_127 : vector<16xi32>
        %gather3A = tpu.vector_load_idx %arg9[%broadcast_in_dim3A_115, %add3A_128] : memref<32x512xf32, #tpu.memory_space<vmem>>[vector<16xi32>, vector<16xi32>], vector<16xf32>,
        %gather3A_129 = tpu.vector_load_idx %arg11[%broadcast_in_dim3A_115, %add3A_128] : memref<32x512xf32, #tpu.memory_space<vmem>>[vector<16xi32>, vector<16xi32>], vector<16xf32>,
        %bitcast_convert_type3A = tpu.bitcast %gather3A : vector<16xf32> -> vector<16xi32>
        %shift_right_logical3A = arith.constant 15 : i32
        %shift_right_logical3A_130 = vector.broadcast %shift_right_logical3A : i32 to vector<16xi32>
        %shift_right_logical3A_131 = arith.shrui %bitcast_convert_type3A, %shift_right_logical3A_130 : vector<16xi32>
        %sub3A_132 = arith.constant 26112 : i32
        %sub3A_133 = vector.broadcast %sub3A_132 : i32 to vector<16xi32>
        %sub3A_134 = arith.subi %shift_right_logical3A_131, %sub3A_133 : vector<16xi32>
        %gather3A_135 = tpu.vector_load_idx %arg12[%sub3A_134] : memref<6400xf32, #tpu.memory_space<vmem>>[vector<16xi32>], vector<16xf32>,
        %sub3A_136 = arith.constant 1.000000e+00 : f32
        %sub3A_137 = vector.broadcast %sub3A_136 : f32 to vector<16xf32>
        %sub3A_138 = arith.subf %sub3A_137, %gather3A : vector<16xf32>
        %bitcast_convert_type3A_139 = tpu.bitcast %sub3A_138 : vector<16xf32> -> vector<16xi32>
        %shift_right_logical3A_140 = arith.constant 15 : i32
        %shift_right_logical3A_141 = vector.broadcast %shift_right_logical3A_140 : i32 to vector<16xi32>
        %shift_right_logical3A_142 = arith.shrui %bitcast_convert_type3A_139, %shift_right_logical3A_141 : vector<16xi32>
        %sub3A_143 = arith.constant 26112 : i32
        %sub3A_144 = vector.broadcast %sub3A_143 : i32 to vector<16xi32>
        %sub3A_145 = arith.subi %shift_right_logical3A_142, %sub3A_144 : vector<16xi32>
        %gather3A_146 = tpu.vector_load_idx %arg12[%sub3A_145] : memref<6400xf32, #tpu.memory_space<vmem>>[vector<16xi32>], vector<16xf32>,
        %sub3A_147 = arith.subf %gather3A_135, %gather3A_146 : vector<16xf32>
        %mul3A_148 = arith.mulf %gather3A_129, %sub3A_147 : vector<16xf32>
        %add3A_149 = arith.addf %gather3A_146, %mul3A_148 : vector<16xf32>
        %lt3A_150 = arith.cmpf olt, %gather3A, %get3A_48 : vector<16xf32>
        %jit3A_151 = arith.constant 0.000000e+00 : f32
        %broadcast_in_dim3A_152 = vector.broadcast %jit3A_151 : f32 to vector<16xf32>
        %select_n3A_153 = arith.select %lt3A_150, %add3A_149, %broadcast_in_dim3A_152 : vector<16xi1>, vector<16xf32>
        %add3A_154 = arith.addf %scan3A_123, %select_n3A_153 : vector<16xf32>
        %all_reduce_population_count3A = tpu.all_reduce %lt3A_150 {dim = 0 : i64, kind = #tpu.reduction_kind<sum>} : vector<16xi1> -> vector<16xi32>
        %add3A_155 = arith.addi %scan3A_124, %all_reduce_population_count3A : vector<16xi32>
        scf.yield %add3A_154, %add3A_155 : vector<16xf32>, vector<16xi32>
      }
      %scan3A_121 = arith.constant 32 : i32
      scf.yield %scan3A_120#0, %scan3A_120#1 : vector<16xf32>, vector<16xi32>
    }
    %scan3A_105 = arith.constant 32 : i32
    %swap3A = arith.constant 0 : index
    %swap3A_106 = tpu.vector_load %arg14[%swap3A] {strides = array<i32>} : memref<16xf32, #tpu.memory_space<vmem>>, vector<16xf32>,
    tpu.vector_store %arg14[%swap3A], %scan3A_104#0 {strides = array<i32>} : memref<16xf32, #tpu.memory_space<vmem>>, vector<16xf32>,
    %convert_element_type3A = arith.sitofp %scan3A_104#1 : vector<16xi32> to vector<16xf32>
    %mul3A_107 = arith.constant 6.250000e-02 : f32
    %mul3A_108 = vector.broadcast %mul3A_107 : f32 to vector<16xf32>
    %mul3A_109 = arith.mulf %convert_element_type3A, %mul3A_108 : vector<16xf32>
    %swap3A_110 = arith.constant 0 : index
    %swap3A_111 = tpu.vector_load %arg15[%swap3A_110] {strides = array<i32>} : memref<16xf32, #tpu.memory_space<vmem>>, vector<16xf32>,
    tpu.vector_store %arg15[%swap3A_110], %mul3A_109 {strides = array<i32>} : memref<16xf32, #tpu.memory_space<vmem>>, vector<16xf32>,
    "tpu.region"() ({
      %run_scoped3A = tpu.sem_alloc : memref<!tpu.dma_semaphore, #tpu.memory_space<semaphore_mem>>
      %dma_start3A_112 = arith.constant 0 : i32
      %dma_start3A_113 = tpu.memref_slice %arg6[%add3A, %dma_start3A_112] : memref<32x16xf32, #tpu.memory_space<hbm>> -> memref<1x16xf32, #tpu.memory_space<hbm>>
      %dma_start3A_114 = tpu.memref_squeeze %dma_start3A_113 : memref<1x16xf32, #tpu.memory_space<hbm>> -> memref<16xf32, #tpu.memory_space<hbm>>
      %dma_start3A_115 = arith.constant 0 : i32
      %dma_start3A_116 = tpu.memref_slice %arg6[%add3A, %dma_start3A_115] : memref<32x16xf32, #tpu.memory_space<hbm>> -> memref<1x16xf32, #tpu.memory_space<hbm>>
      %dma_start3A_117 = tpu.memref_squeeze %dma_start3A_116 : memref<1x16xf32, #tpu.memory_space<hbm>> -> memref<16xf32, #tpu.memory_space<hbm>>
      tpu.enqueue_dma source(%arg14 : memref<16xf32, #tpu.memory_space<vmem>>) target(%dma_start3A_117 : memref<16xf32, #tpu.memory_space<hbm>>) target_semaphore(%run_scoped3A : memref<!tpu.dma_semaphore, #tpu.memory_space<semaphore_mem>>)
      %dma_wait3A_118 = arith.constant 0 : i32
      %dma_wait3A_119 = tpu.memref_slice %arg6[%add3A, %dma_wait3A_118] : memref<32x16xf32, #tpu.memory_space<hbm>> -> memref<1x16xf32, #tpu.memory_space<hbm>>
      %dma_wait3A_120 = tpu.memref_squeeze %dma_wait3A_119 : memref<1x16xf32, #tpu.memory_space<hbm>> -> memref<16xf32, #tpu.memory_space<hbm>>
      %dma_wait3A_121 = arith.constant 0 : i32
      %dma_wait3A_122 = tpu.memref_slice %arg6[%add3A, %dma_wait3A_121] : memref<32x16xf32, #tpu.memory_space<hbm>> -> memref<1x16xf32, #tpu.memory_space<hbm>>
      %dma_wait3A_123 = tpu.memref_squeeze %dma_wait3A_122 : memref<1x16xf32, #tpu.memory_space<hbm>> -> memref<16xf32, #tpu.memory_space<hbm>>
      tpu.wait_dma2 semaphore(%run_scoped3A : memref<!tpu.dma_semaphore, #tpu.memory_space<semaphore_mem>>) src(%arg14 : memref<16xf32, #tpu.memory_space<vmem>>) dst(%dma_wait3A_123 : memref<16xf32, #tpu.memory_space<hbm>>)
      tpu.yield
    }) : () -> ()
    "tpu.region"() ({
      %run_scoped3A = tpu.sem_alloc : memref<!tpu.dma_semaphore, #tpu.memory_space<semaphore_mem>>
      %dma_start3A_112 = arith.constant 0 : i32
      %dma_start3A_113 = tpu.memref_slice %arg7[%add3A, %dma_start3A_112] : memref<32x16xf32, #tpu.memory_space<hbm>> -> memref<1x16xf32, #tpu.memory_space<hbm>>
      %dma_start3A_114 = tpu.memref_squeeze %dma_start3A_113 : memref<1x16xf32, #tpu.memory_space<hbm>> -> memref<16xf32, #tpu.memory_space<hbm>>
      %dma_start3A_115 = arith.constant 0 : i32
      %dma_start3A_116 = tpu.memref_slice %arg7[%add3A, %dma_start3A_115] : memref<32x16xf32, #tpu.memory_space<hbm>> -> memref<1x16xf32, #tpu.memory_space<hbm>>
      %dma_start3A_117 = tpu.memref_squeeze %dma_start3A_116 : memref<1x16xf32, #tpu.memory_space<hbm>> -> memref<16xf32, #tpu.memory_space<hbm>>
      tpu.enqueue_dma source(%arg15 : memref<16xf32, #tpu.memory_space<vmem>>) target(%dma_start3A_117 : memref<16xf32, #tpu.memory_space<hbm>>) target_semaphore(%run_scoped3A : memref<!tpu.dma_semaphore, #tpu.memory_space<semaphore_mem>>)
      %dma_wait3A_118 = arith.constant 0 : i32
      %dma_wait3A_119 = tpu.memref_slice %arg7[%add3A, %dma_wait3A_118] : memref<32x16xf32, #tpu.memory_space<hbm>> -> memref<1x16xf32, #tpu.memory_space<hbm>>
      %dma_wait3A_120 = tpu.memref_squeeze %dma_wait3A_119 : memref<1x16xf32, #tpu.memory_space<hbm>> -> memref<16xf32, #tpu.memory_space<hbm>>
      %dma_wait3A_121 = arith.constant 0 : i32
      %dma_wait3A_122 = tpu.memref_slice %arg7[%add3A, %dma_wait3A_121] : memref<32x16xf32, #tpu.memory_space<hbm>> -> memref<1x16xf32, #tpu.memory_space<hbm>>
      %dma_wait3A_123 = tpu.memref_squeeze %dma_wait3A_122 : memref<1x16xf32, #tpu.memory_space<hbm>> -> memref<16xf32, #tpu.memory_space<hbm>>
      tpu.wait_dma2 semaphore(%run_scoped3A : memref<!tpu.dma_semaphore, #tpu.memory_space<semaphore_mem>>) src(%arg15 : memref<16xf32, #tpu.memory_space<vmem>>) dst(%dma_wait3A_123 : memref<16xf32, #tpu.memory_space<hbm>>)
      tpu.yield
    }) : () -> ()
    return
  }
}

#map = affine_map<(d0, d1) -> (0, 0, 0, 0)>
#map1 = affine_map<(d0, d1) -> (0)>
#map2 = affine_map<(d0, d1) -> (0, 0)>
module attributes {stable_mosaic.version = 14 : i64} {
  func.func @_poly_pass(%arg0: i32, %arg1: i32, %arg2: memref<16x1x512x512xf32, #tpu.memory_space<hbm>>, %arg3: memref<16x1x512x512xf32, #tpu.memory_space<hbm>>, %arg4: memref<16xf32, #tpu.memory_space<hbm>>, %arg5: memref<32x16xf32, #tpu.memory_space<hbm>>, %arg6: memref<32x16xf32, #tpu.memory_space<hbm>>, %arg7: memref<32x512xf32, #tpu.memory_space<vmem>>, %arg8: memref<32x512xf32, #tpu.memory_space<vmem>>, %arg9: memref<16xf32, #tpu.memory_space<vmem>>, %arg10: memref<16xf32, #tpu.memory_space<vmem>>, %arg11: memref<16xf32, #tpu.memory_space<vmem>>) attributes {dimension_semantics = [#tpu.dimension_semantics<core_parallel>, #tpu.dimension_semantics<subcore_parallel>], iteration_bounds = array<i64: 2, 16>, scalar_prefetch = 0 : i64, scratch_operands = 5 : i64, tpu.core_type = #tpu.core_type<sc_vector_subcore>, window_params = [{transform_indices = #map}, {transform_indices = #map}, {transform_indices = #map1}, {transform_indices = #map2}, {transform_indices = #map2}]} {
    %mul3A = arith.constant 2 : i32
    %mul3A_0 = arith.muli %arg1, %mul3A : i32
    %add3A = arith.addi %mul3A_0, %arg0 : i32
    %jit3A = arith.constant 2 : i32
    %div3A = arith.divsi %add3A, %jit3A : i32
    %sign3A = arith.constant 0 : i32
    %sign3A_1 = arith.cmpi sgt, %add3A, %sign3A : i32
    %sign3A_2 = arith.extui %sign3A_1 : i1 to i32
    %sign3A_3 = arith.constant 0 : i32
    %sign3A_4 = arith.cmpi slt, %add3A, %sign3A_3 : i32
    %sign3A_5 = arith.extui %sign3A_4 : i1 to i32
    %sign3A_6 = arith.subi %sign3A_2, %sign3A_5 : i32
    %sign3A_7 = arith.constant 0 : i32
    %sign3A_8 = arith.cmpi sgt, %jit3A, %sign3A_7 : i32
    %sign3A_9 = arith.extui %sign3A_8 : i1 to i32
    %sign3A_10 = arith.constant 0 : i32
    %sign3A_11 = arith.cmpi slt, %jit3A, %sign3A_10 : i32
    %sign3A_12 = arith.extui %sign3A_11 : i1 to i32
    %sign3A_13 = arith.subi %sign3A_9, %sign3A_12 : i32
    %ne3A = arith.cmpi ne, %sign3A_6, %sign3A_13 : i32
    %rem3A = arith.remsi %add3A, %jit3A : i32
    %ne3A_14 = arith.constant 0 : i32
    %ne3A_15 = arith.cmpi ne, %rem3A, %ne3A_14 : i32
    %and3A = arith.andi %ne3A, %ne3A_15 : i1
    %sub3A = arith.constant 1 : i32
    %sub3A_16 = arith.subi %div3A, %sub3A : i32
    %select_n3A = arith.select %and3A, %sub3A_16, %div3A : i32
    %jit3A_17 = arith.constant 2 : i32
    %eq3A = arith.constant 0 : i32
    %eq3A_18 = arith.cmpi eq, %jit3A_17, %eq3A : i32
    %jit3A_19 = arith.constant 1 : i32
    %select_n3A_20 = arith.select %eq3A_18, %jit3A_19, %jit3A_17 : i32
    %rem3A_21 = arith.remsi %add3A, %select_n3A_20 : i32
    %ne3A_22 = arith.constant 0 : i32
    %ne3A_23 = arith.cmpi ne, %rem3A_21, %ne3A_22 : i32
    %lt3A = arith.constant 0 : i32
    %lt3A_24 = arith.cmpi slt, %rem3A_21, %lt3A : i32
    %lt3A_25 = arith.constant 0 : i32
    %lt3A_26 = arith.cmpi slt, %select_n3A_20, %lt3A_25 : i32
    %ne3A_27 = arith.xori %lt3A_24, %lt3A_26 : i1
    %and3A_28 = arith.andi %ne3A_27, %ne3A_23 : i1
    %add3A_29 = arith.addi %rem3A_21, %select_n3A_20 : i32
    %select_n3A_30 = arith.select %and3A_28, %add3A_29, %rem3A_21 : i32
    %mul3A_31 = arith.constant 256 : i32
    %mul3A_32 = arith.muli %select_n3A_30, %mul3A_31 : i32
    "tpu.region"() ({
      %run_scoped3A_118 = tpu.sem_alloc : memref<!tpu.dma_semaphore, #tpu.memory_space<semaphore_mem>>
      tpu.enqueue_dma source(%arg4 : memref<16xf32, #tpu.memory_space<hbm>>) target(%arg9 : memref<16xf32, #tpu.memory_space<vmem>>) target_semaphore(%run_scoped3A_118 : memref<!tpu.dma_semaphore, #tpu.memory_space<semaphore_mem>>)
      tpu.wait_dma2 semaphore(%run_scoped3A_118 : memref<!tpu.dma_semaphore, #tpu.memory_space<semaphore_mem>>) src(%arg4 : memref<16xf32, #tpu.memory_space<hbm>>) dst(%arg9 : memref<16xf32, #tpu.memory_space<vmem>>)
      tpu.yield
    }) : () -> ()
    %get3A = arith.constant 0 : index
    %get3A_33 = tpu.vector_load %arg9[%get3A] {strides = array<i32>} : memref<16xf32, #tpu.memory_space<vmem>>, vector<16xf32>,
    %broadcast_in_dim3A = arith.constant 0.000000e+00 : f32
    %broadcast_in_dim3A_34 = vector.broadcast %broadcast_in_dim3A : f32 to vector<16xf32>
    %broadcast_in_dim3A_35 = arith.constant 0.000000e+00 : f32
    %broadcast_in_dim3A_36 = vector.broadcast %broadcast_in_dim3A_35 : f32 to vector<16xf32>
    %add3A_37 = arith.constant 0 : i32
    %add3A_38 = arith.addi %mul3A_32, %add3A_37 : i32
    %run_scoped3A = arith.constant 0 : i32
    "tpu.region"() ({
      %run_scoped3A_118 = tpu.sem_alloc : memref<!tpu.dma_semaphore, #tpu.memory_space<semaphore_mem>>
      %dma_start3A = arith.constant 0 : i32
      %dma_start3A_119 = tpu.memref_slice %arg2[%select_n3A, %run_scoped3A, %add3A_38, %dma_start3A] : memref<16x1x512x512xf32, #tpu.memory_space<hbm>> -> memref<1x1x32x512xf32, #tpu.memory_space<hbm>>
      %dma_start3A_120 = tpu.memref_squeeze %dma_start3A_119 : memref<1x1x32x512xf32, #tpu.memory_space<hbm>> -> memref<32x512xf32, #tpu.memory_space<hbm>>
      %dma_start3A_121 = arith.constant 0 : i32
      %dma_start3A_122 = tpu.memref_slice %arg2[%select_n3A, %run_scoped3A, %add3A_38, %dma_start3A_121] : memref<16x1x512x512xf32, #tpu.memory_space<hbm>> -> memref<1x1x32x512xf32, #tpu.memory_space<hbm>>
      %dma_start3A_123 = tpu.memref_squeeze %dma_start3A_122 : memref<1x1x32x512xf32, #tpu.memory_space<hbm>> -> memref<32x512xf32, #tpu.memory_space<hbm>>
      tpu.enqueue_dma source(%dma_start3A_123 : memref<32x512xf32, #tpu.memory_space<hbm>>) target(%arg7 : memref<32x512xf32, #tpu.memory_space<vmem>>) target_semaphore(%run_scoped3A_118 : memref<!tpu.dma_semaphore, #tpu.memory_space<semaphore_mem>>)
      %dma_wait3A = arith.constant 0 : i32
      %dma_wait3A_124 = tpu.memref_slice %arg2[%select_n3A, %run_scoped3A, %add3A_38, %dma_wait3A] : memref<16x1x512x512xf32, #tpu.memory_space<hbm>> -> memref<1x1x32x512xf32, #tpu.memory_space<hbm>>
      %dma_wait3A_125 = tpu.memref_squeeze %dma_wait3A_124 : memref<1x1x32x512xf32, #tpu.memory_space<hbm>> -> memref<32x512xf32, #tpu.memory_space<hbm>>
      %dma_wait3A_126 = arith.constant 0 : i32
      %dma_wait3A_127 = tpu.memref_slice %arg2[%select_n3A, %run_scoped3A, %add3A_38, %dma_wait3A_126] : memref<16x1x512x512xf32, #tpu.memory_space<hbm>> -> memref<1x1x32x512xf32, #tpu.memory_space<hbm>>
      %dma_wait3A_128 = tpu.memref_squeeze %dma_wait3A_127 : memref<1x1x32x512xf32, #tpu.memory_space<hbm>> -> memref<32x512xf32, #tpu.memory_space<hbm>>
      tpu.wait_dma2 semaphore(%run_scoped3A_118 : memref<!tpu.dma_semaphore, #tpu.memory_space<semaphore_mem>>) src(%dma_wait3A_128 : memref<32x512xf32, #tpu.memory_space<hbm>>) dst(%arg7 : memref<32x512xf32, #tpu.memory_space<vmem>>)
      tpu.yield
    }) : () -> ()
    %run_scoped3A_39 = arith.constant 0 : i32
    "tpu.region"() ({
      %run_scoped3A_118 = tpu.sem_alloc : memref<!tpu.dma_semaphore, #tpu.memory_space<semaphore_mem>>
      %dma_start3A = arith.constant 0 : i32
      %dma_start3A_119 = tpu.memref_slice %arg3[%select_n3A, %run_scoped3A_39, %add3A_38, %dma_start3A] : memref<16x1x512x512xf32, #tpu.memory_space<hbm>> -> memref<1x1x32x512xf32, #tpu.memory_space<hbm>>
      %dma_start3A_120 = tpu.memref_squeeze %dma_start3A_119 : memref<1x1x32x512xf32, #tpu.memory_space<hbm>> -> memref<32x512xf32, #tpu.memory_space<hbm>>
      %dma_start3A_121 = arith.constant 0 : i32
      %dma_start3A_122 = tpu.memref_slice %arg3[%select_n3A, %run_scoped3A_39, %add3A_38, %dma_start3A_121] : memref<16x1x512x512xf32, #tpu.memory_space<hbm>> -> memref<1x1x32x512xf32, #tpu.memory_space<hbm>>
      %dma_start3A_123 = tpu.memref_squeeze %dma_start3A_122 : memref<1x1x32x512xf32, #tpu.memory_space<hbm>> -> memref<32x512xf32, #tpu.memory_space<hbm>>
      tpu.enqueue_dma source(%dma_start3A_123 : memref<32x512xf32, #tpu.memory_space<hbm>>) target(%arg8 : memref<32x512xf32, #tpu.memory_space<vmem>>) target_semaphore(%run_scoped3A_118 : memref<!tpu.dma_semaphore, #tpu.memory_space<semaphore_mem>>)
      %dma_wait3A = arith.constant 0 : i32
      %dma_wait3A_124 = tpu.memref_slice %arg3[%select_n3A, %run_scoped3A_39, %add3A_38, %dma_wait3A] : memref<16x1x512x512xf32, #tpu.memory_space<hbm>> -> memref<1x1x32x512xf32, #tpu.memory_space<hbm>>
      %dma_wait3A_125 = tpu.memref_squeeze %dma_wait3A_124 : memref<1x1x32x512xf32, #tpu.memory_space<hbm>> -> memref<32x512xf32, #tpu.memory_space<hbm>>
      %dma_wait3A_126 = arith.constant 0 : i32
      %dma_wait3A_127 = tpu.memref_slice %arg3[%select_n3A, %run_scoped3A_39, %add3A_38, %dma_wait3A_126] : memref<16x1x512x512xf32, #tpu.memory_space<hbm>> -> memref<1x1x32x512xf32, #tpu.memory_space<hbm>>
      %dma_wait3A_128 = tpu.memref_squeeze %dma_wait3A_127 : memref<1x1x32x512xf32, #tpu.memory_space<hbm>> -> memref<32x512xf32, #tpu.memory_space<hbm>>
      tpu.wait_dma2 semaphore(%run_scoped3A_118 : memref<!tpu.dma_semaphore, #tpu.memory_space<semaphore_mem>>) src(%dma_wait3A_128 : memref<32x512xf32, #tpu.memory_space<hbm>>) dst(%arg8 : memref<32x512xf32, #tpu.memory_space<vmem>>)
      tpu.yield
    }) : () -> ()
    %scan3A = arith.constant 0 : i32
    %scan3A_40 = arith.constant 32 : i32
    %scan3A_41 = arith.addi %scan3A, %scan3A_40 : i32
    %scan3A_42 = arith.constant 1 : i32
    %scan3A_43:2 = scf.for %scan3A_118 = %scan3A to %scan3A_41 step %scan3A_42 iter_args(%scan3A_119 = %broadcast_in_dim3A_34, %scan3A_120 = %broadcast_in_dim3A_36) -> (vector<16xf32>, vector<16xf32>)  : i32 {
      %scan3A_121 = arith.constant 0 : i32
      %scan3A_122 = arith.constant 32 : i32
      %scan3A_123 = arith.addi %scan3A_121, %scan3A_122 : i32
      %scan3A_124 = arith.constant 1 : i32
      %scan3A_125:2 = scf.for %scan3A_127 = %scan3A_121 to %scan3A_123 step %scan3A_124 iter_args(%scan3A_128 = %scan3A_119, %scan3A_129 = %scan3A_120) -> (vector<16xf32>, vector<16xf32>)  : i32 {
        %mul3A_130 = arith.constant 16 : i32
        %mul3A_131 = arith.muli %scan3A_127, %mul3A_130 : i32
        %get3A_132 = arith.index_cast %scan3A_118 : i32 to index
        %get3A_133 = arith.index_cast %mul3A_131 : i32 to index
        %get3A_134 = tpu.vector_load %arg7[%get3A_132, %get3A_133] {strides = array<i32>} : memref<32x512xf32, #tpu.memory_space<vmem>>, vector<1x16xf32>,
        %get3A_135 = vector.shape_cast %get3A_134 : vector<1x16xf32> to vector<16xf32>
        %mul3A_136 = arith.constant 16 : i32
        %mul3A_137 = arith.muli %scan3A_127, %mul3A_136 : i32
        %get3A_138 = arith.index_cast %scan3A_118 : i32 to index
        %get3A_139 = arith.index_cast %mul3A_137 : i32 to index
        %get3A_140 = tpu.vector_load %arg8[%get3A_138, %get3A_139] {strides = array<i32>} : memref<32x512xf32, #tpu.memory_space<vmem>>, vector<1x16xf32>,
        %get3A_141 = vector.shape_cast %get3A_140 : vector<1x16xf32> to vector<16xf32>
        %bitcast_convert_type3A = tpu.bitcast %get3A_135 : vector<16xf32> -> vector<16xi32>
        %shift_right_logical3A = arith.constant 23 : i32
        %shift_right_logical3A_142 = vector.broadcast %shift_right_logical3A : i32 to vector<16xi32>
        %shift_right_logical3A_143 = arith.shrui %bitcast_convert_type3A, %shift_right_logical3A_142 : vector<16xi32>
        %sub3A_144 = arith.constant 127 : i32
        %sub3A_145 = vector.broadcast %sub3A_144 : i32 to vector<16xi32>
        %sub3A_146 = arith.subi %shift_right_logical3A_143, %sub3A_145 : vector<16xi32>
        %and3A_147 = arith.constant 8388607 : i32
        %and3A_148 = vector.broadcast %and3A_147 : i32 to vector<16xi32>
        %and3A_149 = arith.andi %bitcast_convert_type3A, %and3A_148 : vector<16xi32>
        %or3A = arith.constant 1065353216 : i32
        %or3A_150 = vector.broadcast %or3A : i32 to vector<16xi32>
        %or3A_151 = arith.ori %and3A_149, %or3A_150 : vector<16xi32>
        %bitcast_convert_type3A_152 = tpu.bitcast %or3A_151 : vector<16xi32> -> vector<16xf32>
        %sub3A_153 = arith.constant 1.000000e+00 : f32
        %sub3A_154 = vector.broadcast %sub3A_153 : f32 to vector<16xf32>
        %sub3A_155 = arith.subf %bitcast_convert_type3A_152, %sub3A_154 : vector<16xf32>
        %add3A_156 = arith.constant 1.000000e+00 : f32
        %add3A_157 = vector.broadcast %add3A_156 : f32 to vector<16xf32>
        %add3A_158 = arith.addf %bitcast_convert_type3A_152, %add3A_157 : vector<16xf32>
        %div3A_159 = arith.divf %sub3A_155, %add3A_158 : vector<16xf32>
        %mul3A_160 = arith.mulf %div3A_159, %div3A_159 : vector<16xf32>
        %mul3A_161 = arith.constant 0.111111112 : f32
        %mul3A_162 = vector.broadcast %mul3A_161 : f32 to vector<16xf32>
        %mul3A_163 = arith.mulf %mul3A_160, %mul3A_162 : vector<16xf32>
        %add3A_164 = arith.constant 0.142857149 : f32
        %add3A_165 = vector.broadcast %add3A_164 : f32 to vector<16xf32>
        %add3A_166 = arith.addf %mul3A_163, %add3A_165 : vector<16xf32>
        %mul3A_167 = arith.mulf %mul3A_160, %add3A_166 : vector<16xf32>
        %add3A_168 = arith.constant 2.000000e-01 : f32
        %add3A_169 = vector.broadcast %add3A_168 : f32 to vector<16xf32>
        %add3A_170 = arith.addf %mul3A_167, %add3A_169 : vector<16xf32>
        %mul3A_171 = arith.mulf %mul3A_160, %add3A_170 : vector<16xf32>
        %add3A_172 = arith.constant 0.333333343 : f32
        %add3A_173 = vector.broadcast %add3A_172 : f32 to vector<16xf32>
        %add3A_174 = arith.addf %mul3A_171, %add3A_173 : vector<16xf32>
        %mul3A_175 = arith.mulf %mul3A_160, %add3A_174 : vector<16xf32>
        %add3A_176 = arith.constant 1.000000e+00 : f32
        %add3A_177 = vector.broadcast %add3A_176 : f32 to vector<16xf32>
        %add3A_178 = arith.addf %mul3A_175, %add3A_177 : vector<16xf32>
        %convert_element_type3A = arith.sitofp %sub3A_146 : vector<16xi32> to vector<16xf32>
        %mul3A_179 = arith.constant 0.693147182 : f32
        %mul3A_180 = vector.broadcast %mul3A_179 : f32 to vector<16xf32>
        %mul3A_181 = arith.mulf %convert_element_type3A, %mul3A_180 : vector<16xf32>
        %mul3A_182 = arith.constant 2.000000e+00 : f32
        %mul3A_183 = vector.broadcast %mul3A_182 : f32 to vector<16xf32>
        %mul3A_184 = arith.mulf %mul3A_183, %div3A_159 : vector<16xf32>
        %mul3A_185 = arith.mulf %mul3A_184, %add3A_178 : vector<16xf32>
        %add3A_186 = arith.addf %mul3A_181, %mul3A_185 : vector<16xf32>
        %sub3A_187 = arith.constant 1.000000e+00 : f32
        %sub3A_188 = vector.broadcast %sub3A_187 : f32 to vector<16xf32>
        %sub3A_189 = arith.subf %sub3A_188, %get3A_135 : vector<16xf32>
        %bitcast_convert_type3A_190 = tpu.bitcast %sub3A_189 : vector<16xf32> -> vector<16xi32>
        %shift_right_logical3A_191 = arith.constant 23 : i32
        %shift_right_logical3A_192 = vector.broadcast %shift_right_logical3A_191 : i32 to vector<16xi32>
        %shift_right_logical3A_193 = arith.shrui %bitcast_convert_type3A_190, %shift_right_logical3A_192 : vector<16xi32>
        %sub3A_194 = arith.constant 127 : i32
        %sub3A_195 = vector.broadcast %sub3A_194 : i32 to vector<16xi32>
        %sub3A_196 = arith.subi %shift_right_logical3A_193, %sub3A_195 : vector<16xi32>
        %and3A_197 = arith.constant 8388607 : i32
        %and3A_198 = vector.broadcast %and3A_197 : i32 to vector<16xi32>
        %and3A_199 = arith.andi %bitcast_convert_type3A_190, %and3A_198 : vector<16xi32>
        %or3A_200 = arith.constant 1065353216 : i32
        %or3A_201 = vector.broadcast %or3A_200 : i32 to vector<16xi32>
        %or3A_202 = arith.ori %and3A_199, %or3A_201 : vector<16xi32>
        %bitcast_convert_type3A_203 = tpu.bitcast %or3A_202 : vector<16xi32> -> vector<16xf32>
        %sub3A_204 = arith.constant 1.000000e+00 : f32
        %sub3A_205 = vector.broadcast %sub3A_204 : f32 to vector<16xf32>
        %sub3A_206 = arith.subf %bitcast_convert_type3A_203, %sub3A_205 : vector<16xf32>
        %add3A_207 = arith.constant 1.000000e+00 : f32
        %add3A_208 = vector.broadcast %add3A_207 : f32 to vector<16xf32>
        %add3A_209 = arith.addf %bitcast_convert_type3A_203, %add3A_208 : vector<16xf32>
        %div3A_210 = arith.divf %sub3A_206, %add3A_209 : vector<16xf32>
        %mul3A_211 = arith.mulf %div3A_210, %div3A_210 : vector<16xf32>
        %mul3A_212 = arith.constant 0.111111112 : f32
        %mul3A_213 = vector.broadcast %mul3A_212 : f32 to vector<16xf32>
        %mul3A_214 = arith.mulf %mul3A_211, %mul3A_213 : vector<16xf32>
        %add3A_215 = arith.constant 0.142857149 : f32
        %add3A_216 = vector.broadcast %add3A_215 : f32 to vector<16xf32>
        %add3A_217 = arith.addf %mul3A_214, %add3A_216 : vector<16xf32>
        %mul3A_218 = arith.mulf %mul3A_211, %add3A_217 : vector<16xf32>
        %add3A_219 = arith.constant 2.000000e-01 : f32
        %add3A_220 = vector.broadcast %add3A_219 : f32 to vector<16xf32>
        %add3A_221 = arith.addf %mul3A_218, %add3A_220 : vector<16xf32>
        %mul3A_222 = arith.mulf %mul3A_211, %add3A_221 : vector<16xf32>
        %add3A_223 = arith.constant 0.333333343 : f32
        %add3A_224 = vector.broadcast %add3A_223 : f32 to vector<16xf32>
        %add3A_225 = arith.addf %mul3A_222, %add3A_224 : vector<16xf32>
        %mul3A_226 = arith.mulf %mul3A_211, %add3A_225 : vector<16xf32>
        %add3A_227 = arith.constant 1.000000e+00 : f32
        %add3A_228 = vector.broadcast %add3A_227 : f32 to vector<16xf32>
        %add3A_229 = arith.addf %mul3A_226, %add3A_228 : vector<16xf32>
        %convert_element_type3A_230 = arith.sitofp %sub3A_196 : vector<16xi32> to vector<16xf32>
        %mul3A_231 = arith.constant 0.693147182 : f32
        %mul3A_232 = vector.broadcast %mul3A_231 : f32 to vector<16xf32>
        %mul3A_233 = arith.mulf %convert_element_type3A_230, %mul3A_232 : vector<16xf32>
        %mul3A_234 = arith.constant 2.000000e+00 : f32
        %mul3A_235 = vector.broadcast %mul3A_234 : f32 to vector<16xf32>
        %mul3A_236 = arith.mulf %mul3A_235, %div3A_210 : vector<16xf32>
        %mul3A_237 = arith.mulf %mul3A_236, %add3A_229 : vector<16xf32>
        %add3A_238 = arith.addf %mul3A_233, %mul3A_237 : vector<16xf32>
        %sub3A_239 = arith.subf %add3A_186, %add3A_238 : vector<16xf32>
        %mul3A_240 = arith.mulf %get3A_141, %sub3A_239 : vector<16xf32>
        %add3A_241 = arith.addf %add3A_238, %mul3A_240 : vector<16xf32>
        %lt3A_242 = arith.cmpf olt, %get3A_135, %get3A_33 : vector<16xf32>
        %jit3A_243 = arith.constant 0.000000e+00 : f32
        %broadcast_in_dim3A_244 = vector.broadcast %jit3A_243 : f32 to vector<16xf32>
        %select_n3A_245 = arith.select %lt3A_242, %add3A_241, %broadcast_in_dim3A_244 : vector<16xi1>, vector<16xf32>
        %add3A_246 = arith.addf %scan3A_128, %select_n3A_245 : vector<16xf32>
        %jit3A_247 = arith.constant 1.000000e+00 : f32
        %jit3A_248 = arith.constant 0.000000e+00 : f32
        %broadcast_in_dim3A_249 = vector.broadcast %jit3A_247 : f32 to vector<16xf32>
        %broadcast_in_dim3A_250 = vector.broadcast %jit3A_248 : f32 to vector<16xf32>
        %select_n3A_251 = arith.select %lt3A_242, %broadcast_in_dim3A_249, %broadcast_in_dim3A_250 : vector<16xi1>, vector<16xf32>
        %add3A_252 = arith.addf %scan3A_129, %select_n3A_251 : vector<16xf32>
        scf.yield %add3A_246, %add3A_252 : vector<16xf32>, vector<16xf32>
      }
      %scan3A_126 = arith.constant 32 : i32
      scf.yield %scan3A_125#0, %scan3A_125#1 : vector<16xf32>, vector<16xf32>
    }
    %scan3A_44 = arith.constant 32 : i32
    %add3A_45 = arith.constant 32 : i32
    %add3A_46 = arith.addi %mul3A_32, %add3A_45 : i32
    %run_scoped3A_47 = arith.constant 0 : i32
    "tpu.region"() ({
      %run_scoped3A_118 = tpu.sem_alloc : memref<!tpu.dma_semaphore, #tpu.memory_space<semaphore_mem>>
      %dma_start3A = arith.constant 0 : i32
      %dma_start3A_119 = tpu.memref_slice %arg2[%select_n3A, %run_scoped3A_47, %add3A_46, %dma_start3A] : memref<16x1x512x512xf32, #tpu.memory_space<hbm>> -> memref<1x1x32x512xf32, #tpu.memory_space<hbm>>
      %dma_start3A_120 = tpu.memref_squeeze %dma_start3A_119 : memref<1x1x32x512xf32, #tpu.memory_space<hbm>> -> memref<32x512xf32, #tpu.memory_space<hbm>>
      %dma_start3A_121 = arith.constant 0 : i32
      %dma_start3A_122 = tpu.memref_slice %arg2[%select_n3A, %run_scoped3A_47, %add3A_46, %dma_start3A_121] : memref<16x1x512x512xf32, #tpu.memory_space<hbm>> -> memref<1x1x32x512xf32, #tpu.memory_space<hbm>>
      %dma_start3A_123 = tpu.memref_squeeze %dma_start3A_122 : memref<1x1x32x512xf32, #tpu.memory_space<hbm>> -> memref<32x512xf32, #tpu.memory_space<hbm>>
      tpu.enqueue_dma source(%dma_start3A_123 : memref<32x512xf32, #tpu.memory_space<hbm>>) target(%arg7 : memref<32x512xf32, #tpu.memory_space<vmem>>) target_semaphore(%run_scoped3A_118 : memref<!tpu.dma_semaphore, #tpu.memory_space<semaphore_mem>>)
      %dma_wait3A = arith.constant 0 : i32
      %dma_wait3A_124 = tpu.memref_slice %arg2[%select_n3A, %run_scoped3A_47, %add3A_46, %dma_wait3A] : memref<16x1x512x512xf32, #tpu.memory_space<hbm>> -> memref<1x1x32x512xf32, #tpu.memory_space<hbm>>
      %dma_wait3A_125 = tpu.memref_squeeze %dma_wait3A_124 : memref<1x1x32x512xf32, #tpu.memory_space<hbm>> -> memref<32x512xf32, #tpu.memory_space<hbm>>
      %dma_wait3A_126 = arith.constant 0 : i32
      %dma_wait3A_127 = tpu.memref_slice %arg2[%select_n3A, %run_scoped3A_47, %add3A_46, %dma_wait3A_126] : memref<16x1x512x512xf32, #tpu.memory_space<hbm>> -> memref<1x1x32x512xf32, #tpu.memory_space<hbm>>
      %dma_wait3A_128 = tpu.memref_squeeze %dma_wait3A_127 : memref<1x1x32x512xf32, #tpu.memory_space<hbm>> -> memref<32x512xf32, #tpu.memory_space<hbm>>
      tpu.wait_dma2 semaphore(%run_scoped3A_118 : memref<!tpu.dma_semaphore, #tpu.memory_space<semaphore_mem>>) src(%dma_wait3A_128 : memref<32x512xf32, #tpu.memory_space<hbm>>) dst(%arg7 : memref<32x512xf32, #tpu.memory_space<vmem>>)
      tpu.yield
    }) : () -> ()
    %run_scoped3A_48 = arith.constant 0 : i32
    "tpu.region"() ({
      %run_scoped3A_118 = tpu.sem_alloc : memref<!tpu.dma_semaphore, #tpu.memory_space<semaphore_mem>>
      %dma_start3A = arith.constant 0 : i32
      %dma_start3A_119 = tpu.memref_slice %arg3[%select_n3A, %run_scoped3A_48, %add3A_46, %dma_start3A] : memref<16x1x512x512xf32, #tpu.memory_space<hbm>> -> memref<1x1x32x512xf32, #tpu.memory_space<hbm>>
      %dma_start3A_120 = tpu.memref_squeeze %dma_start3A_119 : memref<1x1x32x512xf32, #tpu.memory_space<hbm>> -> memref<32x512xf32, #tpu.memory_space<hbm>>
      %dma_start3A_121 = arith.constant 0 : i32
      %dma_start3A_122 = tpu.memref_slice %arg3[%select_n3A, %run_scoped3A_48, %add3A_46, %dma_start3A_121] : memref<16x1x512x512xf32, #tpu.memory_space<hbm>> -> memref<1x1x32x512xf32, #tpu.memory_space<hbm>>
      %dma_start3A_123 = tpu.memref_squeeze %dma_start3A_122 : memref<1x1x32x512xf32, #tpu.memory_space<hbm>> -> memref<32x512xf32, #tpu.memory_space<hbm>>
      tpu.enqueue_dma source(%dma_start3A_123 : memref<32x512xf32, #tpu.memory_space<hbm>>) target(%arg8 : memref<32x512xf32, #tpu.memory_space<vmem>>) target_semaphore(%run_scoped3A_118 : memref<!tpu.dma_semaphore, #tpu.memory_space<semaphore_mem>>)
      %dma_wait3A = arith.constant 0 : i32
      %dma_wait3A_124 = tpu.memref_slice %arg3[%select_n3A, %run_scoped3A_48, %add3A_46, %dma_wait3A] : memref<16x1x512x512xf32, #tpu.memory_space<hbm>> -> memref<1x1x32x512xf32, #tpu.memory_space<hbm>>
      %dma_wait3A_125 = tpu.memref_squeeze %dma_wait3A_124 : memref<1x1x32x512xf32, #tpu.memory_space<hbm>> -> memref<32x512xf32, #tpu.memory_space<hbm>>
      %dma_wait3A_126 = arith.constant 0 : i32
      %dma_wait3A_127 = tpu.memref_slice %arg3[%select_n3A, %run_scoped3A_48, %add3A_46, %dma_wait3A_126] : memref<16x1x512x512xf32, #tpu.memory_space<hbm>> -> memref<1x1x32x512xf32, #tpu.memory_space<hbm>>
      %dma_wait3A_128 = tpu.memref_squeeze %dma_wait3A_127 : memref<1x1x32x512xf32, #tpu.memory_space<hbm>> -> memref<32x512xf32, #tpu.memory_space<hbm>>
      tpu.wait_dma2 semaphore(%run_scoped3A_118 : memref<!tpu.dma_semaphore, #tpu.memory_space<semaphore_mem>>) src(%dma_wait3A_128 : memref<32x512xf32, #tpu.memory_space<hbm>>) dst(%arg8 : memref<32x512xf32, #tpu.memory_space<vmem>>)
      tpu.yield
    }) : () -> ()
    %scan3A_49 = arith.constant 0 : i32
    %scan3A_50 = arith.constant 32 : i32
    %scan3A_51 = arith.addi %scan3A_49, %scan3A_50 : i32
    %scan3A_52 = arith.constant 1 : i32
    %scan3A_53:2 = scf.for %scan3A_118 = %scan3A_49 to %scan3A_51 step %scan3A_52 iter_args(%scan3A_119 = %scan3A_43#0, %scan3A_120 = %scan3A_43#1) -> (vector<16xf32>, vector<16xf32>)  : i32 {
      %scan3A_121 = arith.constant 0 : i32
      %scan3A_122 = arith.constant 32 : i32
      %scan3A_123 = arith.addi %scan3A_121, %scan3A_122 : i32
      %scan3A_124 = arith.constant 1 : i32
      %scan3A_125:2 = scf.for %scan3A_127 = %scan3A_121 to %scan3A_123 step %scan3A_124 iter_args(%scan3A_128 = %scan3A_119, %scan3A_129 = %scan3A_120) -> (vector<16xf32>, vector<16xf32>)  : i32 {
        %mul3A_130 = arith.constant 16 : i32
        %mul3A_131 = arith.muli %scan3A_127, %mul3A_130 : i32
        %get3A_132 = arith.index_cast %scan3A_118 : i32 to index
        %get3A_133 = arith.index_cast %mul3A_131 : i32 to index
        %get3A_134 = tpu.vector_load %arg7[%get3A_132, %get3A_133] {strides = array<i32>} : memref<32x512xf32, #tpu.memory_space<vmem>>, vector<1x16xf32>,
        %get3A_135 = vector.shape_cast %get3A_134 : vector<1x16xf32> to vector<16xf32>
        %mul3A_136 = arith.constant 16 : i32
        %mul3A_137 = arith.muli %scan3A_127, %mul3A_136 : i32
        %get3A_138 = arith.index_cast %scan3A_118 : i32 to index
        %get3A_139 = arith.index_cast %mul3A_137 : i32 to index
        %get3A_140 = tpu.vector_load %arg8[%get3A_138, %get3A_139] {strides = array<i32>} : memref<32x512xf32, #tpu.memory_space<vmem>>, vector<1x16xf32>,
        %get3A_141 = vector.shape_cast %get3A_140 : vector<1x16xf32> to vector<16xf32>
        %bitcast_convert_type3A = tpu.bitcast %get3A_135 : vector<16xf32> -> vector<16xi32>
        %shift_right_logical3A = arith.constant 23 : i32
        %shift_right_logical3A_142 = vector.broadcast %shift_right_logical3A : i32 to vector<16xi32>
        %shift_right_logical3A_143 = arith.shrui %bitcast_convert_type3A, %shift_right_logical3A_142 : vector<16xi32>
        %sub3A_144 = arith.constant 127 : i32
        %sub3A_145 = vector.broadcast %sub3A_144 : i32 to vector<16xi32>
        %sub3A_146 = arith.subi %shift_right_logical3A_143, %sub3A_145 : vector<16xi32>
        %and3A_147 = arith.constant 8388607 : i32
        %and3A_148 = vector.broadcast %and3A_147 : i32 to vector<16xi32>
        %and3A_149 = arith.andi %bitcast_convert_type3A, %and3A_148 : vector<16xi32>
        %or3A = arith.constant 1065353216 : i32
        %or3A_150 = vector.broadcast %or3A : i32 to vector<16xi32>
        %or3A_151 = arith.ori %and3A_149, %or3A_150 : vector<16xi32>
        %bitcast_convert_type3A_152 = tpu.bitcast %or3A_151 : vector<16xi32> -> vector<16xf32>
        %sub3A_153 = arith.constant 1.000000e+00 : f32
        %sub3A_154 = vector.broadcast %sub3A_153 : f32 to vector<16xf32>
        %sub3A_155 = arith.subf %bitcast_convert_type3A_152, %sub3A_154 : vector<16xf32>
        %add3A_156 = arith.constant 1.000000e+00 : f32
        %add3A_157 = vector.broadcast %add3A_156 : f32 to vector<16xf32>
        %add3A_158 = arith.addf %bitcast_convert_type3A_152, %add3A_157 : vector<16xf32>
        %div3A_159 = arith.divf %sub3A_155, %add3A_158 : vector<16xf32>
        %mul3A_160 = arith.mulf %div3A_159, %div3A_159 : vector<16xf32>
        %mul3A_161 = arith.constant 0.111111112 : f32
        %mul3A_162 = vector.broadcast %mul3A_161 : f32 to vector<16xf32>
        %mul3A_163 = arith.mulf %mul3A_160, %mul3A_162 : vector<16xf32>
        %add3A_164 = arith.constant 0.142857149 : f32
        %add3A_165 = vector.broadcast %add3A_164 : f32 to vector<16xf32>
        %add3A_166 = arith.addf %mul3A_163, %add3A_165 : vector<16xf32>
        %mul3A_167 = arith.mulf %mul3A_160, %add3A_166 : vector<16xf32>
        %add3A_168 = arith.constant 2.000000e-01 : f32
        %add3A_169 = vector.broadcast %add3A_168 : f32 to vector<16xf32>
        %add3A_170 = arith.addf %mul3A_167, %add3A_169 : vector<16xf32>
        %mul3A_171 = arith.mulf %mul3A_160, %add3A_170 : vector<16xf32>
        %add3A_172 = arith.constant 0.333333343 : f32
        %add3A_173 = vector.broadcast %add3A_172 : f32 to vector<16xf32>
        %add3A_174 = arith.addf %mul3A_171, %add3A_173 : vector<16xf32>
        %mul3A_175 = arith.mulf %mul3A_160, %add3A_174 : vector<16xf32>
        %add3A_176 = arith.constant 1.000000e+00 : f32
        %add3A_177 = vector.broadcast %add3A_176 : f32 to vector<16xf32>
        %add3A_178 = arith.addf %mul3A_175, %add3A_177 : vector<16xf32>
        %convert_element_type3A = arith.sitofp %sub3A_146 : vector<16xi32> to vector<16xf32>
        %mul3A_179 = arith.constant 0.693147182 : f32
        %mul3A_180 = vector.broadcast %mul3A_179 : f32 to vector<16xf32>
        %mul3A_181 = arith.mulf %convert_element_type3A, %mul3A_180 : vector<16xf32>
        %mul3A_182 = arith.constant 2.000000e+00 : f32
        %mul3A_183 = vector.broadcast %mul3A_182 : f32 to vector<16xf32>
        %mul3A_184 = arith.mulf %mul3A_183, %div3A_159 : vector<16xf32>
        %mul3A_185 = arith.mulf %mul3A_184, %add3A_178 : vector<16xf32>
        %add3A_186 = arith.addf %mul3A_181, %mul3A_185 : vector<16xf32>
        %sub3A_187 = arith.constant 1.000000e+00 : f32
        %sub3A_188 = vector.broadcast %sub3A_187 : f32 to vector<16xf32>
        %sub3A_189 = arith.subf %sub3A_188, %get3A_135 : vector<16xf32>
        %bitcast_convert_type3A_190 = tpu.bitcast %sub3A_189 : vector<16xf32> -> vector<16xi32>
        %shift_right_logical3A_191 = arith.constant 23 : i32
        %shift_right_logical3A_192 = vector.broadcast %shift_right_logical3A_191 : i32 to vector<16xi32>
        %shift_right_logical3A_193 = arith.shrui %bitcast_convert_type3A_190, %shift_right_logical3A_192 : vector<16xi32>
        %sub3A_194 = arith.constant 127 : i32
        %sub3A_195 = vector.broadcast %sub3A_194 : i32 to vector<16xi32>
        %sub3A_196 = arith.subi %shift_right_logical3A_193, %sub3A_195 : vector<16xi32>
        %and3A_197 = arith.constant 8388607 : i32
        %and3A_198 = vector.broadcast %and3A_197 : i32 to vector<16xi32>
        %and3A_199 = arith.andi %bitcast_convert_type3A_190, %and3A_198 : vector<16xi32>
        %or3A_200 = arith.constant 1065353216 : i32
        %or3A_201 = vector.broadcast %or3A_200 : i32 to vector<16xi32>
        %or3A_202 = arith.ori %and3A_199, %or3A_201 : vector<16xi32>
        %bitcast_convert_type3A_203 = tpu.bitcast %or3A_202 : vector<16xi32> -> vector<16xf32>
        %sub3A_204 = arith.constant 1.000000e+00 : f32
        %sub3A_205 = vector.broadcast %sub3A_204 : f32 to vector<16xf32>
        %sub3A_206 = arith.subf %bitcast_convert_type3A_203, %sub3A_205 : vector<16xf32>
        %add3A_207 = arith.constant 1.000000e+00 : f32
        %add3A_208 = vector.broadcast %add3A_207 : f32 to vector<16xf32>
        %add3A_209 = arith.addf %bitcast_convert_type3A_203, %add3A_208 : vector<16xf32>
        %div3A_210 = arith.divf %sub3A_206, %add3A_209 : vector<16xf32>
        %mul3A_211 = arith.mulf %div3A_210, %div3A_210 : vector<16xf32>
        %mul3A_212 = arith.constant 0.111111112 : f32
        %mul3A_213 = vector.broadcast %mul3A_212 : f32 to vector<16xf32>
        %mul3A_214 = arith.mulf %mul3A_211, %mul3A_213 : vector<16xf32>
        %add3A_215 = arith.constant 0.142857149 : f32
        %add3A_216 = vector.broadcast %add3A_215 : f32 to vector<16xf32>
        %add3A_217 = arith.addf %mul3A_214, %add3A_216 : vector<16xf32>
        %mul3A_218 = arith.mulf %mul3A_211, %add3A_217 : vector<16xf32>
        %add3A_219 = arith.constant 2.000000e-01 : f32
        %add3A_220 = vector.broadcast %add3A_219 : f32 to vector<16xf32>
        %add3A_221 = arith.addf %mul3A_218, %add3A_220 : vector<16xf32>
        %mul3A_222 = arith.mulf %mul3A_211, %add3A_221 : vector<16xf32>
        %add3A_223 = arith.constant 0.333333343 : f32
        %add3A_224 = vector.broadcast %add3A_223 : f32 to vector<16xf32>
        %add3A_225 = arith.addf %mul3A_222, %add3A_224 : vector<16xf32>
        %mul3A_226 = arith.mulf %mul3A_211, %add3A_225 : vector<16xf32>
        %add3A_227 = arith.constant 1.000000e+00 : f32
        %add3A_228 = vector.broadcast %add3A_227 : f32 to vector<16xf32>
        %add3A_229 = arith.addf %mul3A_226, %add3A_228 : vector<16xf32>
        %convert_element_type3A_230 = arith.sitofp %sub3A_196 : vector<16xi32> to vector<16xf32>
        %mul3A_231 = arith.constant 0.693147182 : f32
        %mul3A_232 = vector.broadcast %mul3A_231 : f32 to vector<16xf32>
        %mul3A_233 = arith.mulf %convert_element_type3A_230, %mul3A_232 : vector<16xf32>
        %mul3A_234 = arith.constant 2.000000e+00 : f32
        %mul3A_235 = vector.broadcast %mul3A_234 : f32 to vector<16xf32>
        %mul3A_236 = arith.mulf %mul3A_235, %div3A_210 : vector<16xf32>
        %mul3A_237 = arith.mulf %mul3A_236, %add3A_229 : vector<16xf32>
        %add3A_238 = arith.addf %mul3A_233, %mul3A_237 : vector<16xf32>
        %sub3A_239 = arith.subf %add3A_186, %add3A_238 : vector<16xf32>
        %mul3A_240 = arith.mulf %get3A_141, %sub3A_239 : vector<16xf32>
        %add3A_241 = arith.addf %add3A_238, %mul3A_240 : vector<16xf32>
        %lt3A_242 = arith.cmpf olt, %get3A_135, %get3A_33 : vector<16xf32>
        %jit3A_243 = arith.constant 0.000000e+00 : f32
        %broadcast_in_dim3A_244 = vector.broadcast %jit3A_243 : f32 to vector<16xf32>
        %select_n3A_245 = arith.select %lt3A_242, %add3A_241, %broadcast_in_dim3A_244 : vector<16xi1>, vector<16xf32>
        %add3A_246 = arith.addf %scan3A_128, %select_n3A_245 : vector<16xf32>
        %jit3A_247 = arith.constant 1.000000e+00 : f32
        %jit3A_248 = arith.constant 0.000000e+00 : f32
        %broadcast_in_dim3A_249 = vector.broadcast %jit3A_247 : f32 to vector<16xf32>
        %broadcast_in_dim3A_250 = vector.broadcast %jit3A_248 : f32 to vector<16xf32>
        %select_n3A_251 = arith.select %lt3A_242, %broadcast_in_dim3A_249, %broadcast_in_dim3A_250 : vector<16xi1>, vector<16xf32>
        %add3A_252 = arith.addf %scan3A_129, %select_n3A_251 : vector<16xf32>
        scf.yield %add3A_246, %add3A_252 : vector<16xf32>, vector<16xf32>
      }
      %scan3A_126 = arith.constant 32 : i32
      scf.yield %scan3A_125#0, %scan3A_125#1 : vector<16xf32>, vector<16xf32>
    }
    %scan3A_54 = arith.constant 32 : i32
    %add3A_55 = arith.constant 64 : i32
    %add3A_56 = arith.addi %mul3A_32, %add3A_55 : i32
    %run_scoped3A_57 = arith.constant 0 : i32
    "tpu.region"() ({
      %run_scoped3A_118 = tpu.sem_alloc : memref<!tpu.dma_semaphore, #tpu.memory_space<semaphore_mem>>
      %dma_start3A = arith.constant 0 : i32
      %dma_start3A_119 = tpu.memref_slice %arg2[%select_n3A, %run_scoped3A_57, %add3A_56, %dma_start3A] : memref<16x1x512x512xf32, #tpu.memory_space<hbm>> -> memref<1x1x32x512xf32, #tpu.memory_space<hbm>>
      %dma_start3A_120 = tpu.memref_squeeze %dma_start3A_119 : memref<1x1x32x512xf32, #tpu.memory_space<hbm>> -> memref<32x512xf32, #tpu.memory_space<hbm>>
      %dma_start3A_121 = arith.constant 0 : i32
      %dma_start3A_122 = tpu.memref_slice %arg2[%select_n3A, %run_scoped3A_57, %add3A_56, %dma_start3A_121] : memref<16x1x512x512xf32, #tpu.memory_space<hbm>> -> memref<1x1x32x512xf32, #tpu.memory_space<hbm>>
      %dma_start3A_123 = tpu.memref_squeeze %dma_start3A_122 : memref<1x1x32x512xf32, #tpu.memory_space<hbm>> -> memref<32x512xf32, #tpu.memory_space<hbm>>
      tpu.enqueue_dma source(%dma_start3A_123 : memref<32x512xf32, #tpu.memory_space<hbm>>) target(%arg7 : memref<32x512xf32, #tpu.memory_space<vmem>>) target_semaphore(%run_scoped3A_118 : memref<!tpu.dma_semaphore, #tpu.memory_space<semaphore_mem>>)
      %dma_wait3A = arith.constant 0 : i32
      %dma_wait3A_124 = tpu.memref_slice %arg2[%select_n3A, %run_scoped3A_57, %add3A_56, %dma_wait3A] : memref<16x1x512x512xf32, #tpu.memory_space<hbm>> -> memref<1x1x32x512xf32, #tpu.memory_space<hbm>>
      %dma_wait3A_125 = tpu.memref_squeeze %dma_wait3A_124 : memref<1x1x32x512xf32, #tpu.memory_space<hbm>> -> memref<32x512xf32, #tpu.memory_space<hbm>>
      %dma_wait3A_126 = arith.constant 0 : i32
      %dma_wait3A_127 = tpu.memref_slice %arg2[%select_n3A, %run_scoped3A_57, %add3A_56, %dma_wait3A_126] : memref<16x1x512x512xf32, #tpu.memory_space<hbm>> -> memref<1x1x32x512xf32, #tpu.memory_space<hbm>>
      %dma_wait3A_128 = tpu.memref_squeeze %dma_wait3A_127 : memref<1x1x32x512xf32, #tpu.memory_space<hbm>> -> memref<32x512xf32, #tpu.memory_space<hbm>>
      tpu.wait_dma2 semaphore(%run_scoped3A_118 : memref<!tpu.dma_semaphore, #tpu.memory_space<semaphore_mem>>) src(%dma_wait3A_128 : memref<32x512xf32, #tpu.memory_space<hbm>>) dst(%arg7 : memref<32x512xf32, #tpu.memory_space<vmem>>)
      tpu.yield
    }) : () -> ()
    %run_scoped3A_58 = arith.constant 0 : i32
    "tpu.region"() ({
      %run_scoped3A_118 = tpu.sem_alloc : memref<!tpu.dma_semaphore, #tpu.memory_space<semaphore_mem>>
      %dma_start3A = arith.constant 0 : i32
      %dma_start3A_119 = tpu.memref_slice %arg3[%select_n3A, %run_scoped3A_58, %add3A_56, %dma_start3A] : memref<16x1x512x512xf32, #tpu.memory_space<hbm>> -> memref<1x1x32x512xf32, #tpu.memory_space<hbm>>
      %dma_start3A_120 = tpu.memref_squeeze %dma_start3A_119 : memref<1x1x32x512xf32, #tpu.memory_space<hbm>> -> memref<32x512xf32, #tpu.memory_space<hbm>>
      %dma_start3A_121 = arith.constant 0 : i32
      %dma_start3A_122 = tpu.memref_slice %arg3[%select_n3A, %run_scoped3A_58, %add3A_56, %dma_start3A_121] : memref<16x1x512x512xf32, #tpu.memory_space<hbm>> -> memref<1x1x32x512xf32, #tpu.memory_space<hbm>>
      %dma_start3A_123 = tpu.memref_squeeze %dma_start3A_122 : memref<1x1x32x512xf32, #tpu.memory_space<hbm>> -> memref<32x512xf32, #tpu.memory_space<hbm>>
      tpu.enqueue_dma source(%dma_start3A_123 : memref<32x512xf32, #tpu.memory_space<hbm>>) target(%arg8 : memref<32x512xf32, #tpu.memory_space<vmem>>) target_semaphore(%run_scoped3A_118 : memref<!tpu.dma_semaphore, #tpu.memory_space<semaphore_mem>>)
      %dma_wait3A = arith.constant 0 : i32
      %dma_wait3A_124 = tpu.memref_slice %arg3[%select_n3A, %run_scoped3A_58, %add3A_56, %dma_wait3A] : memref<16x1x512x512xf32, #tpu.memory_space<hbm>> -> memref<1x1x32x512xf32, #tpu.memory_space<hbm>>
      %dma_wait3A_125 = tpu.memref_squeeze %dma_wait3A_124 : memref<1x1x32x512xf32, #tpu.memory_space<hbm>> -> memref<32x512xf32, #tpu.memory_space<hbm>>
      %dma_wait3A_126 = arith.constant 0 : i32
      %dma_wait3A_127 = tpu.memref_slice %arg3[%select_n3A, %run_scoped3A_58, %add3A_56, %dma_wait3A_126] : memref<16x1x512x512xf32, #tpu.memory_space<hbm>> -> memref<1x1x32x512xf32, #tpu.memory_space<hbm>>
      %dma_wait3A_128 = tpu.memref_squeeze %dma_wait3A_127 : memref<1x1x32x512xf32, #tpu.memory_space<hbm>> -> memref<32x512xf32, #tpu.memory_space<hbm>>
      tpu.wait_dma2 semaphore(%run_scoped3A_118 : memref<!tpu.dma_semaphore, #tpu.memory_space<semaphore_mem>>) src(%dma_wait3A_128 : memref<32x512xf32, #tpu.memory_space<hbm>>) dst(%arg8 : memref<32x512xf32, #tpu.memory_space<vmem>>)
      tpu.yield
    }) : () -> ()
    %scan3A_59 = arith.constant 0 : i32
    %scan3A_60 = arith.constant 32 : i32
    %scan3A_61 = arith.addi %scan3A_59, %scan3A_60 : i32
    %scan3A_62 = arith.constant 1 : i32
    %scan3A_63:2 = scf.for %scan3A_118 = %scan3A_59 to %scan3A_61 step %scan3A_62 iter_args(%scan3A_119 = %scan3A_53#0, %scan3A_120 = %scan3A_53#1) -> (vector<16xf32>, vector<16xf32>)  : i32 {
      %scan3A_121 = arith.constant 0 : i32
      %scan3A_122 = arith.constant 32 : i32
      %scan3A_123 = arith.addi %scan3A_121, %scan3A_122 : i32
      %scan3A_124 = arith.constant 1 : i32
      %scan3A_125:2 = scf.for %scan3A_127 = %scan3A_121 to %scan3A_123 step %scan3A_124 iter_args(%scan3A_128 = %scan3A_119, %scan3A_129 = %scan3A_120) -> (vector<16xf32>, vector<16xf32>)  : i32 {
        %mul3A_130 = arith.constant 16 : i32
        %mul3A_131 = arith.muli %scan3A_127, %mul3A_130 : i32
        %get3A_132 = arith.index_cast %scan3A_118 : i32 to index
        %get3A_133 = arith.index_cast %mul3A_131 : i32 to index
        %get3A_134 = tpu.vector_load %arg7[%get3A_132, %get3A_133] {strides = array<i32>} : memref<32x512xf32, #tpu.memory_space<vmem>>, vector<1x16xf32>,
        %get3A_135 = vector.shape_cast %get3A_134 : vector<1x16xf32> to vector<16xf32>
        %mul3A_136 = arith.constant 16 : i32
        %mul3A_137 = arith.muli %scan3A_127, %mul3A_136 : i32
        %get3A_138 = arith.index_cast %scan3A_118 : i32 to index
        %get3A_139 = arith.index_cast %mul3A_137 : i32 to index
        %get3A_140 = tpu.vector_load %arg8[%get3A_138, %get3A_139] {strides = array<i32>} : memref<32x512xf32, #tpu.memory_space<vmem>>, vector<1x16xf32>,
        %get3A_141 = vector.shape_cast %get3A_140 : vector<1x16xf32> to vector<16xf32>
        %bitcast_convert_type3A = tpu.bitcast %get3A_135 : vector<16xf32> -> vector<16xi32>
        %shift_right_logical3A = arith.constant 23 : i32
        %shift_right_logical3A_142 = vector.broadcast %shift_right_logical3A : i32 to vector<16xi32>
        %shift_right_logical3A_143 = arith.shrui %bitcast_convert_type3A, %shift_right_logical3A_142 : vector<16xi32>
        %sub3A_144 = arith.constant 127 : i32
        %sub3A_145 = vector.broadcast %sub3A_144 : i32 to vector<16xi32>
        %sub3A_146 = arith.subi %shift_right_logical3A_143, %sub3A_145 : vector<16xi32>
        %and3A_147 = arith.constant 8388607 : i32
        %and3A_148 = vector.broadcast %and3A_147 : i32 to vector<16xi32>
        %and3A_149 = arith.andi %bitcast_convert_type3A, %and3A_148 : vector<16xi32>
        %or3A = arith.constant 1065353216 : i32
        %or3A_150 = vector.broadcast %or3A : i32 to vector<16xi32>
        %or3A_151 = arith.ori %and3A_149, %or3A_150 : vector<16xi32>
        %bitcast_convert_type3A_152 = tpu.bitcast %or3A_151 : vector<16xi32> -> vector<16xf32>
        %sub3A_153 = arith.constant 1.000000e+00 : f32
        %sub3A_154 = vector.broadcast %sub3A_153 : f32 to vector<16xf32>
        %sub3A_155 = arith.subf %bitcast_convert_type3A_152, %sub3A_154 : vector<16xf32>
        %add3A_156 = arith.constant 1.000000e+00 : f32
        %add3A_157 = vector.broadcast %add3A_156 : f32 to vector<16xf32>
        %add3A_158 = arith.addf %bitcast_convert_type3A_152, %add3A_157 : vector<16xf32>
        %div3A_159 = arith.divf %sub3A_155, %add3A_158 : vector<16xf32>
        %mul3A_160 = arith.mulf %div3A_159, %div3A_159 : vector<16xf32>
        %mul3A_161 = arith.constant 0.111111112 : f32
        %mul3A_162 = vector.broadcast %mul3A_161 : f32 to vector<16xf32>
        %mul3A_163 = arith.mulf %mul3A_160, %mul3A_162 : vector<16xf32>
        %add3A_164 = arith.constant 0.142857149 : f32
        %add3A_165 = vector.broadcast %add3A_164 : f32 to vector<16xf32>
        %add3A_166 = arith.addf %mul3A_163, %add3A_165 : vector<16xf32>
        %mul3A_167 = arith.mulf %mul3A_160, %add3A_166 : vector<16xf32>
        %add3A_168 = arith.constant 2.000000e-01 : f32
        %add3A_169 = vector.broadcast %add3A_168 : f32 to vector<16xf32>
        %add3A_170 = arith.addf %mul3A_167, %add3A_169 : vector<16xf32>
        %mul3A_171 = arith.mulf %mul3A_160, %add3A_170 : vector<16xf32>
        %add3A_172 = arith.constant 0.333333343 : f32
        %add3A_173 = vector.broadcast %add3A_172 : f32 to vector<16xf32>
        %add3A_174 = arith.addf %mul3A_171, %add3A_173 : vector<16xf32>
        %mul3A_175 = arith.mulf %mul3A_160, %add3A_174 : vector<16xf32>
        %add3A_176 = arith.constant 1.000000e+00 : f32
        %add3A_177 = vector.broadcast %add3A_176 : f32 to vector<16xf32>
        %add3A_178 = arith.addf %mul3A_175, %add3A_177 : vector<16xf32>
        %convert_element_type3A = arith.sitofp %sub3A_146 : vector<16xi32> to vector<16xf32>
        %mul3A_179 = arith.constant 0.693147182 : f32
        %mul3A_180 = vector.broadcast %mul3A_179 : f32 to vector<16xf32>
        %mul3A_181 = arith.mulf %convert_element_type3A, %mul3A_180 : vector<16xf32>
        %mul3A_182 = arith.constant 2.000000e+00 : f32
        %mul3A_183 = vector.broadcast %mul3A_182 : f32 to vector<16xf32>
        %mul3A_184 = arith.mulf %mul3A_183, %div3A_159 : vector<16xf32>
        %mul3A_185 = arith.mulf %mul3A_184, %add3A_178 : vector<16xf32>
        %add3A_186 = arith.addf %mul3A_181, %mul3A_185 : vector<16xf32>
        %sub3A_187 = arith.constant 1.000000e+00 : f32
        %sub3A_188 = vector.broadcast %sub3A_187 : f32 to vector<16xf32>
        %sub3A_189 = arith.subf %sub3A_188, %get3A_135 : vector<16xf32>
        %bitcast_convert_type3A_190 = tpu.bitcast %sub3A_189 : vector<16xf32> -> vector<16xi32>
        %shift_right_logical3A_191 = arith.constant 23 : i32
        %shift_right_logical3A_192 = vector.broadcast %shift_right_logical3A_191 : i32 to vector<16xi32>
        %shift_right_logical3A_193 = arith.shrui %bitcast_convert_type3A_190, %shift_right_logical3A_192 : vector<16xi32>
        %sub3A_194 = arith.constant 127 : i32
        %sub3A_195 = vector.broadcast %sub3A_194 : i32 to vector<16xi32>
        %sub3A_196 = arith.subi %shift_right_logical3A_193, %sub3A_195 : vector<16xi32>
        %and3A_197 = arith.constant 8388607 : i32
        %and3A_198 = vector.broadcast %and3A_197 : i32 to vector<16xi32>
        %and3A_199 = arith.andi %bitcast_convert_type3A_190, %and3A_198 : vector<16xi32>
        %or3A_200 = arith.constant 1065353216 : i32
        %or3A_201 = vector.broadcast %or3A_200 : i32 to vector<16xi32>
        %or3A_202 = arith.ori %and3A_199, %or3A_201 : vector<16xi32>
        %bitcast_convert_type3A_203 = tpu.bitcast %or3A_202 : vector<16xi32> -> vector<16xf32>
        %sub3A_204 = arith.constant 1.000000e+00 : f32
        %sub3A_205 = vector.broadcast %sub3A_204 : f32 to vector<16xf32>
        %sub3A_206 = arith.subf %bitcast_convert_type3A_203, %sub3A_205 : vector<16xf32>
        %add3A_207 = arith.constant 1.000000e+00 : f32
        %add3A_208 = vector.broadcast %add3A_207 : f32 to vector<16xf32>
        %add3A_209 = arith.addf %bitcast_convert_type3A_203, %add3A_208 : vector<16xf32>
        %div3A_210 = arith.divf %sub3A_206, %add3A_209 : vector<16xf32>
        %mul3A_211 = arith.mulf %div3A_210, %div3A_210 : vector<16xf32>
        %mul3A_212 = arith.constant 0.111111112 : f32
        %mul3A_213 = vector.broadcast %mul3A_212 : f32 to vector<16xf32>
        %mul3A_214 = arith.mulf %mul3A_211, %mul3A_213 : vector<16xf32>
        %add3A_215 = arith.constant 0.142857149 : f32
        %add3A_216 = vector.broadcast %add3A_215 : f32 to vector<16xf32>
        %add3A_217 = arith.addf %mul3A_214, %add3A_216 : vector<16xf32>
        %mul3A_218 = arith.mulf %mul3A_211, %add3A_217 : vector<16xf32>
        %add3A_219 = arith.constant 2.000000e-01 : f32
        %add3A_220 = vector.broadcast %add3A_219 : f32 to vector<16xf32>
        %add3A_221 = arith.addf %mul3A_218, %add3A_220 : vector<16xf32>
        %mul3A_222 = arith.mulf %mul3A_211, %add3A_221 : vector<16xf32>
        %add3A_223 = arith.constant 0.333333343 : f32
        %add3A_224 = vector.broadcast %add3A_223 : f32 to vector<16xf32>
        %add3A_225 = arith.addf %mul3A_222, %add3A_224 : vector<16xf32>
        %mul3A_226 = arith.mulf %mul3A_211, %add3A_225 : vector<16xf32>
        %add3A_227 = arith.constant 1.000000e+00 : f32
        %add3A_228 = vector.broadcast %add3A_227 : f32 to vector<16xf32>
        %add3A_229 = arith.addf %mul3A_226, %add3A_228 : vector<16xf32>
        %convert_element_type3A_230 = arith.sitofp %sub3A_196 : vector<16xi32> to vector<16xf32>
        %mul3A_231 = arith.constant 0.693147182 : f32
        %mul3A_232 = vector.broadcast %mul3A_231 : f32 to vector<16xf32>
        %mul3A_233 = arith.mulf %convert_element_type3A_230, %mul3A_232 : vector<16xf32>
        %mul3A_234 = arith.constant 2.000000e+00 : f32
        %mul3A_235 = vector.broadcast %mul3A_234 : f32 to vector<16xf32>
        %mul3A_236 = arith.mulf %mul3A_235, %div3A_210 : vector<16xf32>
        %mul3A_237 = arith.mulf %mul3A_236, %add3A_229 : vector<16xf32>
        %add3A_238 = arith.addf %mul3A_233, %mul3A_237 : vector<16xf32>
        %sub3A_239 = arith.subf %add3A_186, %add3A_238 : vector<16xf32>
        %mul3A_240 = arith.mulf %get3A_141, %sub3A_239 : vector<16xf32>
        %add3A_241 = arith.addf %add3A_238, %mul3A_240 : vector<16xf32>
        %lt3A_242 = arith.cmpf olt, %get3A_135, %get3A_33 : vector<16xf32>
        %jit3A_243 = arith.constant 0.000000e+00 : f32
        %broadcast_in_dim3A_244 = vector.broadcast %jit3A_243 : f32 to vector<16xf32>
        %select_n3A_245 = arith.select %lt3A_242, %add3A_241, %broadcast_in_dim3A_244 : vector<16xi1>, vector<16xf32>
        %add3A_246 = arith.addf %scan3A_128, %select_n3A_245 : vector<16xf32>
        %jit3A_247 = arith.constant 1.000000e+00 : f32
        %jit3A_248 = arith.constant 0.000000e+00 : f32
        %broadcast_in_dim3A_249 = vector.broadcast %jit3A_247 : f32 to vector<16xf32>
        %broadcast_in_dim3A_250 = vector.broadcast %jit3A_248 : f32 to vector<16xf32>
        %select_n3A_251 = arith.select %lt3A_242, %broadcast_in_dim3A_249, %broadcast_in_dim3A_250 : vector<16xi1>, vector<16xf32>
        %add3A_252 = arith.addf %scan3A_129, %select_n3A_251 : vector<16xf32>
        scf.yield %add3A_246, %add3A_252 : vector<16xf32>, vector<16xf32>
      }
      %scan3A_126 = arith.constant 32 : i32
      scf.yield %scan3A_125#0, %scan3A_125#1 : vector<16xf32>, vector<16xf32>
    }
    %scan3A_64 = arith.constant 32 : i32
    %add3A_65 = arith.constant 96 : i32
    %add3A_66 = arith.addi %mul3A_32, %add3A_65 : i32
    %run_scoped3A_67 = arith.constant 0 : i32
    "tpu.region"() ({
      %run_scoped3A_118 = tpu.sem_alloc : memref<!tpu.dma_semaphore, #tpu.memory_space<semaphore_mem>>
      %dma_start3A = arith.constant 0 : i32
      %dma_start3A_119 = tpu.memref_slice %arg2[%select_n3A, %run_scoped3A_67, %add3A_66, %dma_start3A] : memref<16x1x512x512xf32, #tpu.memory_space<hbm>> -> memref<1x1x32x512xf32, #tpu.memory_space<hbm>>
      %dma_start3A_120 = tpu.memref_squeeze %dma_start3A_119 : memref<1x1x32x512xf32, #tpu.memory_space<hbm>> -> memref<32x512xf32, #tpu.memory_space<hbm>>
      %dma_start3A_121 = arith.constant 0 : i32
      %dma_start3A_122 = tpu.memref_slice %arg2[%select_n3A, %run_scoped3A_67, %add3A_66, %dma_start3A_121] : memref<16x1x512x512xf32, #tpu.memory_space<hbm>> -> memref<1x1x32x512xf32, #tpu.memory_space<hbm>>
      %dma_start3A_123 = tpu.memref_squeeze %dma_start3A_122 : memref<1x1x32x512xf32, #tpu.memory_space<hbm>> -> memref<32x512xf32, #tpu.memory_space<hbm>>
      tpu.enqueue_dma source(%dma_start3A_123 : memref<32x512xf32, #tpu.memory_space<hbm>>) target(%arg7 : memref<32x512xf32, #tpu.memory_space<vmem>>) target_semaphore(%run_scoped3A_118 : memref<!tpu.dma_semaphore, #tpu.memory_space<semaphore_mem>>)
      %dma_wait3A = arith.constant 0 : i32
      %dma_wait3A_124 = tpu.memref_slice %arg2[%select_n3A, %run_scoped3A_67, %add3A_66, %dma_wait3A] : memref<16x1x512x512xf32, #tpu.memory_space<hbm>> -> memref<1x1x32x512xf32, #tpu.memory_space<hbm>>
      %dma_wait3A_125 = tpu.memref_squeeze %dma_wait3A_124 : memref<1x1x32x512xf32, #tpu.memory_space<hbm>> -> memref<32x512xf32, #tpu.memory_space<hbm>>
      %dma_wait3A_126 = arith.constant 0 : i32
      %dma_wait3A_127 = tpu.memref_slice %arg2[%select_n3A, %run_scoped3A_67, %add3A_66, %dma_wait3A_126] : memref<16x1x512x512xf32, #tpu.memory_space<hbm>> -> memref<1x1x32x512xf32, #tpu.memory_space<hbm>>
      %dma_wait3A_128 = tpu.memref_squeeze %dma_wait3A_127 : memref<1x1x32x512xf32, #tpu.memory_space<hbm>> -> memref<32x512xf32, #tpu.memory_space<hbm>>
      tpu.wait_dma2 semaphore(%run_scoped3A_118 : memref<!tpu.dma_semaphore, #tpu.memory_space<semaphore_mem>>) src(%dma_wait3A_128 : memref<32x512xf32, #tpu.memory_space<hbm>>) dst(%arg7 : memref<32x512xf32, #tpu.memory_space<vmem>>)
      tpu.yield
    }) : () -> ()
    %run_scoped3A_68 = arith.constant 0 : i32
    "tpu.region"() ({
      %run_scoped3A_118 = tpu.sem_alloc : memref<!tpu.dma_semaphore, #tpu.memory_space<semaphore_mem>>
      %dma_start3A = arith.constant 0 : i32
      %dma_start3A_119 = tpu.memref_slice %arg3[%select_n3A, %run_scoped3A_68, %add3A_66, %dma_start3A] : memref<16x1x512x512xf32, #tpu.memory_space<hbm>> -> memref<1x1x32x512xf32, #tpu.memory_space<hbm>>
      %dma_start3A_120 = tpu.memref_squeeze %dma_start3A_119 : memref<1x1x32x512xf32, #tpu.memory_space<hbm>> -> memref<32x512xf32, #tpu.memory_space<hbm>>
      %dma_start3A_121 = arith.constant 0 : i32
      %dma_start3A_122 = tpu.memref_slice %arg3[%select_n3A, %run_scoped3A_68, %add3A_66, %dma_start3A_121] : memref<16x1x512x512xf32, #tpu.memory_space<hbm>> -> memref<1x1x32x512xf32, #tpu.memory_space<hbm>>
      %dma_start3A_123 = tpu.memref_squeeze %dma_start3A_122 : memref<1x1x32x512xf32, #tpu.memory_space<hbm>> -> memref<32x512xf32, #tpu.memory_space<hbm>>
      tpu.enqueue_dma source(%dma_start3A_123 : memref<32x512xf32, #tpu.memory_space<hbm>>) target(%arg8 : memref<32x512xf32, #tpu.memory_space<vmem>>) target_semaphore(%run_scoped3A_118 : memref<!tpu.dma_semaphore, #tpu.memory_space<semaphore_mem>>)
      %dma_wait3A = arith.constant 0 : i32
      %dma_wait3A_124 = tpu.memref_slice %arg3[%select_n3A, %run_scoped3A_68, %add3A_66, %dma_wait3A] : memref<16x1x512x512xf32, #tpu.memory_space<hbm>> -> memref<1x1x32x512xf32, #tpu.memory_space<hbm>>
      %dma_wait3A_125 = tpu.memref_squeeze %dma_wait3A_124 : memref<1x1x32x512xf32, #tpu.memory_space<hbm>> -> memref<32x512xf32, #tpu.memory_space<hbm>>
      %dma_wait3A_126 = arith.constant 0 : i32
      %dma_wait3A_127 = tpu.memref_slice %arg3[%select_n3A, %run_scoped3A_68, %add3A_66, %dma_wait3A_126] : memref<16x1x512x512xf32, #tpu.memory_space<hbm>> -> memref<1x1x32x512xf32, #tpu.memory_space<hbm>>
      %dma_wait3A_128 = tpu.memref_squeeze %dma_wait3A_127 : memref<1x1x32x512xf32, #tpu.memory_space<hbm>> -> memref<32x512xf32, #tpu.memory_space<hbm>>
      tpu.wait_dma2 semaphore(%run_scoped3A_118 : memref<!tpu.dma_semaphore, #tpu.memory_space<semaphore_mem>>) src(%dma_wait3A_128 : memref<32x512xf32, #tpu.memory_space<hbm>>) dst(%arg8 : memref<32x512xf32, #tpu.memory_space<vmem>>)
      tpu.yield
    }) : () -> ()
    %scan3A_69 = arith.constant 0 : i32
    %scan3A_70 = arith.constant 32 : i32
    %scan3A_71 = arith.addi %scan3A_69, %scan3A_70 : i32
    %scan3A_72 = arith.constant 1 : i32
    %scan3A_73:2 = scf.for %scan3A_118 = %scan3A_69 to %scan3A_71 step %scan3A_72 iter_args(%scan3A_119 = %scan3A_63#0, %scan3A_120 = %scan3A_63#1) -> (vector<16xf32>, vector<16xf32>)  : i32 {
      %scan3A_121 = arith.constant 0 : i32
      %scan3A_122 = arith.constant 32 : i32
      %scan3A_123 = arith.addi %scan3A_121, %scan3A_122 : i32
      %scan3A_124 = arith.constant 1 : i32
      %scan3A_125:2 = scf.for %scan3A_127 = %scan3A_121 to %scan3A_123 step %scan3A_124 iter_args(%scan3A_128 = %scan3A_119, %scan3A_129 = %scan3A_120) -> (vector<16xf32>, vector<16xf32>)  : i32 {
        %mul3A_130 = arith.constant 16 : i32
        %mul3A_131 = arith.muli %scan3A_127, %mul3A_130 : i32
        %get3A_132 = arith.index_cast %scan3A_118 : i32 to index
        %get3A_133 = arith.index_cast %mul3A_131 : i32 to index
        %get3A_134 = tpu.vector_load %arg7[%get3A_132, %get3A_133] {strides = array<i32>} : memref<32x512xf32, #tpu.memory_space<vmem>>, vector<1x16xf32>,
        %get3A_135 = vector.shape_cast %get3A_134 : vector<1x16xf32> to vector<16xf32>
        %mul3A_136 = arith.constant 16 : i32
        %mul3A_137 = arith.muli %scan3A_127, %mul3A_136 : i32
        %get3A_138 = arith.index_cast %scan3A_118 : i32 to index
        %get3A_139 = arith.index_cast %mul3A_137 : i32 to index
        %get3A_140 = tpu.vector_load %arg8[%get3A_138, %get3A_139] {strides = array<i32>} : memref<32x512xf32, #tpu.memory_space<vmem>>, vector<1x16xf32>,
        %get3A_141 = vector.shape_cast %get3A_140 : vector<1x16xf32> to vector<16xf32>
        %bitcast_convert_type3A = tpu.bitcast %get3A_135 : vector<16xf32> -> vector<16xi32>
        %shift_right_logical3A = arith.constant 23 : i32
        %shift_right_logical3A_142 = vector.broadcast %shift_right_logical3A : i32 to vector<16xi32>
        %shift_right_logical3A_143 = arith.shrui %bitcast_convert_type3A, %shift_right_logical3A_142 : vector<16xi32>
        %sub3A_144 = arith.constant 127 : i32
        %sub3A_145 = vector.broadcast %sub3A_144 : i32 to vector<16xi32>
        %sub3A_146 = arith.subi %shift_right_logical3A_143, %sub3A_145 : vector<16xi32>
        %and3A_147 = arith.constant 8388607 : i32
        %and3A_148 = vector.broadcast %and3A_147 : i32 to vector<16xi32>
        %and3A_149 = arith.andi %bitcast_convert_type3A, %and3A_148 : vector<16xi32>
        %or3A = arith.constant 1065353216 : i32
        %or3A_150 = vector.broadcast %or3A : i32 to vector<16xi32>
        %or3A_151 = arith.ori %and3A_149, %or3A_150 : vector<16xi32>
        %bitcast_convert_type3A_152 = tpu.bitcast %or3A_151 : vector<16xi32> -> vector<16xf32>
        %sub3A_153 = arith.constant 1.000000e+00 : f32
        %sub3A_154 = vector.broadcast %sub3A_153 : f32 to vector<16xf32>
        %sub3A_155 = arith.subf %bitcast_convert_type3A_152, %sub3A_154 : vector<16xf32>
        %add3A_156 = arith.constant 1.000000e+00 : f32
        %add3A_157 = vector.broadcast %add3A_156 : f32 to vector<16xf32>
        %add3A_158 = arith.addf %bitcast_convert_type3A_152, %add3A_157 : vector<16xf32>
        %div3A_159 = arith.divf %sub3A_155, %add3A_158 : vector<16xf32>
        %mul3A_160 = arith.mulf %div3A_159, %div3A_159 : vector<16xf32>
        %mul3A_161 = arith.constant 0.111111112 : f32
        %mul3A_162 = vector.broadcast %mul3A_161 : f32 to vector<16xf32>
        %mul3A_163 = arith.mulf %mul3A_160, %mul3A_162 : vector<16xf32>
        %add3A_164 = arith.constant 0.142857149 : f32
        %add3A_165 = vector.broadcast %add3A_164 : f32 to vector<16xf32>
        %add3A_166 = arith.addf %mul3A_163, %add3A_165 : vector<16xf32>
        %mul3A_167 = arith.mulf %mul3A_160, %add3A_166 : vector<16xf32>
        %add3A_168 = arith.constant 2.000000e-01 : f32
        %add3A_169 = vector.broadcast %add3A_168 : f32 to vector<16xf32>
        %add3A_170 = arith.addf %mul3A_167, %add3A_169 : vector<16xf32>
        %mul3A_171 = arith.mulf %mul3A_160, %add3A_170 : vector<16xf32>
        %add3A_172 = arith.constant 0.333333343 : f32
        %add3A_173 = vector.broadcast %add3A_172 : f32 to vector<16xf32>
        %add3A_174 = arith.addf %mul3A_171, %add3A_173 : vector<16xf32>
        %mul3A_175 = arith.mulf %mul3A_160, %add3A_174 : vector<16xf32>
        %add3A_176 = arith.constant 1.000000e+00 : f32
        %add3A_177 = vector.broadcast %add3A_176 : f32 to vector<16xf32>
        %add3A_178 = arith.addf %mul3A_175, %add3A_177 : vector<16xf32>
        %convert_element_type3A = arith.sitofp %sub3A_146 : vector<16xi32> to vector<16xf32>
        %mul3A_179 = arith.constant 0.693147182 : f32
        %mul3A_180 = vector.broadcast %mul3A_179 : f32 to vector<16xf32>
        %mul3A_181 = arith.mulf %convert_element_type3A, %mul3A_180 : vector<16xf32>
        %mul3A_182 = arith.constant 2.000000e+00 : f32
        %mul3A_183 = vector.broadcast %mul3A_182 : f32 to vector<16xf32>
        %mul3A_184 = arith.mulf %mul3A_183, %div3A_159 : vector<16xf32>
        %mul3A_185 = arith.mulf %mul3A_184, %add3A_178 : vector<16xf32>
        %add3A_186 = arith.addf %mul3A_181, %mul3A_185 : vector<16xf32>
        %sub3A_187 = arith.constant 1.000000e+00 : f32
        %sub3A_188 = vector.broadcast %sub3A_187 : f32 to vector<16xf32>
        %sub3A_189 = arith.subf %sub3A_188, %get3A_135 : vector<16xf32>
        %bitcast_convert_type3A_190 = tpu.bitcast %sub3A_189 : vector<16xf32> -> vector<16xi32>
        %shift_right_logical3A_191 = arith.constant 23 : i32
        %shift_right_logical3A_192 = vector.broadcast %shift_right_logical3A_191 : i32 to vector<16xi32>
        %shift_right_logical3A_193 = arith.shrui %bitcast_convert_type3A_190, %shift_right_logical3A_192 : vector<16xi32>
        %sub3A_194 = arith.constant 127 : i32
        %sub3A_195 = vector.broadcast %sub3A_194 : i32 to vector<16xi32>
        %sub3A_196 = arith.subi %shift_right_logical3A_193, %sub3A_195 : vector<16xi32>
        %and3A_197 = arith.constant 8388607 : i32
        %and3A_198 = vector.broadcast %and3A_197 : i32 to vector<16xi32>
        %and3A_199 = arith.andi %bitcast_convert_type3A_190, %and3A_198 : vector<16xi32>
        %or3A_200 = arith.constant 1065353216 : i32
        %or3A_201 = vector.broadcast %or3A_200 : i32 to vector<16xi32>
        %or3A_202 = arith.ori %and3A_199, %or3A_201 : vector<16xi32>
        %bitcast_convert_type3A_203 = tpu.bitcast %or3A_202 : vector<16xi32> -> vector<16xf32>
        %sub3A_204 = arith.constant 1.000000e+00 : f32
        %sub3A_205 = vector.broadcast %sub3A_204 : f32 to vector<16xf32>
        %sub3A_206 = arith.subf %bitcast_convert_type3A_203, %sub3A_205 : vector<16xf32>
        %add3A_207 = arith.constant 1.000000e+00 : f32
        %add3A_208 = vector.broadcast %add3A_207 : f32 to vector<16xf32>
        %add3A_209 = arith.addf %bitcast_convert_type3A_203, %add3A_208 : vector<16xf32>
        %div3A_210 = arith.divf %sub3A_206, %add3A_209 : vector<16xf32>
        %mul3A_211 = arith.mulf %div3A_210, %div3A_210 : vector<16xf32>
        %mul3A_212 = arith.constant 0.111111112 : f32
        %mul3A_213 = vector.broadcast %mul3A_212 : f32 to vector<16xf32>
        %mul3A_214 = arith.mulf %mul3A_211, %mul3A_213 : vector<16xf32>
        %add3A_215 = arith.constant 0.142857149 : f32
        %add3A_216 = vector.broadcast %add3A_215 : f32 to vector<16xf32>
        %add3A_217 = arith.addf %mul3A_214, %add3A_216 : vector<16xf32>
        %mul3A_218 = arith.mulf %mul3A_211, %add3A_217 : vector<16xf32>
        %add3A_219 = arith.constant 2.000000e-01 : f32
        %add3A_220 = vector.broadcast %add3A_219 : f32 to vector<16xf32>
        %add3A_221 = arith.addf %mul3A_218, %add3A_220 : vector<16xf32>
        %mul3A_222 = arith.mulf %mul3A_211, %add3A_221 : vector<16xf32>
        %add3A_223 = arith.constant 0.333333343 : f32
        %add3A_224 = vector.broadcast %add3A_223 : f32 to vector<16xf32>
        %add3A_225 = arith.addf %mul3A_222, %add3A_224 : vector<16xf32>
        %mul3A_226 = arith.mulf %mul3A_211, %add3A_225 : vector<16xf32>
        %add3A_227 = arith.constant 1.000000e+00 : f32
        %add3A_228 = vector.broadcast %add3A_227 : f32 to vector<16xf32>
        %add3A_229 = arith.addf %mul3A_226, %add3A_228 : vector<16xf32>
        %convert_element_type3A_230 = arith.sitofp %sub3A_196 : vector<16xi32> to vector<16xf32>
        %mul3A_231 = arith.constant 0.693147182 : f32
        %mul3A_232 = vector.broadcast %mul3A_231 : f32 to vector<16xf32>
        %mul3A_233 = arith.mulf %convert_element_type3A_230, %mul3A_232 : vector<16xf32>
        %mul3A_234 = arith.constant 2.000000e+00 : f32
        %mul3A_235 = vector.broadcast %mul3A_234 : f32 to vector<16xf32>
        %mul3A_236 = arith.mulf %mul3A_235, %div3A_210 : vector<16xf32>
        %mul3A_237 = arith.mulf %mul3A_236, %add3A_229 : vector<16xf32>
        %add3A_238 = arith.addf %mul3A_233, %mul3A_237 : vector<16xf32>
        %sub3A_239 = arith.subf %add3A_186, %add3A_238 : vector<16xf32>
        %mul3A_240 = arith.mulf %get3A_141, %sub3A_239 : vector<16xf32>
        %add3A_241 = arith.addf %add3A_238, %mul3A_240 : vector<16xf32>
        %lt3A_242 = arith.cmpf olt, %get3A_135, %get3A_33 : vector<16xf32>
        %jit3A_243 = arith.constant 0.000000e+00 : f32
        %broadcast_in_dim3A_244 = vector.broadcast %jit3A_243 : f32 to vector<16xf32>
        %select_n3A_245 = arith.select %lt3A_242, %add3A_241, %broadcast_in_dim3A_244 : vector<16xi1>, vector<16xf32>
        %add3A_246 = arith.addf %scan3A_128, %select_n3A_245 : vector<16xf32>
        %jit3A_247 = arith.constant 1.000000e+00 : f32
        %jit3A_248 = arith.constant 0.000000e+00 : f32
        %broadcast_in_dim3A_249 = vector.broadcast %jit3A_247 : f32 to vector<16xf32>
        %broadcast_in_dim3A_250 = vector.broadcast %jit3A_248 : f32 to vector<16xf32>
        %select_n3A_251 = arith.select %lt3A_242, %broadcast_in_dim3A_249, %broadcast_in_dim3A_250 : vector<16xi1>, vector<16xf32>
        %add3A_252 = arith.addf %scan3A_129, %select_n3A_251 : vector<16xf32>
        scf.yield %add3A_246, %add3A_252 : vector<16xf32>, vector<16xf32>
      }
      %scan3A_126 = arith.constant 32 : i32
      scf.yield %scan3A_125#0, %scan3A_125#1 : vector<16xf32>, vector<16xf32>
    }
    %scan3A_74 = arith.constant 32 : i32
    %add3A_75 = arith.constant 128 : i32
    %add3A_76 = arith.addi %mul3A_32, %add3A_75 : i32
    %run_scoped3A_77 = arith.constant 0 : i32
    "tpu.region"() ({
      %run_scoped3A_118 = tpu.sem_alloc : memref<!tpu.dma_semaphore, #tpu.memory_space<semaphore_mem>>
      %dma_start3A = arith.constant 0 : i32
      %dma_start3A_119 = tpu.memref_slice %arg2[%select_n3A, %run_scoped3A_77, %add3A_76, %dma_start3A] : memref<16x1x512x512xf32, #tpu.memory_space<hbm>> -> memref<1x1x32x512xf32, #tpu.memory_space<hbm>>
      %dma_start3A_120 = tpu.memref_squeeze %dma_start3A_119 : memref<1x1x32x512xf32, #tpu.memory_space<hbm>> -> memref<32x512xf32, #tpu.memory_space<hbm>>
      %dma_start3A_121 = arith.constant 0 : i32
      %dma_start3A_122 = tpu.memref_slice %arg2[%select_n3A, %run_scoped3A_77, %add3A_76, %dma_start3A_121] : memref<16x1x512x512xf32, #tpu.memory_space<hbm>> -> memref<1x1x32x512xf32, #tpu.memory_space<hbm>>
      %dma_start3A_123 = tpu.memref_squeeze %dma_start3A_122 : memref<1x1x32x512xf32, #tpu.memory_space<hbm>> -> memref<32x512xf32, #tpu.memory_space<hbm>>
      tpu.enqueue_dma source(%dma_start3A_123 : memref<32x512xf32, #tpu.memory_space<hbm>>) target(%arg7 : memref<32x512xf32, #tpu.memory_space<vmem>>) target_semaphore(%run_scoped3A_118 : memref<!tpu.dma_semaphore, #tpu.memory_space<semaphore_mem>>)
      %dma_wait3A = arith.constant 0 : i32
      %dma_wait3A_124 = tpu.memref_slice %arg2[%select_n3A, %run_scoped3A_77, %add3A_76, %dma_wait3A] : memref<16x1x512x512xf32, #tpu.memory_space<hbm>> -> memref<1x1x32x512xf32, #tpu.memory_space<hbm>>
      %dma_wait3A_125 = tpu.memref_squeeze %dma_wait3A_124 : memref<1x1x32x512xf32, #tpu.memory_space<hbm>> -> memref<32x512xf32, #tpu.memory_space<hbm>>
      %dma_wait3A_126 = arith.constant 0 : i32
      %dma_wait3A_127 = tpu.memref_slice %arg2[%select_n3A, %run_scoped3A_77, %add3A_76, %dma_wait3A_126] : memref<16x1x512x512xf32, #tpu.memory_space<hbm>> -> memref<1x1x32x512xf32, #tpu.memory_space<hbm>>
      %dma_wait3A_128 = tpu.memref_squeeze %dma_wait3A_127 : memref<1x1x32x512xf32, #tpu.memory_space<hbm>> -> memref<32x512xf32, #tpu.memory_space<hbm>>
      tpu.wait_dma2 semaphore(%run_scoped3A_118 : memref<!tpu.dma_semaphore, #tpu.memory_space<semaphore_mem>>) src(%dma_wait3A_128 : memref<32x512xf32, #tpu.memory_space<hbm>>) dst(%arg7 : memref<32x512xf32, #tpu.memory_space<vmem>>)
      tpu.yield
    }) : () -> ()
    %run_scoped3A_78 = arith.constant 0 : i32
    "tpu.region"() ({
      %run_scoped3A_118 = tpu.sem_alloc : memref<!tpu.dma_semaphore, #tpu.memory_space<semaphore_mem>>
      %dma_start3A = arith.constant 0 : i32
      %dma_start3A_119 = tpu.memref_slice %arg3[%select_n3A, %run_scoped3A_78, %add3A_76, %dma_start3A] : memref<16x1x512x512xf32, #tpu.memory_space<hbm>> -> memref<1x1x32x512xf32, #tpu.memory_space<hbm>>
      %dma_start3A_120 = tpu.memref_squeeze %dma_start3A_119 : memref<1x1x32x512xf32, #tpu.memory_space<hbm>> -> memref<32x512xf32, #tpu.memory_space<hbm>>
      %dma_start3A_121 = arith.constant 0 : i32
      %dma_start3A_122 = tpu.memref_slice %arg3[%select_n3A, %run_scoped3A_78, %add3A_76, %dma_start3A_121] : memref<16x1x512x512xf32, #tpu.memory_space<hbm>> -> memref<1x1x32x512xf32, #tpu.memory_space<hbm>>
      %dma_start3A_123 = tpu.memref_squeeze %dma_start3A_122 : memref<1x1x32x512xf32, #tpu.memory_space<hbm>> -> memref<32x512xf32, #tpu.memory_space<hbm>>
      tpu.enqueue_dma source(%dma_start3A_123 : memref<32x512xf32, #tpu.memory_space<hbm>>) target(%arg8 : memref<32x512xf32, #tpu.memory_space<vmem>>) target_semaphore(%run_scoped3A_118 : memref<!tpu.dma_semaphore, #tpu.memory_space<semaphore_mem>>)
      %dma_wait3A = arith.constant 0 : i32
      %dma_wait3A_124 = tpu.memref_slice %arg3[%select_n3A, %run_scoped3A_78, %add3A_76, %dma_wait3A] : memref<16x1x512x512xf32, #tpu.memory_space<hbm>> -> memref<1x1x32x512xf32, #tpu.memory_space<hbm>>
      %dma_wait3A_125 = tpu.memref_squeeze %dma_wait3A_124 : memref<1x1x32x512xf32, #tpu.memory_space<hbm>> -> memref<32x512xf32, #tpu.memory_space<hbm>>
      %dma_wait3A_126 = arith.constant 0 : i32
      %dma_wait3A_127 = tpu.memref_slice %arg3[%select_n3A, %run_scoped3A_78, %add3A_76, %dma_wait3A_126] : memref<16x1x512x512xf32, #tpu.memory_space<hbm>> -> memref<1x1x32x512xf32, #tpu.memory_space<hbm>>
      %dma_wait3A_128 = tpu.memref_squeeze %dma_wait3A_127 : memref<1x1x32x512xf32, #tpu.memory_space<hbm>> -> memref<32x512xf32, #tpu.memory_space<hbm>>
      tpu.wait_dma2 semaphore(%run_scoped3A_118 : memref<!tpu.dma_semaphore, #tpu.memory_space<semaphore_mem>>) src(%dma_wait3A_128 : memref<32x512xf32, #tpu.memory_space<hbm>>) dst(%arg8 : memref<32x512xf32, #tpu.memory_space<vmem>>)
      tpu.yield
    }) : () -> ()
    %scan3A_79 = arith.constant 0 : i32
    %scan3A_80 = arith.constant 32 : i32
    %scan3A_81 = arith.addi %scan3A_79, %scan3A_80 : i32
    %scan3A_82 = arith.constant 1 : i32
    %scan3A_83:2 = scf.for %scan3A_118 = %scan3A_79 to %scan3A_81 step %scan3A_82 iter_args(%scan3A_119 = %scan3A_73#0, %scan3A_120 = %scan3A_73#1) -> (vector<16xf32>, vector<16xf32>)  : i32 {
      %scan3A_121 = arith.constant 0 : i32
      %scan3A_122 = arith.constant 32 : i32
      %scan3A_123 = arith.addi %scan3A_121, %scan3A_122 : i32
      %scan3A_124 = arith.constant 1 : i32
      %scan3A_125:2 = scf.for %scan3A_127 = %scan3A_121 to %scan3A_123 step %scan3A_124 iter_args(%scan3A_128 = %scan3A_119, %scan3A_129 = %scan3A_120) -> (vector<16xf32>, vector<16xf32>)  : i32 {
        %mul3A_130 = arith.constant 16 : i32
        %mul3A_131 = arith.muli %scan3A_127, %mul3A_130 : i32
        %get3A_132 = arith.index_cast %scan3A_118 : i32 to index
        %get3A_133 = arith.index_cast %mul3A_131 : i32 to index
        %get3A_134 = tpu.vector_load %arg7[%get3A_132, %get3A_133] {strides = array<i32>} : memref<32x512xf32, #tpu.memory_space<vmem>>, vector<1x16xf32>,
        %get3A_135 = vector.shape_cast %get3A_134 : vector<1x16xf32> to vector<16xf32>
        %mul3A_136 = arith.constant 16 : i32
        %mul3A_137 = arith.muli %scan3A_127, %mul3A_136 : i32
        %get3A_138 = arith.index_cast %scan3A_118 : i32 to index
        %get3A_139 = arith.index_cast %mul3A_137 : i32 to index
        %get3A_140 = tpu.vector_load %arg8[%get3A_138, %get3A_139] {strides = array<i32>} : memref<32x512xf32, #tpu.memory_space<vmem>>, vector<1x16xf32>,
        %get3A_141 = vector.shape_cast %get3A_140 : vector<1x16xf32> to vector<16xf32>
        %bitcast_convert_type3A = tpu.bitcast %get3A_135 : vector<16xf32> -> vector<16xi32>
        %shift_right_logical3A = arith.constant 23 : i32
        %shift_right_logical3A_142 = vector.broadcast %shift_right_logical3A : i32 to vector<16xi32>
        %shift_right_logical3A_143 = arith.shrui %bitcast_convert_type3A, %shift_right_logical3A_142 : vector<16xi32>
        %sub3A_144 = arith.constant 127 : i32
        %sub3A_145 = vector.broadcast %sub3A_144 : i32 to vector<16xi32>
        %sub3A_146 = arith.subi %shift_right_logical3A_143, %sub3A_145 : vector<16xi32>
        %and3A_147 = arith.constant 8388607 : i32
        %and3A_148 = vector.broadcast %and3A_147 : i32 to vector<16xi32>
        %and3A_149 = arith.andi %bitcast_convert_type3A, %and3A_148 : vector<16xi32>
        %or3A = arith.constant 1065353216 : i32
        %or3A_150 = vector.broadcast %or3A : i32 to vector<16xi32>
        %or3A_151 = arith.ori %and3A_149, %or3A_150 : vector<16xi32>
        %bitcast_convert_type3A_152 = tpu.bitcast %or3A_151 : vector<16xi32> -> vector<16xf32>
        %sub3A_153 = arith.constant 1.000000e+00 : f32
        %sub3A_154 = vector.broadcast %sub3A_153 : f32 to vector<16xf32>
        %sub3A_155 = arith.subf %bitcast_convert_type3A_152, %sub3A_154 : vector<16xf32>
        %add3A_156 = arith.constant 1.000000e+00 : f32
        %add3A_157 = vector.broadcast %add3A_156 : f32 to vector<16xf32>
        %add3A_158 = arith.addf %bitcast_convert_type3A_152, %add3A_157 : vector<16xf32>
        %div3A_159 = arith.divf %sub3A_155, %add3A_158 : vector<16xf32>
        %mul3A_160 = arith.mulf %div3A_159, %div3A_159 : vector<16xf32>
        %mul3A_161 = arith.constant 0.111111112 : f32
        %mul3A_162 = vector.broadcast %mul3A_161 : f32 to vector<16xf32>
        %mul3A_163 = arith.mulf %mul3A_160, %mul3A_162 : vector<16xf32>
        %add3A_164 = arith.constant 0.142857149 : f32
        %add3A_165 = vector.broadcast %add3A_164 : f32 to vector<16xf32>
        %add3A_166 = arith.addf %mul3A_163, %add3A_165 : vector<16xf32>
        %mul3A_167 = arith.mulf %mul3A_160, %add3A_166 : vector<16xf32>
        %add3A_168 = arith.constant 2.000000e-01 : f32
        %add3A_169 = vector.broadcast %add3A_168 : f32 to vector<16xf32>
        %add3A_170 = arith.addf %mul3A_167, %add3A_169 : vector<16xf32>
        %mul3A_171 = arith.mulf %mul3A_160, %add3A_170 : vector<16xf32>
        %add3A_172 = arith.constant 0.333333343 : f32
        %add3A_173 = vector.broadcast %add3A_172 : f32 to vector<16xf32>
        %add3A_174 = arith.addf %mul3A_171, %add3A_173 : vector<16xf32>
        %mul3A_175 = arith.mulf %mul3A_160, %add3A_174 : vector<16xf32>
        %add3A_176 = arith.constant 1.000000e+00 : f32
        %add3A_177 = vector.broadcast %add3A_176 : f32 to vector<16xf32>
        %add3A_178 = arith.addf %mul3A_175, %add3A_177 : vector<16xf32>
        %convert_element_type3A = arith.sitofp %sub3A_146 : vector<16xi32> to vector<16xf32>
        %mul3A_179 = arith.constant 0.693147182 : f32
        %mul3A_180 = vector.broadcast %mul3A_179 : f32 to vector<16xf32>
        %mul3A_181 = arith.mulf %convert_element_type3A, %mul3A_180 : vector<16xf32>
        %mul3A_182 = arith.constant 2.000000e+00 : f32
        %mul3A_183 = vector.broadcast %mul3A_182 : f32 to vector<16xf32>
        %mul3A_184 = arith.mulf %mul3A_183, %div3A_159 : vector<16xf32>
        %mul3A_185 = arith.mulf %mul3A_184, %add3A_178 : vector<16xf32>
        %add3A_186 = arith.addf %mul3A_181, %mul3A_185 : vector<16xf32>
        %sub3A_187 = arith.constant 1.000000e+00 : f32
        %sub3A_188 = vector.broadcast %sub3A_187 : f32 to vector<16xf32>
        %sub3A_189 = arith.subf %sub3A_188, %get3A_135 : vector<16xf32>
        %bitcast_convert_type3A_190 = tpu.bitcast %sub3A_189 : vector<16xf32> -> vector<16xi32>
        %shift_right_logical3A_191 = arith.constant 23 : i32
        %shift_right_logical3A_192 = vector.broadcast %shift_right_logical3A_191 : i32 to vector<16xi32>
        %shift_right_logical3A_193 = arith.shrui %bitcast_convert_type3A_190, %shift_right_logical3A_192 : vector<16xi32>
        %sub3A_194 = arith.constant 127 : i32
        %sub3A_195 = vector.broadcast %sub3A_194 : i32 to vector<16xi32>
        %sub3A_196 = arith.subi %shift_right_logical3A_193, %sub3A_195 : vector<16xi32>
        %and3A_197 = arith.constant 8388607 : i32
        %and3A_198 = vector.broadcast %and3A_197 : i32 to vector<16xi32>
        %and3A_199 = arith.andi %bitcast_convert_type3A_190, %and3A_198 : vector<16xi32>
        %or3A_200 = arith.constant 1065353216 : i32
        %or3A_201 = vector.broadcast %or3A_200 : i32 to vector<16xi32>
        %or3A_202 = arith.ori %and3A_199, %or3A_201 : vector<16xi32>
        %bitcast_convert_type3A_203 = tpu.bitcast %or3A_202 : vector<16xi32> -> vector<16xf32>
        %sub3A_204 = arith.constant 1.000000e+00 : f32
        %sub3A_205 = vector.broadcast %sub3A_204 : f32 to vector<16xf32>
        %sub3A_206 = arith.subf %bitcast_convert_type3A_203, %sub3A_205 : vector<16xf32>
        %add3A_207 = arith.constant 1.000000e+00 : f32
        %add3A_208 = vector.broadcast %add3A_207 : f32 to vector<16xf32>
        %add3A_209 = arith.addf %bitcast_convert_type3A_203, %add3A_208 : vector<16xf32>
        %div3A_210 = arith.divf %sub3A_206, %add3A_209 : vector<16xf32>
        %mul3A_211 = arith.mulf %div3A_210, %div3A_210 : vector<16xf32>
        %mul3A_212 = arith.constant 0.111111112 : f32
        %mul3A_213 = vector.broadcast %mul3A_212 : f32 to vector<16xf32>
        %mul3A_214 = arith.mulf %mul3A_211, %mul3A_213 : vector<16xf32>
        %add3A_215 = arith.constant 0.142857149 : f32
        %add3A_216 = vector.broadcast %add3A_215 : f32 to vector<16xf32>
        %add3A_217 = arith.addf %mul3A_214, %add3A_216 : vector<16xf32>
        %mul3A_218 = arith.mulf %mul3A_211, %add3A_217 : vector<16xf32>
        %add3A_219 = arith.constant 2.000000e-01 : f32
        %add3A_220 = vector.broadcast %add3A_219 : f32 to vector<16xf32>
        %add3A_221 = arith.addf %mul3A_218, %add3A_220 : vector<16xf32>
        %mul3A_222 = arith.mulf %mul3A_211, %add3A_221 : vector<16xf32>
        %add3A_223 = arith.constant 0.333333343 : f32
        %add3A_224 = vector.broadcast %add3A_223 : f32 to vector<16xf32>
        %add3A_225 = arith.addf %mul3A_222, %add3A_224 : vector<16xf32>
        %mul3A_226 = arith.mulf %mul3A_211, %add3A_225 : vector<16xf32>
        %add3A_227 = arith.constant 1.000000e+00 : f32
        %add3A_228 = vector.broadcast %add3A_227 : f32 to vector<16xf32>
        %add3A_229 = arith.addf %mul3A_226, %add3A_228 : vector<16xf32>
        %convert_element_type3A_230 = arith.sitofp %sub3A_196 : vector<16xi32> to vector<16xf32>
        %mul3A_231 = arith.constant 0.693147182 : f32
        %mul3A_232 = vector.broadcast %mul3A_231 : f32 to vector<16xf32>
        %mul3A_233 = arith.mulf %convert_element_type3A_230, %mul3A_232 : vector<16xf32>
        %mul3A_234 = arith.constant 2.000000e+00 : f32
        %mul3A_235 = vector.broadcast %mul3A_234 : f32 to vector<16xf32>
        %mul3A_236 = arith.mulf %mul3A_235, %div3A_210 : vector<16xf32>
        %mul3A_237 = arith.mulf %mul3A_236, %add3A_229 : vector<16xf32>
        %add3A_238 = arith.addf %mul3A_233, %mul3A_237 : vector<16xf32>
        %sub3A_239 = arith.subf %add3A_186, %add3A_238 : vector<16xf32>
        %mul3A_240 = arith.mulf %get3A_141, %sub3A_239 : vector<16xf32>
        %add3A_241 = arith.addf %add3A_238, %mul3A_240 : vector<16xf32>
        %lt3A_242 = arith.cmpf olt, %get3A_135, %get3A_33 : vector<16xf32>
        %jit3A_243 = arith.constant 0.000000e+00 : f32
        %broadcast_in_dim3A_244 = vector.broadcast %jit3A_243 : f32 to vector<16xf32>
        %select_n3A_245 = arith.select %lt3A_242, %add3A_241, %broadcast_in_dim3A_244 : vector<16xi1>, vector<16xf32>
        %add3A_246 = arith.addf %scan3A_128, %select_n3A_245 : vector<16xf32>
        %jit3A_247 = arith.constant 1.000000e+00 : f32
        %jit3A_248 = arith.constant 0.000000e+00 : f32
        %broadcast_in_dim3A_249 = vector.broadcast %jit3A_247 : f32 to vector<16xf32>
        %broadcast_in_dim3A_250 = vector.broadcast %jit3A_248 : f32 to vector<16xf32>
        %select_n3A_251 = arith.select %lt3A_242, %broadcast_in_dim3A_249, %broadcast_in_dim3A_250 : vector<16xi1>, vector<16xf32>
        %add3A_252 = arith.addf %scan3A_129, %select_n3A_251 : vector<16xf32>
        scf.yield %add3A_246, %add3A_252 : vector<16xf32>, vector<16xf32>
      }
      %scan3A_126 = arith.constant 32 : i32
      scf.yield %scan3A_125#0, %scan3A_125#1 : vector<16xf32>, vector<16xf32>
    }
    %scan3A_84 = arith.constant 32 : i32
    %add3A_85 = arith.constant 160 : i32
    %add3A_86 = arith.addi %mul3A_32, %add3A_85 : i32
    %run_scoped3A_87 = arith.constant 0 : i32
    "tpu.region"() ({
      %run_scoped3A_118 = tpu.sem_alloc : memref<!tpu.dma_semaphore, #tpu.memory_space<semaphore_mem>>
      %dma_start3A = arith.constant 0 : i32
      %dma_start3A_119 = tpu.memref_slice %arg2[%select_n3A, %run_scoped3A_87, %add3A_86, %dma_start3A] : memref<16x1x512x512xf32, #tpu.memory_space<hbm>> -> memref<1x1x32x512xf32, #tpu.memory_space<hbm>>
      %dma_start3A_120 = tpu.memref_squeeze %dma_start3A_119 : memref<1x1x32x512xf32, #tpu.memory_space<hbm>> -> memref<32x512xf32, #tpu.memory_space<hbm>>
      %dma_start3A_121 = arith.constant 0 : i32
      %dma_start3A_122 = tpu.memref_slice %arg2[%select_n3A, %run_scoped3A_87, %add3A_86, %dma_start3A_121] : memref<16x1x512x512xf32, #tpu.memory_space<hbm>> -> memref<1x1x32x512xf32, #tpu.memory_space<hbm>>
      %dma_start3A_123 = tpu.memref_squeeze %dma_start3A_122 : memref<1x1x32x512xf32, #tpu.memory_space<hbm>> -> memref<32x512xf32, #tpu.memory_space<hbm>>
      tpu.enqueue_dma source(%dma_start3A_123 : memref<32x512xf32, #tpu.memory_space<hbm>>) target(%arg7 : memref<32x512xf32, #tpu.memory_space<vmem>>) target_semaphore(%run_scoped3A_118 : memref<!tpu.dma_semaphore, #tpu.memory_space<semaphore_mem>>)
      %dma_wait3A = arith.constant 0 : i32
      %dma_wait3A_124 = tpu.memref_slice %arg2[%select_n3A, %run_scoped3A_87, %add3A_86, %dma_wait3A] : memref<16x1x512x512xf32, #tpu.memory_space<hbm>> -> memref<1x1x32x512xf32, #tpu.memory_space<hbm>>
      %dma_wait3A_125 = tpu.memref_squeeze %dma_wait3A_124 : memref<1x1x32x512xf32, #tpu.memory_space<hbm>> -> memref<32x512xf32, #tpu.memory_space<hbm>>
      %dma_wait3A_126 = arith.constant 0 : i32
      %dma_wait3A_127 = tpu.memref_slice %arg2[%select_n3A, %run_scoped3A_87, %add3A_86, %dma_wait3A_126] : memref<16x1x512x512xf32, #tpu.memory_space<hbm>> -> memref<1x1x32x512xf32, #tpu.memory_space<hbm>>
      %dma_wait3A_128 = tpu.memref_squeeze %dma_wait3A_127 : memref<1x1x32x512xf32, #tpu.memory_space<hbm>> -> memref<32x512xf32, #tpu.memory_space<hbm>>
      tpu.wait_dma2 semaphore(%run_scoped3A_118 : memref<!tpu.dma_semaphore, #tpu.memory_space<semaphore_mem>>) src(%dma_wait3A_128 : memref<32x512xf32, #tpu.memory_space<hbm>>) dst(%arg7 : memref<32x512xf32, #tpu.memory_space<vmem>>)
      tpu.yield
    }) : () -> ()
    %run_scoped3A_88 = arith.constant 0 : i32
    "tpu.region"() ({
      %run_scoped3A_118 = tpu.sem_alloc : memref<!tpu.dma_semaphore, #tpu.memory_space<semaphore_mem>>
      %dma_start3A = arith.constant 0 : i32
      %dma_start3A_119 = tpu.memref_slice %arg3[%select_n3A, %run_scoped3A_88, %add3A_86, %dma_start3A] : memref<16x1x512x512xf32, #tpu.memory_space<hbm>> -> memref<1x1x32x512xf32, #tpu.memory_space<hbm>>
      %dma_start3A_120 = tpu.memref_squeeze %dma_start3A_119 : memref<1x1x32x512xf32, #tpu.memory_space<hbm>> -> memref<32x512xf32, #tpu.memory_space<hbm>>
      %dma_start3A_121 = arith.constant 0 : i32
      %dma_start3A_122 = tpu.memref_slice %arg3[%select_n3A, %run_scoped3A_88, %add3A_86, %dma_start3A_121] : memref<16x1x512x512xf32, #tpu.memory_space<hbm>> -> memref<1x1x32x512xf32, #tpu.memory_space<hbm>>
      %dma_start3A_123 = tpu.memref_squeeze %dma_start3A_122 : memref<1x1x32x512xf32, #tpu.memory_space<hbm>> -> memref<32x512xf32, #tpu.memory_space<hbm>>
      tpu.enqueue_dma source(%dma_start3A_123 : memref<32x512xf32, #tpu.memory_space<hbm>>) target(%arg8 : memref<32x512xf32, #tpu.memory_space<vmem>>) target_semaphore(%run_scoped3A_118 : memref<!tpu.dma_semaphore, #tpu.memory_space<semaphore_mem>>)
      %dma_wait3A = arith.constant 0 : i32
      %dma_wait3A_124 = tpu.memref_slice %arg3[%select_n3A, %run_scoped3A_88, %add3A_86, %dma_wait3A] : memref<16x1x512x512xf32, #tpu.memory_space<hbm>> -> memref<1x1x32x512xf32, #tpu.memory_space<hbm>>
      %dma_wait3A_125 = tpu.memref_squeeze %dma_wait3A_124 : memref<1x1x32x512xf32, #tpu.memory_space<hbm>> -> memref<32x512xf32, #tpu.memory_space<hbm>>
      %dma_wait3A_126 = arith.constant 0 : i32
      %dma_wait3A_127 = tpu.memref_slice %arg3[%select_n3A, %run_scoped3A_88, %add3A_86, %dma_wait3A_126] : memref<16x1x512x512xf32, #tpu.memory_space<hbm>> -> memref<1x1x32x512xf32, #tpu.memory_space<hbm>>
      %dma_wait3A_128 = tpu.memref_squeeze %dma_wait3A_127 : memref<1x1x32x512xf32, #tpu.memory_space<hbm>> -> memref<32x512xf32, #tpu.memory_space<hbm>>
      tpu.wait_dma2 semaphore(%run_scoped3A_118 : memref<!tpu.dma_semaphore, #tpu.memory_space<semaphore_mem>>) src(%dma_wait3A_128 : memref<32x512xf32, #tpu.memory_space<hbm>>) dst(%arg8 : memref<32x512xf32, #tpu.memory_space<vmem>>)
      tpu.yield
    }) : () -> ()
    %scan3A_89 = arith.constant 0 : i32
    %scan3A_90 = arith.constant 32 : i32
    %scan3A_91 = arith.addi %scan3A_89, %scan3A_90 : i32
    %scan3A_92 = arith.constant 1 : i32
    %scan3A_93:2 = scf.for %scan3A_118 = %scan3A_89 to %scan3A_91 step %scan3A_92 iter_args(%scan3A_119 = %scan3A_83#0, %scan3A_120 = %scan3A_83#1) -> (vector<16xf32>, vector<16xf32>)  : i32 {
      %scan3A_121 = arith.constant 0 : i32
      %scan3A_122 = arith.constant 32 : i32
      %scan3A_123 = arith.addi %scan3A_121, %scan3A_122 : i32
      %scan3A_124 = arith.constant 1 : i32
      %scan3A_125:2 = scf.for %scan3A_127 = %scan3A_121 to %scan3A_123 step %scan3A_124 iter_args(%scan3A_128 = %scan3A_119, %scan3A_129 = %scan3A_120) -> (vector<16xf32>, vector<16xf32>)  : i32 {
        %mul3A_130 = arith.constant 16 : i32
        %mul3A_131 = arith.muli %scan3A_127, %mul3A_130 : i32
        %get3A_132 = arith.index_cast %scan3A_118 : i32 to index
        %get3A_133 = arith.index_cast %mul3A_131 : i32 to index
        %get3A_134 = tpu.vector_load %arg7[%get3A_132, %get3A_133] {strides = array<i32>} : memref<32x512xf32, #tpu.memory_space<vmem>>, vector<1x16xf32>,
        %get3A_135 = vector.shape_cast %get3A_134 : vector<1x16xf32> to vector<16xf32>
        %mul3A_136 = arith.constant 16 : i32
        %mul3A_137 = arith.muli %scan3A_127, %mul3A_136 : i32
        %get3A_138 = arith.index_cast %scan3A_118 : i32 to index
        %get3A_139 = arith.index_cast %mul3A_137 : i32 to index
        %get3A_140 = tpu.vector_load %arg8[%get3A_138, %get3A_139] {strides = array<i32>} : memref<32x512xf32, #tpu.memory_space<vmem>>, vector<1x16xf32>,
        %get3A_141 = vector.shape_cast %get3A_140 : vector<1x16xf32> to vector<16xf32>
        %bitcast_convert_type3A = tpu.bitcast %get3A_135 : vector<16xf32> -> vector<16xi32>
        %shift_right_logical3A = arith.constant 23 : i32
        %shift_right_logical3A_142 = vector.broadcast %shift_right_logical3A : i32 to vector<16xi32>
        %shift_right_logical3A_143 = arith.shrui %bitcast_convert_type3A, %shift_right_logical3A_142 : vector<16xi32>
        %sub3A_144 = arith.constant 127 : i32
        %sub3A_145 = vector.broadcast %sub3A_144 : i32 to vector<16xi32>
        %sub3A_146 = arith.subi %shift_right_logical3A_143, %sub3A_145 : vector<16xi32>
        %and3A_147 = arith.constant 8388607 : i32
        %and3A_148 = vector.broadcast %and3A_147 : i32 to vector<16xi32>
        %and3A_149 = arith.andi %bitcast_convert_type3A, %and3A_148 : vector<16xi32>
        %or3A = arith.constant 1065353216 : i32
        %or3A_150 = vector.broadcast %or3A : i32 to vector<16xi32>
        %or3A_151 = arith.ori %and3A_149, %or3A_150 : vector<16xi32>
        %bitcast_convert_type3A_152 = tpu.bitcast %or3A_151 : vector<16xi32> -> vector<16xf32>
        %sub3A_153 = arith.constant 1.000000e+00 : f32
        %sub3A_154 = vector.broadcast %sub3A_153 : f32 to vector<16xf32>
        %sub3A_155 = arith.subf %bitcast_convert_type3A_152, %sub3A_154 : vector<16xf32>
        %add3A_156 = arith.constant 1.000000e+00 : f32
        %add3A_157 = vector.broadcast %add3A_156 : f32 to vector<16xf32>
        %add3A_158 = arith.addf %bitcast_convert_type3A_152, %add3A_157 : vector<16xf32>
        %div3A_159 = arith.divf %sub3A_155, %add3A_158 : vector<16xf32>
        %mul3A_160 = arith.mulf %div3A_159, %div3A_159 : vector<16xf32>
        %mul3A_161 = arith.constant 0.111111112 : f32
        %mul3A_162 = vector.broadcast %mul3A_161 : f32 to vector<16xf32>
        %mul3A_163 = arith.mulf %mul3A_160, %mul3A_162 : vector<16xf32>
        %add3A_164 = arith.constant 0.142857149 : f32
        %add3A_165 = vector.broadcast %add3A_164 : f32 to vector<16xf32>
        %add3A_166 = arith.addf %mul3A_163, %add3A_165 : vector<16xf32>
        %mul3A_167 = arith.mulf %mul3A_160, %add3A_166 : vector<16xf32>
        %add3A_168 = arith.constant 2.000000e-01 : f32
        %add3A_169 = vector.broadcast %add3A_168 : f32 to vector<16xf32>
        %add3A_170 = arith.addf %mul3A_167, %add3A_169 : vector<16xf32>
        %mul3A_171 = arith.mulf %mul3A_160, %add3A_170 : vector<16xf32>
        %add3A_172 = arith.constant 0.333333343 : f32
        %add3A_173 = vector.broadcast %add3A_172 : f32 to vector<16xf32>
        %add3A_174 = arith.addf %mul3A_171, %add3A_173 : vector<16xf32>
        %mul3A_175 = arith.mulf %mul3A_160, %add3A_174 : vector<16xf32>
        %add3A_176 = arith.constant 1.000000e+00 : f32
        %add3A_177 = vector.broadcast %add3A_176 : f32 to vector<16xf32>
        %add3A_178 = arith.addf %mul3A_175, %add3A_177 : vector<16xf32>
        %convert_element_type3A = arith.sitofp %sub3A_146 : vector<16xi32> to vector<16xf32>
        %mul3A_179 = arith.constant 0.693147182 : f32
        %mul3A_180 = vector.broadcast %mul3A_179 : f32 to vector<16xf32>
        %mul3A_181 = arith.mulf %convert_element_type3A, %mul3A_180 : vector<16xf32>
        %mul3A_182 = arith.constant 2.000000e+00 : f32
        %mul3A_183 = vector.broadcast %mul3A_182 : f32 to vector<16xf32>
        %mul3A_184 = arith.mulf %mul3A_183, %div3A_159 : vector<16xf32>
        %mul3A_185 = arith.mulf %mul3A_184, %add3A_178 : vector<16xf32>
        %add3A_186 = arith.addf %mul3A_181, %mul3A_185 : vector<16xf32>
        %sub3A_187 = arith.constant 1.000000e+00 : f32
        %sub3A_188 = vector.broadcast %sub3A_187 : f32 to vector<16xf32>
        %sub3A_189 = arith.subf %sub3A_188, %get3A_135 : vector<16xf32>
        %bitcast_convert_type3A_190 = tpu.bitcast %sub3A_189 : vector<16xf32> -> vector<16xi32>
        %shift_right_logical3A_191 = arith.constant 23 : i32
        %shift_right_logical3A_192 = vector.broadcast %shift_right_logical3A_191 : i32 to vector<16xi32>
        %shift_right_logical3A_193 = arith.shrui %bitcast_convert_type3A_190, %shift_right_logical3A_192 : vector<16xi32>
        %sub3A_194 = arith.constant 127 : i32
        %sub3A_195 = vector.broadcast %sub3A_194 : i32 to vector<16xi32>
        %sub3A_196 = arith.subi %shift_right_logical3A_193, %sub3A_195 : vector<16xi32>
        %and3A_197 = arith.constant 8388607 : i32
        %and3A_198 = vector.broadcast %and3A_197 : i32 to vector<16xi32>
        %and3A_199 = arith.andi %bitcast_convert_type3A_190, %and3A_198 : vector<16xi32>
        %or3A_200 = arith.constant 1065353216 : i32
        %or3A_201 = vector.broadcast %or3A_200 : i32 to vector<16xi32>
        %or3A_202 = arith.ori %and3A_199, %or3A_201 : vector<16xi32>
        %bitcast_convert_type3A_203 = tpu.bitcast %or3A_202 : vector<16xi32> -> vector<16xf32>
        %sub3A_204 = arith.constant 1.000000e+00 : f32
        %sub3A_205 = vector.broadcast %sub3A_204 : f32 to vector<16xf32>
        %sub3A_206 = arith.subf %bitcast_convert_type3A_203, %sub3A_205 : vector<16xf32>
        %add3A_207 = arith.constant 1.000000e+00 : f32
        %add3A_208 = vector.broadcast %add3A_207 : f32 to vector<16xf32>
        %add3A_209 = arith.addf %bitcast_convert_type3A_203, %add3A_208 : vector<16xf32>
        %div3A_210 = arith.divf %sub3A_206, %add3A_209 : vector<16xf32>
        %mul3A_211 = arith.mulf %div3A_210, %div3A_210 : vector<16xf32>
        %mul3A_212 = arith.constant 0.111111112 : f32
        %mul3A_213 = vector.broadcast %mul3A_212 : f32 to vector<16xf32>
        %mul3A_214 = arith.mulf %mul3A_211, %mul3A_213 : vector<16xf32>
        %add3A_215 = arith.constant 0.142857149 : f32
        %add3A_216 = vector.broadcast %add3A_215 : f32 to vector<16xf32>
        %add3A_217 = arith.addf %mul3A_214, %add3A_216 : vector<16xf32>
        %mul3A_218 = arith.mulf %mul3A_211, %add3A_217 : vector<16xf32>
        %add3A_219 = arith.constant 2.000000e-01 : f32
        %add3A_220 = vector.broadcast %add3A_219 : f32 to vector<16xf32>
        %add3A_221 = arith.addf %mul3A_218, %add3A_220 : vector<16xf32>
        %mul3A_222 = arith.mulf %mul3A_211, %add3A_221 : vector<16xf32>
        %add3A_223 = arith.constant 0.333333343 : f32
        %add3A_224 = vector.broadcast %add3A_223 : f32 to vector<16xf32>
        %add3A_225 = arith.addf %mul3A_222, %add3A_224 : vector<16xf32>
        %mul3A_226 = arith.mulf %mul3A_211, %add3A_225 : vector<16xf32>
        %add3A_227 = arith.constant 1.000000e+00 : f32
        %add3A_228 = vector.broadcast %add3A_227 : f32 to vector<16xf32>
        %add3A_229 = arith.addf %mul3A_226, %add3A_228 : vector<16xf32>
        %convert_element_type3A_230 = arith.sitofp %sub3A_196 : vector<16xi32> to vector<16xf32>
        %mul3A_231 = arith.constant 0.693147182 : f32
        %mul3A_232 = vector.broadcast %mul3A_231 : f32 to vector<16xf32>
        %mul3A_233 = arith.mulf %convert_element_type3A_230, %mul3A_232 : vector<16xf32>
        %mul3A_234 = arith.constant 2.000000e+00 : f32
        %mul3A_235 = vector.broadcast %mul3A_234 : f32 to vector<16xf32>
        %mul3A_236 = arith.mulf %mul3A_235, %div3A_210 : vector<16xf32>
        %mul3A_237 = arith.mulf %mul3A_236, %add3A_229 : vector<16xf32>
        %add3A_238 = arith.addf %mul3A_233, %mul3A_237 : vector<16xf32>
        %sub3A_239 = arith.subf %add3A_186, %add3A_238 : vector<16xf32>
        %mul3A_240 = arith.mulf %get3A_141, %sub3A_239 : vector<16xf32>
        %add3A_241 = arith.addf %add3A_238, %mul3A_240 : vector<16xf32>
        %lt3A_242 = arith.cmpf olt, %get3A_135, %get3A_33 : vector<16xf32>
        %jit3A_243 = arith.constant 0.000000e+00 : f32
        %broadcast_in_dim3A_244 = vector.broadcast %jit3A_243 : f32 to vector<16xf32>
        %select_n3A_245 = arith.select %lt3A_242, %add3A_241, %broadcast_in_dim3A_244 : vector<16xi1>, vector<16xf32>
        %add3A_246 = arith.addf %scan3A_128, %select_n3A_245 : vector<16xf32>
        %jit3A_247 = arith.constant 1.000000e+00 : f32
        %jit3A_248 = arith.constant 0.000000e+00 : f32
        %broadcast_in_dim3A_249 = vector.broadcast %jit3A_247 : f32 to vector<16xf32>
        %broadcast_in_dim3A_250 = vector.broadcast %jit3A_248 : f32 to vector<16xf32>
        %select_n3A_251 = arith.select %lt3A_242, %broadcast_in_dim3A_249, %broadcast_in_dim3A_250 : vector<16xi1>, vector<16xf32>
        %add3A_252 = arith.addf %scan3A_129, %select_n3A_251 : vector<16xf32>
        scf.yield %add3A_246, %add3A_252 : vector<16xf32>, vector<16xf32>
      }
      %scan3A_126 = arith.constant 32 : i32
      scf.yield %scan3A_125#0, %scan3A_125#1 : vector<16xf32>, vector<16xf32>
    }
    %scan3A_94 = arith.constant 32 : i32
    %add3A_95 = arith.constant 192 : i32
    %add3A_96 = arith.addi %mul3A_32, %add3A_95 : i32
    %run_scoped3A_97 = arith.constant 0 : i32
    "tpu.region"() ({
      %run_scoped3A_118 = tpu.sem_alloc : memref<!tpu.dma_semaphore, #tpu.memory_space<semaphore_mem>>
      %dma_start3A = arith.constant 0 : i32
      %dma_start3A_119 = tpu.memref_slice %arg2[%select_n3A, %run_scoped3A_97, %add3A_96, %dma_start3A] : memref<16x1x512x512xf32, #tpu.memory_space<hbm>> -> memref<1x1x32x512xf32, #tpu.memory_space<hbm>>
      %dma_start3A_120 = tpu.memref_squeeze %dma_start3A_119 : memref<1x1x32x512xf32, #tpu.memory_space<hbm>> -> memref<32x512xf32, #tpu.memory_space<hbm>>
      %dma_start3A_121 = arith.constant 0 : i32
      %dma_start3A_122 = tpu.memref_slice %arg2[%select_n3A, %run_scoped3A_97, %add3A_96, %dma_start3A_121] : memref<16x1x512x512xf32, #tpu.memory_space<hbm>> -> memref<1x1x32x512xf32, #tpu.memory_space<hbm>>
      %dma_start3A_123 = tpu.memref_squeeze %dma_start3A_122 : memref<1x1x32x512xf32, #tpu.memory_space<hbm>> -> memref<32x512xf32, #tpu.memory_space<hbm>>
      tpu.enqueue_dma source(%dma_start3A_123 : memref<32x512xf32, #tpu.memory_space<hbm>>) target(%arg7 : memref<32x512xf32, #tpu.memory_space<vmem>>) target_semaphore(%run_scoped3A_118 : memref<!tpu.dma_semaphore, #tpu.memory_space<semaphore_mem>>)
      %dma_wait3A = arith.constant 0 : i32
      %dma_wait3A_124 = tpu.memref_slice %arg2[%select_n3A, %run_scoped3A_97, %add3A_96, %dma_wait3A] : memref<16x1x512x512xf32, #tpu.memory_space<hbm>> -> memref<1x1x32x512xf32, #tpu.memory_space<hbm>>
      %dma_wait3A_125 = tpu.memref_squeeze %dma_wait3A_124 : memref<1x1x32x512xf32, #tpu.memory_space<hbm>> -> memref<32x512xf32, #tpu.memory_space<hbm>>
      %dma_wait3A_126 = arith.constant 0 : i32
      %dma_wait3A_127 = tpu.memref_slice %arg2[%select_n3A, %run_scoped3A_97, %add3A_96, %dma_wait3A_126] : memref<16x1x512x512xf32, #tpu.memory_space<hbm>> -> memref<1x1x32x512xf32, #tpu.memory_space<hbm>>
      %dma_wait3A_128 = tpu.memref_squeeze %dma_wait3A_127 : memref<1x1x32x512xf32, #tpu.memory_space<hbm>> -> memref<32x512xf32, #tpu.memory_space<hbm>>
      tpu.wait_dma2 semaphore(%run_scoped3A_118 : memref<!tpu.dma_semaphore, #tpu.memory_space<semaphore_mem>>) src(%dma_wait3A_128 : memref<32x512xf32, #tpu.memory_space<hbm>>) dst(%arg7 : memref<32x512xf32, #tpu.memory_space<vmem>>)
      tpu.yield
    }) : () -> ()
    %run_scoped3A_98 = arith.constant 0 : i32
    "tpu.region"() ({
      %run_scoped3A_118 = tpu.sem_alloc : memref<!tpu.dma_semaphore, #tpu.memory_space<semaphore_mem>>
      %dma_start3A = arith.constant 0 : i32
      %dma_start3A_119 = tpu.memref_slice %arg3[%select_n3A, %run_scoped3A_98, %add3A_96, %dma_start3A] : memref<16x1x512x512xf32, #tpu.memory_space<hbm>> -> memref<1x1x32x512xf32, #tpu.memory_space<hbm>>
      %dma_start3A_120 = tpu.memref_squeeze %dma_start3A_119 : memref<1x1x32x512xf32, #tpu.memory_space<hbm>> -> memref<32x512xf32, #tpu.memory_space<hbm>>
      %dma_start3A_121 = arith.constant 0 : i32
      %dma_start3A_122 = tpu.memref_slice %arg3[%select_n3A, %run_scoped3A_98, %add3A_96, %dma_start3A_121] : memref<16x1x512x512xf32, #tpu.memory_space<hbm>> -> memref<1x1x32x512xf32, #tpu.memory_space<hbm>>
      %dma_start3A_123 = tpu.memref_squeeze %dma_start3A_122 : memref<1x1x32x512xf32, #tpu.memory_space<hbm>> -> memref<32x512xf32, #tpu.memory_space<hbm>>
      tpu.enqueue_dma source(%dma_start3A_123 : memref<32x512xf32, #tpu.memory_space<hbm>>) target(%arg8 : memref<32x512xf32, #tpu.memory_space<vmem>>) target_semaphore(%run_scoped3A_118 : memref<!tpu.dma_semaphore, #tpu.memory_space<semaphore_mem>>)
      %dma_wait3A = arith.constant 0 : i32
      %dma_wait3A_124 = tpu.memref_slice %arg3[%select_n3A, %run_scoped3A_98, %add3A_96, %dma_wait3A] : memref<16x1x512x512xf32, #tpu.memory_space<hbm>> -> memref<1x1x32x512xf32, #tpu.memory_space<hbm>>
      %dma_wait3A_125 = tpu.memref_squeeze %dma_wait3A_124 : memref<1x1x32x512xf32, #tpu.memory_space<hbm>> -> memref<32x512xf32, #tpu.memory_space<hbm>>
      %dma_wait3A_126 = arith.constant 0 : i32
      %dma_wait3A_127 = tpu.memref_slice %arg3[%select_n3A, %run_scoped3A_98, %add3A_96, %dma_wait3A_126] : memref<16x1x512x512xf32, #tpu.memory_space<hbm>> -> memref<1x1x32x512xf32, #tpu.memory_space<hbm>>
      %dma_wait3A_128 = tpu.memref_squeeze %dma_wait3A_127 : memref<1x1x32x512xf32, #tpu.memory_space<hbm>> -> memref<32x512xf32, #tpu.memory_space<hbm>>
      tpu.wait_dma2 semaphore(%run_scoped3A_118 : memref<!tpu.dma_semaphore, #tpu.memory_space<semaphore_mem>>) src(%dma_wait3A_128 : memref<32x512xf32, #tpu.memory_space<hbm>>) dst(%arg8 : memref<32x512xf32, #tpu.memory_space<vmem>>)
      tpu.yield
    }) : () -> ()
    %scan3A_99 = arith.constant 0 : i32
    %scan3A_100 = arith.constant 32 : i32
    %scan3A_101 = arith.addi %scan3A_99, %scan3A_100 : i32
    %scan3A_102 = arith.constant 1 : i32
    %scan3A_103:2 = scf.for %scan3A_118 = %scan3A_99 to %scan3A_101 step %scan3A_102 iter_args(%scan3A_119 = %scan3A_93#0, %scan3A_120 = %scan3A_93#1) -> (vector<16xf32>, vector<16xf32>)  : i32 {
      %scan3A_121 = arith.constant 0 : i32
      %scan3A_122 = arith.constant 32 : i32
      %scan3A_123 = arith.addi %scan3A_121, %scan3A_122 : i32
      %scan3A_124 = arith.constant 1 : i32
      %scan3A_125:2 = scf.for %scan3A_127 = %scan3A_121 to %scan3A_123 step %scan3A_124 iter_args(%scan3A_128 = %scan3A_119, %scan3A_129 = %scan3A_120) -> (vector<16xf32>, vector<16xf32>)  : i32 {
        %mul3A_130 = arith.constant 16 : i32
        %mul3A_131 = arith.muli %scan3A_127, %mul3A_130 : i32
        %get3A_132 = arith.index_cast %scan3A_118 : i32 to index
        %get3A_133 = arith.index_cast %mul3A_131 : i32 to index
        %get3A_134 = tpu.vector_load %arg7[%get3A_132, %get3A_133] {strides = array<i32>} : memref<32x512xf32, #tpu.memory_space<vmem>>, vector<1x16xf32>,
        %get3A_135 = vector.shape_cast %get3A_134 : vector<1x16xf32> to vector<16xf32>
        %mul3A_136 = arith.constant 16 : i32
        %mul3A_137 = arith.muli %scan3A_127, %mul3A_136 : i32
        %get3A_138 = arith.index_cast %scan3A_118 : i32 to index
        %get3A_139 = arith.index_cast %mul3A_137 : i32 to index
        %get3A_140 = tpu.vector_load %arg8[%get3A_138, %get3A_139] {strides = array<i32>} : memref<32x512xf32, #tpu.memory_space<vmem>>, vector<1x16xf32>,
        %get3A_141 = vector.shape_cast %get3A_140 : vector<1x16xf32> to vector<16xf32>
        %bitcast_convert_type3A = tpu.bitcast %get3A_135 : vector<16xf32> -> vector<16xi32>
        %shift_right_logical3A = arith.constant 23 : i32
        %shift_right_logical3A_142 = vector.broadcast %shift_right_logical3A : i32 to vector<16xi32>
        %shift_right_logical3A_143 = arith.shrui %bitcast_convert_type3A, %shift_right_logical3A_142 : vector<16xi32>
        %sub3A_144 = arith.constant 127 : i32
        %sub3A_145 = vector.broadcast %sub3A_144 : i32 to vector<16xi32>
        %sub3A_146 = arith.subi %shift_right_logical3A_143, %sub3A_145 : vector<16xi32>
        %and3A_147 = arith.constant 8388607 : i32
        %and3A_148 = vector.broadcast %and3A_147 : i32 to vector<16xi32>
        %and3A_149 = arith.andi %bitcast_convert_type3A, %and3A_148 : vector<16xi32>
        %or3A = arith.constant 1065353216 : i32
        %or3A_150 = vector.broadcast %or3A : i32 to vector<16xi32>
        %or3A_151 = arith.ori %and3A_149, %or3A_150 : vector<16xi32>
        %bitcast_convert_type3A_152 = tpu.bitcast %or3A_151 : vector<16xi32> -> vector<16xf32>
        %sub3A_153 = arith.constant 1.000000e+00 : f32
        %sub3A_154 = vector.broadcast %sub3A_153 : f32 to vector<16xf32>
        %sub3A_155 = arith.subf %bitcast_convert_type3A_152, %sub3A_154 : vector<16xf32>
        %add3A_156 = arith.constant 1.000000e+00 : f32
        %add3A_157 = vector.broadcast %add3A_156 : f32 to vector<16xf32>
        %add3A_158 = arith.addf %bitcast_convert_type3A_152, %add3A_157 : vector<16xf32>
        %div3A_159 = arith.divf %sub3A_155, %add3A_158 : vector<16xf32>
        %mul3A_160 = arith.mulf %div3A_159, %div3A_159 : vector<16xf32>
        %mul3A_161 = arith.constant 0.111111112 : f32
        %mul3A_162 = vector.broadcast %mul3A_161 : f32 to vector<16xf32>
        %mul3A_163 = arith.mulf %mul3A_160, %mul3A_162 : vector<16xf32>
        %add3A_164 = arith.constant 0.142857149 : f32
        %add3A_165 = vector.broadcast %add3A_164 : f32 to vector<16xf32>
        %add3A_166 = arith.addf %mul3A_163, %add3A_165 : vector<16xf32>
        %mul3A_167 = arith.mulf %mul3A_160, %add3A_166 : vector<16xf32>
        %add3A_168 = arith.constant 2.000000e-01 : f32
        %add3A_169 = vector.broadcast %add3A_168 : f32 to vector<16xf32>
        %add3A_170 = arith.addf %mul3A_167, %add3A_169 : vector<16xf32>
        %mul3A_171 = arith.mulf %mul3A_160, %add3A_170 : vector<16xf32>
        %add3A_172 = arith.constant 0.333333343 : f32
        %add3A_173 = vector.broadcast %add3A_172 : f32 to vector<16xf32>
        %add3A_174 = arith.addf %mul3A_171, %add3A_173 : vector<16xf32>
        %mul3A_175 = arith.mulf %mul3A_160, %add3A_174 : vector<16xf32>
        %add3A_176 = arith.constant 1.000000e+00 : f32
        %add3A_177 = vector.broadcast %add3A_176 : f32 to vector<16xf32>
        %add3A_178 = arith.addf %mul3A_175, %add3A_177 : vector<16xf32>
        %convert_element_type3A = arith.sitofp %sub3A_146 : vector<16xi32> to vector<16xf32>
        %mul3A_179 = arith.constant 0.693147182 : f32
        %mul3A_180 = vector.broadcast %mul3A_179 : f32 to vector<16xf32>
        %mul3A_181 = arith.mulf %convert_element_type3A, %mul3A_180 : vector<16xf32>
        %mul3A_182 = arith.constant 2.000000e+00 : f32
        %mul3A_183 = vector.broadcast %mul3A_182 : f32 to vector<16xf32>
        %mul3A_184 = arith.mulf %mul3A_183, %div3A_159 : vector<16xf32>
        %mul3A_185 = arith.mulf %mul3A_184, %add3A_178 : vector<16xf32>
        %add3A_186 = arith.addf %mul3A_181, %mul3A_185 : vector<16xf32>
        %sub3A_187 = arith.constant 1.000000e+00 : f32
        %sub3A_188 = vector.broadcast %sub3A_187 : f32 to vector<16xf32>
        %sub3A_189 = arith.subf %sub3A_188, %get3A_135 : vector<16xf32>
        %bitcast_convert_type3A_190 = tpu.bitcast %sub3A_189 : vector<16xf32> -> vector<16xi32>
        %shift_right_logical3A_191 = arith.constant 23 : i32
        %shift_right_logical3A_192 = vector.broadcast %shift_right_logical3A_191 : i32 to vector<16xi32>
        %shift_right_logical3A_193 = arith.shrui %bitcast_convert_type3A_190, %shift_right_logical3A_192 : vector<16xi32>
        %sub3A_194 = arith.constant 127 : i32
        %sub3A_195 = vector.broadcast %sub3A_194 : i32 to vector<16xi32>
        %sub3A_196 = arith.subi %shift_right_logical3A_193, %sub3A_195 : vector<16xi32>
        %and3A_197 = arith.constant 8388607 : i32
        %and3A_198 = vector.broadcast %and3A_197 : i32 to vector<16xi32>
        %and3A_199 = arith.andi %bitcast_convert_type3A_190, %and3A_198 : vector<16xi32>
        %or3A_200 = arith.constant 1065353216 : i32
        %or3A_201 = vector.broadcast %or3A_200 : i32 to vector<16xi32>
        %or3A_202 = arith.ori %and3A_199, %or3A_201 : vector<16xi32>
        %bitcast_convert_type3A_203 = tpu.bitcast %or3A_202 : vector<16xi32> -> vector<16xf32>
        %sub3A_204 = arith.constant 1.000000e+00 : f32
        %sub3A_205 = vector.broadcast %sub3A_204 : f32 to vector<16xf32>
        %sub3A_206 = arith.subf %bitcast_convert_type3A_203, %sub3A_205 : vector<16xf32>
        %add3A_207 = arith.constant 1.000000e+00 : f32
        %add3A_208 = vector.broadcast %add3A_207 : f32 to vector<16xf32>
        %add3A_209 = arith.addf %bitcast_convert_type3A_203, %add3A_208 : vector<16xf32>
        %div3A_210 = arith.divf %sub3A_206, %add3A_209 : vector<16xf32>
        %mul3A_211 = arith.mulf %div3A_210, %div3A_210 : vector<16xf32>
        %mul3A_212 = arith.constant 0.111111112 : f32
        %mul3A_213 = vector.broadcast %mul3A_212 : f32 to vector<16xf32>
        %mul3A_214 = arith.mulf %mul3A_211, %mul3A_213 : vector<16xf32>
        %add3A_215 = arith.constant 0.142857149 : f32
        %add3A_216 = vector.broadcast %add3A_215 : f32 to vector<16xf32>
        %add3A_217 = arith.addf %mul3A_214, %add3A_216 : vector<16xf32>
        %mul3A_218 = arith.mulf %mul3A_211, %add3A_217 : vector<16xf32>
        %add3A_219 = arith.constant 2.000000e-01 : f32
        %add3A_220 = vector.broadcast %add3A_219 : f32 to vector<16xf32>
        %add3A_221 = arith.addf %mul3A_218, %add3A_220 : vector<16xf32>
        %mul3A_222 = arith.mulf %mul3A_211, %add3A_221 : vector<16xf32>
        %add3A_223 = arith.constant 0.333333343 : f32
        %add3A_224 = vector.broadcast %add3A_223 : f32 to vector<16xf32>
        %add3A_225 = arith.addf %mul3A_222, %add3A_224 : vector<16xf32>
        %mul3A_226 = arith.mulf %mul3A_211, %add3A_225 : vector<16xf32>
        %add3A_227 = arith.constant 1.000000e+00 : f32
        %add3A_228 = vector.broadcast %add3A_227 : f32 to vector<16xf32>
        %add3A_229 = arith.addf %mul3A_226, %add3A_228 : vector<16xf32>
        %convert_element_type3A_230 = arith.sitofp %sub3A_196 : vector<16xi32> to vector<16xf32>
        %mul3A_231 = arith.constant 0.693147182 : f32
        %mul3A_232 = vector.broadcast %mul3A_231 : f32 to vector<16xf32>
        %mul3A_233 = arith.mulf %convert_element_type3A_230, %mul3A_232 : vector<16xf32>
        %mul3A_234 = arith.constant 2.000000e+00 : f32
        %mul3A_235 = vector.broadcast %mul3A_234 : f32 to vector<16xf32>
        %mul3A_236 = arith.mulf %mul3A_235, %div3A_210 : vector<16xf32>
        %mul3A_237 = arith.mulf %mul3A_236, %add3A_229 : vector<16xf32>
        %add3A_238 = arith.addf %mul3A_233, %mul3A_237 : vector<16xf32>
        %sub3A_239 = arith.subf %add3A_186, %add3A_238 : vector<16xf32>
        %mul3A_240 = arith.mulf %get3A_141, %sub3A_239 : vector<16xf32>
        %add3A_241 = arith.addf %add3A_238, %mul3A_240 : vector<16xf32>
        %lt3A_242 = arith.cmpf olt, %get3A_135, %get3A_33 : vector<16xf32>
        %jit3A_243 = arith.constant 0.000000e+00 : f32
        %broadcast_in_dim3A_244 = vector.broadcast %jit3A_243 : f32 to vector<16xf32>
        %select_n3A_245 = arith.select %lt3A_242, %add3A_241, %broadcast_in_dim3A_244 : vector<16xi1>, vector<16xf32>
        %add3A_246 = arith.addf %scan3A_128, %select_n3A_245 : vector<16xf32>
        %jit3A_247 = arith.constant 1.000000e+00 : f32
        %jit3A_248 = arith.constant 0.000000e+00 : f32
        %broadcast_in_dim3A_249 = vector.broadcast %jit3A_247 : f32 to vector<16xf32>
        %broadcast_in_dim3A_250 = vector.broadcast %jit3A_248 : f32 to vector<16xf32>
        %select_n3A_251 = arith.select %lt3A_242, %broadcast_in_dim3A_249, %broadcast_in_dim3A_250 : vector<16xi1>, vector<16xf32>
        %add3A_252 = arith.addf %scan3A_129, %select_n3A_251 : vector<16xf32>
        scf.yield %add3A_246, %add3A_252 : vector<16xf32>, vector<16xf32>
      }
      %scan3A_126 = arith.constant 32 : i32
      scf.yield %scan3A_125#0, %scan3A_125#1 : vector<16xf32>, vector<16xf32>
    }
    %scan3A_104 = arith.constant 32 : i32
    %add3A_105 = arith.constant 224 : i32
    %add3A_106 = arith.addi %mul3A_32, %add3A_105 : i32
    %run_scoped3A_107 = arith.constant 0 : i32
    "tpu.region"() ({
      %run_scoped3A_118 = tpu.sem_alloc : memref<!tpu.dma_semaphore, #tpu.memory_space<semaphore_mem>>
      %dma_start3A = arith.constant 0 : i32
      %dma_start3A_119 = tpu.memref_slice %arg2[%select_n3A, %run_scoped3A_107, %add3A_106, %dma_start3A] : memref<16x1x512x512xf32, #tpu.memory_space<hbm>> -> memref<1x1x32x512xf32, #tpu.memory_space<hbm>>
      %dma_start3A_120 = tpu.memref_squeeze %dma_start3A_119 : memref<1x1x32x512xf32, #tpu.memory_space<hbm>> -> memref<32x512xf32, #tpu.memory_space<hbm>>
      %dma_start3A_121 = arith.constant 0 : i32
      %dma_start3A_122 = tpu.memref_slice %arg2[%select_n3A, %run_scoped3A_107, %add3A_106, %dma_start3A_121] : memref<16x1x512x512xf32, #tpu.memory_space<hbm>> -> memref<1x1x32x512xf32, #tpu.memory_space<hbm>>
      %dma_start3A_123 = tpu.memref_squeeze %dma_start3A_122 : memref<1x1x32x512xf32, #tpu.memory_space<hbm>> -> memref<32x512xf32, #tpu.memory_space<hbm>>
      tpu.enqueue_dma source(%dma_start3A_123 : memref<32x512xf32, #tpu.memory_space<hbm>>) target(%arg7 : memref<32x512xf32, #tpu.memory_space<vmem>>) target_semaphore(%run_scoped3A_118 : memref<!tpu.dma_semaphore, #tpu.memory_space<semaphore_mem>>)
      %dma_wait3A = arith.constant 0 : i32
      %dma_wait3A_124 = tpu.memref_slice %arg2[%select_n3A, %run_scoped3A_107, %add3A_106, %dma_wait3A] : memref<16x1x512x512xf32, #tpu.memory_space<hbm>> -> memref<1x1x32x512xf32, #tpu.memory_space<hbm>>
      %dma_wait3A_125 = tpu.memref_squeeze %dma_wait3A_124 : memref<1x1x32x512xf32, #tpu.memory_space<hbm>> -> memref<32x512xf32, #tpu.memory_space<hbm>>
      %dma_wait3A_126 = arith.constant 0 : i32
      %dma_wait3A_127 = tpu.memref_slice %arg2[%select_n3A, %run_scoped3A_107, %add3A_106, %dma_wait3A_126] : memref<16x1x512x512xf32, #tpu.memory_space<hbm>> -> memref<1x1x32x512xf32, #tpu.memory_space<hbm>>
      %dma_wait3A_128 = tpu.memref_squeeze %dma_wait3A_127 : memref<1x1x32x512xf32, #tpu.memory_space<hbm>> -> memref<32x512xf32, #tpu.memory_space<hbm>>
      tpu.wait_dma2 semaphore(%run_scoped3A_118 : memref<!tpu.dma_semaphore, #tpu.memory_space<semaphore_mem>>) src(%dma_wait3A_128 : memref<32x512xf32, #tpu.memory_space<hbm>>) dst(%arg7 : memref<32x512xf32, #tpu.memory_space<vmem>>)
      tpu.yield
    }) : () -> ()
    %run_scoped3A_108 = arith.constant 0 : i32
    "tpu.region"() ({
      %run_scoped3A_118 = tpu.sem_alloc : memref<!tpu.dma_semaphore, #tpu.memory_space<semaphore_mem>>
      %dma_start3A = arith.constant 0 : i32
      %dma_start3A_119 = tpu.memref_slice %arg3[%select_n3A, %run_scoped3A_108, %add3A_106, %dma_start3A] : memref<16x1x512x512xf32, #tpu.memory_space<hbm>> -> memref<1x1x32x512xf32, #tpu.memory_space<hbm>>
      %dma_start3A_120 = tpu.memref_squeeze %dma_start3A_119 : memref<1x1x32x512xf32, #tpu.memory_space<hbm>> -> memref<32x512xf32, #tpu.memory_space<hbm>>
      %dma_start3A_121 = arith.constant 0 : i32
      %dma_start3A_122 = tpu.memref_slice %arg3[%select_n3A, %run_scoped3A_108, %add3A_106, %dma_start3A_121] : memref<16x1x512x512xf32, #tpu.memory_space<hbm>> -> memref<1x1x32x512xf32, #tpu.memory_space<hbm>>
      %dma_start3A_123 = tpu.memref_squeeze %dma_start3A_122 : memref<1x1x32x512xf32, #tpu.memory_space<hbm>> -> memref<32x512xf32, #tpu.memory_space<hbm>>
      tpu.enqueue_dma source(%dma_start3A_123 : memref<32x512xf32, #tpu.memory_space<hbm>>) target(%arg8 : memref<32x512xf32, #tpu.memory_space<vmem>>) target_semaphore(%run_scoped3A_118 : memref<!tpu.dma_semaphore, #tpu.memory_space<semaphore_mem>>)
      %dma_wait3A = arith.constant 0 : i32
      %dma_wait3A_124 = tpu.memref_slice %arg3[%select_n3A, %run_scoped3A_108, %add3A_106, %dma_wait3A] : memref<16x1x512x512xf32, #tpu.memory_space<hbm>> -> memref<1x1x32x512xf32, #tpu.memory_space<hbm>>
      %dma_wait3A_125 = tpu.memref_squeeze %dma_wait3A_124 : memref<1x1x32x512xf32, #tpu.memory_space<hbm>> -> memref<32x512xf32, #tpu.memory_space<hbm>>
      %dma_wait3A_126 = arith.constant 0 : i32
      %dma_wait3A_127 = tpu.memref_slice %arg3[%select_n3A, %run_scoped3A_108, %add3A_106, %dma_wait3A_126] : memref<16x1x512x512xf32, #tpu.memory_space<hbm>> -> memref<1x1x32x512xf32, #tpu.memory_space<hbm>>
      %dma_wait3A_128 = tpu.memref_squeeze %dma_wait3A_127 : memref<1x1x32x512xf32, #tpu.memory_space<hbm>> -> memref<32x512xf32, #tpu.memory_space<hbm>>
      tpu.wait_dma2 semaphore(%run_scoped3A_118 : memref<!tpu.dma_semaphore, #tpu.memory_space<semaphore_mem>>) src(%dma_wait3A_128 : memref<32x512xf32, #tpu.memory_space<hbm>>) dst(%arg8 : memref<32x512xf32, #tpu.memory_space<vmem>>)
      tpu.yield
    }) : () -> ()
    %scan3A_109 = arith.constant 0 : i32
    %scan3A_110 = arith.constant 32 : i32
    %scan3A_111 = arith.addi %scan3A_109, %scan3A_110 : i32
    %scan3A_112 = arith.constant 1 : i32
    %scan3A_113:2 = scf.for %scan3A_118 = %scan3A_109 to %scan3A_111 step %scan3A_112 iter_args(%scan3A_119 = %scan3A_103#0, %scan3A_120 = %scan3A_103#1) -> (vector<16xf32>, vector<16xf32>)  : i32 {
      %scan3A_121 = arith.constant 0 : i32
      %scan3A_122 = arith.constant 32 : i32
      %scan3A_123 = arith.addi %scan3A_121, %scan3A_122 : i32
      %scan3A_124 = arith.constant 1 : i32
      %scan3A_125:2 = scf.for %scan3A_127 = %scan3A_121 to %scan3A_123 step %scan3A_124 iter_args(%scan3A_128 = %scan3A_119, %scan3A_129 = %scan3A_120) -> (vector<16xf32>, vector<16xf32>)  : i32 {
        %mul3A_130 = arith.constant 16 : i32
        %mul3A_131 = arith.muli %scan3A_127, %mul3A_130 : i32
        %get3A_132 = arith.index_cast %scan3A_118 : i32 to index
        %get3A_133 = arith.index_cast %mul3A_131 : i32 to index
        %get3A_134 = tpu.vector_load %arg7[%get3A_132, %get3A_133] {strides = array<i32>} : memref<32x512xf32, #tpu.memory_space<vmem>>, vector<1x16xf32>,
        %get3A_135 = vector.shape_cast %get3A_134 : vector<1x16xf32> to vector<16xf32>
        %mul3A_136 = arith.constant 16 : i32
        %mul3A_137 = arith.muli %scan3A_127, %mul3A_136 : i32
        %get3A_138 = arith.index_cast %scan3A_118 : i32 to index
        %get3A_139 = arith.index_cast %mul3A_137 : i32 to index
        %get3A_140 = tpu.vector_load %arg8[%get3A_138, %get3A_139] {strides = array<i32>} : memref<32x512xf32, #tpu.memory_space<vmem>>, vector<1x16xf32>,
        %get3A_141 = vector.shape_cast %get3A_140 : vector<1x16xf32> to vector<16xf32>
        %bitcast_convert_type3A = tpu.bitcast %get3A_135 : vector<16xf32> -> vector<16xi32>
        %shift_right_logical3A = arith.constant 23 : i32
        %shift_right_logical3A_142 = vector.broadcast %shift_right_logical3A : i32 to vector<16xi32>
        %shift_right_logical3A_143 = arith.shrui %bitcast_convert_type3A, %shift_right_logical3A_142 : vector<16xi32>
        %sub3A_144 = arith.constant 127 : i32
        %sub3A_145 = vector.broadcast %sub3A_144 : i32 to vector<16xi32>
        %sub3A_146 = arith.subi %shift_right_logical3A_143, %sub3A_145 : vector<16xi32>
        %and3A_147 = arith.constant 8388607 : i32
        %and3A_148 = vector.broadcast %and3A_147 : i32 to vector<16xi32>
        %and3A_149 = arith.andi %bitcast_convert_type3A, %and3A_148 : vector<16xi32>
        %or3A = arith.constant 1065353216 : i32
        %or3A_150 = vector.broadcast %or3A : i32 to vector<16xi32>
        %or3A_151 = arith.ori %and3A_149, %or3A_150 : vector<16xi32>
        %bitcast_convert_type3A_152 = tpu.bitcast %or3A_151 : vector<16xi32> -> vector<16xf32>
        %sub3A_153 = arith.constant 1.000000e+00 : f32
        %sub3A_154 = vector.broadcast %sub3A_153 : f32 to vector<16xf32>
        %sub3A_155 = arith.subf %bitcast_convert_type3A_152, %sub3A_154 : vector<16xf32>
        %add3A_156 = arith.constant 1.000000e+00 : f32
        %add3A_157 = vector.broadcast %add3A_156 : f32 to vector<16xf32>
        %add3A_158 = arith.addf %bitcast_convert_type3A_152, %add3A_157 : vector<16xf32>
        %div3A_159 = arith.divf %sub3A_155, %add3A_158 : vector<16xf32>
        %mul3A_160 = arith.mulf %div3A_159, %div3A_159 : vector<16xf32>
        %mul3A_161 = arith.constant 0.111111112 : f32
        %mul3A_162 = vector.broadcast %mul3A_161 : f32 to vector<16xf32>
        %mul3A_163 = arith.mulf %mul3A_160, %mul3A_162 : vector<16xf32>
        %add3A_164 = arith.constant 0.142857149 : f32
        %add3A_165 = vector.broadcast %add3A_164 : f32 to vector<16xf32>
        %add3A_166 = arith.addf %mul3A_163, %add3A_165 : vector<16xf32>
        %mul3A_167 = arith.mulf %mul3A_160, %add3A_166 : vector<16xf32>
        %add3A_168 = arith.constant 2.000000e-01 : f32
        %add3A_169 = vector.broadcast %add3A_168 : f32 to vector<16xf32>
        %add3A_170 = arith.addf %mul3A_167, %add3A_169 : vector<16xf32>
        %mul3A_171 = arith.mulf %mul3A_160, %add3A_170 : vector<16xf32>
        %add3A_172 = arith.constant 0.333333343 : f32
        %add3A_173 = vector.broadcast %add3A_172 : f32 to vector<16xf32>
        %add3A_174 = arith.addf %mul3A_171, %add3A_173 : vector<16xf32>
        %mul3A_175 = arith.mulf %mul3A_160, %add3A_174 : vector<16xf32>
        %add3A_176 = arith.constant 1.000000e+00 : f32
        %add3A_177 = vector.broadcast %add3A_176 : f32 to vector<16xf32>
        %add3A_178 = arith.addf %mul3A_175, %add3A_177 : vector<16xf32>
        %convert_element_type3A = arith.sitofp %sub3A_146 : vector<16xi32> to vector<16xf32>
        %mul3A_179 = arith.constant 0.693147182 : f32
        %mul3A_180 = vector.broadcast %mul3A_179 : f32 to vector<16xf32>
        %mul3A_181 = arith.mulf %convert_element_type3A, %mul3A_180 : vector<16xf32>
        %mul3A_182 = arith.constant 2.000000e+00 : f32
        %mul3A_183 = vector.broadcast %mul3A_182 : f32 to vector<16xf32>
        %mul3A_184 = arith.mulf %mul3A_183, %div3A_159 : vector<16xf32>
        %mul3A_185 = arith.mulf %mul3A_184, %add3A_178 : vector<16xf32>
        %add3A_186 = arith.addf %mul3A_181, %mul3A_185 : vector<16xf32>
        %sub3A_187 = arith.constant 1.000000e+00 : f32
        %sub3A_188 = vector.broadcast %sub3A_187 : f32 to vector<16xf32>
        %sub3A_189 = arith.subf %sub3A_188, %get3A_135 : vector<16xf32>
        %bitcast_convert_type3A_190 = tpu.bitcast %sub3A_189 : vector<16xf32> -> vector<16xi32>
        %shift_right_logical3A_191 = arith.constant 23 : i32
        %shift_right_logical3A_192 = vector.broadcast %shift_right_logical3A_191 : i32 to vector<16xi32>
        %shift_right_logical3A_193 = arith.shrui %bitcast_convert_type3A_190, %shift_right_logical3A_192 : vector<16xi32>
        %sub3A_194 = arith.constant 127 : i32
        %sub3A_195 = vector.broadcast %sub3A_194 : i32 to vector<16xi32>
        %sub3A_196 = arith.subi %shift_right_logical3A_193, %sub3A_195 : vector<16xi32>
        %and3A_197 = arith.constant 8388607 : i32
        %and3A_198 = vector.broadcast %and3A_197 : i32 to vector<16xi32>
        %and3A_199 = arith.andi %bitcast_convert_type3A_190, %and3A_198 : vector<16xi32>
        %or3A_200 = arith.constant 1065353216 : i32
        %or3A_201 = vector.broadcast %or3A_200 : i32 to vector<16xi32>
        %or3A_202 = arith.ori %and3A_199, %or3A_201 : vector<16xi32>
        %bitcast_convert_type3A_203 = tpu.bitcast %or3A_202 : vector<16xi32> -> vector<16xf32>
        %sub3A_204 = arith.constant 1.000000e+00 : f32
        %sub3A_205 = vector.broadcast %sub3A_204 : f32 to vector<16xf32>
        %sub3A_206 = arith.subf %bitcast_convert_type3A_203, %sub3A_205 : vector<16xf32>
        %add3A_207 = arith.constant 1.000000e+00 : f32
        %add3A_208 = vector.broadcast %add3A_207 : f32 to vector<16xf32>
        %add3A_209 = arith.addf %bitcast_convert_type3A_203, %add3A_208 : vector<16xf32>
        %div3A_210 = arith.divf %sub3A_206, %add3A_209 : vector<16xf32>
        %mul3A_211 = arith.mulf %div3A_210, %div3A_210 : vector<16xf32>
        %mul3A_212 = arith.constant 0.111111112 : f32
        %mul3A_213 = vector.broadcast %mul3A_212 : f32 to vector<16xf32>
        %mul3A_214 = arith.mulf %mul3A_211, %mul3A_213 : vector<16xf32>
        %add3A_215 = arith.constant 0.142857149 : f32
        %add3A_216 = vector.broadcast %add3A_215 : f32 to vector<16xf32>
        %add3A_217 = arith.addf %mul3A_214, %add3A_216 : vector<16xf32>
        %mul3A_218 = arith.mulf %mul3A_211, %add3A_217 : vector<16xf32>
        %add3A_219 = arith.constant 2.000000e-01 : f32
        %add3A_220 = vector.broadcast %add3A_219 : f32 to vector<16xf32>
        %add3A_221 = arith.addf %mul3A_218, %add3A_220 : vector<16xf32>
        %mul3A_222 = arith.mulf %mul3A_211, %add3A_221 : vector<16xf32>
        %add3A_223 = arith.constant 0.333333343 : f32
        %add3A_224 = vector.broadcast %add3A_223 : f32 to vector<16xf32>
        %add3A_225 = arith.addf %mul3A_222, %add3A_224 : vector<16xf32>
        %mul3A_226 = arith.mulf %mul3A_211, %add3A_225 : vector<16xf32>
        %add3A_227 = arith.constant 1.000000e+00 : f32
        %add3A_228 = vector.broadcast %add3A_227 : f32 to vector<16xf32>
        %add3A_229 = arith.addf %mul3A_226, %add3A_228 : vector<16xf32>
        %convert_element_type3A_230 = arith.sitofp %sub3A_196 : vector<16xi32> to vector<16xf32>
        %mul3A_231 = arith.constant 0.693147182 : f32
        %mul3A_232 = vector.broadcast %mul3A_231 : f32 to vector<16xf32>
        %mul3A_233 = arith.mulf %convert_element_type3A_230, %mul3A_232 : vector<16xf32>
        %mul3A_234 = arith.constant 2.000000e+00 : f32
        %mul3A_235 = vector.broadcast %mul3A_234 : f32 to vector<16xf32>
        %mul3A_236 = arith.mulf %mul3A_235, %div3A_210 : vector<16xf32>
        %mul3A_237 = arith.mulf %mul3A_236, %add3A_229 : vector<16xf32>
        %add3A_238 = arith.addf %mul3A_233, %mul3A_237 : vector<16xf32>
        %sub3A_239 = arith.subf %add3A_186, %add3A_238 : vector<16xf32>
        %mul3A_240 = arith.mulf %get3A_141, %sub3A_239 : vector<16xf32>
        %add3A_241 = arith.addf %add3A_238, %mul3A_240 : vector<16xf32>
        %lt3A_242 = arith.cmpf olt, %get3A_135, %get3A_33 : vector<16xf32>
        %jit3A_243 = arith.constant 0.000000e+00 : f32
        %broadcast_in_dim3A_244 = vector.broadcast %jit3A_243 : f32 to vector<16xf32>
        %select_n3A_245 = arith.select %lt3A_242, %add3A_241, %broadcast_in_dim3A_244 : vector<16xi1>, vector<16xf32>
        %add3A_246 = arith.addf %scan3A_128, %select_n3A_245 : vector<16xf32>
        %jit3A_247 = arith.constant 1.000000e+00 : f32
        %jit3A_248 = arith.constant 0.000000e+00 : f32
        %broadcast_in_dim3A_249 = vector.broadcast %jit3A_247 : f32 to vector<16xf32>
        %broadcast_in_dim3A_250 = vector.broadcast %jit3A_248 : f32 to vector<16xf32>
        %select_n3A_251 = arith.select %lt3A_242, %broadcast_in_dim3A_249, %broadcast_in_dim3A_250 : vector<16xi1>, vector<16xf32>
        %add3A_252 = arith.addf %scan3A_129, %select_n3A_251 : vector<16xf32>
        scf.yield %add3A_246, %add3A_252 : vector<16xf32>, vector<16xf32>
      }
      %scan3A_126 = arith.constant 32 : i32
      scf.yield %scan3A_125#0, %scan3A_125#1 : vector<16xf32>, vector<16xf32>
    }
    %scan3A_114 = arith.constant 32 : i32
    %swap3A = arith.constant 0 : index
    %swap3A_115 = tpu.vector_load %arg10[%swap3A] {strides = array<i32>} : memref<16xf32, #tpu.memory_space<vmem>>, vector<16xf32>,
    tpu.vector_store %arg10[%swap3A], %scan3A_113#0 {strides = array<i32>} : memref<16xf32, #tpu.memory_space<vmem>>, vector<16xf32>,
    %swap3A_116 = arith.constant 0 : index
    %swap3A_117 = tpu.vector_load %arg11[%swap3A_116] {strides = array<i32>} : memref<16xf32, #tpu.memory_space<vmem>>, vector<16xf32>,
    tpu.vector_store %arg11[%swap3A_116], %scan3A_113#1 {strides = array<i32>} : memref<16xf32, #tpu.memory_space<vmem>>, vector<16xf32>,
    "tpu.region"() ({
      %run_scoped3A_118 = tpu.sem_alloc : memref<!tpu.dma_semaphore, #tpu.memory_space<semaphore_mem>>
      %dma_start3A = arith.constant 0 : i32
      %dma_start3A_119 = tpu.memref_slice %arg5[%add3A, %dma_start3A] : memref<32x16xf32, #tpu.memory_space<hbm>> -> memref<1x16xf32, #tpu.memory_space<hbm>>
      %dma_start3A_120 = tpu.memref_squeeze %dma_start3A_119 : memref<1x16xf32, #tpu.memory_space<hbm>> -> memref<16xf32, #tpu.memory_space<hbm>>
      %dma_start3A_121 = arith.constant 0 : i32
      %dma_start3A_122 = tpu.memref_slice %arg5[%add3A, %dma_start3A_121] : memref<32x16xf32, #tpu.memory_space<hbm>> -> memref<1x16xf32, #tpu.memory_space<hbm>>
      %dma_start3A_123 = tpu.memref_squeeze %dma_start3A_122 : memref<1x16xf32, #tpu.memory_space<hbm>> -> memref<16xf32, #tpu.memory_space<hbm>>
      tpu.enqueue_dma source(%arg10 : memref<16xf32, #tpu.memory_space<vmem>>) target(%dma_start3A_123 : memref<16xf32, #tpu.memory_space<hbm>>) target_semaphore(%run_scoped3A_118 : memref<!tpu.dma_semaphore, #tpu.memory_space<semaphore_mem>>)
      %dma_wait3A = arith.constant 0 : i32
      %dma_wait3A_124 = tpu.memref_slice %arg5[%add3A, %dma_wait3A] : memref<32x16xf32, #tpu.memory_space<hbm>> -> memref<1x16xf32, #tpu.memory_space<hbm>>
      %dma_wait3A_125 = tpu.memref_squeeze %dma_wait3A_124 : memref<1x16xf32, #tpu.memory_space<hbm>> -> memref<16xf32, #tpu.memory_space<hbm>>
      %dma_wait3A_126 = arith.constant 0 : i32
      %dma_wait3A_127 = tpu.memref_slice %arg5[%add3A, %dma_wait3A_126] : memref<32x16xf32, #tpu.memory_space<hbm>> -> memref<1x16xf32, #tpu.memory_space<hbm>>
      %dma_wait3A_128 = tpu.memref_squeeze %dma_wait3A_127 : memref<1x16xf32, #tpu.memory_space<hbm>> -> memref<16xf32, #tpu.memory_space<hbm>>
      tpu.wait_dma2 semaphore(%run_scoped3A_118 : memref<!tpu.dma_semaphore, #tpu.memory_space<semaphore_mem>>) src(%arg10 : memref<16xf32, #tpu.memory_space<vmem>>) dst(%dma_wait3A_128 : memref<16xf32, #tpu.memory_space<hbm>>)
      tpu.yield
    }) : () -> ()
    "tpu.region"() ({
      %run_scoped3A_118 = tpu.sem_alloc : memref<!tpu.dma_semaphore, #tpu.memory_space<semaphore_mem>>
      %dma_start3A = arith.constant 0 : i32
      %dma_start3A_119 = tpu.memref_slice %arg6[%add3A, %dma_start3A] : memref<32x16xf32, #tpu.memory_space<hbm>> -> memref<1x16xf32, #tpu.memory_space<hbm>>
      %dma_start3A_120 = tpu.memref_squeeze %dma_start3A_119 : memref<1x16xf32, #tpu.memory_space<hbm>> -> memref<16xf32, #tpu.memory_space<hbm>>
      %dma_start3A_121 = arith.constant 0 : i32
      %dma_start3A_122 = tpu.memref_slice %arg6[%add3A, %dma_start3A_121] : memref<32x16xf32, #tpu.memory_space<hbm>> -> memref<1x16xf32, #tpu.memory_space<hbm>>
      %dma_start3A_123 = tpu.memref_squeeze %dma_start3A_122 : memref<1x16xf32, #tpu.memory_space<hbm>> -> memref<16xf32, #tpu.memory_space<hbm>>
      tpu.enqueue_dma source(%arg11 : memref<16xf32, #tpu.memory_space<vmem>>) target(%dma_start3A_123 : memref<16xf32, #tpu.memory_space<hbm>>) target_semaphore(%run_scoped3A_118 : memref<!tpu.dma_semaphore, #tpu.memory_space<semaphore_mem>>)
      %dma_wait3A = arith.constant 0 : i32
      %dma_wait3A_124 = tpu.memref_slice %arg6[%add3A, %dma_wait3A] : memref<32x16xf32, #tpu.memory_space<hbm>> -> memref<1x16xf32, #tpu.memory_space<hbm>>
      %dma_wait3A_125 = tpu.memref_squeeze %dma_wait3A_124 : memref<1x16xf32, #tpu.memory_space<hbm>> -> memref<16xf32, #tpu.memory_space<hbm>>
      %dma_wait3A_126 = arith.constant 0 : i32
      %dma_wait3A_127 = tpu.memref_slice %arg6[%add3A, %dma_wait3A_126] : memref<32x16xf32, #tpu.memory_space<hbm>> -> memref<1x16xf32, #tpu.memory_space<hbm>>
      %dma_wait3A_128 = tpu.memref_squeeze %dma_wait3A_127 : memref<1x16xf32, #tpu.memory_space<hbm>> -> memref<16xf32, #tpu.memory_space<hbm>>
      tpu.wait_dma2 semaphore(%run_scoped3A_118 : memref<!tpu.dma_semaphore, #tpu.memory_space<semaphore_mem>>) src(%arg11 : memref<16xf32, #tpu.memory_space<vmem>>) dst(%dma_wait3A_128 : memref<16xf32, #tpu.memory_space<hbm>>)
      tpu.yield
    }) : () -> ()
    return
  }
}

module attributes {stable_mosaic.version = 14 : i64} {
  func.func @_tc_body(%arg0: i32, %arg1: memref<1x1x512x512xf32, #tpu.memory_space<vmem>>, %arg2: memref<1x1x512x512xf32, #tpu.memory_space<vmem>>, %arg3: memref<1x1xf32, #tpu.memory_space<smem>>, %arg4: memref<1x1xf32, #tpu.memory_space<smem>>) attributes {dimension_semantics = [#tpu.dimension_semantics<arbitrary>], iteration_bounds = array<i64: 12>, scalar_prefetch = 0 : i64, scratch_operands = 0 : i64, tpu.core_type = #tpu.core_type<tc>, window_params = [{transform_indices = @transform_0, window_bounds = array<i64: 1, 1, 512, 512>}, {transform_indices = @transform_1, window_bounds = array<i64: 1, 1, 512, 512>}, {transform_indices = @transform_2, window_bounds = array<i64: 1, 1>}, {transform_indices = @transform_3, window_bounds = array<i64: 1, 1>}]} {
    %get3A = arith.constant 0 : index
    %get3A_0 = arith.constant 0 : index
    %get3A_1 = arith.constant 0 : index
    %get3A_2 = arith.constant 0 : index
    %get3A_3 = vector.load %arg1[%get3A, %get3A_0, %get3A_1, %get3A_2] : memref<1x1x512x512xf32, #tpu.memory_space<vmem>>, vector<1x1x512x512xf32>
    %get3A_4 = vector.shape_cast %get3A_3 : vector<1x1x512x512xf32> to vector<512x512xf32>
    %get3A_5 = arith.constant 0 : index
    %get3A_6 = arith.constant 0 : index
    %get3A_7 = arith.constant 0 : index
    %get3A_8 = arith.constant 0 : index
    %get3A_9 = vector.load %arg2[%get3A_5, %get3A_6, %get3A_7, %get3A_8] : memref<1x1x512x512xf32, #tpu.memory_space<vmem>>, vector<1x1x512x512xf32>
    %get3A_10 = vector.shape_cast %get3A_9 : vector<1x1x512x512xf32> to vector<512x512xf32>
    %log3A = math.log %get3A_4 : vector<512x512xf32>
    %neg3A = arith.constant 0.000000e+00 : f32
    %neg3A_11 = vector.broadcast %neg3A : f32 to vector<512x512xf32>
    %neg3A_12 = arith.subf %neg3A_11, %get3A_4 : vector<512x512xf32>
    %log1p3A = math.log1p %neg3A_12 : vector<512x512xf32>
    %sub3A = arith.subf %log3A, %log1p3A : vector<512x512xf32>
    %mul3A = arith.mulf %get3A_10, %sub3A : vector<512x512xf32>
    %add3A = arith.addf %log1p3A, %mul3A : vector<512x512xf32>
    %lt3A = arith.constant 0.699999988 : f32
    %lt3A_13 = vector.broadcast %lt3A : f32 to vector<512x512xf32>
    %lt3A_14 = arith.cmpf olt, %get3A_4, %lt3A_13 : vector<512x512xf32>
    %jit3A = arith.constant 0.000000e+00 : f32
    %broadcast_in_dim3A = vector.broadcast %jit3A : f32 to vector<512x512xf32>
    %select_n3A = arith.select %lt3A_14, %add3A, %broadcast_in_dim3A : vector<512x512xi1>, vector<512x512xf32>
    %reduce_sum3A = vector.shape_cast %select_n3A : vector<512x512xf32> to vector<1x512x512xf32>
    %reduce_sum3A_15 = arith.constant dense<0.000000e+00> : vector<1xf32>
    %reduce_sum3A_16 = vector.multi_reduction <add>, %reduce_sum3A, %reduce_sum3A_15 [1, 2] : vector<1x512x512xf32> to vector<1xf32>
    %reduce_sum3A_17 = vector.shape_cast %reduce_sum3A_16 : vector<1xf32> to vector<1x1x1xf32>
    %reduce_sum3A_18 = vector.extract %reduce_sum3A_17[0, 0, 0] : f32 from vector<1x1x1xf32>
    %convert_element_type3A = arith.extui %lt3A_14 : vector<512x512xi1> to vector<512x512xi32>
    %convert_element_type3A_19 = arith.sitofp %convert_element_type3A : vector<512x512xi32> to vector<512x512xf32>
    %reduce_sum3A_20 = vector.shape_cast %convert_element_type3A_19 : vector<512x512xf32> to vector<1x512x512xf32>
    %reduce_sum3A_21 = arith.constant dense<0.000000e+00> : vector<1xf32>
    %reduce_sum3A_22 = vector.multi_reduction <add>, %reduce_sum3A_20, %reduce_sum3A_21 [1, 2] : vector<1x512x512xf32> to vector<1xf32>
    %reduce_sum3A_23 = vector.shape_cast %reduce_sum3A_22 : vector<1xf32> to vector<1x1x1xf32>
    %reduce_sum3A_24 = vector.extract %reduce_sum3A_23[0, 0, 0] : f32 from vector<1x1x1xf32>
    %eq3A = arith.constant 0 : i32
    %eq3A_25 = arith.cmpi eq, %arg0, %eq3A : i32
    %convert_element_type3A_26 = arith.extui %eq3A_25 : i1 to i32
    %cond3A = arith.constant 0 : i32
    %cond3A_27 = arith.cmpi ne, %convert_element_type3A_26, %cond3A : i32
    scf.if %cond3A_27 {
      %swap3A_41 = arith.constant 0.000000e+00 : f32
      %swap3A_42 = arith.constant 0 : index
      %swap3A_43 = arith.constant 0 : index
      %swap3A_44 = memref.load %arg3[%swap3A_42, %swap3A_43] : memref<1x1xf32, #tpu.memory_space<smem>>
      memref.store %swap3A_41, %arg3[%swap3A_42, %swap3A_43] : memref<1x1xf32, #tpu.memory_space<smem>>
      %swap3A_45 = arith.constant 0.000000e+00 : f32
      %swap3A_46 = arith.constant 0 : index
      %swap3A_47 = arith.constant 0 : index
      %swap3A_48 = memref.load %arg4[%swap3A_46, %swap3A_47] : memref<1x1xf32, #tpu.memory_space<smem>>
      memref.store %swap3A_45, %arg4[%swap3A_46, %swap3A_47] : memref<1x1xf32, #tpu.memory_space<smem>>
    } else {
    }
    %get3A_28 = arith.constant 0 : index
    %get3A_29 = arith.constant 0 : index
    %get3A_30 = memref.load %arg3[%get3A_28, %get3A_29] : memref<1x1xf32, #tpu.memory_space<smem>>
    %add3A_31 = arith.addf %get3A_30, %reduce_sum3A_18 : f32
    %swap3A = arith.constant 0 : index
    %swap3A_32 = arith.constant 0 : index
    %swap3A_33 = memref.load %arg3[%swap3A, %swap3A_32] : memref<1x1xf32, #tpu.memory_space<smem>>
    memref.store %add3A_31, %arg3[%swap3A, %swap3A_32] : memref<1x1xf32, #tpu.memory_space<smem>>
    %get3A_34 = arith.constant 0 : index
    %get3A_35 = arith.constant 0 : index
    %get3A_36 = memref.load %arg4[%get3A_34, %get3A_35] : memref<1x1xf32, #tpu.memory_space<smem>>
    %add3A_37 = arith.addf %get3A_36, %reduce_sum3A_24 : f32
    %swap3A_38 = arith.constant 0 : index
    %swap3A_39 = arith.constant 0 : index
    %swap3A_40 = memref.load %arg4[%swap3A_38, %swap3A_39] : memref<1x1xf32, #tpu.memory_space<smem>>
    memref.store %add3A_37, %arg4[%swap3A_38, %swap3A_39] : memref<1x1xf32, #tpu.memory_space<smem>>
    return
  }
  func.func @transform_0(%arg0: i32) -> (i32, i32, i32, i32) {
    %add3A = arith.constant 4 : i32
    %add3A_0 = arith.addi %add3A, %arg0 : i32
    %c0_i32 = arith.constant 0 : i32
    %c0_i32_1 = arith.constant 0 : i32
    %c0_i32_2 = arith.constant 0 : i32
    %c0_i32_3 = arith.constant 0 : i32
    return %add3A_0, %c0_i32, %c0_i32_1, %c0_i32_2 : i32, i32, i32, i32
  }
  func.func @transform_1(%arg0: i32) -> (i32, i32, i32, i32) {
    %add3A = arith.constant 4 : i32
    %add3A_0 = arith.addi %add3A, %arg0 : i32
    %c0_i32 = arith.constant 0 : i32
    %c0_i32_1 = arith.constant 0 : i32
    %c0_i32_2 = arith.constant 0 : i32
    %c0_i32_3 = arith.constant 0 : i32
    return %add3A_0, %c0_i32, %c0_i32_1, %c0_i32_2 : i32, i32, i32, i32
  }
  func.func @transform_2(%arg0: i32) -> (i32, i32) {
    %c0_i32 = arith.constant 0 : i32
    %c0_i32_0 = arith.constant 0 : i32
    %c0_i32_1 = arith.constant 0 : i32
    return %c0_i32, %c0_i32_0 : i32, i32
  }
  func.func @transform_3(%arg0: i32) -> (i32, i32) {
    %c0_i32 = arith.constant 0 : i32
    %c0_i32_0 = arith.constant 0 : i32
    %c0_i32_1 = arith.constant 0 : i32
    return %c0_i32, %c0_i32_0 : i32, i32
  }
}

</mosaic_0001>

<sc_bundles>
// kernel: body.8.cloned.1.call-start
scs
__scs_entry_jumppad:
0x0: {  	(pc) =	sbr.rel $0x88, $3  }
0x1: {  	(tag) =	ssettag $0x0;
	lr =	simm.s32 $0x1  }
0x2: {  	[smem:$0x3F9F] =	sst lr;
	_ =	strace $0xD0000000  }
0x3: {  	_ = 	snop  }
0x4: {  	_ = 	snop  }
0x5: {  	_ = 	snop  }
0x6: {  	_ = 	snop  }
0x7: {  	_ = 	snop  }
__scs_overlays_trampoline_lowered:
0x8: {  	[smem:$0x3FAE] =	sst s0  }
0x9: {  	[smem:$0x3FAF] =	sst s1  }
0xa: {  	[smem:$0x3FB0] =	sst s2  }
0xb: {  	[smem:$0x3FB1] =	sst s3  }
0xc: {  	[smem:$0x3FB2] =	sst s4  }
0xd: {  	[smem:$0x3FB3] =	sst s5  }
0xe: {  	[smem:$0x3FB4] =	sst s6  }
0xf: {  	[smem:$0x3FB5] =	sst s7  }
0x10: {  	[smem:$0x3FB6] =	sst s8  }
0x11: {  	[smem:$0x3FB7] =	sst s9;
	s0 =	simm.s32 @!p0 $0x0  }
0x12: {  	s1 =	sld [smem:$0x3F9D];
	s0 =	simm.s32 @p0 $0x1  }
0x13: {  	[smem:$0x3FB8] =	sst s0;
	s0 =	simm.s32 @!p1 $0x0  }
0x14: {  	s2 =	sld [smem:$0x3F9C];
	s0 =	simm.s32 @p1 $0x1  }
0x15: {  	[smem:$0x3FB9] =	sst s0;
	s0 =	simm.s32 @!p2 $0x0  }
0x16: {  	s3 =	sld [smem:$0x3FDB];
	s0 =	simm.s32 @p2 $0x1  }
0x17: {  	s4 =	simm.s32 $0x1BF5;
	[smem:$0x3FBB] =	sst s0  }
0x18: {  	s0 =	sld [smem:$0x3F9E];
	_ =	swait.ge [sflag:s4], $0x0  }
0x19: {  	s7 =	sld [smem:$0x3F9F]  }
0x1a: {  	s8 =	sadd.s32 $0xFFFFE003, lr  }
0x1b: {  	s9 =	sadd.s32 $0xFFFFFEF7, lr;
	s5 =	simm.s32 $0xFFFFFFFF;
	p2 =	slt.u32 s8, $0xFFFFF086  }
0x1c: {  	p1 =	slt.u32 s9, $0xF7A;
	s5 =	simm.s32 @!p2 $0x0  }
0x1d: {  	s5 =	simm.s32 @p1 $0x1;
	p0 =	seq.s32 s7, s2  }
0x1e: {  	s7 =	smul.u32 @!p0 $0xF7A, s2;
	p2 =	seq.s32 @!p0 s5, $0x0  }
0x1f: {  	s9 =	smul.u32 $0xF7A, s1;
	s8 =	simm.s32 @!p0 $0x1BF5;
	p2 =	por !p2, p0  }
0x20: {  	[sflag:s8] =	ssyncset.s32 @!p0 $0xFFFFF086;
	s6 =	sadd.s32 @!p0 s3, s7;
	s7 =	simm.s32 @!p0 $0x108  }
0x21: {  	s3 =	sadd.s32 s3, s9;
	s6 =	sadd.s32 @!p0 $0x88, s6;
	s7 =	simm.s32 @p2 $0x1082  }
0x22: {  	[simem:s7], [sflag:s8] =	dma.local @!p0 [hbm:s6], $0xF7A  }
0x23: {  	s9 =	sor.u32 $0xD0000000, s2;
	s6 =	simm.s32 $0x108;
	_ =	swait.ge @!p0 [sflag:s8], $0x0  }
0x24: {  	s3 =	sadd.s32 $0x88, s3;
	s6 =	simm.s32 @!p1 $0x1082;
	[sflag:s4] =	ssyncset.s32 $0xFFFFF086  }
0x25: {  	[simem:s6], [sflag:s4] =	dma.local [hbm:s3], $0xF7A  }
0x26: {  	[smem:$0x3F9F] =	sst s1;
	(tag) =	ssettag s2;
	_ =	strace s9  }
0x27: {  	s1 =	sld [smem:$0x3FAF]  }
0x28: {  	s2 =	sld [smem:$0x3FB0]  }
0x29: {  	s4 =	sld [smem:$0x3FB2]  }
0x2a: {  	p0 =	seq.s32 s5, $0x0;
	s5 =	sld [smem:$0x3FB3]  }
0x2b: {  	s6 =	sld [smem:$0x3FB4]  }
0x2c: {  	s7 =	sld [smem:$0x3FB5]  }
0x2d: {  	s3 =	simm.s32 $0x108;
	s8 =	sld [smem:$0x3FB6]  }
0x2e: {  	s3 =	simm.s32 @!p0 $0x1082;
	s9 =	sld [smem:$0x3FB7]  }
0x2f: {  	lr =	sadd.s32 s0, s3;
	s0 =	sld [smem:$0x3FAE]  }
0x30: {  	s3 =	sld [smem:$0x3FB1]  }
0x31: {  	[smem:$0x3FBA] =	sst s10  }
0x32: {  	s10 =	sld [smem:$0x3FB8];
	_ =	sdelay $0x3  }
0x33: {  	p0 =	seq.s32 s10, $0x1;
	s10 =	sld [smem:$0x3FBA];
	_ =	sdelay $0x3  }
0x34: {  	[smem:$0x3FBA] =	sst s10  }
0x35: {  	s10 =	sld [smem:$0x3FB9];
	_ =	sdelay $0x3  }
0x36: {  	p1 =	seq.s32 s10, $0x1;
	s10 =	sld [smem:$0x3FBA];
	_ =	sdelay $0x3  }
0x37: {  	[smem:$0x3FBA] =	sst s10  }
0x38: {  	s10 =	sld [smem:$0x3FBB]  }
0x39: {  	_ = 	snop;
	(pc) =	sbr.ind lr, $3  }
0x3a: {  	_ = 	snop  }
0x3b: {  	_ = 	snop  }
0x3c: {  	p2 =	seq.s32 s10, $0x1;
	s10 =	sld [smem:$0x3FBA]  }
0x3d: {  	_ =	shalt  }
0x3e: {  	_ =	shalt  }
0x3f: {  	_ =	shalt  }
0x40: {  	_ =	shalt  }
0x41: {  	_ =	shalt  }
0x42: {  	_ =	shalt  }
0x43: {  	_ =	shalt  }
0x44: {  	_ =	shalt  }
0x45: {  	_ =	shalt  }
0x46: {  	_ =	shalt  }
0x47: {  	_ =	shalt  }
0x48: {  	_ =	shalt  }
0x49: {  	_ =	shalt  }
0x4a: {  	_ =	shalt  }
0x4b: {  	_ =	shalt  }
0x4c: {  	_ =	shalt  }
0x4d: {  	_ =	shalt  }
0x4e: {  	_ =	shalt  }
0x4f: {  	_ =	shalt  }
0x50: {  	_ =	shalt  }
0x51: {  	_ =	shalt  }
0x52: {  	_ =	shalt  }
0x53: {  	_ =	shalt  }
0x54: {  	_ =	shalt  }
0x55: {  	_ =	shalt  }
0x56: {  	_ =	shalt  }
0x57: {  	_ =	shalt  }
0x58: {  	_ =	shalt  }
0x59: {  	_ =	shalt  }
0x5a: {  	_ =	shalt  }
0x5b: {  	_ =	shalt  }
0x5c: {  	_ =	shalt  }
0x5d: {  	_ =	shalt  }
0x5e: {  	_ =	shalt  }
0x5f: {  	_ =	shalt  }
0x60: {  	_ =	shalt  }
0x61: {  	_ =	shalt  }
0x62: {  	_ =	shalt  }
0x63: {  	_ =	shalt  }
0x64: {  	_ =	shalt  }
0x65: {  	_ =	shalt  }
0x66: {  	_ =	shalt  }
0x67: {  	_ =	shalt  }
0x68: {  	_ =	shalt  }
0x69: {  	_ =	shalt  }
0x6a: {  	_ =	shalt  }
0x6b: {  	_ =	shalt  }
0x6c: {  	_ =	shalt  }
0x6d: {  	_ =	shalt  }
0x6e: {  	_ =	shalt  }
0x6f: {  	_ =	shalt  }
0x70: {  	_ =	shalt  }
0x71: {  	_ =	shalt  }
0x72: {  	_ =	shalt  }
0x73: {  	_ =	shalt  }
0x74: {  	_ =	shalt  }
0x75: {  	_ =	shalt  }
0x76: {  	_ =	shalt  }
0x77: {  	_ =	shalt  }
0x78: {  	_ =	shalt  }
0x79: {  	_ =	shalt  }
0x7a: {  	_ =	shalt  }
0x7b: {  	_ =	shalt  }
0x7c: {  	_ =	shalt  }
0x7d: {  	_ =	shalt  }
0x7e: {  	_ =	shalt  }
0x7f: {  	_ =	shalt  }
0x80: {  	_ =	shalt  }
0x81: {  	_ =	shalt  }
0x82: {  	_ =	shalt  }
0x83: {  	_ =	shalt  }
0x84: {  	_ =	shalt  }
0x85: {  	_ =	shalt  }
0x86: {  	_ =	shalt  }
0x87: {  	_ =	shalt  }
.Lfunc_end0:
.L_simem_size_0:
called_computation_lowered:
.L_overlay_start_0:
0x88: {  	s2 =	sld [smem:$0x3FD9]  }
0x89: {  	s3 =	sld [smem:$0x3FFE];
	_ =	sdelay $0x1  }
0x8a: {  	s1 =	srdreg.scid  }
0x8b: {  	s0 =	sand.u32 $0x1, s1  }
0x8c: {  	s17 =	sshll.u32 s0, $0xA;
	s2 =	sadd.s32 s3, s2  }
0x8d: {  	s2 =	sadd.s32 s2, s17  }
0x8e: {  	[smem:$0x3FC6] =	sst s2  }
0x8f: {  	_ = 	snop  }
0x90: {  	s2 =	sld [smem:$0x3FC9]  }
0x91: {  	s18 =	sld [smem:$0x3FC8];
	(tm) =	ssettm $0x1  }
0x92: {  	s4 =	sld [smem:$0x3FFB];
	_ =	sdelay $0x3  }
0x93: {  	_ =	strace s4  }
0x94: {  	s4 =	sld [smem:$0x3FFC];
	_ =	sdelay $0x3  }
0x95: {  	_ =	strace s4  }
0x96: {  	s4 =	sld [smem:$0x3FFD];
	_ =	sdelay $0x3  }
0x97: {  	_ =	strace s4  }
0x98: {  	_ =	strace $0x8FFFFFFF  }
0x99: {  	s19 =	sld [smem:$0x3FDB];
	_ =	sdelay $0x1  }
0x9a: {  	s5 =	simm.s32 $_scs_section_size  }
0x9b: {  	s6 =	simm.s32 $_size__tile_overlayer_lowered;
	s7 =	simm.s32 $_tile_overlayer_lowered  }
0x9c: {  	s22 =	simm.s32 $0x1BFF;
	s21 =	sshll.u32 s7, $0x1;
	s4 =	sadd.s32 s5, s19  }
0x9d: {  	s8 =	simm.s32 $0x0;
	s20 =	sshll.u32 s6, $0x1;
	s6 =	sadd.s32 s21, s4  }
0x9e: {  	[timem:s8], [sflag:s22] =	dma.local [hbm:s6], s20  }
0x9f: {  	_ =	swait.ge [sflag:s22], s20  }
0xa0: {  	s5 =	ssub.s32 $0x0, s20;
	[sflag:s22] =	ssyncset.done $0x0  }
0xa1: {  	[sflag:s22] =	ssyncadd.s32 s5;
	_ =	sdelay $0x1  }
0xa2: {  	s23 =	simm.s32 $0x1B8B  }
0xa3: {  	_ =	swait.ge [sflag:s23], $0x1  }
0xa4: {  	[sflag:s23] =	ssyncset.done $0x0  }
0xa5: {  	s25 =	simm.s32 $0x1B8E;
	s24 =	sld [smem:$0x3FFE];
	[sflag:s23] =	ssyncadd.s32 $0xFFFFFFFF  }
0xa6: {  	s26 =	simm.s32 $execute0_lowered;
	[smem:$0x3FD2] =	sst s25  }
0xa7: {  	s6 =	sshll.u32 s26, $0x1;
	_ =	strace $0x80000049;
	[dreg:$0x1] =	wrdreg $0xFFFFFFFF  }
0xa8: {  	s28 =	simm.s32 $_size_execute0_lowered;
	s4 =	sadd.s32 s4, s6;
	[dreg:$0x0] =	wrdreg $0x0  }
0xa9: {  	s6 =	sshll.u32 s28, $0x1;
	[dreg:$0x2] =	wrdreg s4  }
0xaa: {  	[dreg:$0x3] =	wrdreg s6  }
0xab: {  	[dreg:$0x4] =	wrdreg $0xC0  }
0xac: {  	_ =	task [dreg:s8], $0x5FFFF  }
0xad: {  	[dreg:$0x1] =	wrdreg $0xFFFFFFFF  }
0xae: {  	[dreg:$0x0] =	wrdreg $0x60  }
0xaf: {  	[dreg:$0x2] =	wrdreg s2  }
0xb0: {  	[dreg:$0x3] =	wrdreg s18  }
0xb1: {  	[dreg:$0x4] =	wrdreg s24  }
0xb2: {  	[dreg:$0x5] =	wrdreg $0x9  }
0xb3: {  	_ =	task.clear_ibuf [dreg:s8], $0x6FFFF;
	_ =	strace $0x90000049  }
0xb4: {  	s29 =	simm.s32 $0x9;
	_ =	strace $0x8000004B  }
0xb5: {  	_ =	swait.ge [sflag:s29], $0x1  }
0xb6: {  	[sflag:s29] =	ssyncadd.s32 $0xFFFFFFFF  }
0xb7: {  	_ =	strace $0x9000004B  }
0xb8: {  	_ =	sfence  }
0xb9: {  	s30 =	sld [smem:$0x0];
	_ =	sdelay $0x2  }
0xba: {  	s31 =	sshll.u32 s1, $0xD;
	s1 =	sshrl.u32 s1, $0x2  }
0xbb: {  	s3 =	sand.u32 $0x4000, s31;
	s1 =	sadd.s32 s1, s30  }
0xbc: {  	s0 =	sor.u32 s3, s0;
	s1 =	sshll.u32 s1, $0x11  }
0xbd: {  	s0 =	sor.u32 s1, s0  }
0xbe: {  	s0 =	sadd.s32 $0x8F2B, s0  }
0xbf: {  	[sflag:s0] =	ssyncadd.remote.s32 $0x1  }
0xc0: {  	_ =	sfence.sel $0xFFFF  }
0xc1: {  	[dreg:$0x0] =	wrdreg $0xFFFFFFFF;
	(pc) =	sbr.abs _section_cstart, $3  }
0xc2: {  	[dreg:$0x1] =	wrdreg $0xFFFFFFFF  }
0xc3: {  	_ =	task.clear_ibuf [dreg:s8], $0x2FFFF;
	_ =	strace $0x9FFFFFFF  }
0xc4: {  	(tm) =	ssettm $0x7FFFFFFF  }
0xc5: {  	_ =	shalt  }
tec
execute0_lowered:
.L_overlay_start_1:
0x0: {  	(tag) =	ssettag $0x1  }
0x1: {  	s1 =	rddreg [dreg:$0x0]  }
0x2: {  	s0 =	srdreg.scid;
	s3 =	rddreg [dreg:$0x1]  }
0x3: {  	s7 =	stileid.u32;
	s5 =	rddreg [dreg:$0x2]  }
0x4: {  	s6 =	simm.s32 $0x1;
	s0 =	sand.u32 $0x1, s0;
	s2 =	sshll.u32 s7, $0x1  }
0x5: {  	s25 =	simm.s32 $0x4000;
	s29 =	simm.s32 $0x0;
	s4 =	sor.u32 s0, s2  }
0x6: {  	s26 =	sadd.s32 $0xE00, s5;
	p1 =	seq.s32 s0, $0x1;
	p0 =	seq.s32 s4, $0x0  }
0x7: {  	s2 =	simm.s32 $0x0;
	s28 =	sshll.u32 s0, $0x11;
	p0 =	por !p0, !p1  }
0x8: {  	s0 =	ssub.s32 $0x2, s0;
	[smem:$0x7FF] =	sst s2;
	p0 =	por !p0, !p0  }
0x9: {  	s4 =	sshll.u32 s4, $0x4;
	s30 =	sshrl.u32 s0, $0x1;
	s6 =	simm.s32 @!p0 $0x0  }
0xa: {  	_ =	strace $0x8000004A;
	[dreg:$0x4] =	wrdreg s26;
	s6 =	ssub.s32 s7, s6  }
0xb: {  	s22 =	sadd.s32 s4, s5;
	s0 =	ssub.s32 s0, s30;
	s6 =	sshll.u32 s6, $0x12  }
0xc: {  	s4 =	simm.s32 $0x1;
	s21 =	sadd.s32 $0x600, s22;
	s6 =	sor.u32 s28, s6  }
0xd: {  	s22 =	sadd.s32 $0x400, s22;
	s23 =	smax.u32 s0, $0x1;
	s17 =	sshrl.u32 s6, $0x3  }
0xe: {  	s8 =	sor.u32 $0x800, s17;
	s31 =	sadd.s32 s1, s17;
	s6 =	sadd.s32 s3, s17  }
0xf: {  	s10 =	sor.u32 $0x1000, s17;
	s12 =	sor.u32 $0x1800, s17;
	s14 =	sor.u32 $0x2000, s17  }
0x10: {  	s16 =	sor.u32 $0x2800, s17;
	s18 =	sor.u32 $0x3000, s17;
	s20 =	sor.u32 $0x3800, s17  }
0x11: {  	[dreg:$0x5] =	wrdreg s31;
	s7 =	sadd.s32 s1, s8;
	s8 =	sadd.s32 s3, s8  }
0x12: {  	s9 =	sadd.s32 s1, s10;
	s10 =	sadd.s32 s3, s10;
	s11 =	sadd.s32 s1, s12  }
0x13: {  	s12 =	sadd.s32 s3, s12;
	s13 =	sadd.s32 s1, s14;
	s14 =	sadd.s32 s3, s14  }
0x14: {  	s15 =	sadd.s32 s1, s16;
	s16 =	sadd.s32 s3, s16;
	s17 =	sadd.s32 s1, s18  }
0x15: {  	v0 =	vimm.f32 $0.0e+00;
	s18 =	sadd.s32 s3, s18;
	s19 =	sadd.s32 s1, s20;
	s20 =	sadd.s32 s3, s20  }
.LBB2_1:
0x16: {  	s0 =	rddreg [dreg:$0x4];
	s1 =	simm.s32 $0x8000  }
0x17: {  	[tilespmem:s1], [sflag:$0x1] =	stream.linear.gather [hbm4b:s0+s2], $0x80, $0x38;
	[tilespmem:$0x8180] =	vst v63  }
0x18: {  	_ =	swait.ge [sflag:s4], $0x80  }
0x19: {  	[sflag:s4] =	ssyncset.done $0x0  }
0x1a: {  	s31 =	rddreg [dreg:$0x5];
	[sflag:s4] =	ssyncadd.s32 $0xFFFFFF80  }
0x1b: {  	v1 =	vld [tilespmem:$0x8000];
	[tilespmem:s2], [sflag:$0x1] =	stream.linear.gather [hbm4b:s31+s2], $0x4000, $0x38  }
0x1c: {  	_ =	swait.ge [sflag:s4], $0x4000  }
0x1d: {  	[sflag:s4] =	ssyncset.done $0x0  }
0x1e: {  	[sflag:s4] =	ssyncadd.s32 $0xFFFFC000  }
0x1f: {  	[tilespmem:s25], [sflag:$0x1] =	stream.linear.gather [hbm4b:s6+s2], $0x4000, $0x38;
	[tilespmem:$0x8180] =	vst v63  }
0x20: {  	_ =	swait.ge [sflag:s4], $0x4000  }
0x21: {  	[sflag:s4] =	ssyncset.done $0x0  }
0x22: {  	v2 =	vimm.f32 $0.0e+00;
	v3 =	vimm.f32 $0.0e+00;
	s30 =	simm.s32 $0x0;
	[sflag:s4] =	ssyncadd.s32 $0xFFFFC000  }
.LBB2_2:
0x23: {  	s0 =	sshll.u32 s30, $0x9;
	s1 =	sshll.u32 s30, $0x7  }
0x24: {  	s3 =	simm.s32 $0x0;
	s0 =	sand.u32 $0x3000, s0;
	s1 =	sand.u32 $0x380, s1  }
0x25: {  	s26 =	sand.u32 $0xC00, s3;
	s0 =	sor.u32 s0, s1  }
0x26: {  	s3 =	sand.u32 $0x70, s3;
	s1 =	sor.u32 s26, s0  }
0x27: {  	s3 =	sor.u32 s3, s1  }
0x28: {  	v12 =	vld [tilespmem:s3+$0x0];
	_ =	sdelay $0x4  }
0x29: {  	v6 =	vsub.f32 $1.000000000e+00, v12  }
0x2a: {  	v4 =	vand.u32 $0x7FFFFF, v12  }
0x2b: {  	v5 =	vor.u32 $0x3F800000, v4;
	v4 =	vand.u32 $0x7FFFFF, v6  }
0x2c: {  	v7 =	vadd.f32 $1.000000000e+00, v5;
	v8 =	vor.u32 $0x3F800000, v4  }
0x2d: {  	v4 =	vadd.f32 $1.000000000e+00, v8  }
0x2e: {  	(erf) = vrcp.f32 v7  }
0x2f: {  	(erf) = vrcp.f32 v4;
	_ =	sdelay $0x1  }
0x30: {  	s5 =	simm.s32 $0x80  }
0x31: {  	s24 =	simm.s32 $0x10;
	s1 =	sand.u32 $0xC00, s5  }
0x32: {  	s24 =	sand.u32 $0x70, s24;
	s1 =	sor.u32 s1, s0  }
0x33: {  	s31 =	sor.u32 s24, s1  }
0x34: {  	v4 =	vld [tilespmem:s31+$0x0];
	_ =	sdelay $0x1  }
0x35: {  	v5 =	vadd.f32 $-1.000000000e+00, v5;
	v8 =	vadd.f32 $-1.000000000e+00, v8;
	v7 =	vpop (erf)  }
0x36: {  	v9 =	vpop (erf)  }
0x37: {  	v10 =	vmul.f32 v7, v5;
	v11 =	vmul.f32 v9, v8  }
0x38: {  	v17 =	vsub.f32 $1.000000000e+00, v4;
	v5 =	vand.u32 $0x7FFFFF, v4  }
0x39: {  	v7 =	vor.u32 $0x3F800000, v5;
	v9 =	vmul.f32 v10, v10;
	v13 =	vmul.f32 v11, v11  }
0x3a: {  	v5 =	vand.u32 $0x7FFFFF, v17;
	v8 =	vadd.f32 $1.000000000e+00, v7  }
0x3b: {  	v14 =	vor.u32 $0x3F800000, v5;
	v5 =	vmul.f32 $1.111111120e-01, v9;
	v15 =	vmul.f32 $1.111111120e-01, v13  }
0x3c: {  	v16 =	vadd.f32 $1.000000000e+00, v14;
	(erf) = vrcp.f32 v8  }
0x3d: {  	v8 =	vadd.f32 $1.428571490e-01, v5;
	v15 =	vadd.f32 $1.428571490e-01, v15  }
0x3e: {  	s24 =	simm.s32 $0x100;
	(erf) = vrcp.f32 v16  }
0x3f: {  	s26 =	simm.s32 $0x20;
	s1 =	sand.u32 $0xC00, s24;
	v8 =	vmul.f32 v8, v9;
	v15 =	vmul.f32 v15, v13  }
0x40: {  	s24 =	sand.u32 $0x70, s26;
	s1 =	sor.u32 s1, s0;
	v6 =	vshrl.u32 v6, $0x17  }
0x41: {  	s1 =	sor.u32 s24, s1;
	v6 =	vadd.s32 $0xFFFFFF81, v6;
	v8 =	vadd.f32 $2.000000030e-01, v8;
	v15 =	vadd.f32 $2.000000030e-01, v15  }
0x42: {  	v6 =	vcvt.s32.f32 v6;
	v16 =	vshrl.u32 v12, $0x17;
	v5 =	vld [tilespmem:s1+$0x0]  }
0x43: {  	v16 =	vadd.s32 $0xFFFFFF81, v16;
	v8 =	vmul.f32 v8, v9;
	v15 =	vmul.f32 v15, v13  }
0x44: {  	v7 =	vadd.f32 $-1.000000000e+00, v7;
	v16 =	vcvt.s32.f32 v16  }
0x45: {  	v6 =	vmul.f32 $6.931471820e-01, v6;
	v19 =	vpop (erf);
	v20 =	vadd.f32 $3.333333430e-01, v8;
	v15 =	vadd.f32 $3.333333430e-01, v15  }
0x46: {  	v14 =	vadd.f32 $-1.000000000e+00, v14;
	v16 =	vmul.f32 $6.931471820e-01, v16;
	v8 =	vmul.f32 v19, v7  }
0x47: {  	v7 =	vsub.f32 $1.000000000e+00, v5;
	v19 =	vpop (erf);
	v20 =	vmul.f32 v20, v9;
	v13 =	vmul.f32 v15, v13  }
0x48: {  	v9 =	vmul.f32 v19, v14;
	v14 =	vadd.f32 v10, v10;
	v15 =	vadd.f32 v11, v11  }
0x49: {  	v18 =	vand.u32 $0x7FFFFF, v5;
	v19 =	vadd.f32 $1.000000000e+00, v20;
	v20 =	vadd.f32 $1.000000000e+00, v13  }
0x4a: {  	v11 =	vmul.f32 v8, v8;
	v10 =	vmul.f32 v9, v9;
	v13 =	vor.u32 $0x3F800000, v18  }
0x4b: {  	s26 =	simm.s32 $0x180;
	v18 =	vand.u32 $0x7FFFFF, v7;
	v19 =	vmul.f32 v19, v14;
	v15 =	vmul.f32 v20, v15  }
0x4c: {  	s5 =	simm.s32 $0x30;
	v21 =	vld [tilespmem:s3+$0x4000];
	s28 =	sand.u32 $0xC00, s26;
	v14 =	vor.u32 $0x3F800000, v18;
	v18 =	vmul.f32 $1.111111120e-01, v11;
	v20 =	vadd.f32 $1.000000000e+00, v13  }
0x4d: {  	s24 =	sand.u32 $0x70, s5;
	s5 =	sor.u32 s28, s0;
	v22 =	vmul.f32 $1.111111120e-01, v10;
	v16 =	vadd.f32 v19, v16;
	v15 =	vadd.f32 v15, v6  }
0x4e: {  	s24 =	sor.u32 s24, s5;
	v19 =	vadd.f32 $1.000000000e+00, v14;
	v18 =	vadd.f32 $1.428571490e-01, v18;
	(erf) = vrcp.f32 v20  }
0x4f: {  	v6 =	vld [tilespmem:s24+$0x0];
	v20 =	vadd.f32 $1.428571490e-01, v22;
	v16 =	vsub.f32 v16, v15  }
0x50: {  	(erf) = vrcp.f32 v19;
	v18 =	vmul.f32 v18, v11  }
0x51: {  	v19 =	vmul.f32 v20, v10;
	v16 =	vmul.f32 v16, v21  }
0x52: {  	vm0 =	vlt.f32 v12, v1;
	v20 =	vshrl.u32 v4, $0x17;
	v18 =	vadd.f32 $2.000000030e-01, v18  }
0x53: {  	v12 =	vadd.s32 $0xFFFFFF81, v20;
	v20 =	vadd.f32 $2.000000030e-01, v19;
	v21 =	vadd.f32 v16, v15  }
0x54: {  	v17 =	vshrl.u32 v17, $0x17;
	v19 =	vmul.f32 v18, v11;
	v15 =	vand.u32 $0x7FFFFF, v6  }
0x55: {  	s28 =	simm.s32 $0x40;
	v16 =	vcvt.s32.f32 v12;
	v18 =	vmul.f32 v20, v10;
	v12 =	vnsel vm0, $0x0, v21  }
.LBB2_3:
0x56: {  	p0 =	sne.s32 s28, $0x1F0;
	v13 =	vadd.f32 $-1.000000000e+00, v13;
	v17 =	vadd.s32 $0xFFFFFF81, v17;
	v3 =	vadd.f32 v12, v3  }
0x57: {  	v16 =	vmul.f32 $6.931471820e-01, v16;
	v12 =	vpop (erf);
	v19 =	vadd.f32 $3.333333430e-01, v19;
	v18 =	vadd.f32 $3.333333430e-01, v18  }
0x58: {  	v12 =	vmul.f32 v12, v13;
	v13 =	vadd.f32 $-1.000000000e+00, v14;
	v14 =	vcvt.s32.f32 v17  }
0x59: {  	v20 =	vsub.f32 $1.000000000e+00, v6;
	v17 =	vpop (erf);
	v11 =	vmul.f32 v19, v11;
	v10 =	vmul.f32 v18, v10  }
0x5a: {  	v18 =	vadd.f32 v8, v8;
	v19 =	vadd.f32 v9, v9;
	v9 =	vmul.f32 v17, v13;
	v8 =	vmovc v12  }
0x5b: {  	v22 =	vmul.f32 $6.931471820e-01, v14;
	v17 =	vadd.f32 $1.000000000e+00, v11;
	v21 =	vadd.f32 $1.000000000e+00, v10  }
0x5c: {  	v13 =	vor.u32 $0x3F800000, v15;
	v11 =	vmul.f32 v12, v8;
	v10 =	vmul.f32 v9, v9  }
0x5d: {  	s26 =	sadd.s32 $0x80, s26;
	v12 =	vand.u32 $0x7FFFFF, v20;
	v15 =	vmul.f32 v17, v18;
	v17 =	vmul.f32 v21, v19  }
0x5e: {  	s3 =	sand.u32 $0xC00, s26;
	v14 =	vor.u32 $0x3F800000, v12;
	v18 =	vadd.f32 $1.000000000e+00, v13;
	v12 =	vmul.f32 $1.111111120e-01, v11;
	v19 =	vld [tilespmem:s31+$0x4000];
	s31 =	smov.u32 s1;
	s1 =	smov.u32 s24  }
0x5f: {  	s3 =	sor.u32 s3, s0;
	s24 =	sand.u32 $0x70, s28;
	v21 =	vmul.f32 $1.111111120e-01, v10;
	v15 =	vadd.f32 v15, v16;
	v16 =	vadd.f32 v17, v22  }
0x60: {  	s24 =	sor.u32 s24, s3;
	v17 =	vadd.f32 $1.000000000e+00, v14;
	v12 =	vadd.f32 $1.428571490e-01, v12;
	(erf) = vrcp.f32 v18  }
0x61: {  	v22 =	vsel vm0, $0x3F800000, v0;
	v21 =	vadd.f32 $1.428571490e-01, v21;
	v18 =	vld [tilespmem:s24+$0x0];
	v15 =	vsub.f32 v15, v16  }
0x62: {  	v2 =	vadd.f32 v22, v2;
	v12 =	vmul.f32 v12, v11;
	(erf) = vrcp.f32 v17  }
.Ltmp0:
0x63: {  	v17 =	vmul.f32 v21, v10;
	v15 =	vmul.f32 v15, v19;
	(pc) =	sbr.rel @p0 .LBB2_3-.Ltmp0, $4  }
0x64: {  	vm0 =	vlt.f32 v4, v1;
	v4 =	vmovc v5;
	v19 =	vshrl.u32 v5, $0x17;
	v12 =	vadd.f32 $2.000000030e-01, v12;
	v5 =	vmovc v6  }
0x65: {  	v19 =	vadd.s32 $0xFFFFFF81, v19;
	v21 =	vadd.f32 $2.000000030e-01, v17;
	v22 =	vadd.f32 v15, v16  }
0x66: {  	v17 =	vshrl.u32 v7, $0x17;
	v7 =	vmovc v20;
	v16 =	vcvt.s32.f32 v19;
	v15 =	vand.u32 $0x7FFFFF, v18;
	v6 =	vmovc v18  }
0x67: {  	s28 =	sadd.s32 $0x10, s28;
	v19 =	vmul.f32 v12, v11;
	v18 =	vmul.f32 v21, v10;
	v12 =	vnsel vm0, $0x0, v22  }
0x68: {  	v20 =	vsub.f32 $1.000000000e+00, v6;
	_ =	sdelay $0x1  }
0x69: {  	v15 =	vor.u32 $0x3F800000, v15;
	v21 =	vand.u32 $0x7FFFFF, v20  }
0x6a: {  	v22 =	vadd.f32 $1.000000000e+00, v15;
	v21 =	vor.u32 $0x3F800000, v21  }
0x6b: {  	v24 =	vadd.f32 $1.000000000e+00, v21  }
0x6c: {  	v23 =	vpop (erf);
	(erf) = vrcp.f32 v22  }
0x6d: {  	v34 =	vpop (erf);
	(erf) = vrcp.f32 v24  }
0x6e: {  	v13 =	vadd.f32 $-1.000000000e+00, v13  }
0x6f: {  	v14 =	vadd.f32 $-1.000000000e+00, v14;
	v17 =	vadd.s32 $0xFFFFFF81, v17;
	v8 =	vadd.f32 v8, v8  }
0x70: {  	v16 =	vmul.f32 $6.931471820e-01, v16;
	v9 =	vadd.f32 v9, v9;
	v19 =	vadd.f32 $3.333333430e-01, v19  }
0x71: {  	v48 =	vshrl.u32 v5, $0x17;
	v7 =	vshrl.u32 v7, $0x17;
	v13 =	vmul.f32 v23, v13  }
0x72: {  	v18 =	vadd.f32 $3.333333430e-01, v18;
	v11 =	vmul.f32 v19, v11;
	v14 =	vmul.f32 v34, v14  }
0x73: {  	v17 =	vcvt.s32.f32 v17;
	v15 =	vadd.f32 $-1.000000000e+00, v15;
	v35 =	vmul.f32 v13, v13  }
0x74: {  	v10 =	vmul.f32 v18, v10;
	v11 =	vadd.f32 $1.000000000e+00, v11;
	v36 =	vmul.f32 v14, v14  }
0x75: {  	v17 =	vmul.f32 $6.931471820e-01, v17;
	v21 =	vadd.f32 $-1.000000000e+00, v21;
	v37 =	vmul.f32 $1.111111120e-01, v35;
	v39 =	vpop (erf)  }
0x76: {  	v10 =	vadd.f32 $1.000000000e+00, v10;
	v8 =	vmul.f32 v11, v8;
	v38 =	vmul.f32 $1.111111120e-01, v36;
	v40 =	vpop (erf)  }
0x77: {  	v50 =	vshrl.u32 v6, $0x17;
	v11 =	vmul.f32 v39, v15;
	v15 =	vmul.f32 v40, v21  }
0x78: {  	v9 =	vmul.f32 v10, v9;
	v23 =	vadd.f32 $1.428571490e-01, v37;
	v18 =	vadd.f32 $1.428571490e-01, v38  }
0x79: {  	v7 =	vadd.s32 $0xFFFFFF81, v7;
	v43 =	vmul.f32 v11, v11;
	v44 =	vmul.f32 v15, v15  }
0x7a: {  	v13 =	vadd.f32 v13, v13;
	v23 =	vmul.f32 v23, v35;
	v18 =	vmul.f32 v18, v36  }
0x7b: {  	v9 =	vadd.f32 v9, v17;
	v46 =	vmul.f32 $1.111111120e-01, v43;
	v47 =	vmul.f32 $1.111111120e-01, v44  }
0x7c: {  	v7 =	vcvt.s32.f32 v7;
	v23 =	vadd.f32 $2.000000030e-01, v23;
	v41 =	vadd.f32 $2.000000030e-01, v18  }
0x7d: {  	v53 =	vshrl.u32 v20, $0x17;
	v17 =	vadd.f32 $1.428571490e-01, v46;
	v18 =	vadd.f32 $1.428571490e-01, v47  }
0x7e: {  	v14 =	vadd.f32 v14, v14;
	v42 =	vmul.f32 v23, v35;
	v10 =	vmul.f32 v41, v36  }
0x7f: {  	v8 =	vadd.f32 v8, v16;
	v17 =	vmul.f32 v17, v43;
	v18 =	vmul.f32 v18, v44  }
0x80: {  	v22 =	vadd.s32 $0xFFFFFF81, v48;
	v45 =	vadd.f32 $3.333333430e-01, v42;
	v10 =	vadd.f32 $3.333333430e-01, v10  }
0x81: {  	v49 =	vcvt.s32.f32 v22;
	v17 =	vadd.f32 $2.000000030e-01, v17;
	v18 =	vadd.f32 $2.000000030e-01, v18  }
0x82: {  	v11 =	vadd.f32 v11, v11;
	v16 =	vmul.f32 v45, v35;
	v10 =	vmul.f32 v10, v36  }
0x83: {  	v15 =	vadd.f32 v15, v15;
	v17 =	vmul.f32 v17, v43;
	v18 =	vmul.f32 v18, v44  }
0x84: {  	v7 =	vmul.f32 $6.931471820e-01, v7;
	v16 =	vadd.f32 $1.000000000e+00, v16;
	v10 =	vadd.f32 $1.000000000e+00, v10  }
0x85: {  	v19 =	vmul.f32 $6.931471820e-01, v49;
	v51 =	vadd.f32 $3.333333430e-01, v17;
	v52 =	vadd.f32 $3.333333430e-01, v18  }
0x86: {  	v13 =	vmul.f32 v16, v13;
	v10 =	vmul.f32 v10, v14;
	v14 =	vadd.s32 $0xFFFFFF81, v50  }
0x87: {  	v16 =	vmul.f32 v51, v43;
	v18 =	vadd.s32 $0xFFFFFF81, v53;
	v17 =	vmul.f32 v52, v44  }
0x88: {  	v54 =	vld [tilespmem:s31+$0x4000];
	v13 =	vadd.f32 v13, v19;
	v14 =	vcvt.s32.f32 v14;
	v18 =	vcvt.s32.f32 v18  }
0x89: {  	v16 =	vadd.f32 $1.000000000e+00, v16;
	v17 =	vadd.f32 $1.000000000e+00, v17  }
0x8a: {  	v55 =	vld [tilespmem:s1+$0x4000];
	v7 =	vadd.f32 v10, v7;
	v56 =	vmul.f32 $6.931471820e-01, v14;
	v57 =	vmul.f32 $6.931471820e-01, v18  }
0x8b: {  	v8 =	vsub.f32 v8, v9;
	v11 =	vmul.f32 v16, v11;
	v15 =	vmul.f32 v17, v15  }
0x8c: {  	v58 =	vld [tilespmem:s24+$0x4000];
	v13 =	vsub.f32 v13, v7  }
0x8d: {  	v8 =	vmul.f32 v8, v54;
	v10 =	vadd.f32 v11, v56;
	v59 =	vadd.f32 v15, v57  }
0x8e: {  	v60 =	vsel vm0, $0x3F800000, v0;
	vm13 =	vlt.f32 v4, v1  }
0x8f: {  	v8 =	vadd.f32 v8, v9;
	v4 =	vmul.f32 v13, v55;
	v61 =	vsub.f32 v10, v59  }
0x90: {  	v3 =	vadd.f32 v12, v3;
	v2 =	vadd.f32 v60, v2  }
0x91: {  	s30 =	sadd.s32 $0x1, s30;
	v8 =	vnsel vm13, $0x0, v8;
	v4 =	vadd.f32 v4, v7;
	v63 =	vmul.f32 v61, v58  }
0x92: {  	vm14 =	vlt.f32 v5, v1;
	v62 =	vsel vm13, $0x3F800000, v0;
	p0 =	sne.s32 s30, $0x20;
	v3 =	vadd.f32 v8, v3  }
.Ltmp1:
0x93: {  	v2 =	vadd.f32 v62, v2;
	v4 =	vnsel vm14, $0x0, v4;
	v7 =	vadd.f32 v63, v59;
	(pc) =	sbr.rel @p0 .LBB2_2-.Ltmp1, $4  }
0x94: {  	vm15 =	vlt.f32 v6, v1;
	v5 =	vsel vm14, $0x3F800000, v0;
	v3 =	vadd.f32 v4, v3  }
0x95: {  	v2 =	vadd.f32 v5, v2;
	v4 =	vnsel vm15, $0x0, v7  }
0x96: {  	v5 =	vsel vm15, $0x3F800000, v0;
	v3 =	vadd.f32 v4, v3  }
0x97: {  	v2 =	vadd.f32 v5, v2  }
0x98: {  	s30 =	simm.s32 $0x0  }
0x99: {  	[tilespmem:s30], [sflag:$0x1] =	stream.linear.gather [hbm4b:s7+s30], $0x4000, $0x38;
	[tilespmem:$0x8180] =	vst v63  }
0x9a: {  	_ =	swait.ge [sflag:s4], $0x4000  }
0x9b: {  	[sflag:s4] =	ssyncset.done $0x0  }
0x9c: {  	[sflag:s4] =	ssyncadd.s32 $0xFFFFC000  }
0x9d: {  	[tilespmem:s25], [sflag:$0x1] =	stream.linear.gather [hbm4b:s8+s30], $0x4000, $0x38;
	[tilespmem:$0x8180] =	vst v63  }
0x9e: {  	_ =	swait.ge [sflag:s4], $0x4000  }
0x9f: {  	[sflag:s4] =	ssyncset.done $0x0  }
0xa0: {  	s31 =	simm.s32 $0x0;
	[sflag:s4] =	ssyncadd.s32 $0xFFFFC000  }
.LBB2_6:
0xa1: {  	s0 =	sshll.u32 s31, $0x9;
	s1 =	sshll.u32 s31, $0x7  }
0xa2: {  	s0 =	sand.u32 $0x3000, s0;
	s1 =	sand.u32 $0x380, s1  }
0xa3: {  	s24 =	sor.u32 s0, s1;
	s1 =	sand.u32 $0xC00, s30  }
0xa4: {  	s3 =	sand.u32 $0x70, s30;
	s0 =	sor.u32 s1, s24  }
0xa5: {  	s3 =	sor.u32 s3, s0  }
0xa6: {  	v12 =	vld [tilespmem:s3+$0x0];
	_ =	sdelay $0x4  }
0xa7: {  	v6 =	vsub.f32 $1.000000000e+00, v12  }
0xa8: {  	v4 =	vand.u32 $0x7FFFFF, v12  }
0xa9: {  	v5 =	vor.u32 $0x3F800000, v4;
	v4 =	vand.u32 $0x7FFFFF, v6  }
0xaa: {  	v7 =	vadd.f32 $1.000000000e+00, v5;
	v8 =	vor.u32 $0x3F800000, v4  }
0xab: {  	v4 =	vadd.f32 $1.000000000e+00, v8  }
0xac: {  	(erf) = vrcp.f32 v7  }
0xad: {  	(erf) = vrcp.f32 v4;
	_ =	sdelay $0x1  }
0xae: {  	s5 =	simm.s32 $0x80  }
0xaf: {  	s26 =	simm.s32 $0x10;
	s0 =	sand.u32 $0xC00, s5  }
0xb0: {  	s1 =	sand.u32 $0x70, s26;
	s0 =	sor.u32 s0, s24  }
0xb1: {  	s1 =	sor.u32 s1, s0  }
0xb2: {  	v4 =	vld [tilespmem:s1+$0x0];
	_ =	sdelay $0x1  }
0xb3: {  	v5 =	vadd.f32 $-1.000000000e+00, v5;
	v8 =	vadd.f32 $-1.000000000e+00, v8;
	v7 =	vpop (erf)  }
0xb4: {  	v9 =	vpop (erf)  }
0xb5: {  	v10 =	vmul.f32 v7, v5;
	v11 =	vmul.f32 v9, v8  }
0xb6: {  	v17 =	vsub.f32 $1.000000000e+00, v4;
	v5 =	vand.u32 $0x7FFFFF, v4  }
0xb7: {  	v7 =	vor.u32 $0x3F800000, v5;
	v9 =	vmul.f32 v10, v10;
	v13 =	vmul.f32 v11, v11  }
0xb8: {  	v5 =	vand.u32 $0x7FFFFF, v17;
	v8 =	vadd.f32 $1.000000000e+00, v7  }
0xb9: {  	v14 =	vor.u32 $0x3F800000, v5;
	v5 =	vmul.f32 $1.111111120e-01, v9;
	v15 =	vmul.f32 $1.111111120e-01, v13  }
0xba: {  	v16 =	vadd.f32 $1.000000000e+00, v14;
	(erf) = vrcp.f32 v8  }
0xbb: {  	v8 =	vadd.f32 $1.428571490e-01, v5;
	v15 =	vadd.f32 $1.428571490e-01, v15  }
0xbc: {  	s5 =	simm.s32 $0x100;
	(erf) = vrcp.f32 v16  }
0xbd: {  	s26 =	simm.s32 $0x20;
	s0 =	sand.u32 $0xC00, s5;
	v8 =	vmul.f32 v8, v9;
	v15 =	vmul.f32 v15, v13  }
0xbe: {  	s26 =	sand.u32 $0x70, s26;
	s0 =	sor.u32 s0, s24;
	v6 =	vshrl.u32 v6, $0x17  }
0xbf: {  	s0 =	sor.u32 s26, s0;
	v6 =	vadd.s32 $0xFFFFFF81, v6;
	v8 =	vadd.f32 $2.000000030e-01, v8;
	v15 =	vadd.f32 $2.000000030e-01, v15  }
0xc0: {  	v6 =	vcvt.s32.f32 v6;
	v16 =	vshrl.u32 v12, $0x17;
	v5 =	vld [tilespmem:s0+$0x0]  }
0xc1: {  	v16 =	vadd.s32 $0xFFFFFF81, v16;
	v8 =	vmul.f32 v8, v9;
	v15 =	vmul.f32 v15, v13  }
0xc2: {  	v7 =	vadd.f32 $-1.000000000e+00, v7;
	v16 =	vcvt.s32.f32 v16  }
0xc3: {  	v6 =	vmul.f32 $6.931471820e-01, v6;
	v19 =	vpop (erf);
	v20 =	vadd.f32 $3.333333430e-01, v8;
	v15 =	vadd.f32 $3.333333430e-01, v15  }
0xc4: {  	v14 =	vadd.f32 $-1.000000000e+00, v14;
	v16 =	vmul.f32 $6.931471820e-01, v16;
	v8 =	vmul.f32 v19, v7  }
0xc5: {  	v7 =	vsub.f32 $1.000000000e+00, v5;
	v19 =	vpop (erf);
	v20 =	vmul.f32 v20, v9;
	v13 =	vmul.f32 v15, v13  }
0xc6: {  	v9 =	vmul.f32 v19, v14;
	v14 =	vadd.f32 v10, v10;
	v15 =	vadd.f32 v11, v11  }
0xc7: {  	v18 =	vand.u32 $0x7FFFFF, v5;
	v19 =	vadd.f32 $1.000000000e+00, v20;
	v20 =	vadd.f32 $1.000000000e+00, v13  }
0xc8: {  	v11 =	vmul.f32 v8, v8;
	v10 =	vmul.f32 v9, v9;
	v13 =	vor.u32 $0x3F800000, v18  }
0xc9: {  	s28 =	simm.s32 $0x180;
	v18 =	vand.u32 $0x7FFFFF, v7;
	v19 =	vmul.f32 v19, v14;
	v15 =	vmul.f32 v20, v15  }
0xca: {  	v21 =	vld [tilespmem:s3+$0x4000];
	s5 =	sand.u32 $0xC00, s28;
	s26 =	simm.s32 $0x30;
	v14 =	vor.u32 $0x3F800000, v18;
	v18 =	vmul.f32 $1.111111120e-01, v11;
	v20 =	vadd.f32 $1.000000000e+00, v13  }
0xcb: {  	s5 =	sor.u32 s5, s24;
	s26 =	sand.u32 $0x70, s26;
	v22 =	vmul.f32 $1.111111120e-01, v10;
	v16 =	vadd.f32 v19, v16;
	v15 =	vadd.f32 v15, v6  }
0xcc: {  	s26 =	sor.u32 s26, s5;
	v19 =	vadd.f32 $1.000000000e+00, v14;
	v18 =	vadd.f32 $1.428571490e-01, v18;
	(erf) = vrcp.f32 v20  }
0xcd: {  	v6 =	vld [tilespmem:s26+$0x0];
	v20 =	vadd.f32 $1.428571490e-01, v22;
	v16 =	vsub.f32 v16, v15  }
0xce: {  	(erf) = vrcp.f32 v19;
	v18 =	vmul.f32 v18, v11  }
0xcf: {  	v19 =	vmul.f32 v20, v10;
	v16 =	vmul.f32 v16, v21  }
0xd0: {  	vm0 =	vlt.f32 v12, v1;
	v20 =	vshrl.u32 v4, $0x17;
	v18 =	vadd.f32 $2.000000030e-01, v18  }
0xd1: {  	v12 =	vadd.s32 $0xFFFFFF81, v20;
	v20 =	vadd.f32 $2.000000030e-01, v19;
	v21 =	vadd.f32 v16, v15  }
0xd2: {  	v17 =	vshrl.u32 v17, $0x17;
	v19 =	vmul.f32 v18, v11;
	v15 =	vand.u32 $0x7FFFFF, v6  }
0xd3: {  	s3 =	simm.s32 $0x40;
	v16 =	vcvt.s32.f32 v12;
	v18 =	vmul.f32 v20, v10;
	v12 =	vnsel vm0, $0x0, v21  }
.LBB2_7:
0xd4: {  	p0 =	sne.s32 s3, $0x1F0;
	v13 =	vadd.f32 $-1.000000000e+00, v13;
	v17 =	vadd.s32 $0xFFFFFF81, v17;
	v3 =	vadd.f32 v12, v3  }
0xd5: {  	v16 =	vmul.f32 $6.931471820e-01, v16;
	v12 =	vpop (erf);
	v19 =	vadd.f32 $3.333333430e-01, v19;
	v18 =	vadd.f32 $3.333333430e-01, v18  }
0xd6: {  	v12 =	vmul.f32 v12, v13;
	v13 =	vadd.f32 $-1.000000000e+00, v14;
	v14 =	vcvt.s32.f32 v17  }
0xd7: {  	v20 =	vsub.f32 $1.000000000e+00, v6;
	v17 =	vpop (erf);
	v11 =	vmul.f32 v19, v11;
	v10 =	vmul.f32 v18, v10  }
0xd8: {  	v18 =	vadd.f32 v8, v8;
	v19 =	vadd.f32 v9, v9;
	v9 =	vmul.f32 v17, v13;
	v8 =	vmovc v12  }
0xd9: {  	v22 =	vmul.f32 $6.931471820e-01, v14;
	v17 =	vadd.f32 $1.000000000e+00, v11;
	v21 =	vadd.f32 $1.000000000e+00, v10  }
0xda: {  	v13 =	vor.u32 $0x3F800000, v15;
	v11 =	vmul.f32 v12, v8;
	v10 =	vmul.f32 v9, v9  }
0xdb: {  	s28 =	sadd.s32 $0x80, s28;
	v12 =	vand.u32 $0x7FFFFF, v20;
	v15 =	vmul.f32 v17, v18;
	v17 =	vmul.f32 v21, v19  }
0xdc: {  	s5 =	sand.u32 $0xC00, s28;
	v14 =	vor.u32 $0x3F800000, v12;
	v18 =	vadd.f32 $1.000000000e+00, v13;
	v12 =	vmul.f32 $1.111111120e-01, v11;
	v19 =	vld [tilespmem:s1+$0x4000];
	s1 =	smov.u32 s0;
	s0 =	smov.u32 s26  }
0xdd: {  	s5 =	sor.u32 s5, s24;
	s26 =	sand.u32 $0x70, s3;
	v21 =	vmul.f32 $1.111111120e-01, v10;
	v15 =	vadd.f32 v15, v16;
	v16 =	vadd.f32 v17, v22  }
0xde: {  	s26 =	sor.u32 s26, s5;
	v17 =	vadd.f32 $1.000000000e+00, v14;
	v12 =	vadd.f32 $1.428571490e-01, v12;
	(erf) = vrcp.f32 v18  }
0xdf: {  	v22 =	vsel vm0, $0x3F800000, v0;
	v21 =	vadd.f32 $1.428571490e-01, v21;
	v18 =	vld [tilespmem:s26+$0x0];
	v15 =	vsub.f32 v15, v16  }
0xe0: {  	v2 =	vadd.f32 v22, v2;
	v12 =	vmul.f32 v12, v11;
	(erf) = vrcp.f32 v17  }
.Ltmp2:
0xe1: {  	v17 =	vmul.f32 v21, v10;
	v15 =	vmul.f32 v15, v19;
	(pc) =	sbr.rel @p0 .LBB2_7-.Ltmp2, $4  }
0xe2: {  	vm0 =	vlt.f32 v4, v1;
	v4 =	vmovc v5;
	v19 =	vshrl.u32 v5, $0x17;
	v12 =	vadd.f32 $2.000000030e-01, v12;
	v5 =	vmovc v6  }
0xe3: {  	v19 =	vadd.s32 $0xFFFFFF81, v19;
	v21 =	vadd.f32 $2.000000030e-01, v17;
	v22 =	vadd.f32 v15, v16  }
0xe4: {  	v17 =	vshrl.u32 v7, $0x17;
	v7 =	vmovc v20;
	v16 =	vcvt.s32.f32 v19;
	v15 =	vand.u32 $0x7FFFFF, v18;
	v6 =	vmovc v18  }
0xe5: {  	s3 =	sadd.s32 $0x10, s3;
	v19 =	vmul.f32 v12, v11;
	v18 =	vmul.f32 v21, v10;
	v12 =	vnsel vm0, $0x0, v22  }
0xe6: {  	v20 =	vsub.f32 $1.000000000e+00, v6;
	_ =	sdelay $0x1  }
0xe7: {  	v15 =	vor.u32 $0x3F800000, v15;
	v21 =	vand.u32 $0x7FFFFF, v20  }
0xe8: {  	v22 =	vadd.f32 $1.000000000e+00, v15;
	v21 =	vor.u32 $0x3F800000, v21  }
0xe9: {  	v24 =	vadd.f32 $1.000000000e+00, v21  }
0xea: {  	v23 =	vpop (erf);
	(erf) = vrcp.f32 v22  }
0xeb: {  	v34 =	vpop (erf);
	(erf) = vrcp.f32 v24  }
0xec: {  	v13 =	vadd.f32 $-1.000000000e+00, v13  }
0xed: {  	v14 =	vadd.f32 $-1.000000000e+00, v14;
	v17 =	vadd.s32 $0xFFFFFF81, v17;
	v8 =	vadd.f32 v8, v8  }
0xee: {  	v16 =	vmul.f32 $6.931471820e-01, v16;
	v9 =	vadd.f32 v9, v9;
	v19 =	vadd.f32 $3.333333430e-01, v19  }
0xef: {  	v48 =	vshrl.u32 v5, $0x17;
	v7 =	vshrl.u32 v7, $0x17;
	v13 =	vmul.f32 v23, v13  }
0xf0: {  	v18 =	vadd.f32 $3.333333430e-01, v18;
	v11 =	vmul.f32 v19, v11;
	v14 =	vmul.f32 v34, v14  }
0xf1: {  	v17 =	vcvt.s32.f32 v17;
	v15 =	vadd.f32 $-1.000000000e+00, v15;
	v35 =	vmul.f32 v13, v13  }
0xf2: {  	v10 =	vmul.f32 v18, v10;
	v11 =	vadd.f32 $1.000000000e+00, v11;
	v36 =	vmul.f32 v14, v14  }
0xf3: {  	v17 =	vmul.f32 $6.931471820e-01, v17;
	v21 =	vadd.f32 $-1.000000000e+00, v21;
	v37 =	vmul.f32 $1.111111120e-01, v35;
	v39 =	vpop (erf)  }
0xf4: {  	v10 =	vadd.f32 $1.000000000e+00, v10;
	v8 =	vmul.f32 v11, v8;
	v38 =	vmul.f32 $1.111111120e-01, v36;
	v40 =	vpop (erf)  }
0xf5: {  	v50 =	vshrl.u32 v6, $0x17;
	v11 =	vmul.f32 v39, v15;
	v15 =	vmul.f32 v40, v21  }
0xf6: {  	v9 =	vmul.f32 v10, v9;
	v23 =	vadd.f32 $1.428571490e-01, v37;
	v18 =	vadd.f32 $1.428571490e-01, v38  }
0xf7: {  	v7 =	vadd.s32 $0xFFFFFF81, v7;
	v43 =	vmul.f32 v11, v11;
	v44 =	vmul.f32 v15, v15  }
0xf8: {  	v13 =	vadd.f32 v13, v13;
	v23 =	vmul.f32 v23, v35;
	v18 =	vmul.f32 v18, v36  }
0xf9: {  	v9 =	vadd.f32 v9, v17;
	v46 =	vmul.f32 $1.111111120e-01, v43;
	v47 =	vmul.f32 $1.111111120e-01, v44  }
0xfa: {  	v7 =	vcvt.s32.f32 v7;
	v23 =	vadd.f32 $2.000000030e-01, v23;
	v41 =	vadd.f32 $2.000000030e-01, v18  }
0xfb: {  	v53 =	vshrl.u32 v20, $0x17;
	v17 =	vadd.f32 $1.428571490e-01, v46;
	v18 =	vadd.f32 $1.428571490e-01, v47  }
0xfc: {  	v14 =	vadd.f32 v14, v14;
	v42 =	vmul.f32 v23, v35;
	v10 =	vmul.f32 v41, v36  }
0xfd: {  	v8 =	vadd.f32 v8, v16;
	v17 =	vmul.f32 v17, v43;
	v18 =	vmul.f32 v18, v44  }
0xfe: {  	v22 =	vadd.s32 $0xFFFFFF81, v48;
	v45 =	vadd.f32 $3.333333430e-01, v42;
	v10 =	vadd.f32 $3.333333430e-01, v10  }
0xff: {  	v49 =	vcvt.s32.f32 v22;
	v17 =	vadd.f32 $2.000000030e-01, v17;
	v18 =	vadd.f32 $2.000000030e-01, v18  }
0x100: {  	v11 =	vadd.f32 v11, v11;
	v16 =	vmul.f32 v45, v35;
	v10 =	vmul.f32 v10, v36  }
0x101: {  	v15 =	vadd.f32 v15, v15;
	v17 =	vmul.f32 v17, v43;
	v18 =	vmul.f32 v18, v44  }
0x102: {  	v7 =	vmul.f32 $6.931471820e-01, v7;
	v16 =	vadd.f32 $1.000000000e+00, v16;
	v10 =	vadd.f32 $1.000000000e+00, v10  }
0x103: {  	v19 =	vmul.f32 $6.931471820e-01, v49;
	v51 =	vadd.f32 $3.333333430e-01, v17;
	v52 =	vadd.f32 $3.333333430e-01, v18  }
0x104: {  	v13 =	vmul.f32 v16, v13;
	v10 =	vmul.f32 v10, v14;
	v14 =	vadd.s32 $0xFFFFFF81, v50  }
0x105: {  	v16 =	vmul.f32 v51, v43;
	v18 =	vadd.s32 $0xFFFFFF81, v53;
	v17 =	vmul.f32 v52, v44  }
0x106: {  	v54 =	vld [tilespmem:s1+$0x4000];
	v13 =	vadd.f32 v13, v19;
	v14 =	vcvt.s32.f32 v14;
	v18 =	vcvt.s32.f32 v18  }
0x107: {  	v16 =	vadd.f32 $1.000000000e+00, v16;
	v17 =	vadd.f32 $1.000000000e+00, v17  }
0x108: {  	v55 =	vld [tilespmem:s0+$0x4000];
	v7 =	vadd.f32 v10, v7;
	v56 =	vmul.f32 $6.931471820e-01, v14;
	v57 =	vmul.f32 $6.931471820e-01, v18  }
0x109: {  	v8 =	vsub.f32 v8, v9;
	v11 =	vmul.f32 v16, v11;
	v15 =	vmul.f32 v17, v15  }
0x10a: {  	v58 =	vld [tilespmem:s26+$0x4000];
	v13 =	vsub.f32 v13, v7  }
0x10b: {  	v8 =	vmul.f32 v8, v54;
	v10 =	vadd.f32 v11, v56;
	v59 =	vadd.f32 v15, v57  }
0x10c: {  	v60 =	vsel vm0, $0x3F800000, v0;
	vm13 =	vlt.f32 v4, v1  }
0x10d: {  	v8 =	vadd.f32 v8, v9;
	v4 =	vmul.f32 v13, v55;
	v61 =	vsub.f32 v10, v59  }
0x10e: {  	v3 =	vadd.f32 v12, v3;
	v2 =	vadd.f32 v60, v2  }
0x10f: {  	s31 =	sadd.s32 $0x1, s31;
	v8 =	vnsel vm13, $0x0, v8;
	v4 =	vadd.f32 v4, v7;
	v63 =	vmul.f32 v61, v58  }
0x110: {  	vm14 =	vlt.f32 v5, v1;
	v62 =	vsel vm13, $0x3F800000, v0;
	p0 =	sne.s32 s31, $0x20;
	v3 =	vadd.f32 v8, v3  }
.Ltmp3:
0x111: {  	v2 =	vadd.f32 v62, v2;
	v4 =	vnsel vm14, $0x0, v4;
	v7 =	vadd.f32 v63, v59;
	(pc) =	sbr.rel @p0 .LBB2_6-.Ltmp3, $4  }
0x112: {  	vm15 =	vlt.f32 v6, v1;
	v5 =	vsel vm14, $0x3F800000, v0;
	v3 =	vadd.f32 v4, v3  }
0x113: {  	v2 =	vadd.f32 v5, v2;
	v4 =	vnsel vm15, $0x0, v7  }
0x114: {  	v5 =	vsel vm15, $0x3F800000, v0;
	v3 =	vadd.f32 v4, v3  }
0x115: {  	v2 =	vadd.f32 v5, v2  }
0x116: {  	s30 =	simm.s32 $0x0  }
0x117: {  	[tilespmem:s30], [sflag:$0x1] =	stream.linear.gather [hbm4b:s9+s30], $0x4000, $0x38;
	[tilespmem:$0x8180] =	vst v63  }
0x118: {  	_ =	swait.ge [sflag:s4], $0x4000  }
0x119: {  	[sflag:s4] =	ssyncset.done $0x0  }
0x11a: {  	[sflag:s4] =	ssyncadd.s32 $0xFFFFC000  }
0x11b: {  	[tilespmem:s25], [sflag:$0x1] =	stream.linear.gather [hbm4b:s10+s30], $0x4000, $0x38;
	[tilespmem:$0x8180] =	vst v63  }
0x11c: {  	_ =	swait.ge [sflag:s4], $0x4000  }
0x11d: {  	[sflag:s4] =	ssyncset.done $0x0  }
0x11e: {  	s31 =	simm.s32 $0x0;
	[sflag:s4] =	ssyncadd.s32 $0xFFFFC000  }
.LBB2_10:
0x11f: {  	s0 =	sshll.u32 s31, $0x9;
	s1 =	sshll.u32 s31, $0x7  }
0x120: {  	s0 =	sand.u32 $0x3000, s0;
	s1 =	sand.u32 $0x380, s1  }
0x121: {  	s5 =	sand.u32 $0xC00, s30;
	s24 =	sor.u32 s0, s1  }
0x122: {  	s26 =	sand.u32 $0x70, s30;
	s0 =	sor.u32 s5, s24  }
0x123: {  	s3 =	sor.u32 s26, s0  }
0x124: {  	v12 =	vld [tilespmem:s3+$0x0];
	_ =	sdelay $0x4  }
0x125: {  	v6 =	vsub.f32 $1.000000000e+00, v12  }
0x126: {  	v4 =	vand.u32 $0x7FFFFF, v12  }
0x127: {  	v5 =	vor.u32 $0x3F800000, v4;
	v4 =	vand.u32 $0x7FFFFF, v6  }
0x128: {  	v7 =	vadd.f32 $1.000000000e+00, v5;
	v8 =	vor.u32 $0x3F800000, v4  }
0x129: {  	v4 =	vadd.f32 $1.000000000e+00, v8  }
0x12a: {  	(erf) = vrcp.f32 v7  }
0x12b: {  	(erf) = vrcp.f32 v4;
	_ =	sdelay $0x1  }
0x12c: {  	s1 =	simm.s32 $0x80  }
0x12d: {  	s5 =	simm.s32 $0x10;
	s0 =	sand.u32 $0xC00, s1  }
0x12e: {  	s1 =	sand.u32 $0x70, s5;
	s0 =	sor.u32 s0, s24  }
0x12f: {  	s1 =	sor.u32 s1, s0  }
0x130: {  	v4 =	vld [tilespmem:s1+$0x0];
	_ =	sdelay $0x1  }
0x131: {  	v5 =	vadd.f32 $-1.000000000e+00, v5;
	v8 =	vadd.f32 $-1.000000000e+00, v8;
	v7 =	vpop (erf)  }
0x132: {  	v9 =	vpop (erf)  }
0x133: {  	v10 =	vmul.f32 v7, v5;
	v11 =	vmul.f32 v9, v8  }
0x134: {  	v17 =	vsub.f32 $1.000000000e+00, v4;
	v5 =	vand.u32 $0x7FFFFF, v4  }
0x135: {  	v7 =	vor.u32 $0x3F800000, v5;
	v9 =	vmul.f32 v10, v10;
	v13 =	vmul.f32 v11, v11  }
0x136: {  	v5 =	vand.u32 $0x7FFFFF, v17;
	v8 =	vadd.f32 $1.000000000e+00, v7  }
0x137: {  	v14 =	vor.u32 $0x3F800000, v5;
	v5 =	vmul.f32 $1.111111120e-01, v9;
	v15 =	vmul.f32 $1.111111120e-01, v13  }
0x138: {  	v16 =	vadd.f32 $1.000000000e+00, v14;
	(erf) = vrcp.f32 v8  }
0x139: {  	v8 =	vadd.f32 $1.428571490e-01, v5;
	v15 =	vadd.f32 $1.428571490e-01, v15  }
0x13a: {  	s26 =	simm.s32 $0x100;
	(erf) = vrcp.f32 v16  }
0x13b: {  	s5 =	simm.s32 $0x20;
	s0 =	sand.u32 $0xC00, s26;
	v8 =	vmul.f32 v8, v9;
	v15 =	vmul.f32 v15, v13  }
0x13c: {  	s5 =	sand.u32 $0x70, s5;
	s0 =	sor.u32 s0, s24;
	v6 =	vshrl.u32 v6, $0x17  }
0x13d: {  	s0 =	sor.u32 s5, s0;
	v6 =	vadd.s32 $0xFFFFFF81, v6;
	v8 =	vadd.f32 $2.000000030e-01, v8;
	v15 =	vadd.f32 $2.000000030e-01, v15  }
0x13e: {  	v6 =	vcvt.s32.f32 v6;
	v16 =	vshrl.u32 v12, $0x17;
	v5 =	vld [tilespmem:s0+$0x0]  }
0x13f: {  	v16 =	vadd.s32 $0xFFFFFF81, v16;
	v8 =	vmul.f32 v8, v9;
	v15 =	vmul.f32 v15, v13  }
0x140: {  	v7 =	vadd.f32 $-1.000000000e+00, v7;
	v16 =	vcvt.s32.f32 v16  }
0x141: {  	v6 =	vmul.f32 $6.931471820e-01, v6;
	v19 =	vpop (erf);
	v20 =	vadd.f32 $3.333333430e-01, v8;
	v15 =	vadd.f32 $3.333333430e-01, v15  }
0x142: {  	v14 =	vadd.f32 $-1.000000000e+00, v14;
	v16 =	vmul.f32 $6.931471820e-01, v16;
	v8 =	vmul.f32 v19, v7  }
0x143: {  	v7 =	vsub.f32 $1.000000000e+00, v5;
	v19 =	vpop (erf);
	v20 =	vmul.f32 v20, v9;
	v13 =	vmul.f32 v15, v13  }
0x144: {  	v9 =	vmul.f32 v19, v14;
	v14 =	vadd.f32 v10, v10;
	v15 =	vadd.f32 v11, v11  }
0x145: {  	v18 =	vand.u32 $0x7FFFFF, v5;
	v19 =	vadd.f32 $1.000000000e+00, v20;
	v20 =	vadd.f32 $1.000000000e+00, v13  }
0x146: {  	v11 =	vmul.f32 v8, v8;
	v10 =	vmul.f32 v9, v9;
	v13 =	vor.u32 $0x3F800000, v18  }
0x147: {  	s28 =	simm.s32 $0x180;
	v18 =	vand.u32 $0x7FFFFF, v7;
	v19 =	vmul.f32 v19, v14;
	v15 =	vmul.f32 v20, v15  }
0x148: {  	v21 =	vld [tilespmem:s3+$0x4000];
	s26 =	sand.u32 $0xC00, s28;
	s5 =	simm.s32 $0x30;
	v14 =	vor.u32 $0x3F800000, v18;
	v18 =	vmul.f32 $1.111111120e-01, v11;
	v20 =	vadd.f32 $1.000000000e+00, v13  }
0x149: {  	s26 =	sor.u32 s26, s24;
	s5 =	sand.u32 $0x70, s5;
	v22 =	vmul.f32 $1.111111120e-01, v10;
	v16 =	vadd.f32 v19, v16;
	v15 =	vadd.f32 v15, v6  }
0x14a: {  	s26 =	sor.u32 s5, s26;
	v19 =	vadd.f32 $1.000000000e+00, v14;
	v18 =	vadd.f32 $1.428571490e-01, v18;
	(erf) = vrcp.f32 v20  }
0x14b: {  	v6 =	vld [tilespmem:s26+$0x0];
	v20 =	vadd.f32 $1.428571490e-01, v22;
	v16 =	vsub.f32 v16, v15  }
0x14c: {  	(erf) = vrcp.f32 v19;
	v18 =	vmul.f32 v18, v11  }
0x14d: {  	v19 =	vmul.f32 v20, v10;
	v16 =	vmul.f32 v16, v21  }
0x14e: {  	vm0 =	vlt.f32 v12, v1;
	v20 =	vshrl.u32 v4, $0x17;
	v18 =	vadd.f32 $2.000000030e-01, v18  }
0x14f: {  	v12 =	vadd.s32 $0xFFFFFF81, v20;
	v20 =	vadd.f32 $2.000000030e-01, v19;
	v21 =	vadd.f32 v16, v15  }
0x150: {  	v17 =	vshrl.u32 v17, $0x17;
	v19 =	vmul.f32 v18, v11;
	v15 =	vand.u32 $0x7FFFFF, v6  }
0x151: {  	s3 =	simm.s32 $0x40;
	v16 =	vcvt.s32.f32 v12;
	v18 =	vmul.f32 v20, v10;
	v12 =	vnsel vm0, $0x0, v21  }
.LBB2_11:
0x152: {  	p0 =	sne.s32 s3, $0x1F0;
	v13 =	vadd.f32 $-1.000000000e+00, v13;
	v17 =	vadd.s32 $0xFFFFFF81, v17;
	v3 =	vadd.f32 v12, v3  }
0x153: {  	v16 =	vmul.f32 $6.931471820e-01, v16;
	v12 =	vpop (erf);
	v19 =	vadd.f32 $3.333333430e-01, v19;
	v18 =	vadd.f32 $3.333333430e-01, v18  }
0x154: {  	v12 =	vmul.f32 v12, v13;
	v13 =	vadd.f32 $-1.000000000e+00, v14;
	v14 =	vcvt.s32.f32 v17  }
0x155: {  	v20 =	vsub.f32 $1.000000000e+00, v6;
	v17 =	vpop (erf);
	v11 =	vmul.f32 v19, v11;
	v10 =	vmul.f32 v18, v10  }
0x156: {  	v18 =	vadd.f32 v8, v8;
	v19 =	vadd.f32 v9, v9;
	v9 =	vmul.f32 v17, v13;
	v8 =	vmovc v12  }
0x157: {  	v22 =	vmul.f32 $6.931471820e-01, v14;
	v17 =	vadd.f32 $1.000000000e+00, v11;
	v21 =	vadd.f32 $1.000000000e+00, v10  }
0x158: {  	v13 =	vor.u32 $0x3F800000, v15;
	v11 =	vmul.f32 v12, v8;
	v10 =	vmul.f32 v9, v9  }
0x159: {  	s28 =	sadd.s32 $0x80, s28;
	v12 =	vand.u32 $0x7FFFFF, v20;
	v15 =	vmul.f32 v17, v18;
	v17 =	vmul.f32 v21, v19  }
0x15a: {  	s5 =	sand.u32 $0xC00, s28;
	v14 =	vor.u32 $0x3F800000, v12;
	v18 =	vadd.f32 $1.000000000e+00, v13;
	v12 =	vmul.f32 $1.111111120e-01, v11;
	v19 =	vld [tilespmem:s1+$0x4000];
	s1 =	smov.u32 s0;
	s0 =	smov.u32 s26  }
0x15b: {  	s5 =	sor.u32 s5, s24;
	s26 =	sand.u32 $0x70, s3;
	v21 =	vmul.f32 $1.111111120e-01, v10;
	v15 =	vadd.f32 v15, v16;
	v16 =	vadd.f32 v17, v22  }
0x15c: {  	s26 =	sor.u32 s26, s5;
	v17 =	vadd.f32 $1.000000000e+00, v14;
	v12 =	vadd.f32 $1.428571490e-01, v12;
	(erf) = vrcp.f32 v18  }
0x15d: {  	v22 =	vsel vm0, $0x3F800000, v0;
	v21 =	vadd.f32 $1.428571490e-01, v21;
	v18 =	vld [tilespmem:s26+$0x0];
	v15 =	vsub.f32 v15, v16  }
0x15e: {  	v2 =	vadd.f32 v22, v2;
	v12 =	vmul.f32 v12, v11;
	(erf) = vrcp.f32 v17  }
.Ltmp4:
0x15f: {  	v17 =	vmul.f32 v21, v10;
	v15 =	vmul.f32 v15, v19;
	(pc) =	sbr.rel @p0 .LBB2_11-.Ltmp4, $4  }
0x160: {  	vm0 =	vlt.f32 v4, v1;
	v4 =	vmovc v5;
	v19 =	vshrl.u32 v5, $0x17;
	v12 =	vadd.f32 $2.000000030e-01, v12;
	v5 =	vmovc v6  }
0x161: {  	v19 =	vadd.s32 $0xFFFFFF81, v19;
	v21 =	vadd.f32 $2.000000030e-01, v17;
	v22 =	vadd.f32 v15, v16  }
0x162: {  	v17 =	vshrl.u32 v7, $0x17;
	v7 =	vmovc v20;
	v16 =	vcvt.s32.f32 v19;
	v15 =	vand.u32 $0x7FFFFF, v18;
	v6 =	vmovc v18  }
0x163: {  	s3 =	sadd.s32 $0x10, s3;
	v19 =	vmul.f32 v12, v11;
	v18 =	vmul.f32 v21, v10;
	v12 =	vnsel vm0, $0x0, v22  }
0x164: {  	v20 =	vsub.f32 $1.000000000e+00, v6;
	_ =	sdelay $0x1  }
0x165: {  	v15 =	vor.u32 $0x3F800000, v15;
	v21 =	vand.u32 $0x7FFFFF, v20  }
0x166: {  	v22 =	vadd.f32 $1.000000000e+00, v15;
	v21 =	vor.u32 $0x3F800000, v21  }
0x167: {  	v24 =	vadd.f32 $1.000000000e+00, v21  }
0x168: {  	v23 =	vpop (erf);
	(erf) = vrcp.f32 v22  }
0x169: {  	v34 =	vpop (erf);
	(erf) = vrcp.f32 v24  }
0x16a: {  	v13 =	vadd.f32 $-1.000000000e+00, v13  }
0x16b: {  	v14 =	vadd.f32 $-1.000000000e+00, v14;
	v17 =	vadd.s32 $0xFFFFFF81, v17;
	v8 =	vadd.f32 v8, v8  }
0x16c: {  	v16 =	vmul.f32 $6.931471820e-01, v16;
	v9 =	vadd.f32 v9, v9;
	v19 =	vadd.f32 $3.333333430e-01, v19  }
0x16d: {  	v48 =	vshrl.u32 v5, $0x17;
	v7 =	vshrl.u32 v7, $0x17;
	v13 =	vmul.f32 v23, v13  }
0x16e: {  	v18 =	vadd.f32 $3.333333430e-01, v18;
	v11 =	vmul.f32 v19, v11;
	v14 =	vmul.f32 v34, v14  }
0x16f: {  	v17 =	vcvt.s32.f32 v17;
	v15 =	vadd.f32 $-1.000000000e+00, v15;
	v35 =	vmul.f32 v13, v13  }
0x170: {  	v10 =	vmul.f32 v18, v10;
	v11 =	vadd.f32 $1.000000000e+00, v11;
	v36 =	vmul.f32 v14, v14  }
0x171: {  	v17 =	vmul.f32 $6.931471820e-01, v17;
	v21 =	vadd.f32 $-1.000000000e+00, v21;
	v37 =	vmul.f32 $1.111111120e-01, v35;
	v39 =	vpop (erf)  }
0x172: {  	v10 =	vadd.f32 $1.000000000e+00, v10;
	v8 =	vmul.f32 v11, v8;
	v38 =	vmul.f32 $1.111111120e-01, v36;
	v40 =	vpop (erf)  }
0x173: {  	v50 =	vshrl.u32 v6, $0x17;
	v11 =	vmul.f32 v39, v15;
	v15 =	vmul.f32 v40, v21  }
0x174: {  	v9 =	vmul.f32 v10, v9;
	v23 =	vadd.f32 $1.428571490e-01, v37;
	v18 =	vadd.f32 $1.428571490e-01, v38  }
0x175: {  	v7 =	vadd.s32 $0xFFFFFF81, v7;
	v43 =	vmul.f32 v11, v11;
	v44 =	vmul.f32 v15, v15  }
0x176: {  	v13 =	vadd.f32 v13, v13;
	v23 =	vmul.f32 v23, v35;
	v18 =	vmul.f32 v18, v36  }
0x177: {  	v9 =	vadd.f32 v9, v17;
	v46 =	vmul.f32 $1.111111120e-01, v43;
	v47 =	vmul.f32 $1.111111120e-01, v44  }
0x178: {  	v7 =	vcvt.s32.f32 v7;
	v23 =	vadd.f32 $2.000000030e-01, v23;
	v41 =	vadd.f32 $2.000000030e-01, v18  }
0x179: {  	v53 =	vshrl.u32 v20, $0x17;
	v17 =	vadd.f32 $1.428571490e-01, v46;
	v18 =	vadd.f32 $1.428571490e-01, v47  }
0x17a: {  	v14 =	vadd.f32 v14, v14;
	v42 =	vmul.f32 v23, v35;
	v10 =	vmul.f32 v41, v36  }
0x17b: {  	v8 =	vadd.f32 v8, v16;
	v17 =	vmul.f32 v17, v43;
	v18 =	vmul.f32 v18, v44  }
0x17c: {  	v22 =	vadd.s32 $0xFFFFFF81, v48;
	v45 =	vadd.f32 $3.333333430e-01, v42;
	v10 =	vadd.f32 $3.333333430e-01, v10  }
0x17d: {  	v49 =	vcvt.s32.f32 v22;
	v17 =	vadd.f32 $2.000000030e-01, v17;
	v18 =	vadd.f32 $2.000000030e-01, v18  }
0x17e: {  	v11 =	vadd.f32 v11, v11;
	v16 =	vmul.f32 v45, v35;
	v10 =	vmul.f32 v10, v36  }
0x17f: {  	v15 =	vadd.f32 v15, v15;
	v17 =	vmul.f32 v17, v43;
	v18 =	vmul.f32 v18, v44  }
0x180: {  	v7 =	vmul.f32 $6.931471820e-01, v7;
	v16 =	vadd.f32 $1.000000000e+00, v16;
	v10 =	vadd.f32 $1.000000000e+00, v10  }
0x181: {  	v19 =	vmul.f32 $6.931471820e-01, v49;
	v51 =	vadd.f32 $3.333333430e-01, v17;
	v52 =	vadd.f32 $3.333333430e-01, v18  }
0x182: {  	v13 =	vmul.f32 v16, v13;
	v10 =	vmul.f32 v10, v14;
	v14 =	vadd.s32 $0xFFFFFF81, v50  }
0x183: {  	v16 =	vmul.f32 v51, v43;
	v18 =	vadd.s32 $0xFFFFFF81, v53;
	v17 =	vmul.f32 v52, v44  }
0x184: {  	v54 =	vld [tilespmem:s1+$0x4000];
	v13 =	vadd.f32 v13, v19;
	v14 =	vcvt.s32.f32 v14;
	v18 =	vcvt.s32.f32 v18  }
0x185: {  	v16 =	vadd.f32 $1.000000000e+00, v16;
	v17 =	vadd.f32 $1.000000000e+00, v17  }
0x186: {  	v55 =	vld [tilespmem:s0+$0x4000];
	v7 =	vadd.f32 v10, v7;
	v56 =	vmul.f32 $6.931471820e-01, v14;
	v57 =	vmul.f32 $6.931471820e-01, v18  }
0x187: {  	v8 =	vsub.f32 v8, v9;
	v11 =	vmul.f32 v16, v11;
	v15 =	vmul.f32 v17, v15  }
0x188: {  	v58 =	vld [tilespmem:s26+$0x4000];
	v13 =	vsub.f32 v13, v7  }
0x189: {  	v8 =	vmul.f32 v8, v54;
	v10 =	vadd.f32 v11, v56;
	v59 =	vadd.f32 v15, v57  }
0x18a: {  	v60 =	vsel vm0, $0x3F800000, v0;
	vm13 =	vlt.f32 v4, v1  }
0x18b: {  	v8 =	vadd.f32 v8, v9;
	v4 =	vmul.f32 v13, v55;
	v61 =	vsub.f32 v10, v59  }
0x18c: {  	v3 =	vadd.f32 v12, v3;
	v2 =	vadd.f32 v60, v2  }
0x18d: {  	s31 =	sadd.s32 $0x1, s31;
	v8 =	vnsel vm13, $0x0, v8;
	v4 =	vadd.f32 v4, v7;
	v63 =	vmul.f32 v61, v58  }
0x18e: {  	vm14 =	vlt.f32 v5, v1;
	v62 =	vsel vm13, $0x3F800000, v0;
	p0 =	sne.s32 s31, $0x20;
	v3 =	vadd.f32 v8, v3  }
.Ltmp5:
0x18f: {  	v2 =	vadd.f32 v62, v2;
	v4 =	vnsel vm14, $0x0, v4;
	v7 =	vadd.f32 v63, v59;
	(pc) =	sbr.rel @p0 .LBB2_10-.Ltmp5, $4  }
0x190: {  	vm15 =	vlt.f32 v6, v1;
	v5 =	vsel vm14, $0x3F800000, v0;
	v3 =	vadd.f32 v4, v3  }
0x191: {  	v2 =	vadd.f32 v5, v2;
	v4 =	vnsel vm15, $0x0, v7  }
0x192: {  	v5 =	vsel vm15, $0x3F800000, v0;
	v3 =	vadd.f32 v4, v3  }
0x193: {  	v2 =	vadd.f32 v5, v2  }
0x194: {  	s30 =	simm.s32 $0x0  }
0x195: {  	[tilespmem:s30], [sflag:$0x1] =	stream.linear.gather [hbm4b:s11+s30], $0x4000, $0x38;
	[tilespmem:$0x8180] =	vst v63  }
0x196: {  	_ =	swait.ge [sflag:s4], $0x4000  }
0x197: {  	[sflag:s4] =	ssyncset.done $0x0  }
0x198: {  	[sflag:s4] =	ssyncadd.s32 $0xFFFFC000  }
0x199: {  	[tilespmem:s25], [sflag:$0x1] =	stream.linear.gather [hbm4b:s12+s30], $0x4000, $0x38;
	[tilespmem:$0x8180] =	vst v63  }
0x19a: {  	_ =	swait.ge [sflag:s4], $0x4000  }
0x19b: {  	[sflag:s4] =	ssyncset.done $0x0  }
0x19c: {  	s31 =	simm.s32 $0x0;
	[sflag:s4] =	ssyncadd.s32 $0xFFFFC000  }
.LBB2_14:
0x19d: {  	s0 =	sshll.u32 s31, $0x9;
	s1 =	sshll.u32 s31, $0x7  }
0x19e: {  	s0 =	sand.u32 $0x3000, s0;
	s1 =	sand.u32 $0x380, s1  }
0x19f: {  	s5 =	sand.u32 $0xC00, s30;
	s24 =	sor.u32 s0, s1  }
0x1a0: {  	s26 =	sand.u32 $0x70, s30;
	s0 =	sor.u32 s5, s24  }
0x1a1: {  	s3 =	sor.u32 s26, s0  }
0x1a2: {  	v12 =	vld [tilespmem:s3+$0x0];
	_ =	sdelay $0x4  }
0x1a3: {  	v6 =	vsub.f32 $1.000000000e+00, v12  }
0x1a4: {  	v4 =	vand.u32 $0x7FFFFF, v12  }
0x1a5: {  	v5 =	vor.u32 $0x3F800000, v4;
	v4 =	vand.u32 $0x7FFFFF, v6  }
0x1a6: {  	v7 =	vadd.f32 $1.000000000e+00, v5;
	v8 =	vor.u32 $0x3F800000, v4  }
0x1a7: {  	v4 =	vadd.f32 $1.000000000e+00, v8  }
0x1a8: {  	(erf) = vrcp.f32 v7  }
0x1a9: {  	(erf) = vrcp.f32 v4;
	_ =	sdelay $0x1  }
0x1aa: {  	s1 =	simm.s32 $0x80  }
0x1ab: {  	s5 =	simm.s32 $0x10;
	s0 =	sand.u32 $0xC00, s1  }
0x1ac: {  	s1 =	sand.u32 $0x70, s5;
	s0 =	sor.u32 s0, s24  }
0x1ad: {  	s1 =	sor.u32 s1, s0  }
0x1ae: {  	v4 =	vld [tilespmem:s1+$0x0];
	_ =	sdelay $0x1  }
0x1af: {  	v5 =	vadd.f32 $-1.000000000e+00, v5;
	v8 =	vadd.f32 $-1.000000000e+00, v8;
	v7 =	vpop (erf)  }
0x1b0: {  	v9 =	vpop (erf)  }
0x1b1: {  	v10 =	vmul.f32 v7, v5;
	v11 =	vmul.f32 v9, v8  }
0x1b2: {  	v17 =	vsub.f32 $1.000000000e+00, v4;
	v5 =	vand.u32 $0x7FFFFF, v4  }
0x1b3: {  	v7 =	vor.u32 $0x3F800000, v5;
	v9 =	vmul.f32 v10, v10;
	v13 =	vmul.f32 v11, v11  }
0x1b4: {  	v5 =	vand.u32 $0x7FFFFF, v17;
	v8 =	vadd.f32 $1.000000000e+00, v7  }
0x1b5: {  	v14 =	vor.u32 $0x3F800000, v5;
	v5 =	vmul.f32 $1.111111120e-01, v9;
	v15 =	vmul.f32 $1.111111120e-01, v13  }
0x1b6: {  	v16 =	vadd.f32 $1.000000000e+00, v14;
	(erf) = vrcp.f32 v8  }
0x1b7: {  	v8 =	vadd.f32 $1.428571490e-01, v5;
	v15 =	vadd.f32 $1.428571490e-01, v15  }
0x1b8: {  	s26 =	simm.s32 $0x100;
	(erf) = vrcp.f32 v16  }
0x1b9: {  	s5 =	simm.s32 $0x20;
	s0 =	sand.u32 $0xC00, s26;
	v8 =	vmul.f32 v8, v9;
	v15 =	vmul.f32 v15, v13  }
0x1ba: {  	s5 =	sand.u32 $0x70, s5;
	s0 =	sor.u32 s0, s24;
	v6 =	vshrl.u32 v6, $0x17  }
0x1bb: {  	s0 =	sor.u32 s5, s0;
	v6 =	vadd.s32 $0xFFFFFF81, v6;
	v8 =	vadd.f32 $2.000000030e-01, v8;
	v15 =	vadd.f32 $2.000000030e-01, v15  }
0x1bc: {  	v6 =	vcvt.s32.f32 v6;
	v16 =	vshrl.u32 v12, $0x17;
	v5 =	vld [tilespmem:s0+$0x0]  }
0x1bd: {  	v16 =	vadd.s32 $0xFFFFFF81, v16;
	v8 =	vmul.f32 v8, v9;
	v15 =	vmul.f32 v15, v13  }
0x1be: {  	v7 =	vadd.f32 $-1.000000000e+00, v7;
	v16 =	vcvt.s32.f32 v16  }
0x1bf: {  	v6 =	vmul.f32 $6.931471820e-01, v6;
	v19 =	vpop (erf);
	v20 =	vadd.f32 $3.333333430e-01, v8;
	v15 =	vadd.f32 $3.333333430e-01, v15  }
0x1c0: {  	v14 =	vadd.f32 $-1.000000000e+00, v14;
	v16 =	vmul.f32 $6.931471820e-01, v16;
	v8 =	vmul.f32 v19, v7  }
0x1c1: {  	v7 =	vsub.f32 $1.000000000e+00, v5;
	v19 =	vpop (erf);
	v20 =	vmul.f32 v20, v9;
	v13 =	vmul.f32 v15, v13  }
0x1c2: {  	v9 =	vmul.f32 v19, v14;
	v14 =	vadd.f32 v10, v10;
	v15 =	vadd.f32 v11, v11  }
0x1c3: {  	v18 =	vand.u32 $0x7FFFFF, v5;
	v19 =	vadd.f32 $1.000000000e+00, v20;
	v20 =	vadd.f32 $1.000000000e+00, v13  }
0x1c4: {  	v11 =	vmul.f32 v8, v8;
	v10 =	vmul.f32 v9, v9;
	v13 =	vor.u32 $0x3F800000, v18  }
0x1c5: {  	s28 =	simm.s32 $0x180;
	v18 =	vand.u32 $0x7FFFFF, v7;
	v19 =	vmul.f32 v19, v14;
	v15 =	vmul.f32 v20, v15  }
0x1c6: {  	v21 =	vld [tilespmem:s3+$0x4000];
	s26 =	sand.u32 $0xC00, s28;
	s5 =	simm.s32 $0x30;
	v14 =	vor.u32 $0x3F800000, v18;
	v18 =	vmul.f32 $1.111111120e-01, v11;
	v20 =	vadd.f32 $1.000000000e+00, v13  }
0x1c7: {  	s26 =	sor.u32 s26, s24;
	s5 =	sand.u32 $0x70, s5;
	v22 =	vmul.f32 $1.111111120e-01, v10;
	v16 =	vadd.f32 v19, v16;
	v15 =	vadd.f32 v15, v6  }
0x1c8: {  	s26 =	sor.u32 s5, s26;
	v19 =	vadd.f32 $1.000000000e+00, v14;
	v18 =	vadd.f32 $1.428571490e-01, v18;
	(erf) = vrcp.f32 v20  }
0x1c9: {  	v6 =	vld [tilespmem:s26+$0x0];
	v20 =	vadd.f32 $1.428571490e-01, v22;
	v16 =	vsub.f32 v16, v15  }
0x1ca: {  	(erf) = vrcp.f32 v19;
	v18 =	vmul.f32 v18, v11  }
0x1cb: {  	v19 =	vmul.f32 v20, v10;
	v16 =	vmul.f32 v16, v21  }
0x1cc: {  	vm0 =	vlt.f32 v12, v1;
	v20 =	vshrl.u32 v4, $0x17;
	v18 =	vadd.f32 $2.000000030e-01, v18  }
0x1cd: {  	v12 =	vadd.s32 $0xFFFFFF81, v20;
	v20 =	vadd.f32 $2.000000030e-01, v19;
	v21 =	vadd.f32 v16, v15  }
0x1ce: {  	v17 =	vshrl.u32 v17, $0x17;
	v19 =	vmul.f32 v18, v11;
	v15 =	vand.u32 $0x7FFFFF, v6  }
0x1cf: {  	s3 =	simm.s32 $0x40;
	v16 =	vcvt.s32.f32 v12;
	v18 =	vmul.f32 v20, v10;
	v12 =	vnsel vm0, $0x0, v21  }
.LBB2_15:
0x1d0: {  	p0 =	sne.s32 s3, $0x1F0;
	v13 =	vadd.f32 $-1.000000000e+00, v13;
	v17 =	vadd.s32 $0xFFFFFF81, v17;
	v3 =	vadd.f32 v12, v3  }
0x1d1: {  	v16 =	vmul.f32 $6.931471820e-01, v16;
	v12 =	vpop (erf);
	v19 =	vadd.f32 $3.333333430e-01, v19;
	v18 =	vadd.f32 $3.333333430e-01, v18  }
0x1d2: {  	v12 =	vmul.f32 v12, v13;
	v13 =	vadd.f32 $-1.000000000e+00, v14;
	v14 =	vcvt.s32.f32 v17  }
0x1d3: {  	v20 =	vsub.f32 $1.000000000e+00, v6;
	v17 =	vpop (erf);
	v11 =	vmul.f32 v19, v11;
	v10 =	vmul.f32 v18, v10  }
0x1d4: {  	v18 =	vadd.f32 v8, v8;
	v19 =	vadd.f32 v9, v9;
	v9 =	vmul.f32 v17, v13;
	v8 =	vmovc v12  }
0x1d5: {  	v22 =	vmul.f32 $6.931471820e-01, v14;
	v17 =	vadd.f32 $1.000000000e+00, v11;
	v21 =	vadd.f32 $1.000000000e+00, v10  }
0x1d6: {  	v13 =	vor.u32 $0x3F800000, v15;
	v11 =	vmul.f32 v12, v8;
	v10 =	vmul.f32 v9, v9  }
0x1d7: {  	s28 =	sadd.s32 $0x80, s28;
	v12 =	vand.u32 $0x7FFFFF, v20;
	v15 =	vmul.f32 v17, v18;
	v17 =	vmul.f32 v21, v19  }
0x1d8: {  	s5 =	sand.u32 $0xC00, s28;
	v14 =	vor.u32 $0x3F800000, v12;
	v18 =	vadd.f32 $1.000000000e+00, v13;
	v12 =	vmul.f32 $1.111111120e-01, v11;
	v19 =	vld [tilespmem:s1+$0x4000];
	s1 =	smov.u32 s0;
	s0 =	smov.u32 s26  }
0x1d9: {  	s5 =	sor.u32 s5, s24;
	s26 =	sand.u32 $0x70, s3;
	v21 =	vmul.f32 $1.111111120e-01, v10;
	v15 =	vadd.f32 v15, v16;
	v16 =	vadd.f32 v17, v22  }
0x1da: {  	s26 =	sor.u32 s26, s5;
	v17 =	vadd.f32 $1.000000000e+00, v14;
	v12 =	vadd.f32 $1.428571490e-01, v12;
	(erf) = vrcp.f32 v18  }
0x1db: {  	v22 =	vsel vm0, $0x3F800000, v0;
	v21 =	vadd.f32 $1.428571490e-01, v21;
	v18 =	vld [tilespmem:s26+$0x0];
	v15 =	vsub.f32 v15, v16  }
0x1dc: {  	v2 =	vadd.f32 v22, v2;
	v12 =	vmul.f32 v12, v11;
	(erf) = vrcp.f32 v17  }
.Ltmp6:
0x1dd: {  	v17 =	vmul.f32 v21, v10;
	v15 =	vmul.f32 v15, v19;
	(pc) =	sbr.rel @p0 .LBB2_15-.Ltmp6, $4  }
0x1de: {  	vm0 =	vlt.f32 v4, v1;
	v4 =	vmovc v5;
	v19 =	vshrl.u32 v5, $0x17;
	v12 =	vadd.f32 $2.000000030e-01, v12;
	v5 =	vmovc v6  }
0x1df: {  	v19 =	vadd.s32 $0xFFFFFF81, v19;
	v21 =	vadd.f32 $2.000000030e-01, v17;
	v22 =	vadd.f32 v15, v16  }
0x1e0: {  	v17 =	vshrl.u32 v7, $0x17;
	v7 =	vmovc v20;
	v16 =	vcvt.s32.f32 v19;
	v15 =	vand.u32 $0x7FFFFF, v18;
	v6 =	vmovc v18  }
0x1e1: {  	s3 =	sadd.s32 $0x10, s3;
	v19 =	vmul.f32 v12, v11;
	v18 =	vmul.f32 v21, v10;
	v12 =	vnsel vm0, $0x0, v22  }
0x1e2: {  	v20 =	vsub.f32 $1.000000000e+00, v6;
	_ =	sdelay $0x1  }
0x1e3: {  	v15 =	vor.u32 $0x3F800000, v15;
	v21 =	vand.u32 $0x7FFFFF, v20  }
0x1e4: {  	v22 =	vadd.f32 $1.000000000e+00, v15;
	v21 =	vor.u32 $0x3F800000, v21  }
0x1e5: {  	v24 =	vadd.f32 $1.000000000e+00, v21  }
0x1e6: {  	v23 =	vpop (erf);
	(erf) = vrcp.f32 v22  }
0x1e7: {  	v34 =	vpop (erf);
	(erf) = vrcp.f32 v24  }
0x1e8: {  	v13 =	vadd.f32 $-1.000000000e+00, v13  }
0x1e9: {  	v14 =	vadd.f32 $-1.000000000e+00, v14;
	v17 =	vadd.s32 $0xFFFFFF81, v17;
	v8 =	vadd.f32 v8, v8  }
0x1ea: {  	v16 =	vmul.f32 $6.931471820e-01, v16;
	v9 =	vadd.f32 v9, v9;
	v19 =	vadd.f32 $3.333333430e-01, v19  }
0x1eb: {  	v48 =	vshrl.u32 v5, $0x17;
	v7 =	vshrl.u32 v7, $0x17;
	v13 =	vmul.f32 v23, v13  }
0x1ec: {  	v18 =	vadd.f32 $3.333333430e-01, v18;
	v11 =	vmul.f32 v19, v11;
	v14 =	vmul.f32 v34, v14  }
0x1ed: {  	v17 =	vcvt.s32.f32 v17;
	v15 =	vadd.f32 $-1.000000000e+00, v15;
	v35 =	vmul.f32 v13, v13  }
0x1ee: {  	v10 =	vmul.f32 v18, v10;
	v11 =	vadd.f32 $1.000000000e+00, v11;
	v36 =	vmul.f32 v14, v14  }
0x1ef: {  	v17 =	vmul.f32 $6.931471820e-01, v17;
	v21 =	vadd.f32 $-1.000000000e+00, v21;
	v37 =	vmul.f32 $1.111111120e-01, v35;
	v39 =	vpop (erf)  }
0x1f0: {  	v10 =	vadd.f32 $1.000000000e+00, v10;
	v8 =	vmul.f32 v11, v8;
	v38 =	vmul.f32 $1.111111120e-01, v36;
	v40 =	vpop (erf)  }
0x1f1: {  	v50 =	vshrl.u32 v6, $0x17;
	v11 =	vmul.f32 v39, v15;
	v15 =	vmul.f32 v40, v21  }
0x1f2: {  	v9 =	vmul.f32 v10, v9;
	v23 =	vadd.f32 $1.428571490e-01, v37;
	v18 =	vadd.f32 $1.428571490e-01, v38  }
0x1f3: {  	v7 =	vadd.s32 $0xFFFFFF81, v7;
	v43 =	vmul.f32 v11, v11;
	v44 =	vmul.f32 v15, v15  }
0x1f4: {  	v13 =	vadd.f32 v13, v13;
	v23 =	vmul.f32 v23, v35;
	v18 =	vmul.f32 v18, v36  }
0x1f5: {  	v9 =	vadd.f32 v9, v17;
	v46 =	vmul.f32 $1.111111120e-01, v43;
	v47 =	vmul.f32 $1.111111120e-01, v44  }
0x1f6: {  	v7 =	vcvt.s32.f32 v7;
	v23 =	vadd.f32 $2.000000030e-01, v23;
	v41 =	vadd.f32 $2.000000030e-01, v18  }
0x1f7: {  	v53 =	vshrl.u32 v20, $0x17;
	v17 =	vadd.f32 $1.428571490e-01, v46;
	v18 =	vadd.f32 $1.428571490e-01, v47  }
0x1f8: {  	v14 =	vadd.f32 v14, v14;
	v42 =	vmul.f32 v23, v35;
	v10 =	vmul.f32 v41, v36  }
0x1f9: {  	v8 =	vadd.f32 v8, v16;
	v17 =	vmul.f32 v17, v43;
	v18 =	vmul.f32 v18, v44  }
0x1fa: {  	v22 =	vadd.s32 $0xFFFFFF81, v48;
	v45 =	vadd.f32 $3.333333430e-01, v42;
	v10 =	vadd.f32 $3.333333430e-01, v10  }
0x1fb: {  	v49 =	vcvt.s32.f32 v22;
	v17 =	vadd.f32 $2.000000030e-01, v17;
	v18 =	vadd.f32 $2.000000030e-01, v18  }
0x1fc: {  	v11 =	vadd.f32 v11, v11;
	v16 =	vmul.f32 v45, v35;
	v10 =	vmul.f32 v10, v36  }
0x1fd: {  	v15 =	vadd.f32 v15, v15;
	v17 =	vmul.f32 v17, v43;
	v18 =	vmul.f32 v18, v44  }
0x1fe: {  	v7 =	vmul.f32 $6.931471820e-01, v7;
	v16 =	vadd.f32 $1.000000000e+00, v16;
	v10 =	vadd.f32 $1.000000000e+00, v10  }
0x1ff: {  	v19 =	vmul.f32 $6.931471820e-01, v49;
	v51 =	vadd.f32 $3.333333430e-01, v17;
	v52 =	vadd.f32 $3.333333430e-01, v18  }
0x200: {  	v13 =	vmul.f32 v16, v13;
	v10 =	vmul.f32 v10, v14;
	v14 =	vadd.s32 $0xFFFFFF81, v50  }
0x201: {  	v16 =	vmul.f32 v51, v43;
	v18 =	vadd.s32 $0xFFFFFF81, v53;
	v17 =	vmul.f32 v52, v44  }
0x202: {  	v54 =	vld [tilespmem:s1+$0x4000];
	v13 =	vadd.f32 v13, v19;
	v14 =	vcvt.s32.f32 v14;
	v18 =	vcvt.s32.f32 v18  }
0x203: {  	v16 =	vadd.f32 $1.000000000e+00, v16;
	v17 =	vadd.f32 $1.000000000e+00, v17  }
0x204: {  	v55 =	vld [tilespmem:s0+$0x4000];
	v7 =	vadd.f32 v10, v7;
	v56 =	vmul.f32 $6.931471820e-01, v14;
	v57 =	vmul.f32 $6.931471820e-01, v18  }
0x205: {  	v8 =	vsub.f32 v8, v9;
	v11 =	vmul.f32 v16, v11;
	v15 =	vmul.f32 v17, v15  }
0x206: {  	v58 =	vld [tilespmem:s26+$0x4000];
	v13 =	vsub.f32 v13, v7  }
0x207: {  	v8 =	vmul.f32 v8, v54;
	v10 =	vadd.f32 v11, v56;
	v59 =	vadd.f32 v15, v57  }
0x208: {  	v60 =	vsel vm0, $0x3F800000, v0;
	vm13 =	vlt.f32 v4, v1  }
0x209: {  	v8 =	vadd.f32 v8, v9;
	v4 =	vmul.f32 v13, v55;
	v61 =	vsub.f32 v10, v59  }
0x20a: {  	v3 =	vadd.f32 v12, v3;
	v2 =	vadd.f32 v60, v2  }
0x20b: {  	s31 =	sadd.s32 $0x1, s31;
	v8 =	vnsel vm13, $0x0, v8;
	v4 =	vadd.f32 v4, v7;
	v63 =	vmul.f32 v61, v58  }
0x20c: {  	vm14 =	vlt.f32 v5, v1;
	v62 =	vsel vm13, $0x3F800000, v0;
	p0 =	sne.s32 s31, $0x20;
	v3 =	vadd.f32 v8, v3  }
.Ltmp7:
0x20d: {  	v2 =	vadd.f32 v62, v2;
	v4 =	vnsel vm14, $0x0, v4;
	v7 =	vadd.f32 v63, v59;
	(pc) =	sbr.rel @p0 .LBB2_14-.Ltmp7, $4  }
0x20e: {  	vm15 =	vlt.f32 v6, v1;
	v5 =	vsel vm14, $0x3F800000, v0;
	v3 =	vadd.f32 v4, v3  }
0x20f: {  	v2 =	vadd.f32 v5, v2;
	v4 =	vnsel vm15, $0x0, v7  }
0x210: {  	v5 =	vsel vm15, $0x3F800000, v0;
	v3 =	vadd.f32 v4, v3  }
0x211: {  	v2 =	vadd.f32 v5, v2  }
0x212: {  	s30 =	simm.s32 $0x0  }
0x213: {  	[tilespmem:s30], [sflag:$0x1] =	stream.linear.gather [hbm4b:s13+s30], $0x4000, $0x38;
	[tilespmem:$0x8180] =	vst v63  }
0x214: {  	_ =	swait.ge [sflag:s4], $0x4000  }
0x215: {  	[sflag:s4] =	ssyncset.done $0x0  }
0x216: {  	[sflag:s4] =	ssyncadd.s32 $0xFFFFC000  }
0x217: {  	[tilespmem:s25], [sflag:$0x1] =	stream.linear.gather [hbm4b:s14+s30], $0x4000, $0x38;
	[tilespmem:$0x8180] =	vst v63  }
0x218: {  	_ =	swait.ge [sflag:s4], $0x4000  }
0x219: {  	[sflag:s4] =	ssyncset.done $0x0  }
0x21a: {  	s31 =	simm.s32 $0x0;
	[sflag:s4] =	ssyncadd.s32 $0xFFFFC000  }
.LBB2_18:
0x21b: {  	s0 =	sshll.u32 s31, $0x9;
	s1 =	sshll.u32 s31, $0x7  }
0x21c: {  	s0 =	sand.u32 $0x3000, s0;
	s1 =	sand.u32 $0x380, s1  }
0x21d: {  	s5 =	sand.u32 $0xC00, s30;
	s24 =	sor.u32 s0, s1  }
0x21e: {  	s26 =	sand.u32 $0x70, s30;
	s0 =	sor.u32 s5, s24  }
0x21f: {  	s3 =	sor.u32 s26, s0  }
0x220: {  	v12 =	vld [tilespmem:s3+$0x0];
	_ =	sdelay $0x4  }
0x221: {  	v6 =	vsub.f32 $1.000000000e+00, v12  }
0x222: {  	v4 =	vand.u32 $0x7FFFFF, v12  }
0x223: {  	v5 =	vor.u32 $0x3F800000, v4;
	v4 =	vand.u32 $0x7FFFFF, v6  }
0x224: {  	v7 =	vadd.f32 $1.000000000e+00, v5;
	v8 =	vor.u32 $0x3F800000, v4  }
0x225: {  	v4 =	vadd.f32 $1.000000000e+00, v8  }
0x226: {  	(erf) = vrcp.f32 v7  }
0x227: {  	(erf) = vrcp.f32 v4;
	_ =	sdelay $0x1  }
0x228: {  	s1 =	simm.s32 $0x80  }
0x229: {  	s5 =	simm.s32 $0x10;
	s0 =	sand.u32 $0xC00, s1  }
0x22a: {  	s1 =	sand.u32 $0x70, s5;
	s0 =	sor.u32 s0, s24  }
0x22b: {  	s1 =	sor.u32 s1, s0  }
0x22c: {  	v4 =	vld [tilespmem:s1+$0x0];
	_ =	sdelay $0x1  }
0x22d: {  	v5 =	vadd.f32 $-1.000000000e+00, v5;
	v8 =	vadd.f32 $-1.000000000e+00, v8;
	v7 =	vpop (erf)  }
0x22e: {  	v9 =	vpop (erf)  }
0x22f: {  	v10 =	vmul.f32 v7, v5;
	v11 =	vmul.f32 v9, v8  }
0x230: {  	v17 =	vsub.f32 $1.000000000e+00, v4;
	v5 =	vand.u32 $0x7FFFFF, v4  }
0x231: {  	v7 =	vor.u32 $0x3F800000, v5;
	v9 =	vmul.f32 v10, v10;
	v13 =	vmul.f32 v11, v11  }
0x232: {  	v5 =	vand.u32 $0x7FFFFF, v17;
	v8 =	vadd.f32 $1.000000000e+00, v7  }
0x233: {  	v14 =	vor.u32 $0x3F800000, v5;
	v5 =	vmul.f32 $1.111111120e-01, v9;
	v15 =	vmul.f32 $1.111111120e-01, v13  }
0x234: {  	v16 =	vadd.f32 $1.000000000e+00, v14;
	(erf) = vrcp.f32 v8  }
0x235: {  	v8 =	vadd.f32 $1.428571490e-01, v5;
	v15 =	vadd.f32 $1.428571490e-01, v15  }
0x236: {  	s26 =	simm.s32 $0x100;
	(erf) = vrcp.f32 v16  }
0x237: {  	s5 =	simm.s32 $0x20;
	s0 =	sand.u32 $0xC00, s26;
	v8 =	vmul.f32 v8, v9;
	v15 =	vmul.f32 v15, v13  }
0x238: {  	s5 =	sand.u32 $0x70, s5;
	s0 =	sor.u32 s0, s24;
	v6 =	vshrl.u32 v6, $0x17  }
0x239: {  	s0 =	sor.u32 s5, s0;
	v6 =	vadd.s32 $0xFFFFFF81, v6;
	v8 =	vadd.f32 $2.000000030e-01, v8;
	v15 =	vadd.f32 $2.000000030e-01, v15  }
0x23a: {  	v6 =	vcvt.s32.f32 v6;
	v16 =	vshrl.u32 v12, $0x17;
	v5 =	vld [tilespmem:s0+$0x0]  }
0x23b: {  	v16 =	vadd.s32 $0xFFFFFF81, v16;
	v8 =	vmul.f32 v8, v9;
	v15 =	vmul.f32 v15, v13  }
0x23c: {  	v7 =	vadd.f32 $-1.000000000e+00, v7;
	v16 =	vcvt.s32.f32 v16  }
0x23d: {  	v6 =	vmul.f32 $6.931471820e-01, v6;
	v19 =	vpop (erf);
	v20 =	vadd.f32 $3.333333430e-01, v8;
	v15 =	vadd.f32 $3.333333430e-01, v15  }
0x23e: {  	v14 =	vadd.f32 $-1.000000000e+00, v14;
	v16 =	vmul.f32 $6.931471820e-01, v16;
	v8 =	vmul.f32 v19, v7  }
0x23f: {  	v7 =	vsub.f32 $1.000000000e+00, v5;
	v19 =	vpop (erf);
	v20 =	vmul.f32 v20, v9;
	v13 =	vmul.f32 v15, v13  }
0x240: {  	v9 =	vmul.f32 v19, v14;
	v14 =	vadd.f32 v10, v10;
	v15 =	vadd.f32 v11, v11  }
0x241: {  	v18 =	vand.u32 $0x7FFFFF, v5;
	v19 =	vadd.f32 $1.000000000e+00, v20;
	v20 =	vadd.f32 $1.000000000e+00, v13  }
0x242: {  	v11 =	vmul.f32 v8, v8;
	v10 =	vmul.f32 v9, v9;
	v13 =	vor.u32 $0x3F800000, v18  }
0x243: {  	s28 =	simm.s32 $0x180;
	v18 =	vand.u32 $0x7FFFFF, v7;
	v19 =	vmul.f32 v19, v14;
	v15 =	vmul.f32 v20, v15  }
0x244: {  	v21 =	vld [tilespmem:s3+$0x4000];
	s26 =	sand.u32 $0xC00, s28;
	s5 =	simm.s32 $0x30;
	v14 =	vor.u32 $0x3F800000, v18;
	v18 =	vmul.f32 $1.111111120e-01, v11;
	v20 =	vadd.f32 $1.000000000e+00, v13  }
0x245: {  	s26 =	sor.u32 s26, s24;
	s5 =	sand.u32 $0x70, s5;
	v22 =	vmul.f32 $1.111111120e-01, v10;
	v16 =	vadd.f32 v19, v16;
	v15 =	vadd.f32 v15, v6  }
0x246: {  	s26 =	sor.u32 s5, s26;
	v19 =	vadd.f32 $1.000000000e+00, v14;
	v18 =	vadd.f32 $1.428571490e-01, v18;
	(erf) = vrcp.f32 v20  }
0x247: {  	v6 =	vld [tilespmem:s26+$0x0];
	v20 =	vadd.f32 $1.428571490e-01, v22;
	v16 =	vsub.f32 v16, v15  }
0x248: {  	(erf) = vrcp.f32 v19;
	v18 =	vmul.f32 v18, v11  }
0x249: {  	v19 =	vmul.f32 v20, v10;
	v16 =	vmul.f32 v16, v21  }
0x24a: {  	vm0 =	vlt.f32 v12, v1;
	v20 =	vshrl.u32 v4, $0x17;
	v18 =	vadd.f32 $2.000000030e-01, v18  }
0x24b: {  	v12 =	vadd.s32 $0xFFFFFF81, v20;
	v20 =	vadd.f32 $2.000000030e-01, v19;
	v21 =	vadd.f32 v16, v15  }
0x24c: {  	v17 =	vshrl.u32 v17, $0x17;
	v19 =	vmul.f32 v18, v11;
	v15 =	vand.u32 $0x7FFFFF, v6  }
0x24d: {  	s3 =	simm.s32 $0x40;
	v16 =	vcvt.s32.f32 v12;
	v18 =	vmul.f32 v20, v10;
	v12 =	vnsel vm0, $0x0, v21  }
.LBB2_19:
0x24e: {  	p0 =	sne.s32 s3, $0x1F0;
	v13 =	vadd.f32 $-1.000000000e+00, v13;
	v17 =	vadd.s32 $0xFFFFFF81, v17;
	v3 =	vadd.f32 v12, v3  }
0x24f: {  	v16 =	vmul.f32 $6.931471820e-01, v16;
	v12 =	vpop (erf);
	v19 =	vadd.f32 $3.333333430e-01, v19;
	v18 =	vadd.f32 $3.333333430e-01, v18  }
0x250: {  	v12 =	vmul.f32 v12, v13;
	v13 =	vadd.f32 $-1.000000000e+00, v14;
	v14 =	vcvt.s32.f32 v17  }
0x251: {  	v20 =	vsub.f32 $1.000000000e+00, v6;
	v17 =	vpop (erf);
	v11 =	vmul.f32 v19, v11;
	v10 =	vmul.f32 v18, v10  }
0x252: {  	v18 =	vadd.f32 v8, v8;
	v19 =	vadd.f32 v9, v9;
	v9 =	vmul.f32 v17, v13;
	v8 =	vmovc v12  }
0x253: {  	v22 =	vmul.f32 $6.931471820e-01, v14;
	v17 =	vadd.f32 $1.000000000e+00, v11;
	v21 =	vadd.f32 $1.000000000e+00, v10  }
0x254: {  	v13 =	vor.u32 $0x3F800000, v15;
	v11 =	vmul.f32 v12, v8;
	v10 =	vmul.f32 v9, v9  }
0x255: {  	s28 =	sadd.s32 $0x80, s28;
	v12 =	vand.u32 $0x7FFFFF, v20;
	v15 =	vmul.f32 v17, v18;
	v17 =	vmul.f32 v21, v19  }
0x256: {  	s5 =	sand.u32 $0xC00, s28;
	v14 =	vor.u32 $0x3F800000, v12;
	v18 =	vadd.f32 $1.000000000e+00, v13;
	v12 =	vmul.f32 $1.111111120e-01, v11;
	v19 =	vld [tilespmem:s1+$0x4000];
	s1 =	smov.u32 s0;
	s0 =	smov.u32 s26  }
0x257: {  	s5 =	sor.u32 s5, s24;
	s26 =	sand.u32 $0x70, s3;
	v21 =	vmul.f32 $1.111111120e-01, v10;
	v15 =	vadd.f32 v15, v16;
	v16 =	vadd.f32 v17, v22  }
0x258: {  	s26 =	sor.u32 s26, s5;
	v17 =	vadd.f32 $1.000000000e+00, v14;
	v12 =	vadd.f32 $1.428571490e-01, v12;
	(erf) = vrcp.f32 v18  }
0x259: {  	v22 =	vsel vm0, $0x3F800000, v0;
	v21 =	vadd.f32 $1.428571490e-01, v21;
	v18 =	vld [tilespmem:s26+$0x0];
	v15 =	vsub.f32 v15, v16  }
0x25a: {  	v2 =	vadd.f32 v22, v2;
	v12 =	vmul.f32 v12, v11;
	(erf) = vrcp.f32 v17  }
.Ltmp8:
0x25b: {  	v17 =	vmul.f32 v21, v10;
	v15 =	vmul.f32 v15, v19;
	(pc) =	sbr.rel @p0 .LBB2_19-.Ltmp8, $4  }
0x25c: {  	vm0 =	vlt.f32 v4, v1;
	v4 =	vmovc v5;
	v19 =	vshrl.u32 v5, $0x17;
	v12 =	vadd.f32 $2.000000030e-01, v12;
	v5 =	vmovc v6  }
0x25d: {  	v19 =	vadd.s32 $0xFFFFFF81, v19;
	v21 =	vadd.f32 $2.000000030e-01, v17;
	v22 =	vadd.f32 v15, v16  }
0x25e: {  	v17 =	vshrl.u32 v7, $0x17;
	v7 =	vmovc v20;
	v16 =	vcvt.s32.f32 v19;
	v15 =	vand.u32 $0x7FFFFF, v18;
	v6 =	vmovc v18  }
0x25f: {  	s3 =	sadd.s32 $0x10, s3;
	v19 =	vmul.f32 v12, v11;
	v18 =	vmul.f32 v21, v10;
	v12 =	vnsel vm0, $0x0, v22  }
0x260: {  	v20 =	vsub.f32 $1.000000000e+00, v6;
	_ =	sdelay $0x1  }
0x261: {  	v15 =	vor.u32 $0x3F800000, v15;
	v21 =	vand.u32 $0x7FFFFF, v20  }
0x262: {  	v22 =	vadd.f32 $1.000000000e+00, v15;
	v21 =	vor.u32 $0x3F800000, v21  }
0x263: {  	v24 =	vadd.f32 $1.000000000e+00, v21  }
0x264: {  	v23 =	vpop (erf);
	(erf) = vrcp.f32 v22  }
0x265: {  	v34 =	vpop (erf);
	(erf) = vrcp.f32 v24  }
0x266: {  	v13 =	vadd.f32 $-1.000000000e+00, v13  }
0x267: {  	v14 =	vadd.f32 $-1.000000000e+00, v14;
	v17 =	vadd.s32 $0xFFFFFF81, v17;
	v8 =	vadd.f32 v8, v8  }
0x268: {  	v16 =	vmul.f32 $6.931471820e-01, v16;
	v9 =	vadd.f32 v9, v9;
	v19 =	vadd.f32 $3.333333430e-01, v19  }
0x269: {  	v48 =	vshrl.u32 v5, $0x17;
	v7 =	vshrl.u32 v7, $0x17;
	v13 =	vmul.f32 v23, v13  }
0x26a: {  	v18 =	vadd.f32 $3.333333430e-01, v18;
	v11 =	vmul.f32 v19, v11;
	v14 =	vmul.f32 v34, v14  }
0x26b: {  	v17 =	vcvt.s32.f32 v17;
	v15 =	vadd.f32 $-1.000000000e+00, v15;
	v35 =	vmul.f32 v13, v13  }
0x26c: {  	v10 =	vmul.f32 v18, v10;
	v11 =	vadd.f32 $1.000000000e+00, v11;
	v36 =	vmul.f32 v14, v14  }
0x26d: {  	v17 =	vmul.f32 $6.931471820e-01, v17;
	v21 =	vadd.f32 $-1.000000000e+00, v21;
	v37 =	vmul.f32 $1.111111120e-01, v35;
	v39 =	vpop (erf)  }
0x26e: {  	v10 =	vadd.f32 $1.000000000e+00, v10;
	v8 =	vmul.f32 v11, v8;
	v38 =	vmul.f32 $1.111111120e-01, v36;
	v40 =	vpop (erf)  }
0x26f: {  	v50 =	vshrl.u32 v6, $0x17;
	v11 =	vmul.f32 v39, v15;
	v15 =	vmul.f32 v40, v21  }
0x270: {  	v9 =	vmul.f32 v10, v9;
	v23 =	vadd.f32 $1.428571490e-01, v37;
	v18 =	vadd.f32 $1.428571490e-01, v38  }
0x271: {  	v7 =	vadd.s32 $0xFFFFFF81, v7;
	v43 =	vmul.f32 v11, v11;
	v44 =	vmul.f32 v15, v15  }
0x272: {  	v13 =	vadd.f32 v13, v13;
	v23 =	vmul.f32 v23, v35;
	v18 =	vmul.f32 v18, v36  }
0x273: {  	v9 =	vadd.f32 v9, v17;
	v46 =	vmul.f32 $1.111111120e-01, v43;
	v47 =	vmul.f32 $1.111111120e-01, v44  }
0x274: {  	v7 =	vcvt.s32.f32 v7;
	v23 =	vadd.f32 $2.000000030e-01, v23;
	v41 =	vadd.f32 $2.000000030e-01, v18  }
0x275: {  	v53 =	vshrl.u32 v20, $0x17;
	v17 =	vadd.f32 $1.428571490e-01, v46;
	v18 =	vadd.f32 $1.428571490e-01, v47  }
0x276: {  	v14 =	vadd.f32 v14, v14;
	v42 =	vmul.f32 v23, v35;
	v10 =	vmul.f32 v41, v36  }
0x277: {  	v8 =	vadd.f32 v8, v16;
	v17 =	vmul.f32 v17, v43;
	v18 =	vmul.f32 v18, v44  }
0x278: {  	v22 =	vadd.s32 $0xFFFFFF81, v48;
	v45 =	vadd.f32 $3.333333430e-01, v42;
	v10 =	vadd.f32 $3.333333430e-01, v10  }
0x279: {  	v49 =	vcvt.s32.f32 v22;
	v17 =	vadd.f32 $2.000000030e-01, v17;
	v18 =	vadd.f32 $2.000000030e-01, v18  }
0x27a: {  	v11 =	vadd.f32 v11, v11;
	v16 =	vmul.f32 v45, v35;
	v10 =	vmul.f32 v10, v36  }
0x27b: {  	v15 =	vadd.f32 v15, v15;
	v17 =	vmul.f32 v17, v43;
	v18 =	vmul.f32 v18, v44  }
0x27c: {  	v7 =	vmul.f32 $6.931471820e-01, v7;
	v16 =	vadd.f32 $1.000000000e+00, v16;
	v10 =	vadd.f32 $1.000000000e+00, v10  }
0x27d: {  	v19 =	vmul.f32 $6.931471820e-01, v49;
	v51 =	vadd.f32 $3.333333430e-01, v17;
	v52 =	vadd.f32 $3.333333430e-01, v18  }
0x27e: {  	v13 =	vmul.f32 v16, v13;
	v10 =	vmul.f32 v10, v14;
	v14 =	vadd.s32 $0xFFFFFF81, v50  }
0x27f: {  	v16 =	vmul.f32 v51, v43;
	v18 =	vadd.s32 $0xFFFFFF81, v53;
	v17 =	vmul.f32 v52, v44  }
0x280: {  	v54 =	vld [tilespmem:s1+$0x4000];
	v13 =	vadd.f32 v13, v19;
	v14 =	vcvt.s32.f32 v14;
	v18 =	vcvt.s32.f32 v18  }
0x281: {  	v16 =	vadd.f32 $1.000000000e+00, v16;
	v17 =	vadd.f32 $1.000000000e+00, v17  }
0x282: {  	v55 =	vld [tilespmem:s0+$0x4000];
	v7 =	vadd.f32 v10, v7;
	v56 =	vmul.f32 $6.931471820e-01, v14;
	v57 =	vmul.f32 $6.931471820e-01, v18  }
0x283: {  	v8 =	vsub.f32 v8, v9;
	v11 =	vmul.f32 v16, v11;
	v15 =	vmul.f32 v17, v15  }
0x284: {  	v58 =	vld [tilespmem:s26+$0x4000];
	v13 =	vsub.f32 v13, v7  }
0x285: {  	v8 =	vmul.f32 v8, v54;
	v10 =	vadd.f32 v11, v56;
	v59 =	vadd.f32 v15, v57  }
0x286: {  	v60 =	vsel vm0, $0x3F800000, v0;
	vm13 =	vlt.f32 v4, v1  }
0x287: {  	v8 =	vadd.f32 v8, v9;
	v4 =	vmul.f32 v13, v55;
	v61 =	vsub.f32 v10, v59  }
0x288: {  	v3 =	vadd.f32 v12, v3;
	v2 =	vadd.f32 v60, v2  }
0x289: {  	s31 =	sadd.s32 $0x1, s31;
	v8 =	vnsel vm13, $0x0, v8;
	v4 =	vadd.f32 v4, v7;
	v63 =	vmul.f32 v61, v58  }
0x28a: {  	vm14 =	vlt.f32 v5, v1;
	v62 =	vsel vm13, $0x3F800000, v0;
	p0 =	sne.s32 s31, $0x20;
	v3 =	vadd.f32 v8, v3  }
.Ltmp9:
0x28b: {  	v2 =	vadd.f32 v62, v2;
	v4 =	vnsel vm14, $0x0, v4;
	v7 =	vadd.f32 v63, v59;
	(pc) =	sbr.rel @p0 .LBB2_18-.Ltmp9, $4  }
0x28c: {  	vm15 =	vlt.f32 v6, v1;
	v5 =	vsel vm14, $0x3F800000, v0;
	v3 =	vadd.f32 v4, v3  }
0x28d: {  	v2 =	vadd.f32 v5, v2;
	v4 =	vnsel vm15, $0x0, v7  }
0x28e: {  	v5 =	vsel vm15, $0x3F800000, v0;
	v3 =	vadd.f32 v4, v3  }
0x28f: {  	v2 =	vadd.f32 v5, v2  }
0x290: {  	s30 =	simm.s32 $0x0  }
0x291: {  	[tilespmem:s30], [sflag:$0x1] =	stream.linear.gather [hbm4b:s15+s30], $0x4000, $0x38;
	[tilespmem:$0x8180] =	vst v63  }
0x292: {  	_ =	swait.ge [sflag:s4], $0x4000  }
0x293: {  	[sflag:s4] =	ssyncset.done $0x0  }
0x294: {  	[sflag:s4] =	ssyncadd.s32 $0xFFFFC000  }
0x295: {  	[tilespmem:s25], [sflag:$0x1] =	stream.linear.gather [hbm4b:s16+s30], $0x4000, $0x38;
	[tilespmem:$0x8180] =	vst v63  }
0x296: {  	_ =	swait.ge [sflag:s4], $0x4000  }
0x297: {  	[sflag:s4] =	ssyncset.done $0x0  }
0x298: {  	s31 =	simm.s32 $0x0;
	[sflag:s4] =	ssyncadd.s32 $0xFFFFC000  }
.LBB2_22:
0x299: {  	s0 =	sshll.u32 s31, $0x9;
	s1 =	sshll.u32 s31, $0x7  }
0x29a: {  	s0 =	sand.u32 $0x3000, s0;
	s1 =	sand.u32 $0x380, s1  }
0x29b: {  	s5 =	sand.u32 $0xC00, s30;
	s24 =	sor.u32 s0, s1  }
0x29c: {  	s26 =	sand.u32 $0x70, s30;
	s0 =	sor.u32 s5, s24  }
0x29d: {  	s3 =	sor.u32 s26, s0  }
0x29e: {  	v12 =	vld [tilespmem:s3+$0x0];
	_ =	sdelay $0x4  }
0x29f: {  	v6 =	vsub.f32 $1.000000000e+00, v12  }
0x2a0: {  	v4 =	vand.u32 $0x7FFFFF, v12  }
0x2a1: {  	v5 =	vor.u32 $0x3F800000, v4;
	v4 =	vand.u32 $0x7FFFFF, v6  }
0x2a2: {  	v7 =	vadd.f32 $1.000000000e+00, v5;
	v8 =	vor.u32 $0x3F800000, v4  }
0x2a3: {  	v4 =	vadd.f32 $1.000000000e+00, v8  }
0x2a4: {  	(erf) = vrcp.f32 v7  }
0x2a5: {  	(erf) = vrcp.f32 v4;
	_ =	sdelay $0x1  }
0x2a6: {  	s1 =	simm.s32 $0x80  }
0x2a7: {  	s5 =	simm.s32 $0x10;
	s0 =	sand.u32 $0xC00, s1  }
0x2a8: {  	s1 =	sand.u32 $0x70, s5;
	s0 =	sor.u32 s0, s24  }
0x2a9: {  	s1 =	sor.u32 s1, s0  }
0x2aa: {  	v4 =	vld [tilespmem:s1+$0x0];
	_ =	sdelay $0x1  }
0x2ab: {  	v5 =	vadd.f32 $-1.000000000e+00, v5;
	v8 =	vadd.f32 $-1.000000000e+00, v8;
	v7 =	vpop (erf)  }
0x2ac: {  	v9 =	vpop (erf)  }
0x2ad: {  	v10 =	vmul.f32 v7, v5;
	v11 =	vmul.f32 v9, v8  }
0x2ae: {  	v17 =	vsub.f32 $1.000000000e+00, v4;
	v5 =	vand.u32 $0x7FFFFF, v4  }
0x2af: {  	v7 =	vor.u32 $0x3F800000, v5;
	v9 =	vmul.f32 v10, v10;
	v13 =	vmul.f32 v11, v11  }
0x2b0: {  	v5 =	vand.u32 $0x7FFFFF, v17;
	v8 =	vadd.f32 $1.000000000e+00, v7  }
0x2b1: {  	v14 =	vor.u32 $0x3F800000, v5;
	v5 =	vmul.f32 $1.111111120e-01, v9;
	v15 =	vmul.f32 $1.111111120e-01, v13  }
0x2b2: {  	v16 =	vadd.f32 $1.000000000e+00, v14;
	(erf) = vrcp.f32 v8  }
0x2b3: {  	v8 =	vadd.f32 $1.428571490e-01, v5;
	v15 =	vadd.f32 $1.428571490e-01, v15  }
0x2b4: {  	s26 =	simm.s32 $0x100;
	(erf) = vrcp.f32 v16  }
0x2b5: {  	s5 =	simm.s32 $0x20;
	s0 =	sand.u32 $0xC00, s26;
	v8 =	vmul.f32 v8, v9;
	v15 =	vmul.f32 v15, v13  }
0x2b6: {  	s5 =	sand.u32 $0x70, s5;
	s0 =	sor.u32 s0, s24;
	v6 =	vshrl.u32 v6, $0x17  }
0x2b7: {  	s0 =	sor.u32 s5, s0;
	v6 =	vadd.s32 $0xFFFFFF81, v6;
	v8 =	vadd.f32 $2.000000030e-01, v8;
	v15 =	vadd.f32 $2.000000030e-01, v15  }
0x2b8: {  	v6 =	vcvt.s32.f32 v6;
	v16 =	vshrl.u32 v12, $0x17;
	v5 =	vld [tilespmem:s0+$0x0]  }
0x2b9: {  	v16 =	vadd.s32 $0xFFFFFF81, v16;
	v8 =	vmul.f32 v8, v9;
	v15 =	vmul.f32 v15, v13  }
0x2ba: {  	v7 =	vadd.f32 $-1.000000000e+00, v7;
	v16 =	vcvt.s32.f32 v16  }
0x2bb: {  	v6 =	vmul.f32 $6.931471820e-01, v6;
	v19 =	vpop (erf);
	v20 =	vadd.f32 $3.333333430e-01, v8;
	v15 =	vadd.f32 $3.333333430e-01, v15  }
0x2bc: {  	v14 =	vadd.f32 $-1.000000000e+00, v14;
	v16 =	vmul.f32 $6.931471820e-01, v16;
	v8 =	vmul.f32 v19, v7  }
0x2bd: {  	v7 =	vsub.f32 $1.000000000e+00, v5;
	v19 =	vpop (erf);
	v20 =	vmul.f32 v20, v9;
	v13 =	vmul.f32 v15, v13  }
0x2be: {  	v9 =	vmul.f32 v19, v14;
	v14 =	vadd.f32 v10, v10;
	v15 =	vadd.f32 v11, v11  }
0x2bf: {  	v18 =	vand.u32 $0x7FFFFF, v5;
	v19 =	vadd.f32 $1.000000000e+00, v20;
	v20 =	vadd.f32 $1.000000000e+00, v13  }
0x2c0: {  	v11 =	vmul.f32 v8, v8;
	v10 =	vmul.f32 v9, v9;
	v13 =	vor.u32 $0x3F800000, v18  }
0x2c1: {  	s28 =	simm.s32 $0x180;
	v18 =	vand.u32 $0x7FFFFF, v7;
	v19 =	vmul.f32 v19, v14;
	v15 =	vmul.f32 v20, v15  }
0x2c2: {  	v21 =	vld [tilespmem:s3+$0x4000];
	s26 =	sand.u32 $0xC00, s28;
	s5 =	simm.s32 $0x30;
	v14 =	vor.u32 $0x3F800000, v18;
	v18 =	vmul.f32 $1.111111120e-01, v11;
	v20 =	vadd.f32 $1.000000000e+00, v13  }
0x2c3: {  	s26 =	sor.u32 s26, s24;
	s5 =	sand.u32 $0x70, s5;
	v22 =	vmul.f32 $1.111111120e-01, v10;
	v16 =	vadd.f32 v19, v16;
	v15 =	vadd.f32 v15, v6  }
0x2c4: {  	s26 =	sor.u32 s5, s26;
	v19 =	vadd.f32 $1.000000000e+00, v14;
	v18 =	vadd.f32 $1.428571490e-01, v18;
	(erf) = vrcp.f32 v20  }
0x2c5: {  	v6 =	vld [tilespmem:s26+$0x0];
	v20 =	vadd.f32 $1.428571490e-01, v22;
	v16 =	vsub.f32 v16, v15  }
0x2c6: {  	(erf) = vrcp.f32 v19;
	v18 =	vmul.f32 v18, v11  }
0x2c7: {  	v19 =	vmul.f32 v20, v10;
	v16 =	vmul.f32 v16, v21  }
0x2c8: {  	vm0 =	vlt.f32 v12, v1;
	v20 =	vshrl.u32 v4, $0x17;
	v18 =	vadd.f32 $2.000000030e-01, v18  }
0x2c9: {  	v12 =	vadd.s32 $0xFFFFFF81, v20;
	v20 =	vadd.f32 $2.000000030e-01, v19;
	v21 =	vadd.f32 v16, v15  }
0x2ca: {  	v17 =	vshrl.u32 v17, $0x17;
	v19 =	vmul.f32 v18, v11;
	v15 =	vand.u32 $0x7FFFFF, v6  }
0x2cb: {  	s3 =	simm.s32 $0x40;
	v16 =	vcvt.s32.f32 v12;
	v18 =	vmul.f32 v20, v10;
	v12 =	vnsel vm0, $0x0, v21  }
.LBB2_23:
0x2cc: {  	p0 =	sne.s32 s3, $0x1F0;
	v13 =	vadd.f32 $-1.000000000e+00, v13;
	v17 =	vadd.s32 $0xFFFFFF81, v17;
	v3 =	vadd.f32 v12, v3  }
0x2cd: {  	v16 =	vmul.f32 $6.931471820e-01, v16;
	v12 =	vpop (erf);
	v19 =	vadd.f32 $3.333333430e-01, v19;
	v18 =	vadd.f32 $3.333333430e-01, v18  }
0x2ce: {  	v12 =	vmul.f32 v12, v13;
	v13 =	vadd.f32 $-1.000000000e+00, v14;
	v14 =	vcvt.s32.f32 v17  }
0x2cf: {  	v20 =	vsub.f32 $1.000000000e+00, v6;
	v17 =	vpop (erf);
	v11 =	vmul.f32 v19, v11;
	v10 =	vmul.f32 v18, v10  }
0x2d0: {  	v18 =	vadd.f32 v8, v8;
	v19 =	vadd.f32 v9, v9;
	v9 =	vmul.f32 v17, v13;
	v8 =	vmovc v12  }
0x2d1: {  	v22 =	vmul.f32 $6.931471820e-01, v14;
	v17 =	vadd.f32 $1.000000000e+00, v11;
	v21 =	vadd.f32 $1.000000000e+00, v10  }
0x2d2: {  	v13 =	vor.u32 $0x3F800000, v15;
	v11 =	vmul.f32 v12, v8;
	v10 =	vmul.f32 v9, v9  }
0x2d3: {  	s28 =	sadd.s32 $0x80, s28;
	v12 =	vand.u32 $0x7FFFFF, v20;
	v15 =	vmul.f32 v17, v18;
	v17 =	vmul.f32 v21, v19  }
0x2d4: {  	s5 =	sand.u32 $0xC00, s28;
	v14 =	vor.u32 $0x3F800000, v12;
	v18 =	vadd.f32 $1.000000000e+00, v13;
	v12 =	vmul.f32 $1.111111120e-01, v11;
	v19 =	vld [tilespmem:s1+$0x4000];
	s1 =	smov.u32 s0;
	s0 =	smov.u32 s26  }
0x2d5: {  	s5 =	sor.u32 s5, s24;
	s26 =	sand.u32 $0x70, s3;
	v21 =	vmul.f32 $1.111111120e-01, v10;
	v15 =	vadd.f32 v15, v16;
	v16 =	vadd.f32 v17, v22  }
0x2d6: {  	s26 =	sor.u32 s26, s5;
	v17 =	vadd.f32 $1.000000000e+00, v14;
	v12 =	vadd.f32 $1.428571490e-01, v12;
	(erf) = vrcp.f32 v18  }
0x2d7: {  	v22 =	vsel vm0, $0x3F800000, v0;
	v21 =	vadd.f32 $1.428571490e-01, v21;
	v18 =	vld [tilespmem:s26+$0x0];
	v15 =	vsub.f32 v15, v16  }
0x2d8: {  	v2 =	vadd.f32 v22, v2;
	v12 =	vmul.f32 v12, v11;
	(erf) = vrcp.f32 v17  }
.Ltmp10:
0x2d9: {  	v17 =	vmul.f32 v21, v10;
	v15 =	vmul.f32 v15, v19;
	(pc) =	sbr.rel @p0 .LBB2_23-.Ltmp10, $4  }
0x2da: {  	vm0 =	vlt.f32 v4, v1;
	v4 =	vmovc v5;
	v19 =	vshrl.u32 v5, $0x17;
	v12 =	vadd.f32 $2.000000030e-01, v12;
	v5 =	vmovc v6  }
0x2db: {  	v19 =	vadd.s32 $0xFFFFFF81, v19;
	v21 =	vadd.f32 $2.000000030e-01, v17;
	v22 =	vadd.f32 v15, v16  }
0x2dc: {  	v17 =	vshrl.u32 v7, $0x17;
	v7 =	vmovc v20;
	v16 =	vcvt.s32.f32 v19;
	v15 =	vand.u32 $0x7FFFFF, v18;
	v6 =	vmovc v18  }
0x2dd: {  	s3 =	sadd.s32 $0x10, s3;
	v19 =	vmul.f32 v12, v11;
	v18 =	vmul.f32 v21, v10;
	v12 =	vnsel vm0, $0x0, v22  }
0x2de: {  	v20 =	vsub.f32 $1.000000000e+00, v6;
	_ =	sdelay $0x1  }
0x2df: {  	v15 =	vor.u32 $0x3F800000, v15;
	v21 =	vand.u32 $0x7FFFFF, v20  }
0x2e0: {  	v22 =	vadd.f32 $1.000000000e+00, v15;
	v21 =	vor.u32 $0x3F800000, v21  }
0x2e1: {  	v24 =	vadd.f32 $1.000000000e+00, v21  }
0x2e2: {  	v23 =	vpop (erf);
	(erf) = vrcp.f32 v22  }
0x2e3: {  	v34 =	vpop (erf);
	(erf) = vrcp.f32 v24  }
0x2e4: {  	v13 =	vadd.f32 $-1.000000000e+00, v13  }
0x2e5: {  	v14 =	vadd.f32 $-1.000000000e+00, v14;
	v17 =	vadd.s32 $0xFFFFFF81, v17;
	v8 =	vadd.f32 v8, v8  }
0x2e6: {  	v16 =	vmul.f32 $6.931471820e-01, v16;
	v9 =	vadd.f32 v9, v9;
	v19 =	vadd.f32 $3.333333430e-01, v19  }
0x2e7: {  	v48 =	vshrl.u32 v5, $0x17;
	v7 =	vshrl.u32 v7, $0x17;
	v13 =	vmul.f32 v23, v13  }
0x2e8: {  	v18 =	vadd.f32 $3.333333430e-01, v18;
	v11 =	vmul.f32 v19, v11;
	v14 =	vmul.f32 v34, v14  }
0x2e9: {  	v17 =	vcvt.s32.f32 v17;
	v15 =	vadd.f32 $-1.000000000e+00, v15;
	v35 =	vmul.f32 v13, v13  }
0x2ea: {  	v10 =	vmul.f32 v18, v10;
	v11 =	vadd.f32 $1.000000000e+00, v11;
	v36 =	vmul.f32 v14, v14  }
0x2eb: {  	v17 =	vmul.f32 $6.931471820e-01, v17;
	v21 =	vadd.f32 $-1.000000000e+00, v21;
	v37 =	vmul.f32 $1.111111120e-01, v35;
	v39 =	vpop (erf)  }
0x2ec: {  	v10 =	vadd.f32 $1.000000000e+00, v10;
	v8 =	vmul.f32 v11, v8;
	v38 =	vmul.f32 $1.111111120e-01, v36;
	v40 =	vpop (erf)  }
0x2ed: {  	v50 =	vshrl.u32 v6, $0x17;
	v11 =	vmul.f32 v39, v15;
	v15 =	vmul.f32 v40, v21  }
0x2ee: {  	v9 =	vmul.f32 v10, v9;
	v23 =	vadd.f32 $1.428571490e-01, v37;
	v18 =	vadd.f32 $1.428571490e-01, v38  }
0x2ef: {  	v7 =	vadd.s32 $0xFFFFFF81, v7;
	v43 =	vmul.f32 v11, v11;
	v44 =	vmul.f32 v15, v15  }
0x2f0: {  	v13 =	vadd.f32 v13, v13;
	v23 =	vmul.f32 v23, v35;
	v18 =	vmul.f32 v18, v36  }
0x2f1: {  	v9 =	vadd.f32 v9, v17;
	v46 =	vmul.f32 $1.111111120e-01, v43;
	v47 =	vmul.f32 $1.111111120e-01, v44  }
0x2f2: {  	v7 =	vcvt.s32.f32 v7;
	v23 =	vadd.f32 $2.000000030e-01, v23;
	v41 =	vadd.f32 $2.000000030e-01, v18  }
0x2f3: {  	v53 =	vshrl.u32 v20, $0x17;
	v17 =	vadd.f32 $1.428571490e-01, v46;
	v18 =	vadd.f32 $1.428571490e-01, v47  }
0x2f4: {  	v14 =	vadd.f32 v14, v14;
	v42 =	vmul.f32 v23, v35;
	v10 =	vmul.f32 v41, v36  }
0x2f5: {  	v8 =	vadd.f32 v8, v16;
	v17 =	vmul.f32 v17, v43;
	v18 =	vmul.f32 v18, v44  }
0x2f6: {  	v22 =	vadd.s32 $0xFFFFFF81, v48;
	v45 =	vadd.f32 $3.333333430e-01, v42;
	v10 =	vadd.f32 $3.333333430e-01, v10  }
0x2f7: {  	v49 =	vcvt.s32.f32 v22;
	v17 =	vadd.f32 $2.000000030e-01, v17;
	v18 =	vadd.f32 $2.000000030e-01, v18  }
0x2f8: {  	v11 =	vadd.f32 v11, v11;
	v16 =	vmul.f32 v45, v35;
	v10 =	vmul.f32 v10, v36  }
0x2f9: {  	v15 =	vadd.f32 v15, v15;
	v17 =	vmul.f32 v17, v43;
	v18 =	vmul.f32 v18, v44  }
0x2fa: {  	v7 =	vmul.f32 $6.931471820e-01, v7;
	v16 =	vadd.f32 $1.000000000e+00, v16;
	v10 =	vadd.f32 $1.000000000e+00, v10  }
0x2fb: {  	v19 =	vmul.f32 $6.931471820e-01, v49;
	v51 =	vadd.f32 $3.333333430e-01, v17;
	v52 =	vadd.f32 $3.333333430e-01, v18  }
0x2fc: {  	v13 =	vmul.f32 v16, v13;
	v10 =	vmul.f32 v10, v14;
	v14 =	vadd.s32 $0xFFFFFF81, v50  }
0x2fd: {  	v16 =	vmul.f32 v51, v43;
	v18 =	vadd.s32 $0xFFFFFF81, v53;
	v17 =	vmul.f32 v52, v44  }
0x2fe: {  	v54 =	vld [tilespmem:s1+$0x4000];
	v13 =	vadd.f32 v13, v19;
	v14 =	vcvt.s32.f32 v14;
	v18 =	vcvt.s32.f32 v18  }
0x2ff: {  	v16 =	vadd.f32 $1.000000000e+00, v16;
	v17 =	vadd.f32 $1.000000000e+00, v17  }
0x300: {  	v55 =	vld [tilespmem:s0+$0x4000];
	v7 =	vadd.f32 v10, v7;
	v56 =	vmul.f32 $6.931471820e-01, v14;
	v57 =	vmul.f32 $6.931471820e-01, v18  }
0x301: {  	v8 =	vsub.f32 v8, v9;
	v11 =	vmul.f32 v16, v11;
	v15 =	vmul.f32 v17, v15  }
0x302: {  	v58 =	vld [tilespmem:s26+$0x4000];
	v13 =	vsub.f32 v13, v7  }
0x303: {  	v8 =	vmul.f32 v8, v54;
	v10 =	vadd.f32 v11, v56;
	v59 =	vadd.f32 v15, v57  }
0x304: {  	v60 =	vsel vm0, $0x3F800000, v0;
	vm13 =	vlt.f32 v4, v1  }
0x305: {  	v8 =	vadd.f32 v8, v9;
	v4 =	vmul.f32 v13, v55;
	v61 =	vsub.f32 v10, v59  }
0x306: {  	v3 =	vadd.f32 v12, v3;
	v2 =	vadd.f32 v60, v2  }
0x307: {  	s31 =	sadd.s32 $0x1, s31;
	v8 =	vnsel vm13, $0x0, v8;
	v4 =	vadd.f32 v4, v7;
	v63 =	vmul.f32 v61, v58  }
0x308: {  	vm14 =	vlt.f32 v5, v1;
	v62 =	vsel vm13, $0x3F800000, v0;
	p0 =	sne.s32 s31, $0x20;
	v3 =	vadd.f32 v8, v3  }
.Ltmp11:
0x309: {  	v2 =	vadd.f32 v62, v2;
	v4 =	vnsel vm14, $0x0, v4;
	v7 =	vadd.f32 v63, v59;
	(pc) =	sbr.rel @p0 .LBB2_22-.Ltmp11, $4  }
0x30a: {  	vm15 =	vlt.f32 v6, v1;
	v5 =	vsel vm14, $0x3F800000, v0;
	v3 =	vadd.f32 v4, v3  }
0x30b: {  	v2 =	vadd.f32 v5, v2;
	v4 =	vnsel vm15, $0x0, v7  }
0x30c: {  	v5 =	vsel vm15, $0x3F800000, v0;
	v3 =	vadd.f32 v4, v3  }
0x30d: {  	v2 =	vadd.f32 v5, v2  }
0x30e: {  	s30 =	simm.s32 $0x0  }
0x30f: {  	[tilespmem:s30], [sflag:$0x1] =	stream.linear.gather [hbm4b:s17+s30], $0x4000, $0x38;
	[tilespmem:$0x8180] =	vst v63  }
0x310: {  	_ =	swait.ge [sflag:s4], $0x4000  }
0x311: {  	[sflag:s4] =	ssyncset.done $0x0  }
0x312: {  	[sflag:s4] =	ssyncadd.s32 $0xFFFFC000  }
0x313: {  	[tilespmem:s25], [sflag:$0x1] =	stream.linear.gather [hbm4b:s18+s30], $0x4000, $0x38;
	[tilespmem:$0x8180] =	vst v63  }
0x314: {  	_ =	swait.ge [sflag:s4], $0x4000  }
0x315: {  	[sflag:s4] =	ssyncset.done $0x0  }
0x316: {  	s31 =	simm.s32 $0x0;
	[sflag:s4] =	ssyncadd.s32 $0xFFFFC000  }
.LBB2_26:
0x317: {  	s0 =	sshll.u32 s31, $0x9;
	s1 =	sshll.u32 s31, $0x7  }
0x318: {  	s0 =	sand.u32 $0x3000, s0;
	s1 =	sand.u32 $0x380, s1  }
0x319: {  	s5 =	sand.u32 $0xC00, s30;
	s24 =	sor.u32 s0, s1  }
0x31a: {  	s26 =	sand.u32 $0x70, s30;
	s0 =	sor.u32 s5, s24  }
0x31b: {  	s3 =	sor.u32 s26, s0  }
0x31c: {  	v12 =	vld [tilespmem:s3+$0x0];
	_ =	sdelay $0x4  }
0x31d: {  	v6 =	vsub.f32 $1.000000000e+00, v12  }
0x31e: {  	v4 =	vand.u32 $0x7FFFFF, v12  }
0x31f: {  	v5 =	vor.u32 $0x3F800000, v4;
	v4 =	vand.u32 $0x7FFFFF, v6  }
0x320: {  	v7 =	vadd.f32 $1.000000000e+00, v5;
	v8 =	vor.u32 $0x3F800000, v4  }
0x321: {  	v4 =	vadd.f32 $1.000000000e+00, v8  }
0x322: {  	(erf) = vrcp.f32 v7  }
0x323: {  	(erf) = vrcp.f32 v4;
	_ =	sdelay $0x1  }
0x324: {  	s1 =	simm.s32 $0x80  }
0x325: {  	s5 =	simm.s32 $0x10;
	s0 =	sand.u32 $0xC00, s1  }
0x326: {  	s1 =	sand.u32 $0x70, s5;
	s0 =	sor.u32 s0, s24  }
0x327: {  	s1 =	sor.u32 s1, s0  }
0x328: {  	v4 =	vld [tilespmem:s1+$0x0];
	_ =	sdelay $0x1  }
0x329: {  	v5 =	vadd.f32 $-1.000000000e+00, v5;
	v8 =	vadd.f32 $-1.000000000e+00, v8;
	v7 =	vpop (erf)  }
0x32a: {  	v9 =	vpop (erf)  }
0x32b: {  	v10 =	vmul.f32 v7, v5;
	v11 =	vmul.f32 v9, v8  }
0x32c: {  	v17 =	vsub.f32 $1.000000000e+00, v4;
	v5 =	vand.u32 $0x7FFFFF, v4  }
0x32d: {  	v7 =	vor.u32 $0x3F800000, v5;
	v9 =	vmul.f32 v10, v10;
	v13 =	vmul.f32 v11, v11  }
0x32e: {  	v5 =	vand.u32 $0x7FFFFF, v17;
	v8 =	vadd.f32 $1.000000000e+00, v7  }
0x32f: {  	v14 =	vor.u32 $0x3F800000, v5;
	v5 =	vmul.f32 $1.111111120e-01, v9;
	v15 =	vmul.f32 $1.111111120e-01, v13  }
0x330: {  	v16 =	vadd.f32 $1.000000000e+00, v14;
	(erf) = vrcp.f32 v8  }
0x331: {  	v8 =	vadd.f32 $1.428571490e-01, v5;
	v15 =	vadd.f32 $1.428571490e-01, v15  }
0x332: {  	s26 =	simm.s32 $0x100;
	(erf) = vrcp.f32 v16  }
0x333: {  	s5 =	simm.s32 $0x20;
	s0 =	sand.u32 $0xC00, s26;
	v8 =	vmul.f32 v8, v9;
	v15 =	vmul.f32 v15, v13  }
0x334: {  	s5 =	sand.u32 $0x70, s5;
	s0 =	sor.u32 s0, s24;
	v6 =	vshrl.u32 v6, $0x17  }
0x335: {  	s0 =	sor.u32 s5, s0;
	v6 =	vadd.s32 $0xFFFFFF81, v6;
	v8 =	vadd.f32 $2.000000030e-01, v8;
	v15 =	vadd.f32 $2.000000030e-01, v15  }
0x336: {  	v6 =	vcvt.s32.f32 v6;
	v16 =	vshrl.u32 v12, $0x17;
	v5 =	vld [tilespmem:s0+$0x0]  }
0x337: {  	v16 =	vadd.s32 $0xFFFFFF81, v16;
	v8 =	vmul.f32 v8, v9;
	v15 =	vmul.f32 v15, v13  }
0x338: {  	v7 =	vadd.f32 $-1.000000000e+00, v7;
	v16 =	vcvt.s32.f32 v16  }
0x339: {  	v6 =	vmul.f32 $6.931471820e-01, v6;
	v19 =	vpop (erf);
	v20 =	vadd.f32 $3.333333430e-01, v8;
	v15 =	vadd.f32 $3.333333430e-01, v15  }
0x33a: {  	v14 =	vadd.f32 $-1.000000000e+00, v14;
	v16 =	vmul.f32 $6.931471820e-01, v16;
	v8 =	vmul.f32 v19, v7  }
0x33b: {  	v7 =	vsub.f32 $1.000000000e+00, v5;
	v19 =	vpop (erf);
	v20 =	vmul.f32 v20, v9;
	v13 =	vmul.f32 v15, v13  }
0x33c: {  	v9 =	vmul.f32 v19, v14;
	v14 =	vadd.f32 v10, v10;
	v15 =	vadd.f32 v11, v11  }
0x33d: {  	v18 =	vand.u32 $0x7FFFFF, v5;
	v19 =	vadd.f32 $1.000000000e+00, v20;
	v20 =	vadd.f32 $1.000000000e+00, v13  }
0x33e: {  	v11 =	vmul.f32 v8, v8;
	v10 =	vmul.f32 v9, v9;
	v13 =	vor.u32 $0x3F800000, v18  }
0x33f: {  	s28 =	simm.s32 $0x180;
	v18 =	vand.u32 $0x7FFFFF, v7;
	v19 =	vmul.f32 v19, v14;
	v15 =	vmul.f32 v20, v15  }
0x340: {  	v21 =	vld [tilespmem:s3+$0x4000];
	s26 =	sand.u32 $0xC00, s28;
	s5 =	simm.s32 $0x30;
	v14 =	vor.u32 $0x3F800000, v18;
	v18 =	vmul.f32 $1.111111120e-01, v11;
	v20 =	vadd.f32 $1.000000000e+00, v13  }
0x341: {  	s26 =	sor.u32 s26, s24;
	s5 =	sand.u32 $0x70, s5;
	v22 =	vmul.f32 $1.111111120e-01, v10;
	v16 =	vadd.f32 v19, v16;
	v15 =	vadd.f32 v15, v6  }
0x342: {  	s26 =	sor.u32 s5, s26;
	v19 =	vadd.f32 $1.000000000e+00, v14;
	v18 =	vadd.f32 $1.428571490e-01, v18;
	(erf) = vrcp.f32 v20  }
0x343: {  	v6 =	vld [tilespmem:s26+$0x0];
	v20 =	vadd.f32 $1.428571490e-01, v22;
	v16 =	vsub.f32 v16, v15  }
0x344: {  	(erf) = vrcp.f32 v19;
	v18 =	vmul.f32 v18, v11  }
0x345: {  	v19 =	vmul.f32 v20, v10;
	v16 =	vmul.f32 v16, v21  }
0x346: {  	vm0 =	vlt.f32 v12, v1;
	v20 =	vshrl.u32 v4, $0x17;
	v18 =	vadd.f32 $2.000000030e-01, v18  }
0x347: {  	v12 =	vadd.s32 $0xFFFFFF81, v20;
	v20 =	vadd.f32 $2.000000030e-01, v19;
	v21 =	vadd.f32 v16, v15  }
0x348: {  	v17 =	vshrl.u32 v17, $0x17;
	v19 =	vmul.f32 v18, v11;
	v15 =	vand.u32 $0x7FFFFF, v6  }
0x349: {  	s3 =	simm.s32 $0x40;
	v16 =	vcvt.s32.f32 v12;
	v18 =	vmul.f32 v20, v10;
	v12 =	vnsel vm0, $0x0, v21  }
.LBB2_27:
0x34a: {  	p0 =	sne.s32 s3, $0x1F0;
	v13 =	vadd.f32 $-1.000000000e+00, v13;
	v17 =	vadd.s32 $0xFFFFFF81, v17;
	v3 =	vadd.f32 v12, v3  }
0x34b: {  	v16 =	vmul.f32 $6.931471820e-01, v16;
	v12 =	vpop (erf);
	v19 =	vadd.f32 $3.333333430e-01, v19;
	v18 =	vadd.f32 $3.333333430e-01, v18  }
0x34c: {  	v12 =	vmul.f32 v12, v13;
	v13 =	vadd.f32 $-1.000000000e+00, v14;
	v14 =	vcvt.s32.f32 v17  }
0x34d: {  	v20 =	vsub.f32 $1.000000000e+00, v6;
	v17 =	vpop (erf);
	v11 =	vmul.f32 v19, v11;
	v10 =	vmul.f32 v18, v10  }
0x34e: {  	v18 =	vadd.f32 v8, v8;
	v19 =	vadd.f32 v9, v9;
	v9 =	vmul.f32 v17, v13;
	v8 =	vmovc v12  }
0x34f: {  	v22 =	vmul.f32 $6.931471820e-01, v14;
	v17 =	vadd.f32 $1.000000000e+00, v11;
	v21 =	vadd.f32 $1.000000000e+00, v10  }
0x350: {  	v13 =	vor.u32 $0x3F800000, v15;
	v11 =	vmul.f32 v12, v8;
	v10 =	vmul.f32 v9, v9  }
0x351: {  	s28 =	sadd.s32 $0x80, s28;
	v12 =	vand.u32 $0x7FFFFF, v20;
	v15 =	vmul.f32 v17, v18;
	v17 =	vmul.f32 v21, v19  }
0x352: {  	s5 =	sand.u32 $0xC00, s28;
	v14 =	vor.u32 $0x3F800000, v12;
	v18 =	vadd.f32 $1.000000000e+00, v13;
	v12 =	vmul.f32 $1.111111120e-01, v11;
	v19 =	vld [tilespmem:s1+$0x4000];
	s1 =	smov.u32 s0;
	s0 =	smov.u32 s26  }
0x353: {  	s5 =	sor.u32 s5, s24;
	s26 =	sand.u32 $0x70, s3;
	v21 =	vmul.f32 $1.111111120e-01, v10;
	v15 =	vadd.f32 v15, v16;
	v16 =	vadd.f32 v17, v22  }
0x354: {  	s26 =	sor.u32 s26, s5;
	v17 =	vadd.f32 $1.000000000e+00, v14;
	v12 =	vadd.f32 $1.428571490e-01, v12;
	(erf) = vrcp.f32 v18  }
0x355: {  	v22 =	vsel vm0, $0x3F800000, v0;
	v21 =	vadd.f32 $1.428571490e-01, v21;
	v18 =	vld [tilespmem:s26+$0x0];
	v15 =	vsub.f32 v15, v16  }
0x356: {  	v2 =	vadd.f32 v22, v2;
	v12 =	vmul.f32 v12, v11;
	(erf) = vrcp.f32 v17  }
.Ltmp12:
0x357: {  	v17 =	vmul.f32 v21, v10;
	v15 =	vmul.f32 v15, v19;
	(pc) =	sbr.rel @p0 .LBB2_27-.Ltmp12, $4  }
0x358: {  	vm0 =	vlt.f32 v4, v1;
	v4 =	vmovc v5;
	v19 =	vshrl.u32 v5, $0x17;
	v12 =	vadd.f32 $2.000000030e-01, v12;
	v5 =	vmovc v6  }
0x359: {  	v19 =	vadd.s32 $0xFFFFFF81, v19;
	v21 =	vadd.f32 $2.000000030e-01, v17;
	v22 =	vadd.f32 v15, v16  }
0x35a: {  	v17 =	vshrl.u32 v7, $0x17;
	v7 =	vmovc v20;
	v16 =	vcvt.s32.f32 v19;
	v15 =	vand.u32 $0x7FFFFF, v18;
	v6 =	vmovc v18  }
0x35b: {  	s3 =	sadd.s32 $0x10, s3;
	v19 =	vmul.f32 v12, v11;
	v18 =	vmul.f32 v21, v10;
	v12 =	vnsel vm0, $0x0, v22  }
0x35c: {  	v20 =	vsub.f32 $1.000000000e+00, v6;
	_ =	sdelay $0x1  }
0x35d: {  	v15 =	vor.u32 $0x3F800000, v15;
	v21 =	vand.u32 $0x7FFFFF, v20  }
0x35e: {  	v22 =	vadd.f32 $1.000000000e+00, v15;
	v21 =	vor.u32 $0x3F800000, v21  }
0x35f: {  	v24 =	vadd.f32 $1.000000000e+00, v21  }
0x360: {  	v23 =	vpop (erf);
	(erf) = vrcp.f32 v22  }
0x361: {  	v34 =	vpop (erf);
	(erf) = vrcp.f32 v24  }
0x362: {  	v13 =	vadd.f32 $-1.000000000e+00, v13  }
0x363: {  	v14 =	vadd.f32 $-1.000000000e+00, v14;
	v17 =	vadd.s32 $0xFFFFFF81, v17;
	v8 =	vadd.f32 v8, v8  }
0x364: {  	v16 =	vmul.f32 $6.931471820e-01, v16;
	v9 =	vadd.f32 v9, v9;
	v19 =	vadd.f32 $3.333333430e-01, v19  }
0x365: {  	v48 =	vshrl.u32 v5, $0x17;
	v7 =	vshrl.u32 v7, $0x17;
	v13 =	vmul.f32 v23, v13  }
0x366: {  	v18 =	vadd.f32 $3.333333430e-01, v18;
	v11 =	vmul.f32 v19, v11;
	v14 =	vmul.f32 v34, v14  }
0x367: {  	v17 =	vcvt.s32.f32 v17;
	v15 =	vadd.f32 $-1.000000000e+00, v15;
	v35 =	vmul.f32 v13, v13  }
0x368: {  	v10 =	vmul.f32 v18, v10;
	v11 =	vadd.f32 $1.000000000e+00, v11;
	v36 =	vmul.f32 v14, v14  }
0x369: {  	v17 =	vmul.f32 $6.931471820e-01, v17;
	v21 =	vadd.f32 $-1.000000000e+00, v21;
	v37 =	vmul.f32 $1.111111120e-01, v35;
	v39 =	vpop (erf)  }
0x36a: {  	v10 =	vadd.f32 $1.000000000e+00, v10;
	v8 =	vmul.f32 v11, v8;
	v38 =	vmul.f32 $1.111111120e-01, v36;
	v40 =	vpop (erf)  }
0x36b: {  	v50 =	vshrl.u32 v6, $0x17;
	v11 =	vmul.f32 v39, v15;
	v15 =	vmul.f32 v40, v21  }
0x36c: {  	v9 =	vmul.f32 v10, v9;
	v23 =	vadd.f32 $1.428571490e-01, v37;
	v18 =	vadd.f32 $1.428571490e-01, v38  }
0x36d: {  	v7 =	vadd.s32 $0xFFFFFF81, v7;
	v43 =	vmul.f32 v11, v11;
	v44 =	vmul.f32 v15, v15  }
0x36e: {  	v13 =	vadd.f32 v13, v13;
	v23 =	vmul.f32 v23, v35;
	v18 =	vmul.f32 v18, v36  }
0x36f: {  	v9 =	vadd.f32 v9, v17;
	v46 =	vmul.f32 $1.111111120e-01, v43;
	v47 =	vmul.f32 $1.111111120e-01, v44  }
0x370: {  	v7 =	vcvt.s32.f32 v7;
	v23 =	vadd.f32 $2.000000030e-01, v23;
	v41 =	vadd.f32 $2.000000030e-01, v18  }
0x371: {  	v53 =	vshrl.u32 v20, $0x17;
	v17 =	vadd.f32 $1.428571490e-01, v46;
	v18 =	vadd.f32 $1.428571490e-01, v47  }
0x372: {  	v14 =	vadd.f32 v14, v14;
	v42 =	vmul.f32 v23, v35;
	v10 =	vmul.f32 v41, v36  }
0x373: {  	v8 =	vadd.f32 v8, v16;
	v17 =	vmul.f32 v17, v43;
	v18 =	vmul.f32 v18, v44  }
0x374: {  	v22 =	vadd.s32 $0xFFFFFF81, v48;
	v45 =	vadd.f32 $3.333333430e-01, v42;
	v10 =	vadd.f32 $3.333333430e-01, v10  }
0x375: {  	v49 =	vcvt.s32.f32 v22;
	v17 =	vadd.f32 $2.000000030e-01, v17;
	v18 =	vadd.f32 $2.000000030e-01, v18  }
0x376: {  	v11 =	vadd.f32 v11, v11;
	v16 =	vmul.f32 v45, v35;
	v10 =	vmul.f32 v10, v36  }
0x377: {  	v15 =	vadd.f32 v15, v15;
	v17 =	vmul.f32 v17, v43;
	v18 =	vmul.f32 v18, v44  }
0x378: {  	v7 =	vmul.f32 $6.931471820e-01, v7;
	v16 =	vadd.f32 $1.000000000e+00, v16;
	v10 =	vadd.f32 $1.000000000e+00, v10  }
0x379: {  	v19 =	vmul.f32 $6.931471820e-01, v49;
	v51 =	vadd.f32 $3.333333430e-01, v17;
	v52 =	vadd.f32 $3.333333430e-01, v18  }
0x37a: {  	v13 =	vmul.f32 v16, v13;
	v10 =	vmul.f32 v10, v14;
	v14 =	vadd.s32 $0xFFFFFF81, v50  }
0x37b: {  	v16 =	vmul.f32 v51, v43;
	v18 =	vadd.s32 $0xFFFFFF81, v53;
	v17 =	vmul.f32 v52, v44  }
0x37c: {  	v54 =	vld [tilespmem:s1+$0x4000];
	v13 =	vadd.f32 v13, v19;
	v14 =	vcvt.s32.f32 v14;
	v18 =	vcvt.s32.f32 v18  }
0x37d: {  	v16 =	vadd.f32 $1.000000000e+00, v16;
	v17 =	vadd.f32 $1.000000000e+00, v17  }
0x37e: {  	v55 =	vld [tilespmem:s0+$0x4000];
	v7 =	vadd.f32 v10, v7;
	v56 =	vmul.f32 $6.931471820e-01, v14;
	v57 =	vmul.f32 $6.931471820e-01, v18  }
0x37f: {  	v8 =	vsub.f32 v8, v9;
	v11 =	vmul.f32 v16, v11;
	v15 =	vmul.f32 v17, v15  }
0x380: {  	v58 =	vld [tilespmem:s26+$0x4000];
	v13 =	vsub.f32 v13, v7  }
0x381: {  	v8 =	vmul.f32 v8, v54;
	v10 =	vadd.f32 v11, v56;
	v59 =	vadd.f32 v15, v57  }
0x382: {  	v60 =	vsel vm0, $0x3F800000, v0;
	vm13 =	vlt.f32 v4, v1  }
0x383: {  	v8 =	vadd.f32 v8, v9;
	v4 =	vmul.f32 v13, v55;
	v61 =	vsub.f32 v10, v59  }
0x384: {  	v3 =	vadd.f32 v12, v3;
	v2 =	vadd.f32 v60, v2  }
0x385: {  	s31 =	sadd.s32 $0x1, s31;
	v8 =	vnsel vm13, $0x0, v8;
	v4 =	vadd.f32 v4, v7;
	v63 =	vmul.f32 v61, v58  }
0x386: {  	vm14 =	vlt.f32 v5, v1;
	v62 =	vsel vm13, $0x3F800000, v0;
	p0 =	sne.s32 s31, $0x20;
	v3 =	vadd.f32 v8, v3  }
.Ltmp13:
0x387: {  	v2 =	vadd.f32 v62, v2;
	v4 =	vnsel vm14, $0x0, v4;
	v7 =	vadd.f32 v63, v59;
	(pc) =	sbr.rel @p0 .LBB2_26-.Ltmp13, $4  }
0x388: {  	vm15 =	vlt.f32 v6, v1;
	v5 =	vsel vm14, $0x3F800000, v0;
	v3 =	vadd.f32 v4, v3  }
0x389: {  	v2 =	vadd.f32 v5, v2;
	v4 =	vnsel vm15, $0x0, v7  }
0x38a: {  	v5 =	vsel vm15, $0x3F800000, v0;
	v3 =	vadd.f32 v4, v3  }
0x38b: {  	v2 =	vadd.f32 v5, v2  }
0x38c: {  	s30 =	simm.s32 $0x0  }
0x38d: {  	[tilespmem:s30], [sflag:$0x1] =	stream.linear.gather [hbm4b:s19+s30], $0x4000, $0x38;
	[tilespmem:$0x8180] =	vst v63  }
0x38e: {  	_ =	swait.ge [sflag:s4], $0x4000  }
0x38f: {  	[sflag:s4] =	ssyncset.done $0x0  }
0x390: {  	[sflag:s4] =	ssyncadd.s32 $0xFFFFC000  }
0x391: {  	[tilespmem:s25], [sflag:$0x1] =	stream.linear.gather [hbm4b:s20+s30], $0x4000, $0x38;
	[tilespmem:$0x8180] =	vst v63  }
0x392: {  	_ =	swait.ge [sflag:s4], $0x4000  }
0x393: {  	[sflag:s4] =	ssyncset.done $0x0  }
0x394: {  	s31 =	simm.s32 $0x0;
	[sflag:s4] =	ssyncadd.s32 $0xFFFFC000  }
.LBB2_30:
0x395: {  	s0 =	sshll.u32 s31, $0x9;
	s1 =	sshll.u32 s31, $0x7  }
0x396: {  	s0 =	sand.u32 $0x3000, s0;
	s1 =	sand.u32 $0x380, s1  }
0x397: {  	s5 =	sand.u32 $0xC00, s30;
	s24 =	sor.u32 s0, s1  }
0x398: {  	s26 =	sand.u32 $0x70, s30;
	s0 =	sor.u32 s5, s24  }
0x399: {  	s3 =	sor.u32 s26, s0  }
0x39a: {  	v12 =	vld [tilespmem:s3+$0x0];
	_ =	sdelay $0x4  }
0x39b: {  	v6 =	vsub.f32 $1.000000000e+00, v12  }
0x39c: {  	v4 =	vand.u32 $0x7FFFFF, v12  }
0x39d: {  	v5 =	vor.u32 $0x3F800000, v4;
	v4 =	vand.u32 $0x7FFFFF, v6  }
0x39e: {  	v7 =	vadd.f32 $1.000000000e+00, v5;
	v8 =	vor.u32 $0x3F800000, v4  }
0x39f: {  	v4 =	vadd.f32 $1.000000000e+00, v8  }
0x3a0: {  	(erf) = vrcp.f32 v7  }
0x3a1: {  	(erf) = vrcp.f32 v4;
	_ =	sdelay $0x1  }
0x3a2: {  	s1 =	simm.s32 $0x80  }
0x3a3: {  	s5 =	simm.s32 $0x10;
	s0 =	sand.u32 $0xC00, s1  }
0x3a4: {  	s1 =	sand.u32 $0x70, s5;
	s0 =	sor.u32 s0, s24  }
0x3a5: {  	s1 =	sor.u32 s1, s0  }
0x3a6: {  	v4 =	vld [tilespmem:s1+$0x0];
	_ =	sdelay $0x1  }
0x3a7: {  	v5 =	vadd.f32 $-1.000000000e+00, v5;
	v8 =	vadd.f32 $-1.000000000e+00, v8;
	v7 =	vpop (erf)  }
0x3a8: {  	v9 =	vpop (erf)  }
0x3a9: {  	v10 =	vmul.f32 v7, v5;
	v11 =	vmul.f32 v9, v8  }
0x3aa: {  	v17 =	vsub.f32 $1.000000000e+00, v4;
	v5 =	vand.u32 $0x7FFFFF, v4  }
0x3ab: {  	v7 =	vor.u32 $0x3F800000, v5;
	v9 =	vmul.f32 v10, v10;
	v13 =	vmul.f32 v11, v11  }
0x3ac: {  	v5 =	vand.u32 $0x7FFFFF, v17;
	v8 =	vadd.f32 $1.000000000e+00, v7  }
0x3ad: {  	v14 =	vor.u32 $0x3F800000, v5;
	v5 =	vmul.f32 $1.111111120e-01, v9;
	v15 =	vmul.f32 $1.111111120e-01, v13  }
0x3ae: {  	v16 =	vadd.f32 $1.000000000e+00, v14;
	(erf) = vrcp.f32 v8  }
0x3af: {  	v8 =	vadd.f32 $1.428571490e-01, v5;
	v15 =	vadd.f32 $1.428571490e-01, v15  }
0x3b0: {  	s26 =	simm.s32 $0x100;
	(erf) = vrcp.f32 v16  }
0x3b1: {  	s5 =	simm.s32 $0x20;
	s0 =	sand.u32 $0xC00, s26;
	v8 =	vmul.f32 v8, v9;
	v15 =	vmul.f32 v15, v13  }
0x3b2: {  	s5 =	sand.u32 $0x70, s5;
	s0 =	sor.u32 s0, s24;
	v6 =	vshrl.u32 v6, $0x17  }
0x3b3: {  	s0 =	sor.u32 s5, s0;
	v6 =	vadd.s32 $0xFFFFFF81, v6;
	v8 =	vadd.f32 $2.000000030e-01, v8;
	v15 =	vadd.f32 $2.000000030e-01, v15  }
0x3b4: {  	v6 =	vcvt.s32.f32 v6;
	v16 =	vshrl.u32 v12, $0x17;
	v5 =	vld [tilespmem:s0+$0x0]  }
0x3b5: {  	v16 =	vadd.s32 $0xFFFFFF81, v16;
	v8 =	vmul.f32 v8, v9;
	v15 =	vmul.f32 v15, v13  }
0x3b6: {  	v7 =	vadd.f32 $-1.000000000e+00, v7;
	v16 =	vcvt.s32.f32 v16  }
0x3b7: {  	v6 =	vmul.f32 $6.931471820e-01, v6;
	v19 =	vpop (erf);
	v20 =	vadd.f32 $3.333333430e-01, v8;
	v15 =	vadd.f32 $3.333333430e-01, v15  }
0x3b8: {  	v14 =	vadd.f32 $-1.000000000e+00, v14;
	v16 =	vmul.f32 $6.931471820e-01, v16;
	v8 =	vmul.f32 v19, v7  }
0x3b9: {  	v7 =	vsub.f32 $1.000000000e+00, v5;
	v19 =	vpop (erf);
	v20 =	vmul.f32 v20, v9;
	v13 =	vmul.f32 v15, v13  }
0x3ba: {  	v9 =	vmul.f32 v19, v14;
	v14 =	vadd.f32 v10, v10;
	v15 =	vadd.f32 v11, v11  }
0x3bb: {  	v18 =	vand.u32 $0x7FFFFF, v5;
	v19 =	vadd.f32 $1.000000000e+00, v20;
	v20 =	vadd.f32 $1.000000000e+00, v13  }
0x3bc: {  	v11 =	vmul.f32 v8, v8;
	v10 =	vmul.f32 v9, v9;
	v13 =	vor.u32 $0x3F800000, v18  }
0x3bd: {  	s28 =	simm.s32 $0x180;
	v18 =	vand.u32 $0x7FFFFF, v7;
	v19 =	vmul.f32 v19, v14;
	v15 =	vmul.f32 v20, v15  }
0x3be: {  	v21 =	vld [tilespmem:s3+$0x4000];
	s26 =	sand.u32 $0xC00, s28;
	s5 =	simm.s32 $0x30;
	v14 =	vor.u32 $0x3F800000, v18;
	v18 =	vmul.f32 $1.111111120e-01, v11;
	v20 =	vadd.f32 $1.000000000e+00, v13  }
0x3bf: {  	s26 =	sor.u32 s26, s24;
	s5 =	sand.u32 $0x70, s5;
	v22 =	vmul.f32 $1.111111120e-01, v10;
	v16 =	vadd.f32 v19, v16;
	v15 =	vadd.f32 v15, v6  }
0x3c0: {  	s26 =	sor.u32 s5, s26;
	v19 =	vadd.f32 $1.000000000e+00, v14;
	v18 =	vadd.f32 $1.428571490e-01, v18;
	(erf) = vrcp.f32 v20  }
0x3c1: {  	v6 =	vld [tilespmem:s26+$0x0];
	v20 =	vadd.f32 $1.428571490e-01, v22;
	v16 =	vsub.f32 v16, v15  }
0x3c2: {  	(erf) = vrcp.f32 v19;
	v18 =	vmul.f32 v18, v11  }
0x3c3: {  	v19 =	vmul.f32 v20, v10;
	v16 =	vmul.f32 v16, v21  }
0x3c4: {  	vm0 =	vlt.f32 v12, v1;
	v20 =	vshrl.u32 v4, $0x17;
	v18 =	vadd.f32 $2.000000030e-01, v18  }
0x3c5: {  	v12 =	vadd.s32 $0xFFFFFF81, v20;
	v20 =	vadd.f32 $2.000000030e-01, v19;
	v21 =	vadd.f32 v16, v15  }
0x3c6: {  	v17 =	vshrl.u32 v17, $0x17;
	v19 =	vmul.f32 v18, v11;
	v15 =	vand.u32 $0x7FFFFF, v6  }
0x3c7: {  	s3 =	simm.s32 $0x40;
	v16 =	vcvt.s32.f32 v12;
	v18 =	vmul.f32 v20, v10;
	v12 =	vnsel vm0, $0x0, v21  }
.LBB2_31:
0x3c8: {  	p0 =	sne.s32 s3, $0x1F0;
	v13 =	vadd.f32 $-1.000000000e+00, v13;
	v17 =	vadd.s32 $0xFFFFFF81, v17;
	v3 =	vadd.f32 v12, v3  }
0x3c9: {  	v16 =	vmul.f32 $6.931471820e-01, v16;
	v12 =	vpop (erf);
	v19 =	vadd.f32 $3.333333430e-01, v19;
	v18 =	vadd.f32 $3.333333430e-01, v18  }
0x3ca: {  	v12 =	vmul.f32 v12, v13;
	v13 =	vadd.f32 $-1.000000000e+00, v14;
	v14 =	vcvt.s32.f32 v17  }
0x3cb: {  	v20 =	vsub.f32 $1.000000000e+00, v6;
	v17 =	vpop (erf);
	v11 =	vmul.f32 v19, v11;
	v10 =	vmul.f32 v18, v10  }
0x3cc: {  	v18 =	vadd.f32 v8, v8;
	v19 =	vadd.f32 v9, v9;
	v9 =	vmul.f32 v17, v13;
	v8 =	vmovc v12  }
0x3cd: {  	v22 =	vmul.f32 $6.931471820e-01, v14;
	v17 =	vadd.f32 $1.000000000e+00, v11;
	v21 =	vadd.f32 $1.000000000e+00, v10  }
0x3ce: {  	v13 =	vor.u32 $0x3F800000, v15;
	v11 =	vmul.f32 v12, v8;
	v10 =	vmul.f32 v9, v9  }
0x3cf: {  	s28 =	sadd.s32 $0x80, s28;
	v12 =	vand.u32 $0x7FFFFF, v20;
	v15 =	vmul.f32 v17, v18;
	v17 =	vmul.f32 v21, v19  }
0x3d0: {  	s5 =	sand.u32 $0xC00, s28;
	v14 =	vor.u32 $0x3F800000, v12;
	v18 =	vadd.f32 $1.000000000e+00, v13;
	v12 =	vmul.f32 $1.111111120e-01, v11;
	v19 =	vld [tilespmem:s1+$0x4000];
	s1 =	smov.u32 s0;
	s0 =	smov.u32 s26  }
0x3d1: {  	s5 =	sor.u32 s5, s24;
	s26 =	sand.u32 $0x70, s3;
	v21 =	vmul.f32 $1.111111120e-01, v10;
	v15 =	vadd.f32 v15, v16;
	v16 =	vadd.f32 v17, v22  }
0x3d2: {  	s26 =	sor.u32 s26, s5;
	v17 =	vadd.f32 $1.000000000e+00, v14;
	v12 =	vadd.f32 $1.428571490e-01, v12;
	(erf) = vrcp.f32 v18  }
0x3d3: {  	v22 =	vsel vm0, $0x3F800000, v0;
	v21 =	vadd.f32 $1.428571490e-01, v21;
	v18 =	vld [tilespmem:s26+$0x0];
	v15 =	vsub.f32 v15, v16  }
0x3d4: {  	v2 =	vadd.f32 v22, v2;
	v12 =	vmul.f32 v12, v11;
	(erf) = vrcp.f32 v17  }
.Ltmp14:
0x3d5: {  	v17 =	vmul.f32 v21, v10;
	v15 =	vmul.f32 v15, v19;
	(pc) =	sbr.rel @p0 .LBB2_31-.Ltmp14, $4  }
0x3d6: {  	vm0 =	vlt.f32 v4, v1;
	v4 =	vmovc v5;
	v19 =	vshrl.u32 v5, $0x17;
	v12 =	vadd.f32 $2.000000030e-01, v12;
	v5 =	vmovc v6  }
0x3d7: {  	v19 =	vadd.s32 $0xFFFFFF81, v19;
	v21 =	vadd.f32 $2.000000030e-01, v17;
	v22 =	vadd.f32 v15, v16  }
0x3d8: {  	v17 =	vshrl.u32 v7, $0x17;
	v7 =	vmovc v20;
	v16 =	vcvt.s32.f32 v19;
	v15 =	vand.u32 $0x7FFFFF, v18;
	v6 =	vmovc v18  }
0x3d9: {  	s3 =	sadd.s32 $0x10, s3;
	v19 =	vmul.f32 v12, v11;
	v18 =	vmul.f32 v21, v10;
	v12 =	vnsel vm0, $0x0, v22  }
0x3da: {  	v20 =	vsub.f32 $1.000000000e+00, v6;
	_ =	sdelay $0x1  }
0x3db: {  	v15 =	vor.u32 $0x3F800000, v15;
	v21 =	vand.u32 $0x7FFFFF, v20  }
0x3dc: {  	v22 =	vadd.f32 $1.000000000e+00, v15;
	v21 =	vor.u32 $0x3F800000, v21  }
0x3dd: {  	v24 =	vadd.f32 $1.000000000e+00, v21  }
0x3de: {  	v23 =	vpop (erf);
	(erf) = vrcp.f32 v22  }
0x3df: {  	v34 =	vpop (erf);
	(erf) = vrcp.f32 v24  }
0x3e0: {  	v13 =	vadd.f32 $-1.000000000e+00, v13  }
0x3e1: {  	v14 =	vadd.f32 $-1.000000000e+00, v14;
	v17 =	vadd.s32 $0xFFFFFF81, v17;
	v8 =	vadd.f32 v8, v8  }
0x3e2: {  	v16 =	vmul.f32 $6.931471820e-01, v16;
	v9 =	vadd.f32 v9, v9;
	v19 =	vadd.f32 $3.333333430e-01, v19  }
0x3e3: {  	v48 =	vshrl.u32 v5, $0x17;
	v7 =	vshrl.u32 v7, $0x17;
	v13 =	vmul.f32 v23, v13  }
0x3e4: {  	v18 =	vadd.f32 $3.333333430e-01, v18;
	v11 =	vmul.f32 v19, v11;
	v14 =	vmul.f32 v34, v14  }
0x3e5: {  	v17 =	vcvt.s32.f32 v17;
	v15 =	vadd.f32 $-1.000000000e+00, v15;
	v35 =	vmul.f32 v13, v13  }
0x3e6: {  	v10 =	vmul.f32 v18, v10;
	v11 =	vadd.f32 $1.000000000e+00, v11;
	v36 =	vmul.f32 v14, v14  }
0x3e7: {  	v17 =	vmul.f32 $6.931471820e-01, v17;
	v21 =	vadd.f32 $-1.000000000e+00, v21;
	v37 =	vmul.f32 $1.111111120e-01, v35;
	v39 =	vpop (erf)  }
0x3e8: {  	v10 =	vadd.f32 $1.000000000e+00, v10;
	v8 =	vmul.f32 v11, v8;
	v38 =	vmul.f32 $1.111111120e-01, v36;
	v40 =	vpop (erf)  }
0x3e9: {  	v50 =	vshrl.u32 v6, $0x17;
	v11 =	vmul.f32 v39, v15;
	v15 =	vmul.f32 v40, v21  }
0x3ea: {  	v9 =	vmul.f32 v10, v9;
	v23 =	vadd.f32 $1.428571490e-01, v37;
	v18 =	vadd.f32 $1.428571490e-01, v38  }
0x3eb: {  	v7 =	vadd.s32 $0xFFFFFF81, v7;
	v43 =	vmul.f32 v11, v11;
	v44 =	vmul.f32 v15, v15  }
0x3ec: {  	v13 =	vadd.f32 v13, v13;
	v23 =	vmul.f32 v23, v35;
	v18 =	vmul.f32 v18, v36  }
0x3ed: {  	v9 =	vadd.f32 v9, v17;
	v46 =	vmul.f32 $1.111111120e-01, v43;
	v47 =	vmul.f32 $1.111111120e-01, v44  }
0x3ee: {  	v7 =	vcvt.s32.f32 v7;
	v23 =	vadd.f32 $2.000000030e-01, v23;
	v41 =	vadd.f32 $2.000000030e-01, v18  }
0x3ef: {  	v53 =	vshrl.u32 v20, $0x17;
	v17 =	vadd.f32 $1.428571490e-01, v46;
	v18 =	vadd.f32 $1.428571490e-01, v47  }
0x3f0: {  	v14 =	vadd.f32 v14, v14;
	v42 =	vmul.f32 v23, v35;
	v10 =	vmul.f32 v41, v36  }
0x3f1: {  	v8 =	vadd.f32 v8, v16;
	v17 =	vmul.f32 v17, v43;
	v18 =	vmul.f32 v18, v44  }
0x3f2: {  	v22 =	vadd.s32 $0xFFFFFF81, v48;
	v45 =	vadd.f32 $3.333333430e-01, v42;
	v10 =	vadd.f32 $3.333333430e-01, v10  }
0x3f3: {  	v49 =	vcvt.s32.f32 v22;
	v17 =	vadd.f32 $2.000000030e-01, v17;
	v18 =	vadd.f32 $2.000000030e-01, v18  }
0x3f4: {  	v11 =	vadd.f32 v11, v11;
	v16 =	vmul.f32 v45, v35;
	v10 =	vmul.f32 v10, v36  }
0x3f5: {  	v15 =	vadd.f32 v15, v15;
	v17 =	vmul.f32 v17, v43;
	v18 =	vmul.f32 v18, v44  }
0x3f6: {  	v7 =	vmul.f32 $6.931471820e-01, v7;
	v16 =	vadd.f32 $1.000000000e+00, v16;
	v10 =	vadd.f32 $1.000000000e+00, v10  }
0x3f7: {  	v19 =	vmul.f32 $6.931471820e-01, v49;
	v51 =	vadd.f32 $3.333333430e-01, v17;
	v52 =	vadd.f32 $3.333333430e-01, v18  }
0x3f8: {  	v13 =	vmul.f32 v16, v13;
	v10 =	vmul.f32 v10, v14;
	v14 =	vadd.s32 $0xFFFFFF81, v50  }
0x3f9: {  	v16 =	vmul.f32 v51, v43;
	v18 =	vadd.s32 $0xFFFFFF81, v53;
	v17 =	vmul.f32 v52, v44  }
0x3fa: {  	v54 =	vld [tilespmem:s1+$0x4000];
	v13 =	vadd.f32 v13, v19;
	v14 =	vcvt.s32.f32 v14;
	v18 =	vcvt.s32.f32 v18  }
0x3fb: {  	v16 =	vadd.f32 $1.000000000e+00, v16;
	v17 =	vadd.f32 $1.000000000e+00, v17  }
0x3fc: {  	v55 =	vld [tilespmem:s0+$0x4000];
	v7 =	vadd.f32 v10, v7;
	v56 =	vmul.f32 $6.931471820e-01, v14;
	v57 =	vmul.f32 $6.931471820e-01, v18  }
0x3fd: {  	v8 =	vsub.f32 v8, v9;
	v11 =	vmul.f32 v16, v11;
	v15 =	vmul.f32 v17, v15  }
0x3fe: {  	v58 =	vld [tilespmem:s26+$0x4000];
	v13 =	vsub.f32 v13, v7  }
0x3ff: {  	v8 =	vmul.f32 v8, v54;
	v10 =	vadd.f32 v11, v56;
	v59 =	vadd.f32 v15, v57  }
0x400: {  	v60 =	vsel vm0, $0x3F800000, v0;
	vm13 =	vlt.f32 v4, v1  }
0x401: {  	v8 =	vadd.f32 v8, v9;
	v4 =	vmul.f32 v13, v55;
	v61 =	vsub.f32 v10, v59  }
0x402: {  	v3 =	vadd.f32 v12, v3;
	v2 =	vadd.f32 v60, v2  }
0x403: {  	s31 =	sadd.s32 $0x1, s31;
	v8 =	vnsel vm13, $0x0, v8;
	v4 =	vadd.f32 v4, v7;
	v63 =	vmul.f32 v61, v58  }
0x404: {  	vm14 =	vlt.f32 v5, v1;
	v62 =	vsel vm13, $0x3F800000, v0;
	p0 =	sne.s32 s31, $0x20;
	v3 =	vadd.f32 v8, v3  }
.Ltmp15:
0x405: {  	v2 =	vadd.f32 v62, v2;
	v4 =	vnsel vm14, $0x0, v4;
	v7 =	vadd.f32 v63, v59;
	(pc) =	sbr.rel @p0 .LBB2_30-.Ltmp15, $4  }
0x406: {  	vm15 =	vlt.f32 v6, v1;
	v5 =	vsel vm14, $0x3F800000, v0;
	v3 =	vadd.f32 v4, v3  }
0x407: {  	v2 =	vadd.f32 v5, v2;
	v4 =	vnsel vm15, $0x0, v7  }
0x408: {  	v5 =	vsel vm15, $0x3F800000, v0;
	v3 =	vadd.f32 v4, v3  }
0x409: {  	v2 =	vadd.f32 v5, v2  }
0x40a: {  	[tilespmem:$0x8080] =	vst v3  }
0x40b: {  	s0 =	simm.s32 $0x8080;
	[tilespmem:$0x8100] =	vst v2  }
0x40c: {  	[hbm4b:s21+s2] =	stream.linear.scatter [tilespmem:s0], [sflag:$0x1], $0x80, $0x38;
	[tilespmem:$0x8180] =	vst v63  }
0x40d: {  	s29 =	sadd.s32 $0x1, s29;
	_ =	swait.ge [sflag:s4], $0x80  }
0x40e: {  	p0 =	sne.s32 s29, s23;
	[sflag:s4] =	ssyncset.done $0x0  }
.Ltmp16:
0x40f: {  	s31 =	simm.s32 $0x8100;
	[sflag:s4] =	ssyncadd.s32 $0xFFFFFF80;
	(pc) =	sbr.rel @p0 .LBB2_1-.Ltmp16, $4  }
0x410: {  	[hbm4b:s22+s2] =	stream.linear.scatter [tilespmem:s31], [sflag:$0x1], $0x80, $0x38;
	[tilespmem:$0x8180] =	vst v63  }
0x411: {  	_ =	swait.ge [sflag:s4], $0x80  }
0x412: {  	[sflag:s4] =	ssyncset.done $0x0  }
0x413: {  	[sflag:s4] =	ssyncadd.s32 $0xFFFFFF80  }
0x414: {  	_ =	sfence.sel $0x180000  }
0x415: {  	[bflag:$0x0] =	sbarrier.arrive $0xFFFF  }
0x416: {  	_ =	strace $0x9000004A  }
0x417: {  	s0 =	stileid.u32;
	[bflag:$0x2] =	sbarrier.arrive $0xFFFF  }
0x418: {  	p0 =	sne.s32 s0, $0x0;
	s0 =	rddreg [dreg:$0x3]  }
0x419: {  	s0 =	sadd.s32 @!p0 $0x100000, s0  }
0x41a: {  	[sflag:s0] =	ssyncadd.tile.s32 @!p0 $0x1;
	_ =	shalt  }
.Lfunc_end2:
_tile_overlayer_lowered:
.L_overlay_start_2:
0x41b: {  	(tag) =	ssettag $0x2  }
0x41c: {  	s0 =	rddreg [dreg:$0x0];
	s2 =	stileid.u32  }
0x41d: {  	s1 =	rddreg [dreg:$0x1];
	p0 =	sne.s32 s2, $0x0  }
0x41e: {  	s3 =	rddreg [dreg:$0x2];
	[bflag:$0x3] =	sbarrier.arrive $0xFFFF;
	s2 =	simm.s32 @!p0 $0x1C01  }
0x41f: {  	[timem:s3], [sflag:s2] =	dma.local @!p0 [hbm:s0], s1  }
0x420: {  	s0 =	simm.s32 @!p0 $0x1  }
0x421: {  	_ =	swait.ge @!p0 [sflag:s0], s1  }
0x422: {  	s1 =	ssub.s32 @!p0 $0x0, s1;
	[sflag:s0] =	ssyncset.done @!p0 $0x0  }
0x423: {  	[sflag:s0] =	ssyncadd.s32 @!p0 s1  }
0x424: {  	[bflag:$0x3] =	sbarrier.arrive $0xFFFF  }
0x425: {  	_ =	shalt  }

// kernel: kernel.4.cloned.1.call-start
scs
__scs_entry_jumppad:
0x0: {  	(pc) =	sbr.rel $0x88, $3  }
0x1: {  	(tag) =	ssettag $0x0;
	lr =	simm.s32 $0x1  }
0x2: {  	[smem:$0x3F9F] =	sst lr;
	_ =	strace $0xD0000000  }
0x3: {  	_ = 	snop  }
0x4: {  	_ = 	snop  }
0x5: {  	_ = 	snop  }
0x6: {  	_ = 	snop  }
0x7: {  	_ = 	snop  }
__scs_overlays_trampoline_lowered:
0x8: {  	[smem:$0x3FAE] =	sst s0  }
0x9: {  	[smem:$0x3FAF] =	sst s1  }
0xa: {  	[smem:$0x3FB0] =	sst s2  }
0xb: {  	[smem:$0x3FB1] =	sst s3  }
0xc: {  	[smem:$0x3FB2] =	sst s4  }
0xd: {  	[smem:$0x3FB3] =	sst s5  }
0xe: {  	[smem:$0x3FB4] =	sst s6  }
0xf: {  	[smem:$0x3FB5] =	sst s7  }
0x10: {  	[smem:$0x3FB6] =	sst s8  }
0x11: {  	[smem:$0x3FB7] =	sst s9;
	s0 =	simm.s32 @!p0 $0x0  }
0x12: {  	s1 =	sld [smem:$0x3F9D];
	s0 =	simm.s32 @p0 $0x1  }
0x13: {  	[smem:$0x3FB8] =	sst s0;
	s0 =	simm.s32 @!p1 $0x0  }
0x14: {  	s2 =	sld [smem:$0x3F9C];
	s0 =	simm.s32 @p1 $0x1  }
0x15: {  	[smem:$0x3FB9] =	sst s0;
	s0 =	simm.s32 @!p2 $0x0  }
0x16: {  	s3 =	sld [smem:$0x3FDB];
	s0 =	simm.s32 @p2 $0x1  }
0x17: {  	s4 =	simm.s32 $0x1BF5;
	[smem:$0x3FBB] =	sst s0  }
0x18: {  	s0 =	sld [smem:$0x3F9E];
	_ =	swait.ge [sflag:s4], $0x0  }
0x19: {  	s7 =	sld [smem:$0x3F9F]  }
0x1a: {  	s8 =	sadd.s32 $0xFFFFE003, lr  }
0x1b: {  	s9 =	sadd.s32 $0xFFFFFEF7, lr;
	s5 =	simm.s32 $0xFFFFFFFF;
	p2 =	slt.u32 s8, $0xFFFFF086  }
0x1c: {  	p1 =	slt.u32 s9, $0xF7A;
	s5 =	simm.s32 @!p2 $0x0  }
0x1d: {  	s5 =	simm.s32 @p1 $0x1;
	p0 =	seq.s32 s7, s2  }
0x1e: {  	s7 =	smul.u32 @!p0 $0xF7A, s2;
	p2 =	seq.s32 @!p0 s5, $0x0  }
0x1f: {  	s9 =	smul.u32 $0xF7A, s1;
	s8 =	simm.s32 @!p0 $0x1BF5;
	p2 =	por !p2, p0  }
0x20: {  	[sflag:s8] =	ssyncset.s32 @!p0 $0xFFFFF086;
	s6 =	sadd.s32 @!p0 s3, s7;
	s7 =	simm.s32 @!p0 $0x108  }
0x21: {  	s3 =	sadd.s32 s3, s9;
	s6 =	sadd.s32 @!p0 $0x88, s6;
	s7 =	simm.s32 @p2 $0x1082  }
0x22: {  	[simem:s7], [sflag:s8] =	dma.local @!p0 [hbm:s6], $0xF7A  }
0x23: {  	s9 =	sor.u32 $0xD0000000, s2;
	s6 =	simm.s32 $0x108;
	_ =	swait.ge @!p0 [sflag:s8], $0x0  }
0x24: {  	s3 =	sadd.s32 $0x88, s3;
	s6 =	simm.s32 @!p1 $0x1082;
	[sflag:s4] =	ssyncset.s32 $0xFFFFF086  }
0x25: {  	[simem:s6], [sflag:s4] =	dma.local [hbm:s3], $0xF7A  }
0x26: {  	[smem:$0x3F9F] =	sst s1;
	(tag) =	ssettag s2;
	_ =	strace s9  }
0x27: {  	s1 =	sld [smem:$0x3FAF]  }
0x28: {  	s2 =	sld [smem:$0x3FB0]  }
0x29: {  	s4 =	sld [smem:$0x3FB2]  }
0x2a: {  	p0 =	seq.s32 s5, $0x0;
	s5 =	sld [smem:$0x3FB3]  }
0x2b: {  	s6 =	sld [smem:$0x3FB4]  }
0x2c: {  	s7 =	sld [smem:$0x3FB5]  }
0x2d: {  	s3 =	simm.s32 $0x108;
	s8 =	sld [smem:$0x3FB6]  }
0x2e: {  	s3 =	simm.s32 @!p0 $0x1082;
	s9 =	sld [smem:$0x3FB7]  }
0x2f: {  	lr =	sadd.s32 s0, s3;
	s0 =	sld [smem:$0x3FAE]  }
0x30: {  	s3 =	sld [smem:$0x3FB1]  }
0x31: {  	[smem:$0x3FBA] =	sst s10  }
0x32: {  	s10 =	sld [smem:$0x3FB8];
	_ =	sdelay $0x3  }
0x33: {  	p0 =	seq.s32 s10, $0x1;
	s10 =	sld [smem:$0x3FBA];
	_ =	sdelay $0x3  }
0x34: {  	[smem:$0x3FBA] =	sst s10  }
0x35: {  	s10 =	sld [smem:$0x3FB9];
	_ =	sdelay $0x3  }
0x36: {  	p1 =	seq.s32 s10, $0x1;
	s10 =	sld [smem:$0x3FBA];
	_ =	sdelay $0x3  }
0x37: {  	[smem:$0x3FBA] =	sst s10  }
0x38: {  	s10 =	sld [smem:$0x3FBB]  }
0x39: {  	_ = 	snop;
	(pc) =	sbr.ind lr, $3  }
0x3a: {  	_ = 	snop  }
0x3b: {  	_ = 	snop  }
0x3c: {  	p2 =	seq.s32 s10, $0x1;
	s10 =	sld [smem:$0x3FBA]  }
0x3d: {  	_ =	shalt  }
0x3e: {  	_ =	shalt  }
0x3f: {  	_ =	shalt  }
0x40: {  	_ =	shalt  }
0x41: {  	_ =	shalt  }
0x42: {  	_ =	shalt  }
0x43: {  	_ =	shalt  }
0x44: {  	_ =	shalt  }
0x45: {  	_ =	shalt  }
0x46: {  	_ =	shalt  }
0x47: {  	_ =	shalt  }
0x48: {  	_ =	shalt  }
0x49: {  	_ =	shalt  }
0x4a: {  	_ =	shalt  }
0x4b: {  	_ =	shalt  }
0x4c: {  	_ =	shalt  }
0x4d: {  	_ =	shalt  }
0x4e: {  	_ =	shalt  }
0x4f: {  	_ =	shalt  }
0x50: {  	_ =	shalt  }
0x51: {  	_ =	shalt  }
0x52: {  	_ =	shalt  }
0x53: {  	_ =	shalt  }
0x54: {  	_ =	shalt  }
0x55: {  	_ =	shalt  }
0x56: {  	_ =	shalt  }
0x57: {  	_ =	shalt  }
0x58: {  	_ =	shalt  }
0x59: {  	_ =	shalt  }
0x5a: {  	_ =	shalt  }
0x5b: {  	_ =	shalt  }
0x5c: {  	_ =	shalt  }
0x5d: {  	_ =	shalt  }
0x5e: {  	_ =	shalt  }
0x5f: {  	_ =	shalt  }
0x60: {  	_ =	shalt  }
0x61: {  	_ =	shalt  }
0x62: {  	_ =	shalt  }
0x63: {  	_ =	shalt  }
0x64: {  	_ =	shalt  }
0x65: {  	_ =	shalt  }
0x66: {  	_ =	shalt  }
0x67: {  	_ =	shalt  }
0x68: {  	_ =	shalt  }
0x69: {  	_ =	shalt  }
0x6a: {  	_ =	shalt  }
0x6b: {  	_ =	shalt  }
0x6c: {  	_ =	shalt  }
0x6d: {  	_ =	shalt  }
0x6e: {  	_ =	shalt  }
0x6f: {  	_ =	shalt  }
0x70: {  	_ =	shalt  }
0x71: {  	_ =	shalt  }
0x72: {  	_ =	shalt  }
0x73: {  	_ =	shalt  }
0x74: {  	_ =	shalt  }
0x75: {  	_ =	shalt  }
0x76: {  	_ =	shalt  }
0x77: {  	_ =	shalt  }
0x78: {  	_ =	shalt  }
0x79: {  	_ =	shalt  }
0x7a: {  	_ =	shalt  }
0x7b: {  	_ =	shalt  }
0x7c: {  	_ =	shalt  }
0x7d: {  	_ =	shalt  }
0x7e: {  	_ =	shalt  }
0x7f: {  	_ =	shalt  }
0x80: {  	_ =	shalt  }
0x81: {  	_ =	shalt  }
0x82: {  	_ =	shalt  }
0x83: {  	_ =	shalt  }
0x84: {  	_ =	shalt  }
0x85: {  	_ =	shalt  }
0x86: {  	_ =	shalt  }
0x87: {  	_ =	shalt  }
.Lfunc_end0:
.L_simem_size_0:
called_computation.1_lowered:
.L_overlay_start_0:
0x88: {  	s2 =	sld [smem:$0x3FD9]  }
0x89: {  	s3 =	sld [smem:$0x3FFE];
	_ =	sdelay $0x1  }
0x8a: {  	s1 =	srdreg.scid  }
0x8b: {  	s0 =	sand.u32 $0x1, s1  }
0x8c: {  	s17 =	sshll.u32 s0, $0xA;
	s2 =	sadd.s32 s3, s2  }
0x8d: {  	s2 =	sadd.s32 s2, s17  }
0x8e: {  	[smem:$0x3FC6] =	sst s2  }
0x8f: {  	_ = 	snop  }
0x90: {  	s2 =	sld [smem:$0x3FC9]  }
0x91: {  	s18 =	sld [smem:$0x3FC8]  }
0x92: {  	s4 =	sld [smem:$0x3FD0];
	(tm) =	ssettm $0x1  }
0x93: {  	s5 =	sld [smem:$0x3FFB];
	_ =	sdelay $0x3  }
0x94: {  	_ =	strace s5  }
0x95: {  	s5 =	sld [smem:$0x3FFC];
	_ =	sdelay $0x3  }
0x96: {  	_ =	strace s5  }
0x97: {  	s5 =	sld [smem:$0x3FFD];
	_ =	sdelay $0x3  }
0x98: {  	_ =	strace s5  }
0x99: {  	_ =	strace $0x8FFFFFFF  }
0x9a: {  	s19 =	sld [smem:$0x3FDB];
	_ =	sdelay $0x1  }
0x9b: {  	s6 =	simm.s32 $_scs_section_size  }
0x9c: {  	s7 =	simm.s32 $_size__tile_overlayer_lowered;
	s8 =	simm.s32 $_tile_overlayer_lowered  }
0x9d: {  	s22 =	simm.s32 $0x1BFF;
	s21 =	sshll.u32 s8, $0x1;
	s5 =	sadd.s32 s6, s19  }
0x9e: {  	s9 =	simm.s32 $0x0;
	s20 =	sshll.u32 s7, $0x1;
	s7 =	sadd.s32 s21, s5  }
0x9f: {  	[timem:s9], [sflag:s22] =	dma.local [hbm:s7], s20  }
0xa0: {  	_ =	swait.ge [sflag:s22], s20  }
0xa1: {  	s6 =	ssub.s32 $0x0, s20;
	[sflag:s22] =	ssyncset.done $0x0  }
0xa2: {  	[sflag:s22] =	ssyncadd.s32 s6;
	_ =	sdelay $0x1  }
0xa3: {  	s23 =	simm.s32 $0x1B8B  }
0xa4: {  	_ =	swait.ge [sflag:s23], $0x1  }
0xa5: {  	[sflag:s23] =	ssyncset.done $0x0  }
0xa6: {  	s25 =	simm.s32 $0x1B8E;
	s24 =	sld [smem:$0x3FFE];
	[sflag:s23] =	ssyncadd.s32 $0xFFFFFFFF  }
0xa7: {  	s26 =	simm.s32 $execute0_lowered;
	[smem:$0x3FD2] =	sst s25  }
0xa8: {  	s7 =	sshll.u32 s26, $0x1;
	_ =	strace $0x80000046;
	[dreg:$0x1] =	wrdreg $0xFFFFFFFF  }
0xa9: {  	s28 =	simm.s32 $_size_execute0_lowered;
	s5 =	sadd.s32 s5, s7;
	[dreg:$0x0] =	wrdreg $0x0  }
0xaa: {  	s7 =	sshll.u32 s28, $0x1;
	[dreg:$0x2] =	wrdreg s5  }
0xab: {  	[dreg:$0x3] =	wrdreg s7  }
0xac: {  	[dreg:$0x4] =	wrdreg $0xC0  }
0xad: {  	_ =	task [dreg:s9], $0x5FFFF  }
0xae: {  	[dreg:$0x1] =	wrdreg $0xFFFFFFFF  }
0xaf: {  	[dreg:$0x0] =	wrdreg $0x60  }
0xb0: {  	[dreg:$0x2] =	wrdreg s2  }
0xb1: {  	[dreg:$0x3] =	wrdreg s18  }
0xb2: {  	[dreg:$0x4] =	wrdreg s4  }
0xb3: {  	[dreg:$0x5] =	wrdreg s24  }
0xb4: {  	[dreg:$0x6] =	wrdreg $0x9  }
0xb5: {  	_ =	task.clear_ibuf [dreg:s9], $0x7FFFF;
	_ =	strace $0x90000046  }
0xb6: {  	s29 =	simm.s32 $0x9;
	_ =	strace $0x80000048  }
0xb7: {  	_ =	swait.ge [sflag:s29], $0x1  }
0xb8: {  	[sflag:s29] =	ssyncadd.s32 $0xFFFFFFFF  }
0xb9: {  	_ =	strace $0x90000048  }
0xba: {  	_ =	sfence  }
0xbb: {  	s30 =	sld [smem:$0x0];
	_ =	sdelay $0x2  }
0xbc: {  	s31 =	sshll.u32 s1, $0xD;
	s1 =	sshrl.u32 s1, $0x2  }
0xbd: {  	s3 =	sand.u32 $0x4000, s31;
	s1 =	sadd.s32 s1, s30  }
0xbe: {  	s0 =	sor.u32 s3, s0;
	s1 =	sshll.u32 s1, $0x11  }
0xbf: {  	s0 =	sor.u32 s1, s0  }
0xc0: {  	s0 =	sadd.s32 $0x8F2B, s0  }
0xc1: {  	[sflag:s0] =	ssyncadd.remote.s32 $0x1  }
0xc2: {  	_ =	sfence.sel $0xFFFF  }
0xc3: {  	[dreg:$0x0] =	wrdreg $0xFFFFFFFF;
	(pc) =	sbr.abs _section_cstart, $3  }
0xc4: {  	[dreg:$0x1] =	wrdreg $0xFFFFFFFF  }
0xc5: {  	_ =	task.clear_ibuf [dreg:s9], $0x2FFFF;
	_ =	strace $0x9FFFFFFF  }
0xc6: {  	(tm) =	ssettm $0x7FFFFFFF  }
0xc7: {  	_ =	shalt  }
tec
execute0_lowered:
.L_overlay_start_1:
0x0: {  	(tag) =	ssettag $0x1  }
0x1: {  	s7 =	rddreg [dreg:$0x0]  }
0x2: {  	s8 =	rddreg [dreg:$0x1]  }
0x3: {  	s1 =	rddreg [dreg:$0x2]  }
0x4: {  	s5 =	rddreg [dreg:$0x3]  }
0x5: {  	s0 =	rddreg [dreg:$0x4]  }
0x6: {  	s3 =	simm.s32 $0x0;
	s4 =	srdreg.scid;
	s2 =	stileid.u32  }
0x7: {  	s13 =	simm.s32 $0x11900;
	s14 =	simm.s32 $0x3;
	s15 =	simm.s32 $0x10000  }
0x8: {  	s16 =	simm.s32 $0x4000;
	s17 =	simm.s32 $0xC000;
	s18 =	simm.s32 $0x1  }
0x9: {  	s19 =	simm.s32 $0x2;
	s20 =	simm.s32 $0x11980;
	s21 =	simm.s32 $0x11A00  }
0xa: {  	s22 =	simm.s32 $0x0;
	s26 =	simm.s32 $0x20;
	[smem:$0x7FF] =	sst s3  }
0xb: {  	s6 =	sand.u32 $0x1, s4;
	s29 =	sshll.u32 s2, $0x1;
	s4 =	sadd.s32 $0x200, s5  }
0xc: {  	s11 =	sshll.u32 s2, $0xD;
	_ =	strace $0x80000047;
	s9 =	sor.u32 s6, s29  }
0xd: {  	s6 =	ssub.s32 $0x2, s6;
	s11 =	sand.u32 $0x18000, s11;
	s10 =	sshll.u32 s9, $0xC  }
0xe: {  	s9 =	sshll.u32 s9, $0x4;
	s12 =	sshrl.u32 s6, $0x1;
	s10 =	sand.u32 $0x7000, s10  }
0xf: {  	s30 =	sadd.s32 s9, s5;
	s12 =	ssub.s32 s6, s12;
	s10 =	sor.u32 s11, s10  }
0x10: {  	s9 =	sadd.s32 $0x600, s30;
	s11 =	smax.u32 s12, $0x1;
	s12 =	simm.s32 $0x8000  }
0x11: {  	s31 =	sor.u32 $0x800, s10;
	s5 =	sadd.s32 s7, s10;
	s6 =	sadd.s32 s8, s10  }
0x12: {  	v0 =	vlaneseq.u32;
	s10 =	sadd.s32 $0x800, s30;
	s7 =	sadd.s32 s7, s31;
	s8 =	sadd.s32 s8, s31  }
.LBB2_1:
0x13: {  	[tilespmem:s3], [sflag:$0x1] =	stream.linear.gather [hbm4b:s5+s3], $0x4000, $0x38;
	[tilespmem:$0x11A80] =	vst v63  }
0x14: {  	_ = 	snop  }
0x15: {  	[tilespmem:s12], [sflag:$0x1] =	stream.linear.gather [hbm4b:s6+s3], $0x4000, $0x38;
	[tilespmem:$0x11A80] =	vst v63  }
0x16: {  	_ = 	snop  }
0x17: {  	[tilespmem:s13], [sflag:$0x3] =	stream.linear.gather [hbm4b:s1+s3], $0x80, $0x38;
	[tilespmem:$0x11A80] =	vst v63  }
0x18: {  	_ =	swait.ge [sflag:s14], $0x80  }
0x19: {  	[sflag:s14] =	ssyncset.done $0x0  }
0x1a: {  	[sflag:s14] =	ssyncadd.s32 $0xFFFFFF80  }
0x1b: {  	[tilespmem:s15], [sflag:$0x3] =	stream.linear.gather [hbm4b:s4+s3], $0x1900, $0x38;
	[tilespmem:$0x11A80] =	vst v63  }
0x1c: {  	_ =	swait.ge [sflag:s14], $0x1900  }
0x1d: {  	[sflag:s14] =	ssyncset.done $0x0  }
0x1e: {  	[sflag:s14] =	ssyncadd.s32 $0xFFFFE700  }
0x1f: {  	v1 =	vld [tilespmem:$0x11900];
	[tilespmem:s16], [sflag:$0x2] =	stream.linear.gather [hbm4b:s7+s3], $0x4000, $0x38  }
0x20: {  	_ = 	snop  }
0x21: {  	[tilespmem:s17], [sflag:$0x2] =	stream.linear.gather [hbm4b:s8+s3], $0x4000, $0x38;
	[tilespmem:$0x11A80] =	vst v63  }
0x22: {  	_ =	swait.ge [sflag:s18], $0x4000  }
0x23: {  	[sflag:s18] =	ssyncset.done $0x0  }
0x24: {  	[sflag:s18] =	ssyncadd.s32 $0xFFFFC000  }
0x25: {  	_ =	swait.ge [sflag:s18], $0x4000  }
0x26: {  	[sflag:s18] =	ssyncset.done $0x0  }
0x27: {  	v3 =	vimm.f32 $0.0e+00;
	v2 =	vimm.s32 $0x0;
	s23 =	simm.s32 $0x0;
	[sflag:s18] =	ssyncadd.s32 $0xFFFFC000  }
.LBB2_2:
0x28: {  	v4 =	vmov s23;
	s24 =	simm.s32 $0x0  }
0x29: {  	v5 =	vshll.u32 v4, $0x9;
	v4 =	vshll.u32 v4, $0x7;
	v6 =	vmov s24  }
0x2a: {  	v5 =	vand.u32 $0x3000, v5;
	v4 =	vand.u32 $0x380, v4;
	v7 =	vshll.u32 v6, $0x3  }
0x2b: {  	v6 =	vor.u32 v5, v4;
	v4 =	vor.u32 s24, v0;
	v5 =	vand.u32 $0xC00, v7  }
0x2c: {  	v4 =	vand.u32 $0x7F, v4;
	v5 =	vor.u32 v5, v6  }
0x2d: {  	v7 =	vor.u32 v4, v5;
	_ =	sdelay $0x2  }
0x2e: {  	s28 =	simm.s32 $0x10  }
0x2f: {  	v4 =	vmov s28  }
0x30: {  	v4 =	vshll.u32 v4, $0x3;
	v9 =	vld.idx.msk [tilespmem:v7+s3+$0x0], $0xffff  }
0x31: {  	s25 =	simm.s32 $0x20;
	v5 =	vor.u32 s28, v0;
	v4 =	vand.u32 $0xC00, v4  }
0x32: {  	v8 =	vmov s25;
	v5 =	vand.u32 $0x7F, v5;
	v4 =	vor.u32 v4, v6  }
0x33: {  	v8 =	vshll.u32 v8, $0x3;
	v14 =	vor.u32 v5, v4  }
0x34: {  	v4 =	vor.u32 s25, v0;
	v5 =	vand.u32 $0xC00, v8  }
0x35: {  	v4 =	vand.u32 $0x7F, v4;
	v5 =	vor.u32 v5, v6;
	v10 =	vsub.f32 $1.000000000e+00, v9  }
0x36: {  	v8 =	vor.u32 v4, v5;
	v4 =	vshrl.u32 v9, $0xF  }
0x37: {  	v11 =	vadd.s32 $0xFFFF9A00, v4;
	v4 =	vshrl.u32 v10, $0xF  }
0x38: {  	v5 =	vld.idx.msk [tilespmem:v14+s3+$0x0], $0xffff;
	v10 =	vadd.s32 $0xFFFF9A00, v4  }
0x39: {  	s29 =	simm.s32 $0x30  }
0x3a: {  	v4 =	vmov s29  }
0x3b: {  	v12 =	vshll.u32 v4, $0x3  }
0x3c: {  	v13 =	vor.u32 s29, v0;
	v12 =	vand.u32 $0xC00, v12;
	v11 =	vld.idx.msk [tilespmem:v11+s15+$0x0], $0xffff  }
0x3d: {  	v13 =	vand.u32 $0x7F, v13;
	v15 =	vsub.f32 $1.000000000e+00, v5;
	v12 =	vor.u32 v12, v6;
	v17 =	vld.idx.msk [tilespmem:v10+s15+$0x0], $0xffff  }
0x3e: {  	v4 =	vld.idx.msk [tilespmem:v8+s3+$0x0], $0xffff;
	v10 =	vor.u32 v13, v12;
	v12 =	vshrl.u32 v5, $0xF  }
0x3f: {  	s30 =	simm.s32 $0x40;
	v15 =	vshrl.u32 v15, $0xF;
	v13 =	vld.idx.msk [tilespmem:v7+s12+$0x0], $0xffff;
	v12 =	vadd.s32 $0xFFFF9A00, v12  }
0x40: {  	v18 =	vadd.s32 $0xFFFF9A00, v15;
	v7 =	vmov s30  }
0x41: {  	v7 =	vshll.u32 v7, $0x3  }
0x42: {  	v16 =	vor.u32 s30, v0;
	v7 =	vand.u32 $0xC00, v7;
	v20 =	vsub.f32 v11, v17  }
0x43: {  	v15 =	vand.u32 $0x7F, v16;
	v16 =	vsub.f32 $1.000000000e+00, v4;
	v19 =	vor.u32 v7, v6;
	v7 =	vld.idx.msk [tilespmem:v10+s3+$0x0], $0xffff  }
0x44: {  	v11 =	vor.u32 v15, v19;
	v15 =	vshrl.u32 v4, $0xF;
	v20 =	vmul.f32 v20, v13;
	v13 =	vld.idx.msk [tilespmem:v12+s15+$0x0], $0xffff  }
0x45: {  	v19 =	vshrl.u32 v16, $0xF;
	v16 =	vadd.s32 $0xFFFF9A00, v15;
	v12 =	vld.idx.msk [tilespmem:v18+s15+$0x0], $0xffff  }
0x46: {  	s31 =	simm.s32 $0x50;
	v15 =	vadd.s32 $0xFFFF9A00, v19  }
0x47: {  	v14 =	vld.idx.msk [tilespmem:v14+s12+$0x0], $0xffff;
	v19 =	vmov s31;
	v18 =	vor.u32 s31, v0;
	v17 =	vadd.f32 v20, v17  }
0x48: {  	vm0 =	vlt.f32 v9, v1;
	v19 =	vshll.u32 v19, $0x3;
	v18 =	vand.u32 $0x7F, v18  }
0x49: {  	s24 =	simm.s32 $0x60;
	v20 =	vand.u32 $0xC00, v19;
	v9 =	vld.idx.msk [tilespmem:v11+s3+$0x0], $0xffff;
	v19 =	vsub.f32 $1.000000000e+00, v7;
	v17 =	vnsel vm0, $0x0, v17  }
.LBB2_3:
0x4a: {  	p0 =	sne.s32 s24, $0x1F0;
	v20 =	vor.u32 v20, v6;
	v21 =	vsub.f32 v13, v12;
	v13 =	vld.idx.msk [tilespmem:v16+s15+$0x0], $0xffff;
	v3 =	vadd.f32 v17, v3  }
0x4b: {  	v16 =	vshrl.u32 v7, $0xF;
	v17 =	vmpcnt.ones.xlane vm0;
	v22 =	vor.u32 v18, v20;
	v18 =	vmovc v12;
	v12 =	vld.idx.msk [tilespmem:v15+s15+$0x0], $0xffff  }
.Ltmp0:
0x4c: {  	v16 =	vadd.s32 $0xFFFF9A00, v16;
	v15 =	vshrl.u32 v19, $0xF;
	v19 =	vmul.f32 v21, v14;
	(pc) =	sbr.rel @p0 .LBB2_3-.Ltmp0, $4  }
0x4d: {  	v15 =	vadd.s32 $0xFFFF9A00, v15;
	v2 =	vadd.s32 v2, v17;
	v14 =	vld.idx.msk [tilespmem:v8+s12+$0x0], $0xffff;
	v8 =	vmovc v10;
	v10 =	vmovc v11;
	v11 =	vmov v22  }
0x4e: {  	v20 =	vor.u32 s24, v0;
	v17 =	vmov s24;
	v21 =	vadd.f32 v19, v18  }
0x4f: {  	vm0 =	vlt.f32 v5, v1;
	v5 =	vmovc v4;
	v4 =	vmovc v7;
	v17 =	vshll.u32 v17, $0x3;
	v18 =	vand.u32 $0x7F, v20  }
0x50: {  	s24 =	sadd.s32 $0x10, s24;
	v20 =	vand.u32 $0xC00, v17;
	v19 =	vsub.f32 $1.000000000e+00, v9;
	v7 =	vmovc v9;
	v17 =	vnsel vm0, $0x0, v21;
	v9 =	vld.idx.msk [tilespmem:v22+s3+$0x0], $0xffff  }
0x51: {  	v6 =	vor.u32 v20, v6  }
0x52: {  	v6 =	vor.u32 v18, v6;
	_ =	sdelay $0x4  }
0x53: {  	v51 =	vld.idx.msk [tilespmem:v6+s3+$0x0], $0xffff;
	_ =	sdelay $0x1  }
0x54: {  	v50 =	vshrl.u32 v7, $0xF  }
0x55: {  	v16 =	vld.idx.msk [tilespmem:v16+s15+$0x0], $0xffff;
	v18 =	vadd.s32 $0xFFFF9A00, v50;
	v19 =	vshrl.u32 v19, $0xF;
	v21 =	vsub.f32 $1.000000000e+00, v9  }
0x56: {  	v15 =	vld.idx.msk [tilespmem:v15+s15+$0x0], $0xffff;
	v19 =	vadd.s32 $0xFFFF9A00, v19;
	v22 =	vshrl.u32 v9, $0xF  }
0x57: {  	v8 =	vld.idx.msk [tilespmem:v8+s12+$0x0], $0xffff;
	v22 =	vadd.s32 $0xFFFF9A00, v22;
	v21 =	vshrl.u32 v21, $0xF;
	v23 =	vsub.f32 $1.000000000e+00, v51  }
0x58: {  	v10 =	vld.idx.msk [tilespmem:v10+s12+$0x0], $0xffff;
	v21 =	vadd.s32 $0xFFFF9A00, v21;
	v24 =	vshrl.u32 v51, $0xF  }
0x59: {  	v11 =	vld.idx.msk [tilespmem:v11+s12+$0x0], $0xffff;
	v24 =	vadd.s32 $0xFFFF9A00, v24;
	v23 =	vshrl.u32 v23, $0xF  }
0x5a: {  	v18 =	vld.idx.msk [tilespmem:v18+s15+$0x0], $0xffff;
	v23 =	vadd.s32 $0xFFFF9A00, v23  }
0x5b: {  	v19 =	vld.idx.msk [tilespmem:v19+s15+$0x0], $0xffff  }
0x5c: {  	v13 =	vsub.f32 v13, v12;
	v22 =	vld.idx.msk [tilespmem:v22+s15+$0x0], $0xffff  }
0x5d: {  	v16 =	vsub.f32 v16, v15;
	v52 =	vld.idx.msk [tilespmem:v21+s15+$0x0], $0xffff  }
0x5e: {  	v3 =	vadd.f32 v17, v3;
	v54 =	vmpcnt.ones.xlane vm0;
	v13 =	vmul.f32 v13, v14;
	v55 =	vld.idx.msk [tilespmem:v24+s15+$0x0], $0xffff  }
0x5f: {  	vm11 =	vlt.f32 v5, v1;
	vm12 =	vlt.f32 v4, v1;
	v5 =	vmul.f32 v16, v8;
	v57 =	vld.idx.msk [tilespmem:v23+s15+$0x0], $0xffff  }
0x60: {  	vm13 =	vlt.f32 v7, v1;
	v53 =	vadd.f32 v13, v12;
	v56 =	vsub.f32 v18, v19  }
0x61: {  	v58 =	vmpcnt.ones.xlane vm11;
	v61 =	vmpcnt.ones.xlane vm12;
	v6 =	vld.idx.msk [tilespmem:v6+s12+$0x0], $0xffff;
	v5 =	vadd.f32 v5, v15  }
0x62: {  	v12 =	vnsel vm11, $0x0, v53;
	v8 =	vmul.f32 v56, v10;
	v59 =	vsub.f32 v22, v52  }
0x63: {  	v2 =	vadd.s32 v2, v54;
	v3 =	vadd.f32 v12, v3;
	v4 =	vnsel vm12, $0x0, v5  }
0x64: {  	v5 =	vadd.f32 v8, v19;
	v60 =	vmul.f32 v59, v11;
	v62 =	vsub.f32 v55, v57  }
0x65: {  	v63 =	vmpcnt.ones.xlane vm13;
	v2 =	vadd.s32 v2, v58;
	v3 =	vadd.f32 v4, v3  }
0x66: {  	s23 =	sadd.s32 $0x1, s23;
	v4 =	vnsel vm13, $0x0, v5;
	v5 =	vadd.f32 v60, v52;
	v6 =	vmul.f32 v62, v6  }
0x67: {  	p0 =	sne.s32 s23, $0x20;
	vm14 =	vlt.f32 v9, v1;
	v2 =	vadd.s32 v2, v61;
	v3 =	vadd.f32 v4, v3  }
.Ltmp1:
0x68: {  	v4 =	vnsel vm14, $0x0, v5;
	v5 =	vmpcnt.ones.xlane vm14;
	v6 =	vadd.f32 v6, v57;
	(pc) =	sbr.rel @p0 .LBB2_2-.Ltmp1, $4  }
0x69: {  	v2 =	vadd.s32 v2, v63;
	vm15 =	vlt.f32 v51, v1;
	v3 =	vadd.f32 v4, v3  }
0x6a: {  	v4 =	vmpcnt.ones.xlane vm15;
	v2 =	vadd.s32 v2, v5;
	v5 =	vnsel vm15, $0x0, v6  }
0x6b: {  	v3 =	vadd.f32 v5, v3  }
0x6c: {  	v2 =	vadd.s32 v2, v4  }
0x6d: {  	_ =	swait.ge [sflag:s19], $0x4000  }
0x6e: {  	[sflag:s19] =	ssyncset.done $0x0  }
0x6f: {  	[sflag:s19] =	ssyncadd.s32 $0xFFFFC000  }
0x70: {  	_ =	swait.ge [sflag:s19], $0x4000  }
0x71: {  	[sflag:s19] =	ssyncset.done $0x0  }
0x72: {  	s23 =	simm.s32 $0x0;
	s24 =	simm.s32 $0x0;
	[sflag:s19] =	ssyncadd.s32 $0xFFFFC000  }
.LBB2_6:
0x73: {  	v4 =	vmov s24  }
0x74: {  	v6 =	vmov s23;
	v5 =	vshll.u32 v4, $0x9;
	v4 =	vshll.u32 v4, $0x7  }
0x75: {  	v7 =	vshll.u32 v6, $0x3;
	v5 =	vand.u32 $0x3000, v5;
	v4 =	vand.u32 $0x380, v4  }
0x76: {  	v6 =	vor.u32 v5, v4;
	v4 =	vor.u32 s23, v0;
	v5 =	vand.u32 $0xC00, v7  }
0x77: {  	v4 =	vand.u32 $0x7F, v4;
	v5 =	vor.u32 v5, v6  }
0x78: {  	v7 =	vor.u32 v4, v5;
	_ =	sdelay $0x2  }
0x79: {  	s25 =	simm.s32 $0x10  }
0x7a: {  	v4 =	vmov s25  }
0x7b: {  	v4 =	vshll.u32 v4, $0x3;
	v9 =	vld.idx.msk [tilespmem:v7+s16+$0x0], $0xffff  }
0x7c: {  	v5 =	vor.u32 s25, v0;
	v4 =	vand.u32 $0xC00, v4  }
0x7d: {  	v8 =	vmov s26;
	v5 =	vand.u32 $0x7F, v5;
	v4 =	vor.u32 v4, v6  }
0x7e: {  	v8 =	vshll.u32 v8, $0x3;
	v14 =	vor.u32 v5, v4  }
0x7f: {  	v4 =	vor.u32 s26, v0;
	v5 =	vand.u32 $0xC00, v8  }
0x80: {  	v4 =	vand.u32 $0x7F, v4;
	v5 =	vor.u32 v5, v6;
	v10 =	vsub.f32 $1.000000000e+00, v9  }
0x81: {  	v8 =	vor.u32 v4, v5;
	v4 =	vshrl.u32 v9, $0xF  }
0x82: {  	v11 =	vadd.s32 $0xFFFF9A00, v4;
	v4 =	vshrl.u32 v10, $0xF  }
0x83: {  	v5 =	vld.idx.msk [tilespmem:v14+s16+$0x0], $0xffff;
	v10 =	vadd.s32 $0xFFFF9A00, v4  }
0x84: {  	s29 =	simm.s32 $0x30  }
0x85: {  	v4 =	vmov s29  }
0x86: {  	v12 =	vshll.u32 v4, $0x3  }
0x87: {  	v13 =	vor.u32 s29, v0;
	v12 =	vand.u32 $0xC00, v12;
	v11 =	vld.idx.msk [tilespmem:v11+s15+$0x0], $0xffff  }
0x88: {  	v13 =	vand.u32 $0x7F, v13;
	v15 =	vsub.f32 $1.000000000e+00, v5;
	v12 =	vor.u32 v12, v6;
	v17 =	vld.idx.msk [tilespmem:v10+s15+$0x0], $0xffff  }
0x89: {  	v4 =	vld.idx.msk [tilespmem:v8+s16+$0x0], $0xffff;
	v10 =	vor.u32 v13, v12;
	v12 =	vshrl.u32 v5, $0xF  }
0x8a: {  	s30 =	simm.s32 $0x40;
	v15 =	vshrl.u32 v15, $0xF;
	v13 =	vld.idx.msk [tilespmem:v7+s17+$0x0], $0xffff;
	v12 =	vadd.s32 $0xFFFF9A00, v12  }
0x8b: {  	v18 =	vadd.s32 $0xFFFF9A00, v15;
	v7 =	vmov s30  }
0x8c: {  	v7 =	vshll.u32 v7, $0x3  }
0x8d: {  	v16 =	vor.u32 s30, v0;
	v7 =	vand.u32 $0xC00, v7;
	v20 =	vsub.f32 v11, v17  }
0x8e: {  	v15 =	vand.u32 $0x7F, v16;
	v16 =	vsub.f32 $1.000000000e+00, v4;
	v19 =	vor.u32 v7, v6;
	v7 =	vld.idx.msk [tilespmem:v10+s16+$0x0], $0xffff  }
0x8f: {  	v11 =	vor.u32 v15, v19;
	v15 =	vshrl.u32 v4, $0xF;
	v20 =	vmul.f32 v20, v13;
	v13 =	vld.idx.msk [tilespmem:v12+s15+$0x0], $0xffff  }
0x90: {  	v19 =	vshrl.u32 v16, $0xF;
	v16 =	vadd.s32 $0xFFFF9A00, v15;
	v12 =	vld.idx.msk [tilespmem:v18+s15+$0x0], $0xffff  }
0x91: {  	s31 =	simm.s32 $0x50;
	v15 =	vadd.s32 $0xFFFF9A00, v19  }
0x92: {  	v14 =	vld.idx.msk [tilespmem:v14+s17+$0x0], $0xffff;
	v19 =	vmov s31;
	v18 =	vor.u32 s31, v0;
	v17 =	vadd.f32 v20, v17  }
0x93: {  	vm0 =	vlt.f32 v9, v1;
	v19 =	vshll.u32 v19, $0x3;
	v18 =	vand.u32 $0x7F, v18  }
0x94: {  	s25 =	simm.s32 $0x60;
	v20 =	vand.u32 $0xC00, v19;
	v9 =	vld.idx.msk [tilespmem:v11+s16+$0x0], $0xffff;
	v19 =	vsub.f32 $1.000000000e+00, v7;
	v17 =	vnsel vm0, $0x0, v17  }
.LBB2_7:
0x95: {  	p0 =	sne.s32 s25, $0x1F0;
	v20 =	vor.u32 v20, v6;
	v21 =	vsub.f32 v13, v12;
	v13 =	vld.idx.msk [tilespmem:v16+s15+$0x0], $0xffff;
	v3 =	vadd.f32 v17, v3  }
0x96: {  	v16 =	vshrl.u32 v7, $0xF;
	v17 =	vmpcnt.ones.xlane vm0;
	v22 =	vor.u32 v18, v20;
	v18 =	vmovc v12;
	v12 =	vld.idx.msk [tilespmem:v15+s15+$0x0], $0xffff  }
.Ltmp2:
0x97: {  	v16 =	vadd.s32 $0xFFFF9A00, v16;
	v15 =	vshrl.u32 v19, $0xF;
	v19 =	vmul.f32 v21, v14;
	(pc) =	sbr.rel @p0 .LBB2_7-.Ltmp2, $4  }
0x98: {  	v15 =	vadd.s32 $0xFFFF9A00, v15;
	v2 =	vadd.s32 v2, v17;
	v14 =	vld.idx.msk [tilespmem:v8+s17+$0x0], $0xffff;
	v8 =	vmovc v10;
	v10 =	vmovc v11;
	v11 =	vmov v22  }
0x99: {  	v20 =	vor.u32 s25, v0;
	v17 =	vmov s25;
	v21 =	vadd.f32 v19, v18  }
0x9a: {  	vm0 =	vlt.f32 v5, v1;
	v5 =	vmovc v4;
	v4 =	vmovc v7;
	v17 =	vshll.u32 v17, $0x3;
	v18 =	vand.u32 $0x7F, v20  }
0x9b: {  	s25 =	sadd.s32 $0x10, s25;
	v20 =	vand.u32 $0xC00, v17;
	v19 =	vsub.f32 $1.000000000e+00, v9;
	v7 =	vmovc v9;
	v17 =	vnsel vm0, $0x0, v21;
	v9 =	vld.idx.msk [tilespmem:v22+s16+$0x0], $0xffff  }
0x9c: {  	v6 =	vor.u32 v20, v6  }
0x9d: {  	v6 =	vor.u32 v18, v6;
	_ =	sdelay $0x4  }
0x9e: {  	v51 =	vld.idx.msk [tilespmem:v6+s16+$0x0], $0xffff;
	_ =	sdelay $0x1  }
0x9f: {  	v50 =	vshrl.u32 v7, $0xF  }
0xa0: {  	v16 =	vld.idx.msk [tilespmem:v16+s15+$0x0], $0xffff;
	v18 =	vadd.s32 $0xFFFF9A00, v50;
	v19 =	vshrl.u32 v19, $0xF;
	v21 =	vsub.f32 $1.000000000e+00, v9  }
0xa1: {  	v15 =	vld.idx.msk [tilespmem:v15+s15+$0x0], $0xffff;
	v19 =	vadd.s32 $0xFFFF9A00, v19;
	v22 =	vshrl.u32 v9, $0xF  }
0xa2: {  	v8 =	vld.idx.msk [tilespmem:v8+s17+$0x0], $0xffff;
	v22 =	vadd.s32 $0xFFFF9A00, v22;
	v21 =	vshrl.u32 v21, $0xF;
	v23 =	vsub.f32 $1.000000000e+00, v51  }
0xa3: {  	v10 =	vld.idx.msk [tilespmem:v10+s17+$0x0], $0xffff;
	v21 =	vadd.s32 $0xFFFF9A00, v21;
	v24 =	vshrl.u32 v51, $0xF  }
0xa4: {  	v11 =	vld.idx.msk [tilespmem:v11+s17+$0x0], $0xffff;
	v24 =	vadd.s32 $0xFFFF9A00, v24;
	v23 =	vshrl.u32 v23, $0xF  }
0xa5: {  	v18 =	vld.idx.msk [tilespmem:v18+s15+$0x0], $0xffff;
	v23 =	vadd.s32 $0xFFFF9A00, v23  }
0xa6: {  	v19 =	vld.idx.msk [tilespmem:v19+s15+$0x0], $0xffff  }
0xa7: {  	v13 =	vsub.f32 v13, v12;
	v22 =	vld.idx.msk [tilespmem:v22+s15+$0x0], $0xffff  }
0xa8: {  	v16 =	vsub.f32 v16, v15;
	v52 =	vld.idx.msk [tilespmem:v21+s15+$0x0], $0xffff  }
0xa9: {  	v3 =	vadd.f32 v17, v3;
	v54 =	vmpcnt.ones.xlane vm0;
	v13 =	vmul.f32 v13, v14;
	v55 =	vld.idx.msk [tilespmem:v24+s15+$0x0], $0xffff  }
0xaa: {  	vm11 =	vlt.f32 v5, v1;
	vm12 =	vlt.f32 v4, v1;
	v5 =	vmul.f32 v16, v8;
	v57 =	vld.idx.msk [tilespmem:v23+s15+$0x0], $0xffff  }
0xab: {  	vm13 =	vlt.f32 v7, v1;
	v53 =	vadd.f32 v13, v12;
	v56 =	vsub.f32 v18, v19  }
0xac: {  	v58 =	vmpcnt.ones.xlane vm11;
	v61 =	vmpcnt.ones.xlane vm12;
	v6 =	vld.idx.msk [tilespmem:v6+s17+$0x0], $0xffff;
	v5 =	vadd.f32 v5, v15  }
0xad: {  	v12 =	vnsel vm11, $0x0, v53;
	v8 =	vmul.f32 v56, v10;
	v59 =	vsub.f32 v22, v52  }
0xae: {  	v2 =	vadd.s32 v2, v54;
	v3 =	vadd.f32 v12, v3;
	v4 =	vnsel vm12, $0x0, v5  }
0xaf: {  	v5 =	vadd.f32 v8, v19;
	v60 =	vmul.f32 v59, v11;
	v62 =	vsub.f32 v55, v57  }
0xb0: {  	v63 =	vmpcnt.ones.xlane vm13;
	v2 =	vadd.s32 v2, v58;
	v3 =	vadd.f32 v4, v3  }
0xb1: {  	s24 =	sadd.s32 $0x1, s24;
	v4 =	vnsel vm13, $0x0, v5;
	v5 =	vadd.f32 v60, v52;
	v6 =	vmul.f32 v62, v6  }
0xb2: {  	p0 =	sne.s32 s24, $0x20;
	vm14 =	vlt.f32 v9, v1;
	v2 =	vadd.s32 v2, v61;
	v3 =	vadd.f32 v4, v3  }
.Ltmp3:
0xb3: {  	v4 =	vnsel vm14, $0x0, v5;
	v5 =	vmpcnt.ones.xlane vm14;
	v6 =	vadd.f32 v6, v57;
	(pc) =	sbr.rel @p0 .LBB2_6-.Ltmp3, $4  }
0xb4: {  	v2 =	vadd.s32 v2, v63;
	vm15 =	vlt.f32 v51, v1;
	v3 =	vadd.f32 v4, v3  }
0xb5: {  	v4 =	vmpcnt.ones.xlane vm15;
	v2 =	vadd.s32 v2, v5;
	v5 =	vnsel vm15, $0x0, v6  }
0xb6: {  	v3 =	vadd.f32 v5, v3  }
0xb7: {  	v2 =	vadd.s32 v2, v4  }
0xb8: {  	v1 =	vcvt.s32.f32 v2;
	_ =	sdelay $0x1  }
0xb9: {  	v1 =	vmul.f32 $6.250000000e-02, v1  }
0xba: {  	[tilespmem:$0x11980] =	vst v3  }
0xbb: {  	[tilespmem:$0x11A00] =	vst v1  }
0xbc: {  	[hbm4b:s9+s3] =	stream.linear.scatter [tilespmem:s20], [sflag:$0x3], $0x80, $0x38;
	[tilespmem:$0x11A80] =	vst v63  }
0xbd: {  	s22 =	sadd.s32 $0x1, s22;
	_ =	swait.ge [sflag:s14], $0x80  }
0xbe: {  	p0 =	sne.s32 s22, s11;
	[sflag:s14] =	ssyncset.done $0x0  }
.Ltmp4:
0xbf: {  	[sflag:s14] =	ssyncadd.s32 $0xFFFFFF80;
	(pc) =	sbr.rel @p0 .LBB2_1-.Ltmp4, $4  }
0xc0: {  	[hbm4b:s10+s3] =	stream.linear.scatter [tilespmem:s21], [sflag:$0x3], $0x80, $0x38;
	[tilespmem:$0x11A80] =	vst v63  }
0xc1: {  	_ =	swait.ge [sflag:s14], $0x80  }
0xc2: {  	[sflag:s14] =	ssyncset.done $0x0  }
0xc3: {  	[sflag:s14] =	ssyncadd.s32 $0xFFFFFF80  }
0xc4: {  	_ =	sfence.sel $0x180000  }
0xc5: {  	[bflag:$0x0] =	sbarrier.arrive $0xFFFF  }
0xc6: {  	p0 =	sne.s32 s2, $0x0;
	_ =	strace $0x90000047  }
0xc7: {  	s0 =	sadd.s32 @!p0 $0x100000, s0;
	[bflag:$0x2] =	sbarrier.arrive $0xFFFF  }
0xc8: {  	[sflag:s0] =	ssyncadd.tile.s32 @!p0 $0x1;
	_ =	shalt  }
.Lfunc_end2:
_tile_overlayer_lowered:
.L_overlay_start_2:
0xc9: {  	(tag) =	ssettag $0x2  }
0xca: {  	s0 =	rddreg [dreg:$0x0];
	s2 =	stileid.u32  }
0xcb: {  	s1 =	rddreg [dreg:$0x1];
	p0 =	sne.s32 s2, $0x0  }
0xcc: {  	s3 =	rddreg [dreg:$0x2];
	[bflag:$0x3] =	sbarrier.arrive $0xFFFF;
	s2 =	simm.s32 @!p0 $0x1C03  }
0xcd: {  	[timem:s3], [sflag:s2] =	dma.local @!p0 [hbm:s0], s1  }
0xce: {  	s0 =	simm.s32 @!p0 $0x3  }
0xcf: {  	_ =	swait.ge @!p0 [sflag:s0], s1  }
0xd0: {  	s1 =	ssub.s32 @!p0 $0x0, s1;
	[sflag:s0] =	ssyncset.done @!p0 $0x0  }
0xd1: {  	[sflag:s0] =	ssyncadd.s32 @!p0 s1  }
0xd2: {  	[bflag:$0x3] =	sbarrier.arrive $0xFFFF  }
0xd3: {  	_ =	shalt  }

</sc_bundles>
